<compile_context>
chip_gen: v7x
topology: tpu7x:2x2x1
jax: 0.10.2.dev20260603
libtpu: 0.0.44.dev20260713+nightly
codegen_flags: <defaults>
</compile_context>

<pallas_src>
import functools

import jax
import jax.numpy as jnp
from jax import lax
from jax.experimental import pallas as pl
from jax.experimental.pallas import tpu as pltpu
from jax.experimental.pallas import tpu_sc as plsc

N = 10000
NP = 10240
D = 128
E = 320000
NC = 2
NS = 16
NW = NC * NS
EPT = 10240
K = 256
NB = EPT // K
CH = 8
ROWS_PER_TILE = NP // NS
BLK = 1024
GRID = NP // BLK

_mesh = plsc.VectorSubcoreMesh(core_axis_name="c", subcore_axis_name="s")


@functools.partial(
    pl.kernel, mesh=_mesh,
    out_type=jax.ShapeDtypeStruct((NW, NP), jnp.float32),
    scratch_types=[
        pltpu.VMEM((NB, K), jnp.int32),
        pltpu.VMEM((NP,), jnp.float32),
    ],
    compiler_params=pltpu.CompilerParams(needs_layout_passes=False),
)
def _deg_kernel(dst_hbm, out_hbm, dst_v, hist_v):
    cid = lax.axis_index("c")
    sid = lax.axis_index("s")
    wid = cid * NS + sid
    pltpu.sync_copy(dst_hbm.at[cid, sid], dst_v)

    zv = jnp.zeros((16,), jnp.float32)

    def zbody(i, carry):
        hist_v[pl.ds(i * 16, 16)] = zv
        return carry

    lax.fori_loop(0, NP // 16, zbody, 0)

    ones = jnp.ones((16,), jnp.float32)

    def body(r, carry):
        for c in range(K // 16):
            idx = dst_v[r, pl.ds(c * 16, 16)]
            plsc.addupdate_scatter(hist_v, [idx], ones)
        return carry

    lax.fori_loop(0, NB, body, 0)
    pltpu.sync_copy(hist_v, out_hbm.at[wid])


@functools.partial(
    pl.kernel, mesh=_mesh,
    out_type=jax.ShapeDtypeStruct((NC, NP, D), jnp.float32),
    scratch_types=[
        pltpu.VMEM((CH, K), jnp.int32),
        pltpu.VMEM((CH, K), jnp.int32),
        pltpu.VMEM((K,), jnp.int32),
        pltpu.VMEM((K,), jnp.int32),
        pltpu.VMEM((K, D), jnp.float32),
        pltpu.SemaphoreType.DMA,
        pltpu.VMEM_SHARED((NP, D), jnp.float32),
    ],
    compiler_params=pltpu.CompilerParams(needs_layout_passes=False),
)
def _scatter_kernel(g_hbm, src_hbm, dst_hbm, out_hbm, src_v, dst_v, idx_s,
                    idx_d, buf_a, sem_a, acc_sh):
    cid = lax.axis_index("c")
    sid = lax.axis_index("s")

    zv = jnp.zeros((16,), jnp.float32)

    def zbody(r, carry):
        for c in range(D // 16):
            buf_a[r, pl.ds(c * 16, 16)] = zv
        return carry

    lax.fori_loop(0, K, zbody, 0)
    for c in range(ROWS_PER_TILE // 128):
        pltpu.sync_copy(buf_a.at[pl.ds(0, 128)],
                        acc_sh.at[pl.ds(sid * ROWS_PER_TILE + c * 128, 128)])
    plsc.subcore_barrier()

    for ch in range(NB // CH):
        pltpu.sync_copy(src_hbm.at[cid, sid, pl.ds(ch * CH, CH)], src_v)
        pltpu.sync_copy(dst_hbm.at[cid, sid, pl.ds(ch * CH, CH)], dst_v)

        def body(b, carry):
            for c in range(K // 16):
                idx_s[pl.ds(c * 16, 16)] = src_v[b, pl.ds(c * 16, 16)]
                idx_d[pl.ds(c * 16, 16)] = dst_v[b, pl.ds(c * 16, 16)]
            pltpu.async_copy(g_hbm.at[idx_s], buf_a, sem_a).wait()
            pltpu.sync_copy(buf_a, acc_sh.at[idx_d], add=True)
            return carry

        lax.fori_loop(0, CH, body, 0)
    plsc.subcore_barrier()
    pltpu.sync_copy(acc_sh.at[pl.ds(sid * ROWS_PER_TILE, ROWS_PER_TILE)],
                    out_hbm.at[cid, pl.ds(sid * ROWS_PER_TILE, ROWS_PER_TILE)])


def _dinv_from(hist_ref):
    ones = jnp.ones((NW, D), jnp.float32)
    deg = lax.dot_general(hist_ref[...], ones, (((0,), (0,)), ((), ())),
                          preferred_element_type=jnp.float32)
    return lax.rsqrt(deg + 1.0)


def _tc_pre(x_ref, w_ref, hist_ref, g_ref):
    dinv = _dinv_from(hist_ref)
    g_ref[...] = dinv * jnp.dot(x_ref[...], w_ref[...],
                                preferred_element_type=jnp.float32)


def _tc_mid(p_ref, g_ref, hist_ref, w_ref, b_ref, o_ref):
    dinv = _dinv_from(hist_ref)
    s = p_ref[0] + p_ref[1] + g_ref[...]
    h = jnp.maximum(dinv * s + b_ref[...], 0.0)
    o_ref[...] = dinv * jnp.dot(h, w_ref[...],
                                preferred_element_type=jnp.float32)


def _tc_post(p_ref, g_ref, hist_ref, b_ref, o_ref):
    dinv = _dinv_from(hist_ref)
    s = p_ref[0] + p_ref[1] + g_ref[...]
    o_ref[...] = dinv * s + b_ref[...]


_f32 = jnp.float32
_hist_spec = pl.BlockSpec((NW, BLK), lambda i: (0, i))
_row_spec = pl.BlockSpec((BLK, D), lambda i: (i, 0))
_p_spec = pl.BlockSpec((NC, BLK, D), lambda i: (0, i, 0))
_w_spec = pl.BlockSpec((D, D), lambda i: (0, 0))
_b_spec = pl.BlockSpec((1, D), lambda i: (0, 0))
_row_shape = jax.ShapeDtypeStruct((NP, D), _f32)

_pre_call = pl.pallas_call(
    _tc_pre, grid=(GRID,),
    in_specs=[_row_spec, _w_spec, _hist_spec],
    out_specs=_row_spec, out_shape=_row_shape)

_mid_call = pl.pallas_call(
    _tc_mid, grid=(GRID,),
    in_specs=[_p_spec, _row_spec, _hist_spec, _w_spec, _b_spec],
    out_specs=_row_spec, out_shape=_row_shape)

_post_call = pl.pallas_call(
    _tc_post, grid=(GRID,),
    in_specs=[_p_spec, _row_spec, _hist_spec, _b_spec],
    out_specs=_row_spec, out_shape=_row_shape)


def kernel(x, edge_index, W1, b1, W2, b2):
    ei = edge_index.astype(jnp.int32)
    ei_t = ei.reshape(2, NW, E // NW)
    ei_p = jnp.pad(ei_t, ((0, 0), (0, 0), (0, EPT - E // NW)),
                   constant_values=NP - 1)
    src = ei_p[0].reshape(NC, NS, NB, K)
    dst = ei_p[1].reshape(NC, NS, NB, K)
    x_p = jnp.pad(x, ((0, NP - N), (0, 0)))
    b1r = b1.reshape(1, D)
    b2r = b2.reshape(1, D)

    hist = _deg_kernel(dst)
    g1 = _pre_call(x_p, W1, hist)
    p1 = _scatter_kernel(g1, src, dst)
    g2 = _mid_call(p1, g1, hist, W2, b1r)
    p2 = _scatter_kernel(g2, src, dst)
    out = _post_call(p2, g2, hist, b2r)
    return out[:N]

# --- scband reference (transcript-rebuilt; emitter-appended) ---
"""Pipeline reference for scband-gcn-64931315581106 (READ-ONLY COPY).

The authoritative reference and input builder live on the scoring server;
editing this copy changes nothing except your own understanding.
"""

import jax, jax.numpy as jnp
import numpy as np

N_NODES = 10000
D_FEAT = 128
N_EDGES = 320000


def setup_inputs(seed: int = 0) -> dict:
    key = jax.random.key(seed)
    k1, k2, k3, k4, k5, k6 = jax.random.split(key, 6)
    x = jax.random.normal(k1, (N_NODES, D_FEAT), dtype=jnp.float32)
    edge_index = jax.random.randint(k2, (2, N_EDGES), 0, N_NODES, dtype=jnp.int64)
    scale = 1.0 / np.sqrt(D_FEAT)
    W1 = jax.random.normal(k3, (D_FEAT, D_FEAT), dtype=jnp.float32) * scale
    b1 = jnp.zeros((D_FEAT,), dtype=jnp.float32)
    W2 = jax.random.normal(k4, (D_FEAT, D_FEAT), dtype=jnp.float32) * scale
    b2 = jnp.zeros((D_FEAT,), dtype=jnp.float32)
    return {"x": x, "edge_index": edge_index, "W1": W1, "b1": b1, "W2": W2, "b2": b2}


def _gcn_conv(x, edge_index, W, b):
    # Standard GCNConv: x' = D^{-1/2} (A + I) D^{-1/2} X W + b
    N = x.shape[0]
    loop = jnp.arange(N, dtype=edge_index.dtype)
    src = jnp.concatenate([edge_index[0], loop])
    dst = jnp.concatenate([edge_index[1], loop])
    # symmetric degree normalization (in-degree including self loops)
    deg = jnp.zeros((N,), dtype=jnp.float32).at[dst].add(1.0)
    dinv = jnp.where(deg > 0, jax.lax.rsqrt(jnp.maximum(deg, 1e-12)), 0.0)
    norm = dinv[src] * dinv[dst]
    h = x @ W  # linear transform first (in == out channels)
    msg = h[src] * norm[:, None]  # gather + scale
    out = jnp.zeros((N, h.shape[1]), dtype=h.dtype).at[dst].add(msg)  # scatter-add
    return out + b


def reference(x, edge_index, W1, b1, W2, b2):
    h = _gcn_conv(x, edge_index, W1, b1)
    h = jax.nn.relu(h)
    out = _gcn_conv(h, edge_index, W2, b2)
    return out

if __name__ == "__main__":
    import jax
    _d = setup_inputs()
    print(jax.jit(kernel)(*tuple(_d.values())))

</pallas_src>

<mosaic_0001>
#map = affine_map<(d0, d1) -> (0, 0)>
#map1 = affine_map<(d0, d1) -> (0, 0, 0, 0)>
#map2 = affine_map<(d0, d1) -> (0, 0, 0)>
module attributes {stable_mosaic.version = 14 : i64} {
  func.func @_scatter_kernel(%arg0: i32, %arg1: i32, %arg2: memref<10240x128xf32, #tpu.memory_space<hbm>>, %arg3: memref<2x16x40x256xi32, #tpu.memory_space<hbm>>, %arg4: memref<2x16x40x256xi32, #tpu.memory_space<hbm>>, %arg5: memref<2x10240x128xf32, #tpu.memory_space<hbm>>, %arg6: memref<8x256xi32, #tpu.memory_space<vmem>>, %arg7: memref<8x256xi32, #tpu.memory_space<vmem>>, %arg8: memref<256xi32, #tpu.memory_space<vmem>>, %arg9: memref<256xi32, #tpu.memory_space<vmem>>, %arg10: memref<256x128xf32, #tpu.memory_space<vmem>>, %arg11: memref<!tpu.dma_semaphore, #tpu.memory_space<semaphore_mem>>, %arg12: memref<10240x128xf32, #tpu.memory_space<vmem_shared>>) attributes {dimension_semantics = [#tpu.dimension_semantics<core_parallel>, #tpu.dimension_semantics<subcore_parallel>], iteration_bounds = array<i64: 2, 16>, scalar_prefetch = 0 : i64, scratch_operands = 7 : i64, tpu.core_type = #tpu.core_type<sc_vector_subcore>, window_params = [{transform_indices = #map}, {transform_indices = #map1}, {transform_indices = #map1}, {transform_indices = #map2}]} {
    %broadcast_in_dim3A = arith.constant 0.000000e+00 : f32
    %broadcast_in_dim3A_0 = vector.broadcast %broadcast_in_dim3A : f32 to vector<16xf32>
    %scan3A = arith.constant 0 : i32
    %scan3A_1 = arith.constant 0 : i32
    %scan3A_2 = arith.constant 256 : i32
    %scan3A_3 = arith.addi %scan3A_1, %scan3A_2 : i32
    %scan3A_4 = arith.constant 1 : i32
    scf.for %scan3A_59 = %scan3A_1 to %scan3A_3 step %scan3A_4  : i32 {
      %swap3A = arith.index_cast %scan3A_59 : i32 to index
      %swap3A_60 = arith.constant 0 : index
      %swap3A_61 = tpu.vector_load %arg10[%swap3A, %swap3A_60] {strides = array<i32>} : memref<256x128xf32, #tpu.memory_space<vmem>>, vector<16xf32>,
      tpu.vector_store %arg10[%swap3A, %swap3A_60], %broadcast_in_dim3A_0 {strides = array<i32>} : memref<256x128xf32, #tpu.memory_space<vmem>>, vector<16xf32>,
      %swap3A_62 = arith.index_cast %scan3A_59 : i32 to index
      %swap3A_63 = arith.constant 16 : index
      %swap3A_64 = tpu.vector_load %arg10[%swap3A_62, %swap3A_63] {strides = array<i32>} : memref<256x128xf32, #tpu.memory_space<vmem>>, vector<16xf32>,
      tpu.vector_store %arg10[%swap3A_62, %swap3A_63], %broadcast_in_dim3A_0 {strides = array<i32>} : memref<256x128xf32, #tpu.memory_space<vmem>>, vector<16xf32>,
      %swap3A_65 = arith.index_cast %scan3A_59 : i32 to index
      %swap3A_66 = arith.constant 32 : index
      %swap3A_67 = tpu.vector_load %arg10[%swap3A_65, %swap3A_66] {strides = array<i32>} : memref<256x128xf32, #tpu.memory_space<vmem>>, vector<16xf32>,
      tpu.vector_store %arg10[%swap3A_65, %swap3A_66], %broadcast_in_dim3A_0 {strides = array<i32>} : memref<256x128xf32, #tpu.memory_space<vmem>>, vector<16xf32>,
      %swap3A_68 = arith.index_cast %scan3A_59 : i32 to index
      %swap3A_69 = arith.constant 48 : index
      %swap3A_70 = tpu.vector_load %arg10[%swap3A_68, %swap3A_69] {strides = array<i32>} : memref<256x128xf32, #tpu.memory_space<vmem>>, vector<16xf32>,
      tpu.vector_store %arg10[%swap3A_68, %swap3A_69], %broadcast_in_dim3A_0 {strides = array<i32>} : memref<256x128xf32, #tpu.memory_space<vmem>>, vector<16xf32>,
      %swap3A_71 = arith.index_cast %scan3A_59 : i32 to index
      %swap3A_72 = arith.constant 64 : index
      %swap3A_73 = tpu.vector_load %arg10[%swap3A_71, %swap3A_72] {strides = array<i32>} : memref<256x128xf32, #tpu.memory_space<vmem>>, vector<16xf32>,
      tpu.vector_store %arg10[%swap3A_71, %swap3A_72], %broadcast_in_dim3A_0 {strides = array<i32>} : memref<256x128xf32, #tpu.memory_space<vmem>>, vector<16xf32>,
      %swap3A_74 = arith.index_cast %scan3A_59 : i32 to index
      %swap3A_75 = arith.constant 80 : index
      %swap3A_76 = tpu.vector_load %arg10[%swap3A_74, %swap3A_75] {strides = array<i32>} : memref<256x128xf32, #tpu.memory_space<vmem>>, vector<16xf32>,
      tpu.vector_store %arg10[%swap3A_74, %swap3A_75], %broadcast_in_dim3A_0 {strides = array<i32>} : memref<256x128xf32, #tpu.memory_space<vmem>>, vector<16xf32>,
      %swap3A_77 = arith.index_cast %scan3A_59 : i32 to index
      %swap3A_78 = arith.constant 96 : index
      %swap3A_79 = tpu.vector_load %arg10[%swap3A_77, %swap3A_78] {strides = array<i32>} : memref<256x128xf32, #tpu.memory_space<vmem>>, vector<16xf32>,
      tpu.vector_store %arg10[%swap3A_77, %swap3A_78], %broadcast_in_dim3A_0 {strides = array<i32>} : memref<256x128xf32, #tpu.memory_space<vmem>>, vector<16xf32>,
      %swap3A_80 = arith.index_cast %scan3A_59 : i32 to index
      %swap3A_81 = arith.constant 112 : index
      %swap3A_82 = tpu.vector_load %arg10[%swap3A_80, %swap3A_81] {strides = array<i32>} : memref<256x128xf32, #tpu.memory_space<vmem>>, vector<16xf32>,
      tpu.vector_store %arg10[%swap3A_80, %swap3A_81], %broadcast_in_dim3A_0 {strides = array<i32>} : memref<256x128xf32, #tpu.memory_space<vmem>>, vector<16xf32>,
    }
    %scan3A_5 = arith.constant 256 : i32
    %mul3A = arith.constant 640 : i32
    %mul3A_6 = arith.muli %arg1, %mul3A : i32
    %add3A = arith.constant 0 : i32
    %add3A_7 = arith.addi %mul3A_6, %add3A : i32
    "tpu.region"() ({
      %run_scoped3A = tpu.sem_alloc : memref<!tpu.dma_semaphore, #tpu.memory_space<semaphore_mem>>
      %dma_start3A = arith.constant 0 : i32
      %dma_start3A_59 = arith.constant 0 : i32
      %dma_start3A_60 = tpu.memref_slice %arg10[%dma_start3A, %dma_start3A_59] : memref<256x128xf32, #tpu.memory_space<vmem>> -> memref<128x128xf32, #tpu.memory_space<vmem>>
      %dma_start3A_61 = arith.constant 0 : i32
      %dma_start3A_62 = tpu.memref_slice %arg12[%add3A_7, %dma_start3A_61] : memref<10240x128xf32, #tpu.memory_space<vmem_shared>> -> memref<128x128xf32, #tpu.memory_space<vmem_shared>>
      %dma_start3A_63 = arith.constant 0 : i32
      %dma_start3A_64 = tpu.memref_slice %arg12[%add3A_7, %dma_start3A_63] : memref<10240x128xf32, #tpu.memory_space<vmem_shared>> -> memref<128x128xf32, #tpu.memory_space<vmem_shared>>
      %dma_start3A_65 = arith.constant 0 : i32
      %dma_start3A_66 = arith.constant 0 : i32
      %dma_start3A_67 = tpu.memref_slice %arg10[%dma_start3A_65, %dma_start3A_66] : memref<256x128xf32, #tpu.memory_space<vmem>> -> memref<128x128xf32, #tpu.memory_space<vmem>>
      tpu.enqueue_dma source(%dma_start3A_67 : memref<128x128xf32, #tpu.memory_space<vmem>>) target(%dma_start3A_64 : memref<128x128xf32, #tpu.memory_space<vmem_shared>>) target_semaphore(%run_scoped3A : memref<!tpu.dma_semaphore, #tpu.memory_space<semaphore_mem>>)
      %dma_wait3A = arith.constant 0 : i32
      %dma_wait3A_68 = arith.constant 0 : i32
      %dma_wait3A_69 = tpu.memref_slice %arg10[%dma_wait3A, %dma_wait3A_68] : memref<256x128xf32, #tpu.memory_space<vmem>> -> memref<128x128xf32, #tpu.memory_space<vmem>>
      %dma_wait3A_70 = arith.constant 0 : i32
      %dma_wait3A_71 = tpu.memref_slice %arg12[%add3A_7, %dma_wait3A_70] : memref<10240x128xf32, #tpu.memory_space<vmem_shared>> -> memref<128x128xf32, #tpu.memory_space<vmem_shared>>
      %dma_wait3A_72 = arith.constant 0 : i32
      %dma_wait3A_73 = tpu.memref_slice %arg12[%add3A_7, %dma_wait3A_72] : memref<10240x128xf32, #tpu.memory_space<vmem_shared>> -> memref<128x128xf32, #tpu.memory_space<vmem_shared>>
      %dma_wait3A_74 = arith.constant 0 : i32
      %dma_wait3A_75 = arith.constant 0 : i32
      %dma_wait3A_76 = tpu.memref_slice %arg10[%dma_wait3A_74, %dma_wait3A_75] : memref<256x128xf32, #tpu.memory_space<vmem>> -> memref<128x128xf32, #tpu.memory_space<vmem>>
      tpu.wait_dma2 semaphore(%run_scoped3A : memref<!tpu.dma_semaphore, #tpu.memory_space<semaphore_mem>>) src(%dma_wait3A_76 : memref<128x128xf32, #tpu.memory_space<vmem>>) dst(%dma_wait3A_73 : memref<128x128xf32, #tpu.memory_space<vmem_shared>>)
      tpu.yield
    }) : () -> ()
    %mul3A_8 = arith.constant 640 : i32
    %mul3A_9 = arith.muli %arg1, %mul3A_8 : i32
    %add3A_10 = arith.constant 128 : i32
    %add3A_11 = arith.addi %mul3A_9, %add3A_10 : i32
    "tpu.region"() ({
      %run_scoped3A = tpu.sem_alloc : memref<!tpu.dma_semaphore, #tpu.memory_space<semaphore_mem>>
      %dma_start3A = arith.constant 0 : i32
      %dma_start3A_59 = arith.constant 0 : i32
      %dma_start3A_60 = tpu.memref_slice %arg10[%dma_start3A, %dma_start3A_59] : memref<256x128xf32, #tpu.memory_space<vmem>> -> memref<128x128xf32, #tpu.memory_space<vmem>>
      %dma_start3A_61 = arith.constant 0 : i32
      %dma_start3A_62 = tpu.memref_slice %arg12[%add3A_11, %dma_start3A_61] : memref<10240x128xf32, #tpu.memory_space<vmem_shared>> -> memref<128x128xf32, #tpu.memory_space<vmem_shared>>
      %dma_start3A_63 = arith.constant 0 : i32
      %dma_start3A_64 = tpu.memref_slice %arg12[%add3A_11, %dma_start3A_63] : memref<10240x128xf32, #tpu.memory_space<vmem_shared>> -> memref<128x128xf32, #tpu.memory_space<vmem_shared>>
      %dma_start3A_65 = arith.constant 0 : i32
      %dma_start3A_66 = arith.constant 0 : i32
      %dma_start3A_67 = tpu.memref_slice %arg10[%dma_start3A_65, %dma_start3A_66] : memref<256x128xf32, #tpu.memory_space<vmem>> -> memref<128x128xf32, #tpu.memory_space<vmem>>
      tpu.enqueue_dma source(%dma_start3A_67 : memref<128x128xf32, #tpu.memory_space<vmem>>) target(%dma_start3A_64 : memref<128x128xf32, #tpu.memory_space<vmem_shared>>) target_semaphore(%run_scoped3A : memref<!tpu.dma_semaphore, #tpu.memory_space<semaphore_mem>>)
      %dma_wait3A = arith.constant 0 : i32
      %dma_wait3A_68 = arith.constant 0 : i32
      %dma_wait3A_69 = tpu.memref_slice %arg10[%dma_wait3A, %dma_wait3A_68] : memref<256x128xf32, #tpu.memory_space<vmem>> -> memref<128x128xf32, #tpu.memory_space<vmem>>
      %dma_wait3A_70 = arith.constant 0 : i32
      %dma_wait3A_71 = tpu.memref_slice %arg12[%add3A_11, %dma_wait3A_70] : memref<10240x128xf32, #tpu.memory_space<vmem_shared>> -> memref<128x128xf32, #tpu.memory_space<vmem_shared>>
      %dma_wait3A_72 = arith.constant 0 : i32
      %dma_wait3A_73 = tpu.memref_slice %arg12[%add3A_11, %dma_wait3A_72] : memref<10240x128xf32, #tpu.memory_space<vmem_shared>> -> memref<128x128xf32, #tpu.memory_space<vmem_shared>>
      %dma_wait3A_74 = arith.constant 0 : i32
      %dma_wait3A_75 = arith.constant 0 : i32
      %dma_wait3A_76 = tpu.memref_slice %arg10[%dma_wait3A_74, %dma_wait3A_75] : memref<256x128xf32, #tpu.memory_space<vmem>> -> memref<128x128xf32, #tpu.memory_space<vmem>>
      tpu.wait_dma2 semaphore(%run_scoped3A : memref<!tpu.dma_semaphore, #tpu.memory_space<semaphore_mem>>) src(%dma_wait3A_76 : memref<128x128xf32, #tpu.memory_space<vmem>>) dst(%dma_wait3A_73 : memref<128x128xf32, #tpu.memory_space<vmem_shared>>)
      tpu.yield
    }) : () -> ()
    %mul3A_12 = arith.constant 640 : i32
    %mul3A_13 = arith.muli %arg1, %mul3A_12 : i32
    %add3A_14 = arith.constant 256 : i32
    %add3A_15 = arith.addi %mul3A_13, %add3A_14 : i32
    "tpu.region"() ({
      %run_scoped3A = tpu.sem_alloc : memref<!tpu.dma_semaphore, #tpu.memory_space<semaphore_mem>>
      %dma_start3A = arith.constant 0 : i32
      %dma_start3A_59 = arith.constant 0 : i32
      %dma_start3A_60 = tpu.memref_slice %arg10[%dma_start3A, %dma_start3A_59] : memref<256x128xf32, #tpu.memory_space<vmem>> -> memref<128x128xf32, #tpu.memory_space<vmem>>
      %dma_start3A_61 = arith.constant 0 : i32
      %dma_start3A_62 = tpu.memref_slice %arg12[%add3A_15, %dma_start3A_61] : memref<10240x128xf32, #tpu.memory_space<vmem_shared>> -> memref<128x128xf32, #tpu.memory_space<vmem_shared>>
      %dma_start3A_63 = arith.constant 0 : i32
      %dma_start3A_64 = tpu.memref_slice %arg12[%add3A_15, %dma_start3A_63] : memref<10240x128xf32, #tpu.memory_space<vmem_shared>> -> memref<128x128xf32, #tpu.memory_space<vmem_shared>>
      %dma_start3A_65 = arith.constant 0 : i32
      %dma_start3A_66 = arith.constant 0 : i32
      %dma_start3A_67 = tpu.memref_slice %arg10[%dma_start3A_65, %dma_start3A_66] : memref<256x128xf32, #tpu.memory_space<vmem>> -> memref<128x128xf32, #tpu.memory_space<vmem>>
      tpu.enqueue_dma source(%dma_start3A_67 : memref<128x128xf32, #tpu.memory_space<vmem>>) target(%dma_start3A_64 : memref<128x128xf32, #tpu.memory_space<vmem_shared>>) target_semaphore(%run_scoped3A : memref<!tpu.dma_semaphore, #tpu.memory_space<semaphore_mem>>)
      %dma_wait3A = arith.constant 0 : i32
      %dma_wait3A_68 = arith.constant 0 : i32
      %dma_wait3A_69 = tpu.memref_slice %arg10[%dma_wait3A, %dma_wait3A_68] : memref<256x128xf32, #tpu.memory_space<vmem>> -> memref<128x128xf32, #tpu.memory_space<vmem>>
      %dma_wait3A_70 = arith.constant 0 : i32
      %dma_wait3A_71 = tpu.memref_slice %arg12[%add3A_15, %dma_wait3A_70] : memref<10240x128xf32, #tpu.memory_space<vmem_shared>> -> memref<128x128xf32, #tpu.memory_space<vmem_shared>>
      %dma_wait3A_72 = arith.constant 0 : i32
      %dma_wait3A_73 = tpu.memref_slice %arg12[%add3A_15, %dma_wait3A_72] : memref<10240x128xf32, #tpu.memory_space<vmem_shared>> -> memref<128x128xf32, #tpu.memory_space<vmem_shared>>
      %dma_wait3A_74 = arith.constant 0 : i32
      %dma_wait3A_75 = arith.constant 0 : i32
      %dma_wait3A_76 = tpu.memref_slice %arg10[%dma_wait3A_74, %dma_wait3A_75] : memref<256x128xf32, #tpu.memory_space<vmem>> -> memref<128x128xf32, #tpu.memory_space<vmem>>
      tpu.wait_dma2 semaphore(%run_scoped3A : memref<!tpu.dma_semaphore, #tpu.memory_space<semaphore_mem>>) src(%dma_wait3A_76 : memref<128x128xf32, #tpu.memory_space<vmem>>) dst(%dma_wait3A_73 : memref<128x128xf32, #tpu.memory_space<vmem_shared>>)
      tpu.yield
    }) : () -> ()
    %mul3A_16 = arith.constant 640 : i32
    %mul3A_17 = arith.muli %arg1, %mul3A_16 : i32
    %add3A_18 = arith.constant 384 : i32
    %add3A_19 = arith.addi %mul3A_17, %add3A_18 : i32
    "tpu.region"() ({
      %run_scoped3A = tpu.sem_alloc : memref<!tpu.dma_semaphore, #tpu.memory_space<semaphore_mem>>
      %dma_start3A = arith.constant 0 : i32
      %dma_start3A_59 = arith.constant 0 : i32
      %dma_start3A_60 = tpu.memref_slice %arg10[%dma_start3A, %dma_start3A_59] : memref<256x128xf32, #tpu.memory_space<vmem>> -> memref<128x128xf32, #tpu.memory_space<vmem>>
      %dma_start3A_61 = arith.constant 0 : i32
      %dma_start3A_62 = tpu.memref_slice %arg12[%add3A_19, %dma_start3A_61] : memref<10240x128xf32, #tpu.memory_space<vmem_shared>> -> memref<128x128xf32, #tpu.memory_space<vmem_shared>>
      %dma_start3A_63 = arith.constant 0 : i32
      %dma_start3A_64 = tpu.memref_slice %arg12[%add3A_19, %dma_start3A_63] : memref<10240x128xf32, #tpu.memory_space<vmem_shared>> -> memref<128x128xf32, #tpu.memory_space<vmem_shared>>
      %dma_start3A_65 = arith.constant 0 : i32
      %dma_start3A_66 = arith.constant 0 : i32
      %dma_start3A_67 = tpu.memref_slice %arg10[%dma_start3A_65, %dma_start3A_66] : memref<256x128xf32, #tpu.memory_space<vmem>> -> memref<128x128xf32, #tpu.memory_space<vmem>>
      tpu.enqueue_dma source(%dma_start3A_67 : memref<128x128xf32, #tpu.memory_space<vmem>>) target(%dma_start3A_64 : memref<128x128xf32, #tpu.memory_space<vmem_shared>>) target_semaphore(%run_scoped3A : memref<!tpu.dma_semaphore, #tpu.memory_space<semaphore_mem>>)
      %dma_wait3A = arith.constant 0 : i32
      %dma_wait3A_68 = arith.constant 0 : i32
      %dma_wait3A_69 = tpu.memref_slice %arg10[%dma_wait3A, %dma_wait3A_68] : memref<256x128xf32, #tpu.memory_space<vmem>> -> memref<128x128xf32, #tpu.memory_space<vmem>>
      %dma_wait3A_70 = arith.constant 0 : i32
      %dma_wait3A_71 = tpu.memref_slice %arg12[%add3A_19, %dma_wait3A_70] : memref<10240x128xf32, #tpu.memory_space<vmem_shared>> -> memref<128x128xf32, #tpu.memory_space<vmem_shared>>
      %dma_wait3A_72 = arith.constant 0 : i32
      %dma_wait3A_73 = tpu.memref_slice %arg12[%add3A_19, %dma_wait3A_72] : memref<10240x128xf32, #tpu.memory_space<vmem_shared>> -> memref<128x128xf32, #tpu.memory_space<vmem_shared>>
      %dma_wait3A_74 = arith.constant 0 : i32
      %dma_wait3A_75 = arith.constant 0 : i32
      %dma_wait3A_76 = tpu.memref_slice %arg10[%dma_wait3A_74, %dma_wait3A_75] : memref<256x128xf32, #tpu.memory_space<vmem>> -> memref<128x128xf32, #tpu.memory_space<vmem>>
      tpu.wait_dma2 semaphore(%run_scoped3A : memref<!tpu.dma_semaphore, #tpu.memory_space<semaphore_mem>>) src(%dma_wait3A_76 : memref<128x128xf32, #tpu.memory_space<vmem>>) dst(%dma_wait3A_73 : memref<128x128xf32, #tpu.memory_space<vmem_shared>>)
      tpu.yield
    }) : () -> ()
    %mul3A_20 = arith.constant 640 : i32
    %mul3A_21 = arith.muli %arg1, %mul3A_20 : i32
    %add3A_22 = arith.constant 512 : i32
    %add3A_23 = arith.addi %mul3A_21, %add3A_22 : i32
    "tpu.region"() ({
      %run_scoped3A = tpu.sem_alloc : memref<!tpu.dma_semaphore, #tpu.memory_space<semaphore_mem>>
      %dma_start3A = arith.constant 0 : i32
      %dma_start3A_59 = arith.constant 0 : i32
      %dma_start3A_60 = tpu.memref_slice %arg10[%dma_start3A, %dma_start3A_59] : memref<256x128xf32, #tpu.memory_space<vmem>> -> memref<128x128xf32, #tpu.memory_space<vmem>>
      %dma_start3A_61 = arith.constant 0 : i32
      %dma_start3A_62 = tpu.memref_slice %arg12[%add3A_23, %dma_start3A_61] : memref<10240x128xf32, #tpu.memory_space<vmem_shared>> -> memref<128x128xf32, #tpu.memory_space<vmem_shared>>
      %dma_start3A_63 = arith.constant 0 : i32
      %dma_start3A_64 = tpu.memref_slice %arg12[%add3A_23, %dma_start3A_63] : memref<10240x128xf32, #tpu.memory_space<vmem_shared>> -> memref<128x128xf32, #tpu.memory_space<vmem_shared>>
      %dma_start3A_65 = arith.constant 0 : i32
      %dma_start3A_66 = arith.constant 0 : i32
      %dma_start3A_67 = tpu.memref_slice %arg10[%dma_start3A_65, %dma_start3A_66] : memref<256x128xf32, #tpu.memory_space<vmem>> -> memref<128x128xf32, #tpu.memory_space<vmem>>
      tpu.enqueue_dma source(%dma_start3A_67 : memref<128x128xf32, #tpu.memory_space<vmem>>) target(%dma_start3A_64 : memref<128x128xf32, #tpu.memory_space<vmem_shared>>) target_semaphore(%run_scoped3A : memref<!tpu.dma_semaphore, #tpu.memory_space<semaphore_mem>>)
      %dma_wait3A = arith.constant 0 : i32
      %dma_wait3A_68 = arith.constant 0 : i32
      %dma_wait3A_69 = tpu.memref_slice %arg10[%dma_wait3A, %dma_wait3A_68] : memref<256x128xf32, #tpu.memory_space<vmem>> -> memref<128x128xf32, #tpu.memory_space<vmem>>
      %dma_wait3A_70 = arith.constant 0 : i32
      %dma_wait3A_71 = tpu.memref_slice %arg12[%add3A_23, %dma_wait3A_70] : memref<10240x128xf32, #tpu.memory_space<vmem_shared>> -> memref<128x128xf32, #tpu.memory_space<vmem_shared>>
      %dma_wait3A_72 = arith.constant 0 : i32
      %dma_wait3A_73 = tpu.memref_slice %arg12[%add3A_23, %dma_wait3A_72] : memref<10240x128xf32, #tpu.memory_space<vmem_shared>> -> memref<128x128xf32, #tpu.memory_space<vmem_shared>>
      %dma_wait3A_74 = arith.constant 0 : i32
      %dma_wait3A_75 = arith.constant 0 : i32
      %dma_wait3A_76 = tpu.memref_slice %arg10[%dma_wait3A_74, %dma_wait3A_75] : memref<256x128xf32, #tpu.memory_space<vmem>> -> memref<128x128xf32, #tpu.memory_space<vmem>>
      tpu.wait_dma2 semaphore(%run_scoped3A : memref<!tpu.dma_semaphore, #tpu.memory_space<semaphore_mem>>) src(%dma_wait3A_76 : memref<128x128xf32, #tpu.memory_space<vmem>>) dst(%dma_wait3A_73 : memref<128x128xf32, #tpu.memory_space<vmem_shared>>)
      tpu.yield
    }) : () -> ()
    %barrier3A = arith.constant 0 : index
    tpu.barrier barrier_id(%barrier3A)
    "tpu.region"() ({
      %run_scoped3A = tpu.sem_alloc : memref<!tpu.dma_semaphore, #tpu.memory_space<semaphore_mem>>
      %dma_start3A = arith.constant 0 : i32
      %dma_start3A_59 = arith.constant 0 : i32
      %dma_start3A_60 = tpu.memref_slice %arg3[%arg0, %arg1, %dma_start3A, %dma_start3A_59] : memref<2x16x40x256xi32, #tpu.memory_space<hbm>> -> memref<1x1x8x256xi32, #tpu.memory_space<hbm>>
      %dma_start3A_61 = tpu.memref_squeeze %dma_start3A_60 : memref<1x1x8x256xi32, #tpu.memory_space<hbm>> -> memref<8x256xi32, #tpu.memory_space<hbm>>
      %dma_start3A_62 = arith.constant 0 : i32
      %dma_start3A_63 = arith.constant 0 : i32
      %dma_start3A_64 = tpu.memref_slice %arg3[%arg0, %arg1, %dma_start3A_62, %dma_start3A_63] : memref<2x16x40x256xi32, #tpu.memory_space<hbm>> -> memref<1x1x8x256xi32, #tpu.memory_space<hbm>>
      %dma_start3A_65 = tpu.memref_squeeze %dma_start3A_64 : memref<1x1x8x256xi32, #tpu.memory_space<hbm>> -> memref<8x256xi32, #tpu.memory_space<hbm>>
      tpu.enqueue_dma source(%dma_start3A_65 : memref<8x256xi32, #tpu.memory_space<hbm>>) target(%arg6 : memref<8x256xi32, #tpu.memory_space<vmem>>) target_semaphore(%run_scoped3A : memref<!tpu.dma_semaphore, #tpu.memory_space<semaphore_mem>>)
      %dma_wait3A = arith.constant 0 : i32
      %dma_wait3A_66 = arith.constant 0 : i32
      %dma_wait3A_67 = tpu.memref_slice %arg3[%arg0, %arg1, %dma_wait3A, %dma_wait3A_66] : memref<2x16x40x256xi32, #tpu.memory_space<hbm>> -> memref<1x1x8x256xi32, #tpu.memory_space<hbm>>
      %dma_wait3A_68 = tpu.memref_squeeze %dma_wait3A_67 : memref<1x1x8x256xi32, #tpu.memory_space<hbm>> -> memref<8x256xi32, #tpu.memory_space<hbm>>
      %dma_wait3A_69 = arith.constant 0 : i32
      %dma_wait3A_70 = arith.constant 0 : i32
      %dma_wait3A_71 = tpu.memref_slice %arg3[%arg0, %arg1, %dma_wait3A_69, %dma_wait3A_70] : memref<2x16x40x256xi32, #tpu.memory_space<hbm>> -> memref<1x1x8x256xi32, #tpu.memory_space<hbm>>
      %dma_wait3A_72 = tpu.memref_squeeze %dma_wait3A_71 : memref<1x1x8x256xi32, #tpu.memory_space<hbm>> -> memref<8x256xi32, #tpu.memory_space<hbm>>
      tpu.wait_dma2 semaphore(%run_scoped3A : memref<!tpu.dma_semaphore, #tpu.memory_space<semaphore_mem>>) src(%dma_wait3A_72 : memref<8x256xi32, #tpu.memory_space<hbm>>) dst(%arg6 : memref<8x256xi32, #tpu.memory_space<vmem>>)
      tpu.yield
    }) : () -> ()
    "tpu.region"() ({
      %run_scoped3A = tpu.sem_alloc : memref<!tpu.dma_semaphore, #tpu.memory_space<semaphore_mem>>
      %dma_start3A = arith.constant 0 : i32
      %dma_start3A_59 = arith.constant 0 : i32
      %dma_start3A_60 = tpu.memref_slice %arg4[%arg0, %arg1, %dma_start3A, %dma_start3A_59] : memref<2x16x40x256xi32, #tpu.memory_space<hbm>> -> memref<1x1x8x256xi32, #tpu.memory_space<hbm>>
      %dma_start3A_61 = tpu.memref_squeeze %dma_start3A_60 : memref<1x1x8x256xi32, #tpu.memory_space<hbm>> -> memref<8x256xi32, #tpu.memory_space<hbm>>
      %dma_start3A_62 = arith.constant 0 : i32
      %dma_start3A_63 = arith.constant 0 : i32
      %dma_start3A_64 = tpu.memref_slice %arg4[%arg0, %arg1, %dma_start3A_62, %dma_start3A_63] : memref<2x16x40x256xi32, #tpu.memory_space<hbm>> -> memref<1x1x8x256xi32, #tpu.memory_space<hbm>>
      %dma_start3A_65 = tpu.memref_squeeze %dma_start3A_64 : memref<1x1x8x256xi32, #tpu.memory_space<hbm>> -> memref<8x256xi32, #tpu.memory_space<hbm>>
      tpu.enqueue_dma source(%dma_start3A_65 : memref<8x256xi32, #tpu.memory_space<hbm>>) target(%arg7 : memref<8x256xi32, #tpu.memory_space<vmem>>) target_semaphore(%run_scoped3A : memref<!tpu.dma_semaphore, #tpu.memory_space<semaphore_mem>>)
      %dma_wait3A = arith.constant 0 : i32
      %dma_wait3A_66 = arith.constant 0 : i32
      %dma_wait3A_67 = tpu.memref_slice %arg4[%arg0, %arg1, %dma_wait3A, %dma_wait3A_66] : memref<2x16x40x256xi32, #tpu.memory_space<hbm>> -> memref<1x1x8x256xi32, #tpu.memory_space<hbm>>
      %dma_wait3A_68 = tpu.memref_squeeze %dma_wait3A_67 : memref<1x1x8x256xi32, #tpu.memory_space<hbm>> -> memref<8x256xi32, #tpu.memory_space<hbm>>
      %dma_wait3A_69 = arith.constant 0 : i32
      %dma_wait3A_70 = arith.constant 0 : i32
      %dma_wait3A_71 = tpu.memref_slice %arg4[%arg0, %arg1, %dma_wait3A_69, %dma_wait3A_70] : memref<2x16x40x256xi32, #tpu.memory_space<hbm>> -> memref<1x1x8x256xi32, #tpu.memory_space<hbm>>
      %dma_wait3A_72 = tpu.memref_squeeze %dma_wait3A_71 : memref<1x1x8x256xi32, #tpu.memory_space<hbm>> -> memref<8x256xi32, #tpu.memory_space<hbm>>
      tpu.wait_dma2 semaphore(%run_scoped3A : memref<!tpu.dma_semaphore, #tpu.memory_space<semaphore_mem>>) src(%dma_wait3A_72 : memref<8x256xi32, #tpu.memory_space<hbm>>) dst(%arg7 : memref<8x256xi32, #tpu.memory_space<vmem>>)
      tpu.yield
    }) : () -> ()
    %scan3A_24 = arith.constant 0 : i32
    %scan3A_25 = arith.constant 0 : i32
    %scan3A_26 = arith.constant 8 : i32
    %scan3A_27 = arith.addi %scan3A_25, %scan3A_26 : i32
    %scan3A_28 = arith.constant 1 : i32
    scf.for %scan3A_59 = %scan3A_25 to %scan3A_27 step %scan3A_28  : i32 {
      %get3A = arith.index_cast %scan3A_59 : i32 to index
      %get3A_60 = arith.constant 0 : index
      %get3A_61 = tpu.vector_load %arg6[%get3A, %get3A_60] {strides = array<i32>} : memref<8x256xi32, #tpu.memory_space<vmem>>, vector<16xi32>,
      %swap3A = arith.constant 0 : index
      %swap3A_62 = tpu.vector_load %arg8[%swap3A] {strides = array<i32>} : memref<256xi32, #tpu.memory_space<vmem>>, vector<16xi32>,
      tpu.vector_store %arg8[%swap3A], %get3A_61 {strides = array<i32>} : memref<256xi32, #tpu.memory_space<vmem>>, vector<16xi32>,
      %get3A_63 = arith.index_cast %scan3A_59 : i32 to index
      %get3A_64 = arith.constant 0 : index
      %get3A_65 = tpu.vector_load %arg7[%get3A_63, %get3A_64] {strides = array<i32>} : memref<8x256xi32, #tpu.memory_space<vmem>>, vector<16xi32>,
      %swap3A_66 = arith.constant 0 : index
      %swap3A_67 = tpu.vector_load %arg9[%swap3A_66] {strides = array<i32>} : memref<256xi32, #tpu.memory_space<vmem>>, vector<16xi32>,
      tpu.vector_store %arg9[%swap3A_66], %get3A_65 {strides = array<i32>} : memref<256xi32, #tpu.memory_space<vmem>>, vector<16xi32>,
      %get3A_68 = arith.index_cast %scan3A_59 : i32 to index
      %get3A_69 = arith.constant 16 : index
      %get3A_70 = tpu.vector_load %arg6[%get3A_68, %get3A_69] {strides = array<i32>} : memref<8x256xi32, #tpu.memory_space<vmem>>, vector<16xi32>,
      %swap3A_71 = arith.constant 16 : index
      %swap3A_72 = tpu.vector_load %arg8[%swap3A_71] {strides = array<i32>} : memref<256xi32, #tpu.memory_space<vmem>>, vector<16xi32>,
      tpu.vector_store %arg8[%swap3A_71], %get3A_70 {strides = array<i32>} : memref<256xi32, #tpu.memory_space<vmem>>, vector<16xi32>,
      %get3A_73 = arith.index_cast %scan3A_59 : i32 to index
      %get3A_74 = arith.constant 16 : index
      %get3A_75 = tpu.vector_load %arg7[%get3A_73, %get3A_74] {strides = array<i32>} : memref<8x256xi32, #tpu.memory_space<vmem>>, vector<16xi32>,
      %swap3A_76 = arith.constant 16 : index
      %swap3A_77 = tpu.vector_load %arg9[%swap3A_76] {strides = array<i32>} : memref<256xi32, #tpu.memory_space<vmem>>, vector<16xi32>,
      tpu.vector_store %arg9[%swap3A_76], %get3A_75 {strides = array<i32>} : memref<256xi32, #tpu.memory_space<vmem>>, vector<16xi32>,
      %get3A_78 = arith.index_cast %scan3A_59 : i32 to index
      %get3A_79 = arith.constant 32 : index
      %get3A_80 = tpu.vector_load %arg6[%get3A_78, %get3A_79] {strides = array<i32>} : memref<8x256xi32, #tpu.memory_space<vmem>>, vector<16xi32>,
      %swap3A_81 = arith.constant 32 : index
      %swap3A_82 = tpu.vector_load %arg8[%swap3A_81] {strides = array<i32>} : memref<256xi32, #tpu.memory_space<vmem>>, vector<16xi32>,
      tpu.vector_store %arg8[%swap3A_81], %get3A_80 {strides = array<i32>} : memref<256xi32, #tpu.memory_space<vmem>>, vector<16xi32>,
      %get3A_83 = arith.index_cast %scan3A_59 : i32 to index
      %get3A_84 = arith.constant 32 : index
      %get3A_85 = tpu.vector_load %arg7[%get3A_83, %get3A_84] {strides = array<i32>} : memref<8x256xi32, #tpu.memory_space<vmem>>, vector<16xi32>,
      %swap3A_86 = arith.constant 32 : index
      %swap3A_87 = tpu.vector_load %arg9[%swap3A_86] {strides = array<i32>} : memref<256xi32, #tpu.memory_space<vmem>>, vector<16xi32>,
      tpu.vector_store %arg9[%swap3A_86], %get3A_85 {strides = array<i32>} : memref<256xi32, #tpu.memory_space<vmem>>, vector<16xi32>,
      %get3A_88 = arith.index_cast %scan3A_59 : i32 to index
      %get3A_89 = arith.constant 48 : index
      %get3A_90 = tpu.vector_load %arg6[%get3A_88, %get3A_89] {strides = array<i32>} : memref<8x256xi32, #tpu.memory_space<vmem>>, vector<16xi32>,
      %swap3A_91 = arith.constant 48 : index
      %swap3A_92 = tpu.vector_load %arg8[%swap3A_91] {strides = array<i32>} : memref<256xi32, #tpu.memory_space<vmem>>, vector<16xi32>,
      tpu.vector_store %arg8[%swap3A_91], %get3A_90 {strides = array<i32>} : memref<256xi32, #tpu.memory_space<vmem>>, vector<16xi32>,
      %get3A_93 = arith.index_cast %scan3A_59 : i32 to index
      %get3A_94 = arith.constant 48 : index
      %get3A_95 = tpu.vector_load %arg7[%get3A_93, %get3A_94] {strides = array<i32>} : memref<8x256xi32, #tpu.memory_space<vmem>>, vector<16xi32>,
      %swap3A_96 = arith.constant 48 : index
      %swap3A_97 = tpu.vector_load %arg9[%swap3A_96] {strides = array<i32>} : memref<256xi32, #tpu.memory_space<vmem>>, vector<16xi32>,
      tpu.vector_store %arg9[%swap3A_96], %get3A_95 {strides = array<i32>} : memref<256xi32, #tpu.memory_space<vmem>>, vector<16xi32>,
      %get3A_98 = arith.index_cast %scan3A_59 : i32 to index
      %get3A_99 = arith.constant 64 : index
      %get3A_100 = tpu.vector_load %arg6[%get3A_98, %get3A_99] {strides = array<i32>} : memref<8x256xi32, #tpu.memory_space<vmem>>, vector<16xi32>,
      %swap3A_101 = arith.constant 64 : index
      %swap3A_102 = tpu.vector_load %arg8[%swap3A_101] {strides = array<i32>} : memref<256xi32, #tpu.memory_space<vmem>>, vector<16xi32>,
      tpu.vector_store %arg8[%swap3A_101], %get3A_100 {strides = array<i32>} : memref<256xi32, #tpu.memory_space<vmem>>, vector<16xi32>,
      %get3A_103 = arith.index_cast %scan3A_59 : i32 to index
      %get3A_104 = arith.constant 64 : index
      %get3A_105 = tpu.vector_load %arg7[%get3A_103, %get3A_104] {strides = array<i32>} : memref<8x256xi32, #tpu.memory_space<vmem>>, vector<16xi32>,
      %swap3A_106 = arith.constant 64 : index
      %swap3A_107 = tpu.vector_load %arg9[%swap3A_106] {strides = array<i32>} : memref<256xi32, #tpu.memory_space<vmem>>, vector<16xi32>,
      tpu.vector_store %arg9[%swap3A_106], %get3A_105 {strides = array<i32>} : memref<256xi32, #tpu.memory_space<vmem>>, vector<16xi32>,
      %get3A_108 = arith.index_cast %scan3A_59 : i32 to index
      %get3A_109 = arith.constant 80 : index
      %get3A_110 = tpu.vector_load %arg6[%get3A_108, %get3A_109] {strides = array<i32>} : memref<8x256xi32, #tpu.memory_space<vmem>>, vector<16xi32>,
      %swap3A_111 = arith.constant 80 : index
      %swap3A_112 = tpu.vector_load %arg8[%swap3A_111] {strides = array<i32>} : memref<256xi32, #tpu.memory_space<vmem>>, vector<16xi32>,
      tpu.vector_store %arg8[%swap3A_111], %get3A_110 {strides = array<i32>} : memref<256xi32, #tpu.memory_space<vmem>>, vector<16xi32>,
      %get3A_113 = arith.index_cast %scan3A_59 : i32 to index
      %get3A_114 = arith.constant 80 : index
      %get3A_115 = tpu.vector_load %arg7[%get3A_113, %get3A_114] {strides = array<i32>} : memref<8x256xi32, #tpu.memory_space<vmem>>, vector<16xi32>,
      %swap3A_116 = arith.constant 80 : index
      %swap3A_117 = tpu.vector_load %arg9[%swap3A_116] {strides = array<i32>} : memref<256xi32, #tpu.memory_space<vmem>>, vector<16xi32>,
      tpu.vector_store %arg9[%swap3A_116], %get3A_115 {strides = array<i32>} : memref<256xi32, #tpu.memory_space<vmem>>, vector<16xi32>,
      %get3A_118 = arith.index_cast %scan3A_59 : i32 to index
      %get3A_119 = arith.constant 96 : index
      %get3A_120 = tpu.vector_load %arg6[%get3A_118, %get3A_119] {strides = array<i32>} : memref<8x256xi32, #tpu.memory_space<vmem>>, vector<16xi32>,
      %swap3A_121 = arith.constant 96 : index
      %swap3A_122 = tpu.vector_load %arg8[%swap3A_121] {strides = array<i32>} : memref<256xi32, #tpu.memory_space<vmem>>, vector<16xi32>,
      tpu.vector_store %arg8[%swap3A_121], %get3A_120 {strides = array<i32>} : memref<256xi32, #tpu.memory_space<vmem>>, vector<16xi32>,
      %get3A_123 = arith.index_cast %scan3A_59 : i32 to index
      %get3A_124 = arith.constant 96 : index
      %get3A_125 = tpu.vector_load %arg7[%get3A_123, %get3A_124] {strides = array<i32>} : memref<8x256xi32, #tpu.memory_space<vmem>>, vector<16xi32>,
      %swap3A_126 = arith.constant 96 : index
      %swap3A_127 = tpu.vector_load %arg9[%swap3A_126] {strides = array<i32>} : memref<256xi32, #tpu.memory_space<vmem>>, vector<16xi32>,
      tpu.vector_store %arg9[%swap3A_126], %get3A_125 {strides = array<i32>} : memref<256xi32, #tpu.memory_space<vmem>>, vector<16xi32>,
      %get3A_128 = arith.index_cast %scan3A_59 : i32 to index
      %get3A_129 = arith.constant 112 : index
      %get3A_130 = tpu.vector_load %arg6[%get3A_128, %get3A_129] {strides = array<i32>} : memref<8x256xi32, #tpu.memory_space<vmem>>, vector<16xi32>,
      %swap3A_131 = arith.constant 112 : index
      %swap3A_132 = tpu.vector_load %arg8[%swap3A_131] {strides = array<i32>} : memref<256xi32, #tpu.memory_space<vmem>>, vector<16xi32>,
      tpu.vector_store %arg8[%swap3A_131], %get3A_130 {strides = array<i32>} : memref<256xi32, #tpu.memory_space<vmem>>, vector<16xi32>,
      %get3A_133 = arith.index_cast %scan3A_59 : i32 to index
      %get3A_134 = arith.constant 112 : index
      %get3A_135 = tpu.vector_load %arg7[%get3A_133, %get3A_134] {strides = array<i32>} : memref<8x256xi32, #tpu.memory_space<vmem>>, vector<16xi32>,
      %swap3A_136 = arith.constant 112 : index
      %swap3A_137 = tpu.vector_load %arg9[%swap3A_136] {strides = array<i32>} : memref<256xi32, #tpu.memory_space<vmem>>, vector<16xi32>,
      tpu.vector_store %arg9[%swap3A_136], %get3A_135 {strides = array<i32>} : memref<256xi32, #tpu.memory_space<vmem>>, vector<16xi32>,
      %get3A_138 = arith.index_cast %scan3A_59 : i32 to index
      %get3A_139 = arith.constant 128 : index
      %get3A_140 = tpu.vector_load %arg6[%get3A_138, %get3A_139] {strides = array<i32>} : memref<8x256xi32, #tpu.memory_space<vmem>>, vector<16xi32>,
      %swap3A_141 = arith.constant 128 : index
      %swap3A_142 = tpu.vector_load %arg8[%swap3A_141] {strides = array<i32>} : memref<256xi32, #tpu.memory_space<vmem>>, vector<16xi32>,
      tpu.vector_store %arg8[%swap3A_141], %get3A_140 {strides = array<i32>} : memref<256xi32, #tpu.memory_space<vmem>>, vector<16xi32>,
      %get3A_143 = arith.index_cast %scan3A_59 : i32 to index
      %get3A_144 = arith.constant 128 : index
      %get3A_145 = tpu.vector_load %arg7[%get3A_143, %get3A_144] {strides = array<i32>} : memref<8x256xi32, #tpu.memory_space<vmem>>, vector<16xi32>,
      %swap3A_146 = arith.constant 128 : index
      %swap3A_147 = tpu.vector_load %arg9[%swap3A_146] {strides = array<i32>} : memref<256xi32, #tpu.memory_space<vmem>>, vector<16xi32>,
      tpu.vector_store %arg9[%swap3A_146], %get3A_145 {strides = array<i32>} : memref<256xi32, #tpu.memory_space<vmem>>, vector<16xi32>,
      %get3A_148 = arith.index_cast %scan3A_59 : i32 to index
      %get3A_149 = arith.constant 144 : index
      %get3A_150 = tpu.vector_load %arg6[%get3A_148, %get3A_149] {strides = array<i32>} : memref<8x256xi32, #tpu.memory_space<vmem>>, vector<16xi32>,
      %swap3A_151 = arith.constant 144 : index
      %swap3A_152 = tpu.vector_load %arg8[%swap3A_151] {strides = array<i32>} : memref<256xi32, #tpu.memory_space<vmem>>, vector<16xi32>,
      tpu.vector_store %arg8[%swap3A_151], %get3A_150 {strides = array<i32>} : memref<256xi32, #tpu.memory_space<vmem>>, vector<16xi32>,
      %get3A_153 = arith.index_cast %scan3A_59 : i32 to index
      %get3A_154 = arith.constant 144 : index
      %get3A_155 = tpu.vector_load %arg7[%get3A_153, %get3A_154] {strides = array<i32>} : memref<8x256xi32, #tpu.memory_space<vmem>>, vector<16xi32>,
      %swap3A_156 = arith.constant 144 : index
      %swap3A_157 = tpu.vector_load %arg9[%swap3A_156] {strides = array<i32>} : memref<256xi32, #tpu.memory_space<vmem>>, vector<16xi32>,
      tpu.vector_store %arg9[%swap3A_156], %get3A_155 {strides = array<i32>} : memref<256xi32, #tpu.memory_space<vmem>>, vector<16xi32>,
      %get3A_158 = arith.index_cast %scan3A_59 : i32 to index
      %get3A_159 = arith.constant 160 : index
      %get3A_160 = tpu.vector_load %arg6[%get3A_158, %get3A_159] {strides = array<i32>} : memref<8x256xi32, #tpu.memory_space<vmem>>, vector<16xi32>,
      %swap3A_161 = arith.constant 160 : index
      %swap3A_162 = tpu.vector_load %arg8[%swap3A_161] {strides = array<i32>} : memref<256xi32, #tpu.memory_space<vmem>>, vector<16xi32>,
      tpu.vector_store %arg8[%swap3A_161], %get3A_160 {strides = array<i32>} : memref<256xi32, #tpu.memory_space<vmem>>, vector<16xi32>,
      %get3A_163 = arith.index_cast %scan3A_59 : i32 to index
      %get3A_164 = arith.constant 160 : index
      %get3A_165 = tpu.vector_load %arg7[%get3A_163, %get3A_164] {strides = array<i32>} : memref<8x256xi32, #tpu.memory_space<vmem>>, vector<16xi32>,
      %swap3A_166 = arith.constant 160 : index
      %swap3A_167 = tpu.vector_load %arg9[%swap3A_166] {strides = array<i32>} : memref<256xi32, #tpu.memory_space<vmem>>, vector<16xi32>,
      tpu.vector_store %arg9[%swap3A_166], %get3A_165 {strides = array<i32>} : memref<256xi32, #tpu.memory_space<vmem>>, vector<16xi32>,
      %get3A_168 = arith.index_cast %scan3A_59 : i32 to index
      %get3A_169 = arith.constant 176 : index
      %get3A_170 = tpu.vector_load %arg6[%get3A_168, %get3A_169] {strides = array<i32>} : memref<8x256xi32, #tpu.memory_space<vmem>>, vector<16xi32>,
      %swap3A_171 = arith.constant 176 : index
      %swap3A_172 = tpu.vector_load %arg8[%swap3A_171] {strides = array<i32>} : memref<256xi32, #tpu.memory_space<vmem>>, vector<16xi32>,
      tpu.vector_store %arg8[%swap3A_171], %get3A_170 {strides = array<i32>} : memref<256xi32, #tpu.memory_space<vmem>>, vector<16xi32>,
      %get3A_173 = arith.index_cast %scan3A_59 : i32 to index
      %get3A_174 = arith.constant 176 : index
      %get3A_175 = tpu.vector_load %arg7[%get3A_173, %get3A_174] {strides = array<i32>} : memref<8x256xi32, #tpu.memory_space<vmem>>, vector<16xi32>,
      %swap3A_176 = arith.constant 176 : index
      %swap3A_177 = tpu.vector_load %arg9[%swap3A_176] {strides = array<i32>} : memref<256xi32, #tpu.memory_space<vmem>>, vector<16xi32>,
      tpu.vector_store %arg9[%swap3A_176], %get3A_175 {strides = array<i32>} : memref<256xi32, #tpu.memory_space<vmem>>, vector<16xi32>,
      %get3A_178 = arith.index_cast %scan3A_59 : i32 to index
      %get3A_179 = arith.constant 192 : index
      %get3A_180 = tpu.vector_load %arg6[%get3A_178, %get3A_179] {strides = array<i32>} : memref<8x256xi32, #tpu.memory_space<vmem>>, vector<16xi32>,
      %swap3A_181 = arith.constant 192 : index
      %swap3A_182 = tpu.vector_load %arg8[%swap3A_181] {strides = array<i32>} : memref<256xi32, #tpu.memory_space<vmem>>, vector<16xi32>,
      tpu.vector_store %arg8[%swap3A_181], %get3A_180 {strides = array<i32>} : memref<256xi32, #tpu.memory_space<vmem>>, vector<16xi32>,
      %get3A_183 = arith.index_cast %scan3A_59 : i32 to index
      %get3A_184 = arith.constant 192 : index
      %get3A_185 = tpu.vector_load %arg7[%get3A_183, %get3A_184] {strides = array<i32>} : memref<8x256xi32, #tpu.memory_space<vmem>>, vector<16xi32>,
      %swap3A_186 = arith.constant 192 : index
      %swap3A_187 = tpu.vector_load %arg9[%swap3A_186] {strides = array<i32>} : memref<256xi32, #tpu.memory_space<vmem>>, vector<16xi32>,
      tpu.vector_store %arg9[%swap3A_186], %get3A_185 {strides = array<i32>} : memref<256xi32, #tpu.memory_space<vmem>>, vector<16xi32>,
      %get3A_188 = arith.index_cast %scan3A_59 : i32 to index
      %get3A_189 = arith.constant 208 : index
      %get3A_190 = tpu.vector_load %arg6[%get3A_188, %get3A_189] {strides = array<i32>} : memref<8x256xi32, #tpu.memory_space<vmem>>, vector<16xi32>,
      %swap3A_191 = arith.constant 208 : index
      %swap3A_192 = tpu.vector_load %arg8[%swap3A_191] {strides = array<i32>} : memref<256xi32, #tpu.memory_space<vmem>>, vector<16xi32>,
      tpu.vector_store %arg8[%swap3A_191], %get3A_190 {strides = array<i32>} : memref<256xi32, #tpu.memory_space<vmem>>, vector<16xi32>,
      %get3A_193 = arith.index_cast %scan3A_59 : i32 to index
      %get3A_194 = arith.constant 208 : index
      %get3A_195 = tpu.vector_load %arg7[%get3A_193, %get3A_194] {strides = array<i32>} : memref<8x256xi32, #tpu.memory_space<vmem>>, vector<16xi32>,
      %swap3A_196 = arith.constant 208 : index
      %swap3A_197 = tpu.vector_load %arg9[%swap3A_196] {strides = array<i32>} : memref<256xi32, #tpu.memory_space<vmem>>, vector<16xi32>,
      tpu.vector_store %arg9[%swap3A_196], %get3A_195 {strides = array<i32>} : memref<256xi32, #tpu.memory_space<vmem>>, vector<16xi32>,
      %get3A_198 = arith.index_cast %scan3A_59 : i32 to index
      %get3A_199 = arith.constant 224 : index
      %get3A_200 = tpu.vector_load %arg6[%get3A_198, %get3A_199] {strides = array<i32>} : memref<8x256xi32, #tpu.memory_space<vmem>>, vector<16xi32>,
      %swap3A_201 = arith.constant 224 : index
      %swap3A_202 = tpu.vector_load %arg8[%swap3A_201] {strides = array<i32>} : memref<256xi32, #tpu.memory_space<vmem>>, vector<16xi32>,
      tpu.vector_store %arg8[%swap3A_201], %get3A_200 {strides = array<i32>} : memref<256xi32, #tpu.memory_space<vmem>>, vector<16xi32>,
      %get3A_203 = arith.index_cast %scan3A_59 : i32 to index
      %get3A_204 = arith.constant 224 : index
      %get3A_205 = tpu.vector_load %arg7[%get3A_203, %get3A_204] {strides = array<i32>} : memref<8x256xi32, #tpu.memory_space<vmem>>, vector<16xi32>,
      %swap3A_206 = arith.constant 224 : index
      %swap3A_207 = tpu.vector_load %arg9[%swap3A_206] {strides = array<i32>} : memref<256xi32, #tpu.memory_space<vmem>>, vector<16xi32>,
      tpu.vector_store %arg9[%swap3A_206], %get3A_205 {strides = array<i32>} : memref<256xi32, #tpu.memory_space<vmem>>, vector<16xi32>,
      %get3A_208 = arith.index_cast %scan3A_59 : i32 to index
      %get3A_209 = arith.constant 240 : index
      %get3A_210 = tpu.vector_load %arg6[%get3A_208, %get3A_209] {strides = array<i32>} : memref<8x256xi32, #tpu.memory_space<vmem>>, vector<16xi32>,
      %swap3A_211 = arith.constant 240 : index
      %swap3A_212 = tpu.vector_load %arg8[%swap3A_211] {strides = array<i32>} : memref<256xi32, #tpu.memory_space<vmem>>, vector<16xi32>,
      tpu.vector_store %arg8[%swap3A_211], %get3A_210 {strides = array<i32>} : memref<256xi32, #tpu.memory_space<vmem>>, vector<16xi32>,
      %get3A_213 = arith.index_cast %scan3A_59 : i32 to index
      %get3A_214 = arith.constant 240 : index
      %get3A_215 = tpu.vector_load %arg7[%get3A_213, %get3A_214] {strides = array<i32>} : memref<8x256xi32, #tpu.memory_space<vmem>>, vector<16xi32>,
      %swap3A_216 = arith.constant 240 : index
      %swap3A_217 = tpu.vector_load %arg9[%swap3A_216] {strides = array<i32>} : memref<256xi32, #tpu.memory_space<vmem>>, vector<16xi32>,
      tpu.vector_store %arg9[%swap3A_216], %get3A_215 {strides = array<i32>} : memref<256xi32, #tpu.memory_space<vmem>>, vector<16xi32>,
      %dma_start3A = arith.constant 0 : i32
      %dma_start3A_218 = arith.constant 0 : i32
      %dma_start3A_219 = tpu.memref_slice %arg2[%dma_start3A, %dma_start3A_218] : memref<10240x128xf32, #tpu.memory_space<hbm>> -> memref<10240x128xf32, #tpu.memory_space<hbm>>
      tpu.enqueue_indirect_dma source(%dma_start3A_219 : memref<10240x128xf32, #tpu.memory_space<hbm>>) target(%arg10 : memref<256x128xf32, #tpu.memory_space<vmem>>) offsets(%arg8 : memref<256xi32, #tpu.memory_space<vmem>>) semaphore(%arg11 : memref<!tpu.dma_semaphore, #tpu.memory_space<semaphore_mem>>)
      %dma_wait3A = arith.constant 0 : i32
      %dma_wait3A_220 = arith.constant 0 : i32
      %dma_wait3A_221 = tpu.memref_slice %arg2[%dma_wait3A, %dma_wait3A_220] : memref<10240x128xf32, #tpu.memory_space<hbm>> -> memref<10240x128xf32, #tpu.memory_space<hbm>>
      tpu.wait_indirect_dma semaphore(%arg11 : memref<!tpu.dma_semaphore, #tpu.memory_space<semaphore_mem>>) src(%dma_wait3A_221 : memref<10240x128xf32, #tpu.memory_space<hbm>>) dst(%arg10 : memref<256x128xf32, #tpu.memory_space<vmem>>)
      "tpu.region"() ({
        %run_scoped3A = tpu.sem_alloc : memref<!tpu.dma_semaphore, #tpu.memory_space<semaphore_mem>>
        %dma_start3A_222 = arith.constant 0 : i32
        %dma_start3A_223 = arith.constant 0 : i32
        %dma_start3A_224 = tpu.memref_slice %arg12[%dma_start3A_222, %dma_start3A_223] : memref<10240x128xf32, #tpu.memory_space<vmem_shared>> -> memref<10240x128xf32, #tpu.memory_space<vmem_shared>>
        tpu.enqueue_indirect_dma source(%arg10 : memref<256x128xf32, #tpu.memory_space<vmem>>) target(%dma_start3A_224 : memref<10240x128xf32, #tpu.memory_space<vmem_shared>>) offsets(%arg9 : memref<256xi32, #tpu.memory_space<vmem>>) semaphore(%run_scoped3A : memref<!tpu.dma_semaphore, #tpu.memory_space<semaphore_mem>>) {add = true}
        %dma_wait3A_225 = arith.constant 0 : i32
        %dma_wait3A_226 = arith.constant 0 : i32
        %dma_wait3A_227 = tpu.memref_slice %arg12[%dma_wait3A_225, %dma_wait3A_226] : memref<10240x128xf32, #tpu.memory_space<vmem_shared>> -> memref<10240x128xf32, #tpu.memory_space<vmem_shared>>
        tpu.wait_indirect_dma semaphore(%run_scoped3A : memref<!tpu.dma_semaphore, #tpu.memory_space<semaphore_mem>>) src(%arg10 : memref<256x128xf32, #tpu.memory_space<vmem>>) dst(%dma_wait3A_227 : memref<10240x128xf32, #tpu.memory_space<vmem_shared>>)
        tpu.yield
      }) : () -> ()
    }
    %scan3A_29 = arith.constant 8 : i32
    "tpu.region"() ({
      %run_scoped3A = tpu.sem_alloc : memref<!tpu.dma_semaphore, #tpu.memory_space<semaphore_mem>>
      %dma_start3A = arith.constant 8 : i32
      %dma_start3A_59 = arith.constant 0 : i32
      %dma_start3A_60 = tpu.memref_slice %arg3[%arg0, %arg1, %dma_start3A, %dma_start3A_59] : memref<2x16x40x256xi32, #tpu.memory_space<hbm>> -> memref<1x1x8x256xi32, #tpu.memory_space<hbm>>
      %dma_start3A_61 = tpu.memref_squeeze %dma_start3A_60 : memref<1x1x8x256xi32, #tpu.memory_space<hbm>> -> memref<8x256xi32, #tpu.memory_space<hbm>>
      %dma_start3A_62 = arith.constant 8 : i32
      %dma_start3A_63 = arith.constant 0 : i32
      %dma_start3A_64 = tpu.memref_slice %arg3[%arg0, %arg1, %dma_start3A_62, %dma_start3A_63] : memref<2x16x40x256xi32, #tpu.memory_space<hbm>> -> memref<1x1x8x256xi32, #tpu.memory_space<hbm>>
      %dma_start3A_65 = tpu.memref_squeeze %dma_start3A_64 : memref<1x1x8x256xi32, #tpu.memory_space<hbm>> -> memref<8x256xi32, #tpu.memory_space<hbm>>
      tpu.enqueue_dma source(%dma_start3A_65 : memref<8x256xi32, #tpu.memory_space<hbm>>) target(%arg6 : memref<8x256xi32, #tpu.memory_space<vmem>>) target_semaphore(%run_scoped3A : memref<!tpu.dma_semaphore, #tpu.memory_space<semaphore_mem>>)
      %dma_wait3A = arith.constant 8 : i32
      %dma_wait3A_66 = arith.constant 0 : i32
      %dma_wait3A_67 = tpu.memref_slice %arg3[%arg0, %arg1, %dma_wait3A, %dma_wait3A_66] : memref<2x16x40x256xi32, #tpu.memory_space<hbm>> -> memref<1x1x8x256xi32, #tpu.memory_space<hbm>>
      %dma_wait3A_68 = tpu.memref_squeeze %dma_wait3A_67 : memref<1x1x8x256xi32, #tpu.memory_space<hbm>> -> memref<8x256xi32, #tpu.memory_space<hbm>>
      %dma_wait3A_69 = arith.constant 8 : i32
      %dma_wait3A_70 = arith.constant 0 : i32
      %dma_wait3A_71 = tpu.memref_slice %arg3[%arg0, %arg1, %dma_wait3A_69, %dma_wait3A_70] : memref<2x16x40x256xi32, #tpu.memory_space<hbm>> -> memref<1x1x8x256xi32, #tpu.memory_space<hbm>>
      %dma_wait3A_72 = tpu.memref_squeeze %dma_wait3A_71 : memref<1x1x8x256xi32, #tpu.memory_space<hbm>> -> memref<8x256xi32, #tpu.memory_space<hbm>>
      tpu.wait_dma2 semaphore(%run_scoped3A : memref<!tpu.dma_semaphore, #tpu.memory_space<semaphore_mem>>) src(%dma_wait3A_72 : memref<8x256xi32, #tpu.memory_space<hbm>>) dst(%arg6 : memref<8x256xi32, #tpu.memory_space<vmem>>)
      tpu.yield
    }) : () -> ()
    "tpu.region"() ({
      %run_scoped3A = tpu.sem_alloc : memref<!tpu.dma_semaphore, #tpu.memory_space<semaphore_mem>>
      %dma_start3A = arith.constant 8 : i32
      %dma_start3A_59 = arith.constant 0 : i32
      %dma_start3A_60 = tpu.memref_slice %arg4[%arg0, %arg1, %dma_start3A, %dma_start3A_59] : memref<2x16x40x256xi32, #tpu.memory_space<hbm>> -> memref<1x1x8x256xi32, #tpu.memory_space<hbm>>
      %dma_start3A_61 = tpu.memref_squeeze %dma_start3A_60 : memref<1x1x8x256xi32, #tpu.memory_space<hbm>> -> memref<8x256xi32, #tpu.memory_space<hbm>>
      %dma_start3A_62 = arith.constant 8 : i32
      %dma_start3A_63 = arith.constant 0 : i32
      %dma_start3A_64 = tpu.memref_slice %arg4[%arg0, %arg1, %dma_start3A_62, %dma_start3A_63] : memref<2x16x40x256xi32, #tpu.memory_space<hbm>> -> memref<1x1x8x256xi32, #tpu.memory_space<hbm>>
      %dma_start3A_65 = tpu.memref_squeeze %dma_start3A_64 : memref<1x1x8x256xi32, #tpu.memory_space<hbm>> -> memref<8x256xi32, #tpu.memory_space<hbm>>
      tpu.enqueue_dma source(%dma_start3A_65 : memref<8x256xi32, #tpu.memory_space<hbm>>) target(%arg7 : memref<8x256xi32, #tpu.memory_space<vmem>>) target_semaphore(%run_scoped3A : memref<!tpu.dma_semaphore, #tpu.memory_space<semaphore_mem>>)
      %dma_wait3A = arith.constant 8 : i32
      %dma_wait3A_66 = arith.constant 0 : i32
      %dma_wait3A_67 = tpu.memref_slice %arg4[%arg0, %arg1, %dma_wait3A, %dma_wait3A_66] : memref<2x16x40x256xi32, #tpu.memory_space<hbm>> -> memref<1x1x8x256xi32, #tpu.memory_space<hbm>>
      %dma_wait3A_68 = tpu.memref_squeeze %dma_wait3A_67 : memref<1x1x8x256xi32, #tpu.memory_space<hbm>> -> memref<8x256xi32, #tpu.memory_space<hbm>>
      %dma_wait3A_69 = arith.constant 8 : i32
      %dma_wait3A_70 = arith.constant 0 : i32
      %dma_wait3A_71 = tpu.memref_slice %arg4[%arg0, %arg1, %dma_wait3A_69, %dma_wait3A_70] : memref<2x16x40x256xi32, #tpu.memory_space<hbm>> -> memref<1x1x8x256xi32, #tpu.memory_space<hbm>>
      %dma_wait3A_72 = tpu.memref_squeeze %dma_wait3A_71 : memref<1x1x8x256xi32, #tpu.memory_space<hbm>> -> memref<8x256xi32, #tpu.memory_space<hbm>>
      tpu.wait_dma2 semaphore(%run_scoped3A : memref<!tpu.dma_semaphore, #tpu.memory_space<semaphore_mem>>) src(%dma_wait3A_72 : memref<8x256xi32, #tpu.memory_space<hbm>>) dst(%arg7 : memref<8x256xi32, #tpu.memory_space<vmem>>)
      tpu.yield
    }) : () -> ()
    %scan3A_30 = arith.constant 0 : i32
    %scan3A_31 = arith.constant 0 : i32
    %scan3A_32 = arith.constant 8 : i32
    %scan3A_33 = arith.addi %scan3A_31, %scan3A_32 : i32
    %scan3A_34 = arith.constant 1 : i32
    scf.for %scan3A_59 = %scan3A_31 to %scan3A_33 step %scan3A_34  : i32 {
      %get3A = arith.index_cast %scan3A_59 : i32 to index
      %get3A_60 = arith.constant 0 : index
      %get3A_61 = tpu.vector_load %arg6[%get3A, %get3A_60] {strides = array<i32>} : memref<8x256xi32, #tpu.memory_space<vmem>>, vector<16xi32>,
      %swap3A = arith.constant 0 : index
      %swap3A_62 = tpu.vector_load %arg8[%swap3A] {strides = array<i32>} : memref<256xi32, #tpu.memory_space<vmem>>, vector<16xi32>,
      tpu.vector_store %arg8[%swap3A], %get3A_61 {strides = array<i32>} : memref<256xi32, #tpu.memory_space<vmem>>, vector<16xi32>,
      %get3A_63 = arith.index_cast %scan3A_59 : i32 to index
      %get3A_64 = arith.constant 0 : index
      %get3A_65 = tpu.vector_load %arg7[%get3A_63, %get3A_64] {strides = array<i32>} : memref<8x256xi32, #tpu.memory_space<vmem>>, vector<16xi32>,
      %swap3A_66 = arith.constant 0 : index
      %swap3A_67 = tpu.vector_load %arg9[%swap3A_66] {strides = array<i32>} : memref<256xi32, #tpu.memory_space<vmem>>, vector<16xi32>,
      tpu.vector_store %arg9[%swap3A_66], %get3A_65 {strides = array<i32>} : memref<256xi32, #tpu.memory_space<vmem>>, vector<16xi32>,
      %get3A_68 = arith.index_cast %scan3A_59 : i32 to index
      %get3A_69 = arith.constant 16 : index
      %get3A_70 = tpu.vector_load %arg6[%get3A_68, %get3A_69] {strides = array<i32>} : memref<8x256xi32, #tpu.memory_space<vmem>>, vector<16xi32>,
      %swap3A_71 = arith.constant 16 : index
      %swap3A_72 = tpu.vector_load %arg8[%swap3A_71] {strides = array<i32>} : memref<256xi32, #tpu.memory_space<vmem>>, vector<16xi32>,
      tpu.vector_store %arg8[%swap3A_71], %get3A_70 {strides = array<i32>} : memref<256xi32, #tpu.memory_space<vmem>>, vector<16xi32>,
      %get3A_73 = arith.index_cast %scan3A_59 : i32 to index
      %get3A_74 = arith.constant 16 : index
      %get3A_75 = tpu.vector_load %arg7[%get3A_73, %get3A_74] {strides = array<i32>} : memref<8x256xi32, #tpu.memory_space<vmem>>, vector<16xi32>,
      %swap3A_76 = arith.constant 16 : index
      %swap3A_77 = tpu.vector_load %arg9[%swap3A_76] {strides = array<i32>} : memref<256xi32, #tpu.memory_space<vmem>>, vector<16xi32>,
      tpu.vector_store %arg9[%swap3A_76], %get3A_75 {strides = array<i32>} : memref<256xi32, #tpu.memory_space<vmem>>, vector<16xi32>,
      %get3A_78 = arith.index_cast %scan3A_59 : i32 to index
      %get3A_79 = arith.constant 32 : index
      %get3A_80 = tpu.vector_load %arg6[%get3A_78, %get3A_79] {strides = array<i32>} : memref<8x256xi32, #tpu.memory_space<vmem>>, vector<16xi32>,
      %swap3A_81 = arith.constant 32 : index
      %swap3A_82 = tpu.vector_load %arg8[%swap3A_81] {strides = array<i32>} : memref<256xi32, #tpu.memory_space<vmem>>, vector<16xi32>,
      tpu.vector_store %arg8[%swap3A_81], %get3A_80 {strides = array<i32>} : memref<256xi32, #tpu.memory_space<vmem>>, vector<16xi32>,
      %get3A_83 = arith.index_cast %scan3A_59 : i32 to index
      %get3A_84 = arith.constant 32 : index
      %get3A_85 = tpu.vector_load %arg7[%get3A_83, %get3A_84] {strides = array<i32>} : memref<8x256xi32, #tpu.memory_space<vmem>>, vector<16xi32>,
      %swap3A_86 = arith.constant 32 : index
      %swap3A_87 = tpu.vector_load %arg9[%swap3A_86] {strides = array<i32>} : memref<256xi32, #tpu.memory_space<vmem>>, vector<16xi32>,
      tpu.vector_store %arg9[%swap3A_86], %get3A_85 {strides = array<i32>} : memref<256xi32, #tpu.memory_space<vmem>>, vector<16xi32>,
      %get3A_88 = arith.index_cast %scan3A_59 : i32 to index
      %get3A_89 = arith.constant 48 : index
      %get3A_90 = tpu.vector_load %arg6[%get3A_88, %get3A_89] {strides = array<i32>} : memref<8x256xi32, #tpu.memory_space<vmem>>, vector<16xi32>,
      %swap3A_91 = arith.constant 48 : index
      %swap3A_92 = tpu.vector_load %arg8[%swap3A_91] {strides = array<i32>} : memref<256xi32, #tpu.memory_space<vmem>>, vector<16xi32>,
      tpu.vector_store %arg8[%swap3A_91], %get3A_90 {strides = array<i32>} : memref<256xi32, #tpu.memory_space<vmem>>, vector<16xi32>,
      %get3A_93 = arith.index_cast %scan3A_59 : i32 to index
      %get3A_94 = arith.constant 48 : index
      %get3A_95 = tpu.vector_load %arg7[%get3A_93, %get3A_94] {strides = array<i32>} : memref<8x256xi32, #tpu.memory_space<vmem>>, vector<16xi32>,
      %swap3A_96 = arith.constant 48 : index
      %swap3A_97 = tpu.vector_load %arg9[%swap3A_96] {strides = array<i32>} : memref<256xi32, #tpu.memory_space<vmem>>, vector<16xi32>,
      tpu.vector_store %arg9[%swap3A_96], %get3A_95 {strides = array<i32>} : memref<256xi32, #tpu.memory_space<vmem>>, vector<16xi32>,
      %get3A_98 = arith.index_cast %scan3A_59 : i32 to index
      %get3A_99 = arith.constant 64 : index
      %get3A_100 = tpu.vector_load %arg6[%get3A_98, %get3A_99] {strides = array<i32>} : memref<8x256xi32, #tpu.memory_space<vmem>>, vector<16xi32>,
      %swap3A_101 = arith.constant 64 : index
      %swap3A_102 = tpu.vector_load %arg8[%swap3A_101] {strides = array<i32>} : memref<256xi32, #tpu.memory_space<vmem>>, vector<16xi32>,
      tpu.vector_store %arg8[%swap3A_101], %get3A_100 {strides = array<i32>} : memref<256xi32, #tpu.memory_space<vmem>>, vector<16xi32>,
      %get3A_103 = arith.index_cast %scan3A_59 : i32 to index
      %get3A_104 = arith.constant 64 : index
      %get3A_105 = tpu.vector_load %arg7[%get3A_103, %get3A_104] {strides = array<i32>} : memref<8x256xi32, #tpu.memory_space<vmem>>, vector<16xi32>,
      %swap3A_106 = arith.constant 64 : index
      %swap3A_107 = tpu.vector_load %arg9[%swap3A_106] {strides = array<i32>} : memref<256xi32, #tpu.memory_space<vmem>>, vector<16xi32>,
      tpu.vector_store %arg9[%swap3A_106], %get3A_105 {strides = array<i32>} : memref<256xi32, #tpu.memory_space<vmem>>, vector<16xi32>,
      %get3A_108 = arith.index_cast %scan3A_59 : i32 to index
      %get3A_109 = arith.constant 80 : index
      %get3A_110 = tpu.vector_load %arg6[%get3A_108, %get3A_109] {strides = array<i32>} : memref<8x256xi32, #tpu.memory_space<vmem>>, vector<16xi32>,
      %swap3A_111 = arith.constant 80 : index
      %swap3A_112 = tpu.vector_load %arg8[%swap3A_111] {strides = array<i32>} : memref<256xi32, #tpu.memory_space<vmem>>, vector<16xi32>,
      tpu.vector_store %arg8[%swap3A_111], %get3A_110 {strides = array<i32>} : memref<256xi32, #tpu.memory_space<vmem>>, vector<16xi32>,
      %get3A_113 = arith.index_cast %scan3A_59 : i32 to index
      %get3A_114 = arith.constant 80 : index
      %get3A_115 = tpu.vector_load %arg7[%get3A_113, %get3A_114] {strides = array<i32>} : memref<8x256xi32, #tpu.memory_space<vmem>>, vector<16xi32>,
      %swap3A_116 = arith.constant 80 : index
      %swap3A_117 = tpu.vector_load %arg9[%swap3A_116] {strides = array<i32>} : memref<256xi32, #tpu.memory_space<vmem>>, vector<16xi32>,
      tpu.vector_store %arg9[%swap3A_116], %get3A_115 {strides = array<i32>} : memref<256xi32, #tpu.memory_space<vmem>>, vector<16xi32>,
      %get3A_118 = arith.index_cast %scan3A_59 : i32 to index
      %get3A_119 = arith.constant 96 : index
      %get3A_120 = tpu.vector_load %arg6[%get3A_118, %get3A_119] {strides = array<i32>} : memref<8x256xi32, #tpu.memory_space<vmem>>, vector<16xi32>,
      %swap3A_121 = arith.constant 96 : index
      %swap3A_122 = tpu.vector_load %arg8[%swap3A_121] {strides = array<i32>} : memref<256xi32, #tpu.memory_space<vmem>>, vector<16xi32>,
      tpu.vector_store %arg8[%swap3A_121], %get3A_120 {strides = array<i32>} : memref<256xi32, #tpu.memory_space<vmem>>, vector<16xi32>,
      %get3A_123 = arith.index_cast %scan3A_59 : i32 to index
      %get3A_124 = arith.constant 96 : index
      %get3A_125 = tpu.vector_load %arg7[%get3A_123, %get3A_124] {strides = array<i32>} : memref<8x256xi32, #tpu.memory_space<vmem>>, vector<16xi32>,
      %swap3A_126 = arith.constant 96 : index
      %swap3A_127 = tpu.vector_load %arg9[%swap3A_126] {strides = array<i32>} : memref<256xi32, #tpu.memory_space<vmem>>, vector<16xi32>,
      tpu.vector_store %arg9[%swap3A_126], %get3A_125 {strides = array<i32>} : memref<256xi32, #tpu.memory_space<vmem>>, vector<16xi32>,
      %get3A_128 = arith.index_cast %scan3A_59 : i32 to index
      %get3A_129 = arith.constant 112 : index
      %get3A_130 = tpu.vector_load %arg6[%get3A_128, %get3A_129] {strides = array<i32>} : memref<8x256xi32, #tpu.memory_space<vmem>>, vector<16xi32>,
      %swap3A_131 = arith.constant 112 : index
      %swap3A_132 = tpu.vector_load %arg8[%swap3A_131] {strides = array<i32>} : memref<256xi32, #tpu.memory_space<vmem>>, vector<16xi32>,
      tpu.vector_store %arg8[%swap3A_131], %get3A_130 {strides = array<i32>} : memref<256xi32, #tpu.memory_space<vmem>>, vector<16xi32>,
      %get3A_133 = arith.index_cast %scan3A_59 : i32 to index
      %get3A_134 = arith.constant 112 : index
      %get3A_135 = tpu.vector_load %arg7[%get3A_133, %get3A_134] {strides = array<i32>} : memref<8x256xi32, #tpu.memory_space<vmem>>, vector<16xi32>,
      %swap3A_136 = arith.constant 112 : index
      %swap3A_137 = tpu.vector_load %arg9[%swap3A_136] {strides = array<i32>} : memref<256xi32, #tpu.memory_space<vmem>>, vector<16xi32>,
      tpu.vector_store %arg9[%swap3A_136], %get3A_135 {strides = array<i32>} : memref<256xi32, #tpu.memory_space<vmem>>, vector<16xi32>,
      %get3A_138 = arith.index_cast %scan3A_59 : i32 to index
      %get3A_139 = arith.constant 128 : index
      %get3A_140 = tpu.vector_load %arg6[%get3A_138, %get3A_139] {strides = array<i32>} : memref<8x256xi32, #tpu.memory_space<vmem>>, vector<16xi32>,
      %swap3A_141 = arith.constant 128 : index
      %swap3A_142 = tpu.vector_load %arg8[%swap3A_141] {strides = array<i32>} : memref<256xi32, #tpu.memory_space<vmem>>, vector<16xi32>,
      tpu.vector_store %arg8[%swap3A_141], %get3A_140 {strides = array<i32>} : memref<256xi32, #tpu.memory_space<vmem>>, vector<16xi32>,
      %get3A_143 = arith.index_cast %scan3A_59 : i32 to index
      %get3A_144 = arith.constant 128 : index
      %get3A_145 = tpu.vector_load %arg7[%get3A_143, %get3A_144] {strides = array<i32>} : memref<8x256xi32, #tpu.memory_space<vmem>>, vector<16xi32>,
      %swap3A_146 = arith.constant 128 : index
      %swap3A_147 = tpu.vector_load %arg9[%swap3A_146] {strides = array<i32>} : memref<256xi32, #tpu.memory_space<vmem>>, vector<16xi32>,
      tpu.vector_store %arg9[%swap3A_146], %get3A_145 {strides = array<i32>} : memref<256xi32, #tpu.memory_space<vmem>>, vector<16xi32>,
      %get3A_148 = arith.index_cast %scan3A_59 : i32 to index
      %get3A_149 = arith.constant 144 : index
      %get3A_150 = tpu.vector_load %arg6[%get3A_148, %get3A_149] {strides = array<i32>} : memref<8x256xi32, #tpu.memory_space<vmem>>, vector<16xi32>,
      %swap3A_151 = arith.constant 144 : index
      %swap3A_152 = tpu.vector_load %arg8[%swap3A_151] {strides = array<i32>} : memref<256xi32, #tpu.memory_space<vmem>>, vector<16xi32>,
      tpu.vector_store %arg8[%swap3A_151], %get3A_150 {strides = array<i32>} : memref<256xi32, #tpu.memory_space<vmem>>, vector<16xi32>,
      %get3A_153 = arith.index_cast %scan3A_59 : i32 to index
      %get3A_154 = arith.constant 144 : index
      %get3A_155 = tpu.vector_load %arg7[%get3A_153, %get3A_154] {strides = array<i32>} : memref<8x256xi32, #tpu.memory_space<vmem>>, vector<16xi32>,
      %swap3A_156 = arith.constant 144 : index
      %swap3A_157 = tpu.vector_load %arg9[%swap3A_156] {strides = array<i32>} : memref<256xi32, #tpu.memory_space<vmem>>, vector<16xi32>,
      tpu.vector_store %arg9[%swap3A_156], %get3A_155 {strides = array<i32>} : memref<256xi32, #tpu.memory_space<vmem>>, vector<16xi32>,
      %get3A_158 = arith.index_cast %scan3A_59 : i32 to index
      %get3A_159 = arith.constant 160 : index
      %get3A_160 = tpu.vector_load %arg6[%get3A_158, %get3A_159] {strides = array<i32>} : memref<8x256xi32, #tpu.memory_space<vmem>>, vector<16xi32>,
      %swap3A_161 = arith.constant 160 : index
      %swap3A_162 = tpu.vector_load %arg8[%swap3A_161] {strides = array<i32>} : memref<256xi32, #tpu.memory_space<vmem>>, vector<16xi32>,
      tpu.vector_store %arg8[%swap3A_161], %get3A_160 {strides = array<i32>} : memref<256xi32, #tpu.memory_space<vmem>>, vector<16xi32>,
      %get3A_163 = arith.index_cast %scan3A_59 : i32 to index
      %get3A_164 = arith.constant 160 : index
      %get3A_165 = tpu.vector_load %arg7[%get3A_163, %get3A_164] {strides = array<i32>} : memref<8x256xi32, #tpu.memory_space<vmem>>, vector<16xi32>,
      %swap3A_166 = arith.constant 160 : index
      %swap3A_167 = tpu.vector_load %arg9[%swap3A_166] {strides = array<i32>} : memref<256xi32, #tpu.memory_space<vmem>>, vector<16xi32>,
      tpu.vector_store %arg9[%swap3A_166], %get3A_165 {strides = array<i32>} : memref<256xi32, #tpu.memory_space<vmem>>, vector<16xi32>,
      %get3A_168 = arith.index_cast %scan3A_59 : i32 to index
      %get3A_169 = arith.constant 176 : index
      %get3A_170 = tpu.vector_load %arg6[%get3A_168, %get3A_169] {strides = array<i32>} : memref<8x256xi32, #tpu.memory_space<vmem>>, vector<16xi32>,
      %swap3A_171 = arith.constant 176 : index
      %swap3A_172 = tpu.vector_load %arg8[%swap3A_171] {strides = array<i32>} : memref<256xi32, #tpu.memory_space<vmem>>, vector<16xi32>,
      tpu.vector_store %arg8[%swap3A_171], %get3A_170 {strides = array<i32>} : memref<256xi32, #tpu.memory_space<vmem>>, vector<16xi32>,
      %get3A_173 = arith.index_cast %scan3A_59 : i32 to index
      %get3A_174 = arith.constant 176 : index
      %get3A_175 = tpu.vector_load %arg7[%get3A_173, %get3A_174] {strides = array<i32>} : memref<8x256xi32, #tpu.memory_space<vmem>>, vector<16xi32>,
      %swap3A_176 = arith.constant 176 : index
      %swap3A_177 = tpu.vector_load %arg9[%swap3A_176] {strides = array<i32>} : memref<256xi32, #tpu.memory_space<vmem>>, vector<16xi32>,
      tpu.vector_store %arg9[%swap3A_176], %get3A_175 {strides = array<i32>} : memref<256xi32, #tpu.memory_space<vmem>>, vector<16xi32>,
      %get3A_178 = arith.index_cast %scan3A_59 : i32 to index
      %get3A_179 = arith.constant 192 : index
      %get3A_180 = tpu.vector_load %arg6[%get3A_178, %get3A_179] {strides = array<i32>} : memref<8x256xi32, #tpu.memory_space<vmem>>, vector<16xi32>,
      %swap3A_181 = arith.constant 192 : index
      %swap3A_182 = tpu.vector_load %arg8[%swap3A_181] {strides = array<i32>} : memref<256xi32, #tpu.memory_space<vmem>>, vector<16xi32>,
      tpu.vector_store %arg8[%swap3A_181], %get3A_180 {strides = array<i32>} : memref<256xi32, #tpu.memory_space<vmem>>, vector<16xi32>,
      %get3A_183 = arith.index_cast %scan3A_59 : i32 to index
      %get3A_184 = arith.constant 192 : index
      %get3A_185 = tpu.vector_load %arg7[%get3A_183, %get3A_184] {strides = array<i32>} : memref<8x256xi32, #tpu.memory_space<vmem>>, vector<16xi32>,
      %swap3A_186 = arith.constant 192 : index
      %swap3A_187 = tpu.vector_load %arg9[%swap3A_186] {strides = array<i32>} : memref<256xi32, #tpu.memory_space<vmem>>, vector<16xi32>,
      tpu.vector_store %arg9[%swap3A_186], %get3A_185 {strides = array<i32>} : memref<256xi32, #tpu.memory_space<vmem>>, vector<16xi32>,
      %get3A_188 = arith.index_cast %scan3A_59 : i32 to index
      %get3A_189 = arith.constant 208 : index
      %get3A_190 = tpu.vector_load %arg6[%get3A_188, %get3A_189] {strides = array<i32>} : memref<8x256xi32, #tpu.memory_space<vmem>>, vector<16xi32>,
      %swap3A_191 = arith.constant 208 : index
      %swap3A_192 = tpu.vector_load %arg8[%swap3A_191] {strides = array<i32>} : memref<256xi32, #tpu.memory_space<vmem>>, vector<16xi32>,
      tpu.vector_store %arg8[%swap3A_191], %get3A_190 {strides = array<i32>} : memref<256xi32, #tpu.memory_space<vmem>>, vector<16xi32>,
      %get3A_193 = arith.index_cast %scan3A_59 : i32 to index
      %get3A_194 = arith.constant 208 : index
      %get3A_195 = tpu.vector_load %arg7[%get3A_193, %get3A_194] {strides = array<i32>} : memref<8x256xi32, #tpu.memory_space<vmem>>, vector<16xi32>,
      %swap3A_196 = arith.constant 208 : index
      %swap3A_197 = tpu.vector_load %arg9[%swap3A_196] {strides = array<i32>} : memref<256xi32, #tpu.memory_space<vmem>>, vector<16xi32>,
      tpu.vector_store %arg9[%swap3A_196], %get3A_195 {strides = array<i32>} : memref<256xi32, #tpu.memory_space<vmem>>, vector<16xi32>,
      %get3A_198 = arith.index_cast %scan3A_59 : i32 to index
      %get3A_199 = arith.constant 224 : index
      %get3A_200 = tpu.vector_load %arg6[%get3A_198, %get3A_199] {strides = array<i32>} : memref<8x256xi32, #tpu.memory_space<vmem>>, vector<16xi32>,
      %swap3A_201 = arith.constant 224 : index
      %swap3A_202 = tpu.vector_load %arg8[%swap3A_201] {strides = array<i32>} : memref<256xi32, #tpu.memory_space<vmem>>, vector<16xi32>,
      tpu.vector_store %arg8[%swap3A_201], %get3A_200 {strides = array<i32>} : memref<256xi32, #tpu.memory_space<vmem>>, vector<16xi32>,
      %get3A_203 = arith.index_cast %scan3A_59 : i32 to index
      %get3A_204 = arith.constant 224 : index
      %get3A_205 = tpu.vector_load %arg7[%get3A_203, %get3A_204] {strides = array<i32>} : memref<8x256xi32, #tpu.memory_space<vmem>>, vector<16xi32>,
      %swap3A_206 = arith.constant 224 : index
      %swap3A_207 = tpu.vector_load %arg9[%swap3A_206] {strides = array<i32>} : memref<256xi32, #tpu.memory_space<vmem>>, vector<16xi32>,
      tpu.vector_store %arg9[%swap3A_206], %get3A_205 {strides = array<i32>} : memref<256xi32, #tpu.memory_space<vmem>>, vector<16xi32>,
      %get3A_208 = arith.index_cast %scan3A_59 : i32 to index
      %get3A_209 = arith.constant 240 : index
      %get3A_210 = tpu.vector_load %arg6[%get3A_208, %get3A_209] {strides = array<i32>} : memref<8x256xi32, #tpu.memory_space<vmem>>, vector<16xi32>,
      %swap3A_211 = arith.constant 240 : index
      %swap3A_212 = tpu.vector_load %arg8[%swap3A_211] {strides = array<i32>} : memref<256xi32, #tpu.memory_space<vmem>>, vector<16xi32>,
      tpu.vector_store %arg8[%swap3A_211], %get3A_210 {strides = array<i32>} : memref<256xi32, #tpu.memory_space<vmem>>, vector<16xi32>,
      %get3A_213 = arith.index_cast %scan3A_59 : i32 to index
      %get3A_214 = arith.constant 240 : index
      %get3A_215 = tpu.vector_load %arg7[%get3A_213, %get3A_214] {strides = array<i32>} : memref<8x256xi32, #tpu.memory_space<vmem>>, vector<16xi32>,
      %swap3A_216 = arith.constant 240 : index
      %swap3A_217 = tpu.vector_load %arg9[%swap3A_216] {strides = array<i32>} : memref<256xi32, #tpu.memory_space<vmem>>, vector<16xi32>,
      tpu.vector_store %arg9[%swap3A_216], %get3A_215 {strides = array<i32>} : memref<256xi32, #tpu.memory_space<vmem>>, vector<16xi32>,
      %dma_start3A = arith.constant 0 : i32
      %dma_start3A_218 = arith.constant 0 : i32
      %dma_start3A_219 = tpu.memref_slice %arg2[%dma_start3A, %dma_start3A_218] : memref<10240x128xf32, #tpu.memory_space<hbm>> -> memref<10240x128xf32, #tpu.memory_space<hbm>>
      tpu.enqueue_indirect_dma source(%dma_start3A_219 : memref<10240x128xf32, #tpu.memory_space<hbm>>) target(%arg10 : memref<256x128xf32, #tpu.memory_space<vmem>>) offsets(%arg8 : memref<256xi32, #tpu.memory_space<vmem>>) semaphore(%arg11 : memref<!tpu.dma_semaphore, #tpu.memory_space<semaphore_mem>>)
      %dma_wait3A = arith.constant 0 : i32
      %dma_wait3A_220 = arith.constant 0 : i32
      %dma_wait3A_221 = tpu.memref_slice %arg2[%dma_wait3A, %dma_wait3A_220] : memref<10240x128xf32, #tpu.memory_space<hbm>> -> memref<10240x128xf32, #tpu.memory_space<hbm>>
      tpu.wait_indirect_dma semaphore(%arg11 : memref<!tpu.dma_semaphore, #tpu.memory_space<semaphore_mem>>) src(%dma_wait3A_221 : memref<10240x128xf32, #tpu.memory_space<hbm>>) dst(%arg10 : memref<256x128xf32, #tpu.memory_space<vmem>>)
      "tpu.region"() ({
        %run_scoped3A = tpu.sem_alloc : memref<!tpu.dma_semaphore, #tpu.memory_space<semaphore_mem>>
        %dma_start3A_222 = arith.constant 0 : i32
        %dma_start3A_223 = arith.constant 0 : i32
        %dma_start3A_224 = tpu.memref_slice %arg12[%dma_start3A_222, %dma_start3A_223] : memref<10240x128xf32, #tpu.memory_space<vmem_shared>> -> memref<10240x128xf32, #tpu.memory_space<vmem_shared>>
        tpu.enqueue_indirect_dma source(%arg10 : memref<256x128xf32, #tpu.memory_space<vmem>>) target(%dma_start3A_224 : memref<10240x128xf32, #tpu.memory_space<vmem_shared>>) offsets(%arg9 : memref<256xi32, #tpu.memory_space<vmem>>) semaphore(%run_scoped3A : memref<!tpu.dma_semaphore, #tpu.memory_space<semaphore_mem>>) {add = true}
        %dma_wait3A_225 = arith.constant 0 : i32
        %dma_wait3A_226 = arith.constant 0 : i32
        %dma_wait3A_227 = tpu.memref_slice %arg12[%dma_wait3A_225, %dma_wait3A_226] : memref<10240x128xf32, #tpu.memory_space<vmem_shared>> -> memref<10240x128xf32, #tpu.memory_space<vmem_shared>>
        tpu.wait_indirect_dma semaphore(%run_scoped3A : memref<!tpu.dma_semaphore, #tpu.memory_space<semaphore_mem>>) src(%arg10 : memref<256x128xf32, #tpu.memory_space<vmem>>) dst(%dma_wait3A_227 : memref<10240x128xf32, #tpu.memory_space<vmem_shared>>)
        tpu.yield
      }) : () -> ()
    }
    %scan3A_35 = arith.constant 8 : i32
    "tpu.region"() ({
      %run_scoped3A = tpu.sem_alloc : memref<!tpu.dma_semaphore, #tpu.memory_space<semaphore_mem>>
      %dma_start3A = arith.constant 16 : i32
      %dma_start3A_59 = arith.constant 0 : i32
      %dma_start3A_60 = tpu.memref_slice %arg3[%arg0, %arg1, %dma_start3A, %dma_start3A_59] : memref<2x16x40x256xi32, #tpu.memory_space<hbm>> -> memref<1x1x8x256xi32, #tpu.memory_space<hbm>>
      %dma_start3A_61 = tpu.memref_squeeze %dma_start3A_60 : memref<1x1x8x256xi32, #tpu.memory_space<hbm>> -> memref<8x256xi32, #tpu.memory_space<hbm>>
      %dma_start3A_62 = arith.constant 16 : i32
      %dma_start3A_63 = arith.constant 0 : i32
      %dma_start3A_64 = tpu.memref_slice %arg3[%arg0, %arg1, %dma_start3A_62, %dma_start3A_63] : memref<2x16x40x256xi32, #tpu.memory_space<hbm>> -> memref<1x1x8x256xi32, #tpu.memory_space<hbm>>
      %dma_start3A_65 = tpu.memref_squeeze %dma_start3A_64 : memref<1x1x8x256xi32, #tpu.memory_space<hbm>> -> memref<8x256xi32, #tpu.memory_space<hbm>>
      tpu.enqueue_dma source(%dma_start3A_65 : memref<8x256xi32, #tpu.memory_space<hbm>>) target(%arg6 : memref<8x256xi32, #tpu.memory_space<vmem>>) target_semaphore(%run_scoped3A : memref<!tpu.dma_semaphore, #tpu.memory_space<semaphore_mem>>)
      %dma_wait3A = arith.constant 16 : i32
      %dma_wait3A_66 = arith.constant 0 : i32
      %dma_wait3A_67 = tpu.memref_slice %arg3[%arg0, %arg1, %dma_wait3A, %dma_wait3A_66] : memref<2x16x40x256xi32, #tpu.memory_space<hbm>> -> memref<1x1x8x256xi32, #tpu.memory_space<hbm>>
      %dma_wait3A_68 = tpu.memref_squeeze %dma_wait3A_67 : memref<1x1x8x256xi32, #tpu.memory_space<hbm>> -> memref<8x256xi32, #tpu.memory_space<hbm>>
      %dma_wait3A_69 = arith.constant 16 : i32
      %dma_wait3A_70 = arith.constant 0 : i32
      %dma_wait3A_71 = tpu.memref_slice %arg3[%arg0, %arg1, %dma_wait3A_69, %dma_wait3A_70] : memref<2x16x40x256xi32, #tpu.memory_space<hbm>> -> memref<1x1x8x256xi32, #tpu.memory_space<hbm>>
      %dma_wait3A_72 = tpu.memref_squeeze %dma_wait3A_71 : memref<1x1x8x256xi32, #tpu.memory_space<hbm>> -> memref<8x256xi32, #tpu.memory_space<hbm>>
      tpu.wait_dma2 semaphore(%run_scoped3A : memref<!tpu.dma_semaphore, #tpu.memory_space<semaphore_mem>>) src(%dma_wait3A_72 : memref<8x256xi32, #tpu.memory_space<hbm>>) dst(%arg6 : memref<8x256xi32, #tpu.memory_space<vmem>>)
      tpu.yield
    }) : () -> ()
    "tpu.region"() ({
      %run_scoped3A = tpu.sem_alloc : memref<!tpu.dma_semaphore, #tpu.memory_space<semaphore_mem>>
      %dma_start3A = arith.constant 16 : i32
      %dma_start3A_59 = arith.constant 0 : i32
      %dma_start3A_60 = tpu.memref_slice %arg4[%arg0, %arg1, %dma_start3A, %dma_start3A_59] : memref<2x16x40x256xi32, #tpu.memory_space<hbm>> -> memref<1x1x8x256xi32, #tpu.memory_space<hbm>>
      %dma_start3A_61 = tpu.memref_squeeze %dma_start3A_60 : memref<1x1x8x256xi32, #tpu.memory_space<hbm>> -> memref<8x256xi32, #tpu.memory_space<hbm>>
      %dma_start3A_62 = arith.constant 16 : i32
      %dma_start3A_63 = arith.constant 0 : i32
      %dma_start3A_64 = tpu.memref_slice %arg4[%arg0, %arg1, %dma_start3A_62, %dma_start3A_63] : memref<2x16x40x256xi32, #tpu.memory_space<hbm>> -> memref<1x1x8x256xi32, #tpu.memory_space<hbm>>
      %dma_start3A_65 = tpu.memref_squeeze %dma_start3A_64 : memref<1x1x8x256xi32, #tpu.memory_space<hbm>> -> memref<8x256xi32, #tpu.memory_space<hbm>>
      tpu.enqueue_dma source(%dma_start3A_65 : memref<8x256xi32, #tpu.memory_space<hbm>>) target(%arg7 : memref<8x256xi32, #tpu.memory_space<vmem>>) target_semaphore(%run_scoped3A : memref<!tpu.dma_semaphore, #tpu.memory_space<semaphore_mem>>)
      %dma_wait3A = arith.constant 16 : i32
      %dma_wait3A_66 = arith.constant 0 : i32
      %dma_wait3A_67 = tpu.memref_slice %arg4[%arg0, %arg1, %dma_wait3A, %dma_wait3A_66] : memref<2x16x40x256xi32, #tpu.memory_space<hbm>> -> memref<1x1x8x256xi32, #tpu.memory_space<hbm>>
      %dma_wait3A_68 = tpu.memref_squeeze %dma_wait3A_67 : memref<1x1x8x256xi32, #tpu.memory_space<hbm>> -> memref<8x256xi32, #tpu.memory_space<hbm>>
      %dma_wait3A_69 = arith.constant 16 : i32
      %dma_wait3A_70 = arith.constant 0 : i32
      %dma_wait3A_71 = tpu.memref_slice %arg4[%arg0, %arg1, %dma_wait3A_69, %dma_wait3A_70] : memref<2x16x40x256xi32, #tpu.memory_space<hbm>> -> memref<1x1x8x256xi32, #tpu.memory_space<hbm>>
      %dma_wait3A_72 = tpu.memref_squeeze %dma_wait3A_71 : memref<1x1x8x256xi32, #tpu.memory_space<hbm>> -> memref<8x256xi32, #tpu.memory_space<hbm>>
      tpu.wait_dma2 semaphore(%run_scoped3A : memref<!tpu.dma_semaphore, #tpu.memory_space<semaphore_mem>>) src(%dma_wait3A_72 : memref<8x256xi32, #tpu.memory_space<hbm>>) dst(%arg7 : memref<8x256xi32, #tpu.memory_space<vmem>>)
      tpu.yield
    }) : () -> ()
    %scan3A_36 = arith.constant 0 : i32
    %scan3A_37 = arith.constant 0 : i32
    %scan3A_38 = arith.constant 8 : i32
    %scan3A_39 = arith.addi %scan3A_37, %scan3A_38 : i32
    %scan3A_40 = arith.constant 1 : i32
    scf.for %scan3A_59 = %scan3A_37 to %scan3A_39 step %scan3A_40  : i32 {
      %get3A = arith.index_cast %scan3A_59 : i32 to index
      %get3A_60 = arith.constant 0 : index
      %get3A_61 = tpu.vector_load %arg6[%get3A, %get3A_60] {strides = array<i32>} : memref<8x256xi32, #tpu.memory_space<vmem>>, vector<16xi32>,
      %swap3A = arith.constant 0 : index
      %swap3A_62 = tpu.vector_load %arg8[%swap3A] {strides = array<i32>} : memref<256xi32, #tpu.memory_space<vmem>>, vector<16xi32>,
      tpu.vector_store %arg8[%swap3A], %get3A_61 {strides = array<i32>} : memref<256xi32, #tpu.memory_space<vmem>>, vector<16xi32>,
      %get3A_63 = arith.index_cast %scan3A_59 : i32 to index
      %get3A_64 = arith.constant 0 : index
      %get3A_65 = tpu.vector_load %arg7[%get3A_63, %get3A_64] {strides = array<i32>} : memref<8x256xi32, #tpu.memory_space<vmem>>, vector<16xi32>,
      %swap3A_66 = arith.constant 0 : index
      %swap3A_67 = tpu.vector_load %arg9[%swap3A_66] {strides = array<i32>} : memref<256xi32, #tpu.memory_space<vmem>>, vector<16xi32>,
      tpu.vector_store %arg9[%swap3A_66], %get3A_65 {strides = array<i32>} : memref<256xi32, #tpu.memory_space<vmem>>, vector<16xi32>,
      %get3A_68 = arith.index_cast %scan3A_59 : i32 to index
      %get3A_69 = arith.constant 16 : index
      %get3A_70 = tpu.vector_load %arg6[%get3A_68, %get3A_69] {strides = array<i32>} : memref<8x256xi32, #tpu.memory_space<vmem>>, vector<16xi32>,
      %swap3A_71 = arith.constant 16 : index
      %swap3A_72 = tpu.vector_load %arg8[%swap3A_71] {strides = array<i32>} : memref<256xi32, #tpu.memory_space<vmem>>, vector<16xi32>,
      tpu.vector_store %arg8[%swap3A_71], %get3A_70 {strides = array<i32>} : memref<256xi32, #tpu.memory_space<vmem>>, vector<16xi32>,
      %get3A_73 = arith.index_cast %scan3A_59 : i32 to index
      %get3A_74 = arith.constant 16 : index
      %get3A_75 = tpu.vector_load %arg7[%get3A_73, %get3A_74] {strides = array<i32>} : memref<8x256xi32, #tpu.memory_space<vmem>>, vector<16xi32>,
      %swap3A_76 = arith.constant 16 : index
      %swap3A_77 = tpu.vector_load %arg9[%swap3A_76] {strides = array<i32>} : memref<256xi32, #tpu.memory_space<vmem>>, vector<16xi32>,
      tpu.vector_store %arg9[%swap3A_76], %get3A_75 {strides = array<i32>} : memref<256xi32, #tpu.memory_space<vmem>>, vector<16xi32>,
      %get3A_78 = arith.index_cast %scan3A_59 : i32 to index
      %get3A_79 = arith.constant 32 : index
      %get3A_80 = tpu.vector_load %arg6[%get3A_78, %get3A_79] {strides = array<i32>} : memref<8x256xi32, #tpu.memory_space<vmem>>, vector<16xi32>,
      %swap3A_81 = arith.constant 32 : index
      %swap3A_82 = tpu.vector_load %arg8[%swap3A_81] {strides = array<i32>} : memref<256xi32, #tpu.memory_space<vmem>>, vector<16xi32>,
      tpu.vector_store %arg8[%swap3A_81], %get3A_80 {strides = array<i32>} : memref<256xi32, #tpu.memory_space<vmem>>, vector<16xi32>,
      %get3A_83 = arith.index_cast %scan3A_59 : i32 to index
      %get3A_84 = arith.constant 32 : index
      %get3A_85 = tpu.vector_load %arg7[%get3A_83, %get3A_84] {strides = array<i32>} : memref<8x256xi32, #tpu.memory_space<vmem>>, vector<16xi32>,
      %swap3A_86 = arith.constant 32 : index
      %swap3A_87 = tpu.vector_load %arg9[%swap3A_86] {strides = array<i32>} : memref<256xi32, #tpu.memory_space<vmem>>, vector<16xi32>,
      tpu.vector_store %arg9[%swap3A_86], %get3A_85 {strides = array<i32>} : memref<256xi32, #tpu.memory_space<vmem>>, vector<16xi32>,
      %get3A_88 = arith.index_cast %scan3A_59 : i32 to index
      %get3A_89 = arith.constant 48 : index
      %get3A_90 = tpu.vector_load %arg6[%get3A_88, %get3A_89] {strides = array<i32>} : memref<8x256xi32, #tpu.memory_space<vmem>>, vector<16xi32>,
      %swap3A_91 = arith.constant 48 : index
      %swap3A_92 = tpu.vector_load %arg8[%swap3A_91] {strides = array<i32>} : memref<256xi32, #tpu.memory_space<vmem>>, vector<16xi32>,
      tpu.vector_store %arg8[%swap3A_91], %get3A_90 {strides = array<i32>} : memref<256xi32, #tpu.memory_space<vmem>>, vector<16xi32>,
      %get3A_93 = arith.index_cast %scan3A_59 : i32 to index
      %get3A_94 = arith.constant 48 : index
      %get3A_95 = tpu.vector_load %arg7[%get3A_93, %get3A_94] {strides = array<i32>} : memref<8x256xi32, #tpu.memory_space<vmem>>, vector<16xi32>,
      %swap3A_96 = arith.constant 48 : index
      %swap3A_97 = tpu.vector_load %arg9[%swap3A_96] {strides = array<i32>} : memref<256xi32, #tpu.memory_space<vmem>>, vector<16xi32>,
      tpu.vector_store %arg9[%swap3A_96], %get3A_95 {strides = array<i32>} : memref<256xi32, #tpu.memory_space<vmem>>, vector<16xi32>,
      %get3A_98 = arith.index_cast %scan3A_59 : i32 to index
      %get3A_99 = arith.constant 64 : index
      %get3A_100 = tpu.vector_load %arg6[%get3A_98, %get3A_99] {strides = array<i32>} : memref<8x256xi32, #tpu.memory_space<vmem>>, vector<16xi32>,
      %swap3A_101 = arith.constant 64 : index
      %swap3A_102 = tpu.vector_load %arg8[%swap3A_101] {strides = array<i32>} : memref<256xi32, #tpu.memory_space<vmem>>, vector<16xi32>,
      tpu.vector_store %arg8[%swap3A_101], %get3A_100 {strides = array<i32>} : memref<256xi32, #tpu.memory_space<vmem>>, vector<16xi32>,
      %get3A_103 = arith.index_cast %scan3A_59 : i32 to index
      %get3A_104 = arith.constant 64 : index
      %get3A_105 = tpu.vector_load %arg7[%get3A_103, %get3A_104] {strides = array<i32>} : memref<8x256xi32, #tpu.memory_space<vmem>>, vector<16xi32>,
      %swap3A_106 = arith.constant 64 : index
      %swap3A_107 = tpu.vector_load %arg9[%swap3A_106] {strides = array<i32>} : memref<256xi32, #tpu.memory_space<vmem>>, vector<16xi32>,
      tpu.vector_store %arg9[%swap3A_106], %get3A_105 {strides = array<i32>} : memref<256xi32, #tpu.memory_space<vmem>>, vector<16xi32>,
      %get3A_108 = arith.index_cast %scan3A_59 : i32 to index
      %get3A_109 = arith.constant 80 : index
      %get3A_110 = tpu.vector_load %arg6[%get3A_108, %get3A_109] {strides = array<i32>} : memref<8x256xi32, #tpu.memory_space<vmem>>, vector<16xi32>,
      %swap3A_111 = arith.constant 80 : index
      %swap3A_112 = tpu.vector_load %arg8[%swap3A_111] {strides = array<i32>} : memref<256xi32, #tpu.memory_space<vmem>>, vector<16xi32>,
      tpu.vector_store %arg8[%swap3A_111], %get3A_110 {strides = array<i32>} : memref<256xi32, #tpu.memory_space<vmem>>, vector<16xi32>,
      %get3A_113 = arith.index_cast %scan3A_59 : i32 to index
      %get3A_114 = arith.constant 80 : index
      %get3A_115 = tpu.vector_load %arg7[%get3A_113, %get3A_114] {strides = array<i32>} : memref<8x256xi32, #tpu.memory_space<vmem>>, vector<16xi32>,
      %swap3A_116 = arith.constant 80 : index
      %swap3A_117 = tpu.vector_load %arg9[%swap3A_116] {strides = array<i32>} : memref<256xi32, #tpu.memory_space<vmem>>, vector<16xi32>,
      tpu.vector_store %arg9[%swap3A_116], %get3A_115 {strides = array<i32>} : memref<256xi32, #tpu.memory_space<vmem>>, vector<16xi32>,
      %get3A_118 = arith.index_cast %scan3A_59 : i32 to index
      %get3A_119 = arith.constant 96 : index
      %get3A_120 = tpu.vector_load %arg6[%get3A_118, %get3A_119] {strides = array<i32>} : memref<8x256xi32, #tpu.memory_space<vmem>>, vector<16xi32>,
      %swap3A_121 = arith.constant 96 : index
      %swap3A_122 = tpu.vector_load %arg8[%swap3A_121] {strides = array<i32>} : memref<256xi32, #tpu.memory_space<vmem>>, vector<16xi32>,
      tpu.vector_store %arg8[%swap3A_121], %get3A_120 {strides = array<i32>} : memref<256xi32, #tpu.memory_space<vmem>>, vector<16xi32>,
      %get3A_123 = arith.index_cast %scan3A_59 : i32 to index
      %get3A_124 = arith.constant 96 : index
      %get3A_125 = tpu.vector_load %arg7[%get3A_123, %get3A_124] {strides = array<i32>} : memref<8x256xi32, #tpu.memory_space<vmem>>, vector<16xi32>,
      %swap3A_126 = arith.constant 96 : index
      %swap3A_127 = tpu.vector_load %arg9[%swap3A_126] {strides = array<i32>} : memref<256xi32, #tpu.memory_space<vmem>>, vector<16xi32>,
      tpu.vector_store %arg9[%swap3A_126], %get3A_125 {strides = array<i32>} : memref<256xi32, #tpu.memory_space<vmem>>, vector<16xi32>,
      %get3A_128 = arith.index_cast %scan3A_59 : i32 to index
      %get3A_129 = arith.constant 112 : index
      %get3A_130 = tpu.vector_load %arg6[%get3A_128, %get3A_129] {strides = array<i32>} : memref<8x256xi32, #tpu.memory_space<vmem>>, vector<16xi32>,
      %swap3A_131 = arith.constant 112 : index
      %swap3A_132 = tpu.vector_load %arg8[%swap3A_131] {strides = array<i32>} : memref<256xi32, #tpu.memory_space<vmem>>, vector<16xi32>,
      tpu.vector_store %arg8[%swap3A_131], %get3A_130 {strides = array<i32>} : memref<256xi32, #tpu.memory_space<vmem>>, vector<16xi32>,
      %get3A_133 = arith.index_cast %scan3A_59 : i32 to index
      %get3A_134 = arith.constant 112 : index
      %get3A_135 = tpu.vector_load %arg7[%get3A_133, %get3A_134] {strides = array<i32>} : memref<8x256xi32, #tpu.memory_space<vmem>>, vector<16xi32>,
      %swap3A_136 = arith.constant 112 : index
      %swap3A_137 = tpu.vector_load %arg9[%swap3A_136] {strides = array<i32>} : memref<256xi32, #tpu.memory_space<vmem>>, vector<16xi32>,
      tpu.vector_store %arg9[%swap3A_136], %get3A_135 {strides = array<i32>} : memref<256xi32, #tpu.memory_space<vmem>>, vector<16xi32>,
      %get3A_138 = arith.index_cast %scan3A_59 : i32 to index
      %get3A_139 = arith.constant 128 : index
      %get3A_140 = tpu.vector_load %arg6[%get3A_138, %get3A_139] {strides = array<i32>} : memref<8x256xi32, #tpu.memory_space<vmem>>, vector<16xi32>,
      %swap3A_141 = arith.constant 128 : index
      %swap3A_142 = tpu.vector_load %arg8[%swap3A_141] {strides = array<i32>} : memref<256xi32, #tpu.memory_space<vmem>>, vector<16xi32>,
      tpu.vector_store %arg8[%swap3A_141], %get3A_140 {strides = array<i32>} : memref<256xi32, #tpu.memory_space<vmem>>, vector<16xi32>,
      %get3A_143 = arith.index_cast %scan3A_59 : i32 to index
      %get3A_144 = arith.constant 128 : index
      %get3A_145 = tpu.vector_load %arg7[%get3A_143, %get3A_144] {strides = array<i32>} : memref<8x256xi32, #tpu.memory_space<vmem>>, vector<16xi32>,
      %swap3A_146 = arith.constant 128 : index
      %swap3A_147 = tpu.vector_load %arg9[%swap3A_146] {strides = array<i32>} : memref<256xi32, #tpu.memory_space<vmem>>, vector<16xi32>,
      tpu.vector_store %arg9[%swap3A_146], %get3A_145 {strides = array<i32>} : memref<256xi32, #tpu.memory_space<vmem>>, vector<16xi32>,
      %get3A_148 = arith.index_cast %scan3A_59 : i32 to index
      %get3A_149 = arith.constant 144 : index
      %get3A_150 = tpu.vector_load %arg6[%get3A_148, %get3A_149] {strides = array<i32>} : memref<8x256xi32, #tpu.memory_space<vmem>>, vector<16xi32>,
      %swap3A_151 = arith.constant 144 : index
      %swap3A_152 = tpu.vector_load %arg8[%swap3A_151] {strides = array<i32>} : memref<256xi32, #tpu.memory_space<vmem>>, vector<16xi32>,
      tpu.vector_store %arg8[%swap3A_151], %get3A_150 {strides = array<i32>} : memref<256xi32, #tpu.memory_space<vmem>>, vector<16xi32>,
      %get3A_153 = arith.index_cast %scan3A_59 : i32 to index
      %get3A_154 = arith.constant 144 : index
      %get3A_155 = tpu.vector_load %arg7[%get3A_153, %get3A_154] {strides = array<i32>} : memref<8x256xi32, #tpu.memory_space<vmem>>, vector<16xi32>,
      %swap3A_156 = arith.constant 144 : index
      %swap3A_157 = tpu.vector_load %arg9[%swap3A_156] {strides = array<i32>} : memref<256xi32, #tpu.memory_space<vmem>>, vector<16xi32>,
      tpu.vector_store %arg9[%swap3A_156], %get3A_155 {strides = array<i32>} : memref<256xi32, #tpu.memory_space<vmem>>, vector<16xi32>,
      %get3A_158 = arith.index_cast %scan3A_59 : i32 to index
      %get3A_159 = arith.constant 160 : index
      %get3A_160 = tpu.vector_load %arg6[%get3A_158, %get3A_159] {strides = array<i32>} : memref<8x256xi32, #tpu.memory_space<vmem>>, vector<16xi32>,
      %swap3A_161 = arith.constant 160 : index
      %swap3A_162 = tpu.vector_load %arg8[%swap3A_161] {strides = array<i32>} : memref<256xi32, #tpu.memory_space<vmem>>, vector<16xi32>,
      tpu.vector_store %arg8[%swap3A_161], %get3A_160 {strides = array<i32>} : memref<256xi32, #tpu.memory_space<vmem>>, vector<16xi32>,
      %get3A_163 = arith.index_cast %scan3A_59 : i32 to index
      %get3A_164 = arith.constant 160 : index
      %get3A_165 = tpu.vector_load %arg7[%get3A_163, %get3A_164] {strides = array<i32>} : memref<8x256xi32, #tpu.memory_space<vmem>>, vector<16xi32>,
      %swap3A_166 = arith.constant 160 : index
      %swap3A_167 = tpu.vector_load %arg9[%swap3A_166] {strides = array<i32>} : memref<256xi32, #tpu.memory_space<vmem>>, vector<16xi32>,
      tpu.vector_store %arg9[%swap3A_166], %get3A_165 {strides = array<i32>} : memref<256xi32, #tpu.memory_space<vmem>>, vector<16xi32>,
      %get3A_168 = arith.index_cast %scan3A_59 : i32 to index
      %get3A_169 = arith.constant 176 : index
      %get3A_170 = tpu.vector_load %arg6[%get3A_168, %get3A_169] {strides = array<i32>} : memref<8x256xi32, #tpu.memory_space<vmem>>, vector<16xi32>,
      %swap3A_171 = arith.constant 176 : index
      %swap3A_172 = tpu.vector_load %arg8[%swap3A_171] {strides = array<i32>} : memref<256xi32, #tpu.memory_space<vmem>>, vector<16xi32>,
      tpu.vector_store %arg8[%swap3A_171], %get3A_170 {strides = array<i32>} : memref<256xi32, #tpu.memory_space<vmem>>, vector<16xi32>,
      %get3A_173 = arith.index_cast %scan3A_59 : i32 to index
      %get3A_174 = arith.constant 176 : index
      %get3A_175 = tpu.vector_load %arg7[%get3A_173, %get3A_174] {strides = array<i32>} : memref<8x256xi32, #tpu.memory_space<vmem>>, vector<16xi32>,
      %swap3A_176 = arith.constant 176 : index
      %swap3A_177 = tpu.vector_load %arg9[%swap3A_176] {strides = array<i32>} : memref<256xi32, #tpu.memory_space<vmem>>, vector<16xi32>,
      tpu.vector_store %arg9[%swap3A_176], %get3A_175 {strides = array<i32>} : memref<256xi32, #tpu.memory_space<vmem>>, vector<16xi32>,
      %get3A_178 = arith.index_cast %scan3A_59 : i32 to index
      %get3A_179 = arith.constant 192 : index
      %get3A_180 = tpu.vector_load %arg6[%get3A_178, %get3A_179] {strides = array<i32>} : memref<8x256xi32, #tpu.memory_space<vmem>>, vector<16xi32>,
      %swap3A_181 = arith.constant 192 : index
      %swap3A_182 = tpu.vector_load %arg8[%swap3A_181] {strides = array<i32>} : memref<256xi32, #tpu.memory_space<vmem>>, vector<16xi32>,
      tpu.vector_store %arg8[%swap3A_181], %get3A_180 {strides = array<i32>} : memref<256xi32, #tpu.memory_space<vmem>>, vector<16xi32>,
      %get3A_183 = arith.index_cast %scan3A_59 : i32 to index
      %get3A_184 = arith.constant 192 : index
      %get3A_185 = tpu.vector_load %arg7[%get3A_183, %get3A_184] {strides = array<i32>} : memref<8x256xi32, #tpu.memory_space<vmem>>, vector<16xi32>,
      %swap3A_186 = arith.constant 192 : index
      %swap3A_187 = tpu.vector_load %arg9[%swap3A_186] {strides = array<i32>} : memref<256xi32, #tpu.memory_space<vmem>>, vector<16xi32>,
      tpu.vector_store %arg9[%swap3A_186], %get3A_185 {strides = array<i32>} : memref<256xi32, #tpu.memory_space<vmem>>, vector<16xi32>,
      %get3A_188 = arith.index_cast %scan3A_59 : i32 to index
      %get3A_189 = arith.constant 208 : index
      %get3A_190 = tpu.vector_load %arg6[%get3A_188, %get3A_189] {strides = array<i32>} : memref<8x256xi32, #tpu.memory_space<vmem>>, vector<16xi32>,
      %swap3A_191 = arith.constant 208 : index
      %swap3A_192 = tpu.vector_load %arg8[%swap3A_191] {strides = array<i32>} : memref<256xi32, #tpu.memory_space<vmem>>, vector<16xi32>,
      tpu.vector_store %arg8[%swap3A_191], %get3A_190 {strides = array<i32>} : memref<256xi32, #tpu.memory_space<vmem>>, vector<16xi32>,
      %get3A_193 = arith.index_cast %scan3A_59 : i32 to index
      %get3A_194 = arith.constant 208 : index
      %get3A_195 = tpu.vector_load %arg7[%get3A_193, %get3A_194] {strides = array<i32>} : memref<8x256xi32, #tpu.memory_space<vmem>>, vector<16xi32>,
      %swap3A_196 = arith.constant 208 : index
      %swap3A_197 = tpu.vector_load %arg9[%swap3A_196] {strides = array<i32>} : memref<256xi32, #tpu.memory_space<vmem>>, vector<16xi32>,
      tpu.vector_store %arg9[%swap3A_196], %get3A_195 {strides = array<i32>} : memref<256xi32, #tpu.memory_space<vmem>>, vector<16xi32>,
      %get3A_198 = arith.index_cast %scan3A_59 : i32 to index
      %get3A_199 = arith.constant 224 : index
      %get3A_200 = tpu.vector_load %arg6[%get3A_198, %get3A_199] {strides = array<i32>} : memref<8x256xi32, #tpu.memory_space<vmem>>, vector<16xi32>,
      %swap3A_201 = arith.constant 224 : index
      %swap3A_202 = tpu.vector_load %arg8[%swap3A_201] {strides = array<i32>} : memref<256xi32, #tpu.memory_space<vmem>>, vector<16xi32>,
      tpu.vector_store %arg8[%swap3A_201], %get3A_200 {strides = array<i32>} : memref<256xi32, #tpu.memory_space<vmem>>, vector<16xi32>,
      %get3A_203 = arith.index_cast %scan3A_59 : i32 to index
      %get3A_204 = arith.constant 224 : index
      %get3A_205 = tpu.vector_load %arg7[%get3A_203, %get3A_204] {strides = array<i32>} : memref<8x256xi32, #tpu.memory_space<vmem>>, vector<16xi32>,
      %swap3A_206 = arith.constant 224 : index
      %swap3A_207 = tpu.vector_load %arg9[%swap3A_206] {strides = array<i32>} : memref<256xi32, #tpu.memory_space<vmem>>, vector<16xi32>,
      tpu.vector_store %arg9[%swap3A_206], %get3A_205 {strides = array<i32>} : memref<256xi32, #tpu.memory_space<vmem>>, vector<16xi32>,
      %get3A_208 = arith.index_cast %scan3A_59 : i32 to index
      %get3A_209 = arith.constant 240 : index
      %get3A_210 = tpu.vector_load %arg6[%get3A_208, %get3A_209] {strides = array<i32>} : memref<8x256xi32, #tpu.memory_space<vmem>>, vector<16xi32>,
      %swap3A_211 = arith.constant 240 : index
      %swap3A_212 = tpu.vector_load %arg8[%swap3A_211] {strides = array<i32>} : memref<256xi32, #tpu.memory_space<vmem>>, vector<16xi32>,
      tpu.vector_store %arg8[%swap3A_211], %get3A_210 {strides = array<i32>} : memref<256xi32, #tpu.memory_space<vmem>>, vector<16xi32>,
      %get3A_213 = arith.index_cast %scan3A_59 : i32 to index
      %get3A_214 = arith.constant 240 : index
      %get3A_215 = tpu.vector_load %arg7[%get3A_213, %get3A_214] {strides = array<i32>} : memref<8x256xi32, #tpu.memory_space<vmem>>, vector<16xi32>,
      %swap3A_216 = arith.constant 240 : index
      %swap3A_217 = tpu.vector_load %arg9[%swap3A_216] {strides = array<i32>} : memref<256xi32, #tpu.memory_space<vmem>>, vector<16xi32>,
      tpu.vector_store %arg9[%swap3A_216], %get3A_215 {strides = array<i32>} : memref<256xi32, #tpu.memory_space<vmem>>, vector<16xi32>,
      %dma_start3A = arith.constant 0 : i32
      %dma_start3A_218 = arith.constant 0 : i32
      %dma_start3A_219 = tpu.memref_slice %arg2[%dma_start3A, %dma_start3A_218] : memref<10240x128xf32, #tpu.memory_space<hbm>> -> memref<10240x128xf32, #tpu.memory_space<hbm>>
      tpu.enqueue_indirect_dma source(%dma_start3A_219 : memref<10240x128xf32, #tpu.memory_space<hbm>>) target(%arg10 : memref<256x128xf32, #tpu.memory_space<vmem>>) offsets(%arg8 : memref<256xi32, #tpu.memory_space<vmem>>) semaphore(%arg11 : memref<!tpu.dma_semaphore, #tpu.memory_space<semaphore_mem>>)
      %dma_wait3A = arith.constant 0 : i32
      %dma_wait3A_220 = arith.constant 0 : i32
      %dma_wait3A_221 = tpu.memref_slice %arg2[%dma_wait3A, %dma_wait3A_220] : memref<10240x128xf32, #tpu.memory_space<hbm>> -> memref<10240x128xf32, #tpu.memory_space<hbm>>
      tpu.wait_indirect_dma semaphore(%arg11 : memref<!tpu.dma_semaphore, #tpu.memory_space<semaphore_mem>>) src(%dma_wait3A_221 : memref<10240x128xf32, #tpu.memory_space<hbm>>) dst(%arg10 : memref<256x128xf32, #tpu.memory_space<vmem>>)
      "tpu.region"() ({
        %run_scoped3A = tpu.sem_alloc : memref<!tpu.dma_semaphore, #tpu.memory_space<semaphore_mem>>
        %dma_start3A_222 = arith.constant 0 : i32
        %dma_start3A_223 = arith.constant 0 : i32
        %dma_start3A_224 = tpu.memref_slice %arg12[%dma_start3A_222, %dma_start3A_223] : memref<10240x128xf32, #tpu.memory_space<vmem_shared>> -> memref<10240x128xf32, #tpu.memory_space<vmem_shared>>
        tpu.enqueue_indirect_dma source(%arg10 : memref<256x128xf32, #tpu.memory_space<vmem>>) target(%dma_start3A_224 : memref<10240x128xf32, #tpu.memory_space<vmem_shared>>) offsets(%arg9 : memref<256xi32, #tpu.memory_space<vmem>>) semaphore(%run_scoped3A : memref<!tpu.dma_semaphore, #tpu.memory_space<semaphore_mem>>) {add = true}
        %dma_wait3A_225 = arith.constant 0 : i32
        %dma_wait3A_226 = arith.constant 0 : i32
        %dma_wait3A_227 = tpu.memref_slice %arg12[%dma_wait3A_225, %dma_wait3A_226] : memref<10240x128xf32, #tpu.memory_space<vmem_shared>> -> memref<10240x128xf32, #tpu.memory_space<vmem_shared>>
        tpu.wait_indirect_dma semaphore(%run_scoped3A : memref<!tpu.dma_semaphore, #tpu.memory_space<semaphore_mem>>) src(%arg10 : memref<256x128xf32, #tpu.memory_space<vmem>>) dst(%dma_wait3A_227 : memref<10240x128xf32, #tpu.memory_space<vmem_shared>>)
        tpu.yield
      }) : () -> ()
    }
    %scan3A_41 = arith.constant 8 : i32
    "tpu.region"() ({
      %run_scoped3A = tpu.sem_alloc : memref<!tpu.dma_semaphore, #tpu.memory_space<semaphore_mem>>
      %dma_start3A = arith.constant 24 : i32
      %dma_start3A_59 = arith.constant 0 : i32
      %dma_start3A_60 = tpu.memref_slice %arg3[%arg0, %arg1, %dma_start3A, %dma_start3A_59] : memref<2x16x40x256xi32, #tpu.memory_space<hbm>> -> memref<1x1x8x256xi32, #tpu.memory_space<hbm>>
      %dma_start3A_61 = tpu.memref_squeeze %dma_start3A_60 : memref<1x1x8x256xi32, #tpu.memory_space<hbm>> -> memref<8x256xi32, #tpu.memory_space<hbm>>
      %dma_start3A_62 = arith.constant 24 : i32
      %dma_start3A_63 = arith.constant 0 : i32
      %dma_start3A_64 = tpu.memref_slice %arg3[%arg0, %arg1, %dma_start3A_62, %dma_start3A_63] : memref<2x16x40x256xi32, #tpu.memory_space<hbm>> -> memref<1x1x8x256xi32, #tpu.memory_space<hbm>>
      %dma_start3A_65 = tpu.memref_squeeze %dma_start3A_64 : memref<1x1x8x256xi32, #tpu.memory_space<hbm>> -> memref<8x256xi32, #tpu.memory_space<hbm>>
      tpu.enqueue_dma source(%dma_start3A_65 : memref<8x256xi32, #tpu.memory_space<hbm>>) target(%arg6 : memref<8x256xi32, #tpu.memory_space<vmem>>) target_semaphore(%run_scoped3A : memref<!tpu.dma_semaphore, #tpu.memory_space<semaphore_mem>>)
      %dma_wait3A = arith.constant 24 : i32
      %dma_wait3A_66 = arith.constant 0 : i32
      %dma_wait3A_67 = tpu.memref_slice %arg3[%arg0, %arg1, %dma_wait3A, %dma_wait3A_66] : memref<2x16x40x256xi32, #tpu.memory_space<hbm>> -> memref<1x1x8x256xi32, #tpu.memory_space<hbm>>
      %dma_wait3A_68 = tpu.memref_squeeze %dma_wait3A_67 : memref<1x1x8x256xi32, #tpu.memory_space<hbm>> -> memref<8x256xi32, #tpu.memory_space<hbm>>
      %dma_wait3A_69 = arith.constant 24 : i32
      %dma_wait3A_70 = arith.constant 0 : i32
      %dma_wait3A_71 = tpu.memref_slice %arg3[%arg0, %arg1, %dma_wait3A_69, %dma_wait3A_70] : memref<2x16x40x256xi32, #tpu.memory_space<hbm>> -> memref<1x1x8x256xi32, #tpu.memory_space<hbm>>
      %dma_wait3A_72 = tpu.memref_squeeze %dma_wait3A_71 : memref<1x1x8x256xi32, #tpu.memory_space<hbm>> -> memref<8x256xi32, #tpu.memory_space<hbm>>
      tpu.wait_dma2 semaphore(%run_scoped3A : memref<!tpu.dma_semaphore, #tpu.memory_space<semaphore_mem>>) src(%dma_wait3A_72 : memref<8x256xi32, #tpu.memory_space<hbm>>) dst(%arg6 : memref<8x256xi32, #tpu.memory_space<vmem>>)
      tpu.yield
    }) : () -> ()
    "tpu.region"() ({
      %run_scoped3A = tpu.sem_alloc : memref<!tpu.dma_semaphore, #tpu.memory_space<semaphore_mem>>
      %dma_start3A = arith.constant 24 : i32
      %dma_start3A_59 = arith.constant 0 : i32
      %dma_start3A_60 = tpu.memref_slice %arg4[%arg0, %arg1, %dma_start3A, %dma_start3A_59] : memref<2x16x40x256xi32, #tpu.memory_space<hbm>> -> memref<1x1x8x256xi32, #tpu.memory_space<hbm>>
      %dma_start3A_61 = tpu.memref_squeeze %dma_start3A_60 : memref<1x1x8x256xi32, #tpu.memory_space<hbm>> -> memref<8x256xi32, #tpu.memory_space<hbm>>
      %dma_start3A_62 = arith.constant 24 : i32
      %dma_start3A_63 = arith.constant 0 : i32
      %dma_start3A_64 = tpu.memref_slice %arg4[%arg0, %arg1, %dma_start3A_62, %dma_start3A_63] : memref<2x16x40x256xi32, #tpu.memory_space<hbm>> -> memref<1x1x8x256xi32, #tpu.memory_space<hbm>>
      %dma_start3A_65 = tpu.memref_squeeze %dma_start3A_64 : memref<1x1x8x256xi32, #tpu.memory_space<hbm>> -> memref<8x256xi32, #tpu.memory_space<hbm>>
      tpu.enqueue_dma source(%dma_start3A_65 : memref<8x256xi32, #tpu.memory_space<hbm>>) target(%arg7 : memref<8x256xi32, #tpu.memory_space<vmem>>) target_semaphore(%run_scoped3A : memref<!tpu.dma_semaphore, #tpu.memory_space<semaphore_mem>>)
      %dma_wait3A = arith.constant 24 : i32
      %dma_wait3A_66 = arith.constant 0 : i32
      %dma_wait3A_67 = tpu.memref_slice %arg4[%arg0, %arg1, %dma_wait3A, %dma_wait3A_66] : memref<2x16x40x256xi32, #tpu.memory_space<hbm>> -> memref<1x1x8x256xi32, #tpu.memory_space<hbm>>
      %dma_wait3A_68 = tpu.memref_squeeze %dma_wait3A_67 : memref<1x1x8x256xi32, #tpu.memory_space<hbm>> -> memref<8x256xi32, #tpu.memory_space<hbm>>
      %dma_wait3A_69 = arith.constant 24 : i32
      %dma_wait3A_70 = arith.constant 0 : i32
      %dma_wait3A_71 = tpu.memref_slice %arg4[%arg0, %arg1, %dma_wait3A_69, %dma_wait3A_70] : memref<2x16x40x256xi32, #tpu.memory_space<hbm>> -> memref<1x1x8x256xi32, #tpu.memory_space<hbm>>
      %dma_wait3A_72 = tpu.memref_squeeze %dma_wait3A_71 : memref<1x1x8x256xi32, #tpu.memory_space<hbm>> -> memref<8x256xi32, #tpu.memory_space<hbm>>
      tpu.wait_dma2 semaphore(%run_scoped3A : memref<!tpu.dma_semaphore, #tpu.memory_space<semaphore_mem>>) src(%dma_wait3A_72 : memref<8x256xi32, #tpu.memory_space<hbm>>) dst(%arg7 : memref<8x256xi32, #tpu.memory_space<vmem>>)
      tpu.yield
    }) : () -> ()
    %scan3A_42 = arith.constant 0 : i32
    %scan3A_43 = arith.constant 0 : i32
    %scan3A_44 = arith.constant 8 : i32
    %scan3A_45 = arith.addi %scan3A_43, %scan3A_44 : i32
    %scan3A_46 = arith.constant 1 : i32
    scf.for %scan3A_59 = %scan3A_43 to %scan3A_45 step %scan3A_46  : i32 {
      %get3A = arith.index_cast %scan3A_59 : i32 to index
      %get3A_60 = arith.constant 0 : index
      %get3A_61 = tpu.vector_load %arg6[%get3A, %get3A_60] {strides = array<i32>} : memref<8x256xi32, #tpu.memory_space<vmem>>, vector<16xi32>,
      %swap3A = arith.constant 0 : index
      %swap3A_62 = tpu.vector_load %arg8[%swap3A] {strides = array<i32>} : memref<256xi32, #tpu.memory_space<vmem>>, vector<16xi32>,
      tpu.vector_store %arg8[%swap3A], %get3A_61 {strides = array<i32>} : memref<256xi32, #tpu.memory_space<vmem>>, vector<16xi32>,
      %get3A_63 = arith.index_cast %scan3A_59 : i32 to index
      %get3A_64 = arith.constant 0 : index
      %get3A_65 = tpu.vector_load %arg7[%get3A_63, %get3A_64] {strides = array<i32>} : memref<8x256xi32, #tpu.memory_space<vmem>>, vector<16xi32>,
      %swap3A_66 = arith.constant 0 : index
      %swap3A_67 = tpu.vector_load %arg9[%swap3A_66] {strides = array<i32>} : memref<256xi32, #tpu.memory_space<vmem>>, vector<16xi32>,
      tpu.vector_store %arg9[%swap3A_66], %get3A_65 {strides = array<i32>} : memref<256xi32, #tpu.memory_space<vmem>>, vector<16xi32>,
      %get3A_68 = arith.index_cast %scan3A_59 : i32 to index
      %get3A_69 = arith.constant 16 : index
      %get3A_70 = tpu.vector_load %arg6[%get3A_68, %get3A_69] {strides = array<i32>} : memref<8x256xi32, #tpu.memory_space<vmem>>, vector<16xi32>,
      %swap3A_71 = arith.constant 16 : index
      %swap3A_72 = tpu.vector_load %arg8[%swap3A_71] {strides = array<i32>} : memref<256xi32, #tpu.memory_space<vmem>>, vector<16xi32>,
      tpu.vector_store %arg8[%swap3A_71], %get3A_70 {strides = array<i32>} : memref<256xi32, #tpu.memory_space<vmem>>, vector<16xi32>,
      %get3A_73 = arith.index_cast %scan3A_59 : i32 to index
      %get3A_74 = arith.constant 16 : index
      %get3A_75 = tpu.vector_load %arg7[%get3A_73, %get3A_74] {strides = array<i32>} : memref<8x256xi32, #tpu.memory_space<vmem>>, vector<16xi32>,
      %swap3A_76 = arith.constant 16 : index
      %swap3A_77 = tpu.vector_load %arg9[%swap3A_76] {strides = array<i32>} : memref<256xi32, #tpu.memory_space<vmem>>, vector<16xi32>,
      tpu.vector_store %arg9[%swap3A_76], %get3A_75 {strides = array<i32>} : memref<256xi32, #tpu.memory_space<vmem>>, vector<16xi32>,
      %get3A_78 = arith.index_cast %scan3A_59 : i32 to index
      %get3A_79 = arith.constant 32 : index
      %get3A_80 = tpu.vector_load %arg6[%get3A_78, %get3A_79] {strides = array<i32>} : memref<8x256xi32, #tpu.memory_space<vmem>>, vector<16xi32>,
      %swap3A_81 = arith.constant 32 : index
      %swap3A_82 = tpu.vector_load %arg8[%swap3A_81] {strides = array<i32>} : memref<256xi32, #tpu.memory_space<vmem>>, vector<16xi32>,
      tpu.vector_store %arg8[%swap3A_81], %get3A_80 {strides = array<i32>} : memref<256xi32, #tpu.memory_space<vmem>>, vector<16xi32>,
      %get3A_83 = arith.index_cast %scan3A_59 : i32 to index
      %get3A_84 = arith.constant 32 : index
      %get3A_85 = tpu.vector_load %arg7[%get3A_83, %get3A_84] {strides = array<i32>} : memref<8x256xi32, #tpu.memory_space<vmem>>, vector<16xi32>,
      %swap3A_86 = arith.constant 32 : index
      %swap3A_87 = tpu.vector_load %arg9[%swap3A_86] {strides = array<i32>} : memref<256xi32, #tpu.memory_space<vmem>>, vector<16xi32>,
      tpu.vector_store %arg9[%swap3A_86], %get3A_85 {strides = array<i32>} : memref<256xi32, #tpu.memory_space<vmem>>, vector<16xi32>,
      %get3A_88 = arith.index_cast %scan3A_59 : i32 to index
      %get3A_89 = arith.constant 48 : index
      %get3A_90 = tpu.vector_load %arg6[%get3A_88, %get3A_89] {strides = array<i32>} : memref<8x256xi32, #tpu.memory_space<vmem>>, vector<16xi32>,
      %swap3A_91 = arith.constant 48 : index
      %swap3A_92 = tpu.vector_load %arg8[%swap3A_91] {strides = array<i32>} : memref<256xi32, #tpu.memory_space<vmem>>, vector<16xi32>,
      tpu.vector_store %arg8[%swap3A_91], %get3A_90 {strides = array<i32>} : memref<256xi32, #tpu.memory_space<vmem>>, vector<16xi32>,
      %get3A_93 = arith.index_cast %scan3A_59 : i32 to index
      %get3A_94 = arith.constant 48 : index
      %get3A_95 = tpu.vector_load %arg7[%get3A_93, %get3A_94] {strides = array<i32>} : memref<8x256xi32, #tpu.memory_space<vmem>>, vector<16xi32>,
      %swap3A_96 = arith.constant 48 : index
      %swap3A_97 = tpu.vector_load %arg9[%swap3A_96] {strides = array<i32>} : memref<256xi32, #tpu.memory_space<vmem>>, vector<16xi32>,
      tpu.vector_store %arg9[%swap3A_96], %get3A_95 {strides = array<i32>} : memref<256xi32, #tpu.memory_space<vmem>>, vector<16xi32>,
      %get3A_98 = arith.index_cast %scan3A_59 : i32 to index
      %get3A_99 = arith.constant 64 : index
      %get3A_100 = tpu.vector_load %arg6[%get3A_98, %get3A_99] {strides = array<i32>} : memref<8x256xi32, #tpu.memory_space<vmem>>, vector<16xi32>,
      %swap3A_101 = arith.constant 64 : index
      %swap3A_102 = tpu.vector_load %arg8[%swap3A_101] {strides = array<i32>} : memref<256xi32, #tpu.memory_space<vmem>>, vector<16xi32>,
      tpu.vector_store %arg8[%swap3A_101], %get3A_100 {strides = array<i32>} : memref<256xi32, #tpu.memory_space<vmem>>, vector<16xi32>,
      %get3A_103 = arith.index_cast %scan3A_59 : i32 to index
      %get3A_104 = arith.constant 64 : index
      %get3A_105 = tpu.vector_load %arg7[%get3A_103, %get3A_104] {strides = array<i32>} : memref<8x256xi32, #tpu.memory_space<vmem>>, vector<16xi32>,
      %swap3A_106 = arith.constant 64 : index
      %swap3A_107 = tpu.vector_load %arg9[%swap3A_106] {strides = array<i32>} : memref<256xi32, #tpu.memory_space<vmem>>, vector<16xi32>,
      tpu.vector_store %arg9[%swap3A_106], %get3A_105 {strides = array<i32>} : memref<256xi32, #tpu.memory_space<vmem>>, vector<16xi32>,
      %get3A_108 = arith.index_cast %scan3A_59 : i32 to index
      %get3A_109 = arith.constant 80 : index
      %get3A_110 = tpu.vector_load %arg6[%get3A_108, %get3A_109] {strides = array<i32>} : memref<8x256xi32, #tpu.memory_space<vmem>>, vector<16xi32>,
      %swap3A_111 = arith.constant 80 : index
      %swap3A_112 = tpu.vector_load %arg8[%swap3A_111] {strides = array<i32>} : memref<256xi32, #tpu.memory_space<vmem>>, vector<16xi32>,
      tpu.vector_store %arg8[%swap3A_111], %get3A_110 {strides = array<i32>} : memref<256xi32, #tpu.memory_space<vmem>>, vector<16xi32>,
      %get3A_113 = arith.index_cast %scan3A_59 : i32 to index
      %get3A_114 = arith.constant 80 : index
      %get3A_115 = tpu.vector_load %arg7[%get3A_113, %get3A_114] {strides = array<i32>} : memref<8x256xi32, #tpu.memory_space<vmem>>, vector<16xi32>,
      %swap3A_116 = arith.constant 80 : index
      %swap3A_117 = tpu.vector_load %arg9[%swap3A_116] {strides = array<i32>} : memref<256xi32, #tpu.memory_space<vmem>>, vector<16xi32>,
      tpu.vector_store %arg9[%swap3A_116], %get3A_115 {strides = array<i32>} : memref<256xi32, #tpu.memory_space<vmem>>, vector<16xi32>,
      %get3A_118 = arith.index_cast %scan3A_59 : i32 to index
      %get3A_119 = arith.constant 96 : index
      %get3A_120 = tpu.vector_load %arg6[%get3A_118, %get3A_119] {strides = array<i32>} : memref<8x256xi32, #tpu.memory_space<vmem>>, vector<16xi32>,
      %swap3A_121 = arith.constant 96 : index
      %swap3A_122 = tpu.vector_load %arg8[%swap3A_121] {strides = array<i32>} : memref<256xi32, #tpu.memory_space<vmem>>, vector<16xi32>,
      tpu.vector_store %arg8[%swap3A_121], %get3A_120 {strides = array<i32>} : memref<256xi32, #tpu.memory_space<vmem>>, vector<16xi32>,
      %get3A_123 = arith.index_cast %scan3A_59 : i32 to index
      %get3A_124 = arith.constant 96 : index
      %get3A_125 = tpu.vector_load %arg7[%get3A_123, %get3A_124] {strides = array<i32>} : memref<8x256xi32, #tpu.memory_space<vmem>>, vector<16xi32>,
      %swap3A_126 = arith.constant 96 : index
      %swap3A_127 = tpu.vector_load %arg9[%swap3A_126] {strides = array<i32>} : memref<256xi32, #tpu.memory_space<vmem>>, vector<16xi32>,
      tpu.vector_store %arg9[%swap3A_126], %get3A_125 {strides = array<i32>} : memref<256xi32, #tpu.memory_space<vmem>>, vector<16xi32>,
      %get3A_128 = arith.index_cast %scan3A_59 : i32 to index
      %get3A_129 = arith.constant 112 : index
      %get3A_130 = tpu.vector_load %arg6[%get3A_128, %get3A_129] {strides = array<i32>} : memref<8x256xi32, #tpu.memory_space<vmem>>, vector<16xi32>,
      %swap3A_131 = arith.constant 112 : index
      %swap3A_132 = tpu.vector_load %arg8[%swap3A_131] {strides = array<i32>} : memref<256xi32, #tpu.memory_space<vmem>>, vector<16xi32>,
      tpu.vector_store %arg8[%swap3A_131], %get3A_130 {strides = array<i32>} : memref<256xi32, #tpu.memory_space<vmem>>, vector<16xi32>,
      %get3A_133 = arith.index_cast %scan3A_59 : i32 to index
      %get3A_134 = arith.constant 112 : index
      %get3A_135 = tpu.vector_load %arg7[%get3A_133, %get3A_134] {strides = array<i32>} : memref<8x256xi32, #tpu.memory_space<vmem>>, vector<16xi32>,
      %swap3A_136 = arith.constant 112 : index
      %swap3A_137 = tpu.vector_load %arg9[%swap3A_136] {strides = array<i32>} : memref<256xi32, #tpu.memory_space<vmem>>, vector<16xi32>,
      tpu.vector_store %arg9[%swap3A_136], %get3A_135 {strides = array<i32>} : memref<256xi32, #tpu.memory_space<vmem>>, vector<16xi32>,
      %get3A_138 = arith.index_cast %scan3A_59 : i32 to index
      %get3A_139 = arith.constant 128 : index
      %get3A_140 = tpu.vector_load %arg6[%get3A_138, %get3A_139] {strides = array<i32>} : memref<8x256xi32, #tpu.memory_space<vmem>>, vector<16xi32>,
      %swap3A_141 = arith.constant 128 : index
      %swap3A_142 = tpu.vector_load %arg8[%swap3A_141] {strides = array<i32>} : memref<256xi32, #tpu.memory_space<vmem>>, vector<16xi32>,
      tpu.vector_store %arg8[%swap3A_141], %get3A_140 {strides = array<i32>} : memref<256xi32, #tpu.memory_space<vmem>>, vector<16xi32>,
      %get3A_143 = arith.index_cast %scan3A_59 : i32 to index
      %get3A_144 = arith.constant 128 : index
      %get3A_145 = tpu.vector_load %arg7[%get3A_143, %get3A_144] {strides = array<i32>} : memref<8x256xi32, #tpu.memory_space<vmem>>, vector<16xi32>,
      %swap3A_146 = arith.constant 128 : index
      %swap3A_147 = tpu.vector_load %arg9[%swap3A_146] {strides = array<i32>} : memref<256xi32, #tpu.memory_space<vmem>>, vector<16xi32>,
      tpu.vector_store %arg9[%swap3A_146], %get3A_145 {strides = array<i32>} : memref<256xi32, #tpu.memory_space<vmem>>, vector<16xi32>,
      %get3A_148 = arith.index_cast %scan3A_59 : i32 to index
      %get3A_149 = arith.constant 144 : index
      %get3A_150 = tpu.vector_load %arg6[%get3A_148, %get3A_149] {strides = array<i32>} : memref<8x256xi32, #tpu.memory_space<vmem>>, vector<16xi32>,
      %swap3A_151 = arith.constant 144 : index
      %swap3A_152 = tpu.vector_load %arg8[%swap3A_151] {strides = array<i32>} : memref<256xi32, #tpu.memory_space<vmem>>, vector<16xi32>,
      tpu.vector_store %arg8[%swap3A_151], %get3A_150 {strides = array<i32>} : memref<256xi32, #tpu.memory_space<vmem>>, vector<16xi32>,
      %get3A_153 = arith.index_cast %scan3A_59 : i32 to index
      %get3A_154 = arith.constant 144 : index
      %get3A_155 = tpu.vector_load %arg7[%get3A_153, %get3A_154] {strides = array<i32>} : memref<8x256xi32, #tpu.memory_space<vmem>>, vector<16xi32>,
      %swap3A_156 = arith.constant 144 : index
      %swap3A_157 = tpu.vector_load %arg9[%swap3A_156] {strides = array<i32>} : memref<256xi32, #tpu.memory_space<vmem>>, vector<16xi32>,
      tpu.vector_store %arg9[%swap3A_156], %get3A_155 {strides = array<i32>} : memref<256xi32, #tpu.memory_space<vmem>>, vector<16xi32>,
      %get3A_158 = arith.index_cast %scan3A_59 : i32 to index
      %get3A_159 = arith.constant 160 : index
      %get3A_160 = tpu.vector_load %arg6[%get3A_158, %get3A_159] {strides = array<i32>} : memref<8x256xi32, #tpu.memory_space<vmem>>, vector<16xi32>,
      %swap3A_161 = arith.constant 160 : index
      %swap3A_162 = tpu.vector_load %arg8[%swap3A_161] {strides = array<i32>} : memref<256xi32, #tpu.memory_space<vmem>>, vector<16xi32>,
      tpu.vector_store %arg8[%swap3A_161], %get3A_160 {strides = array<i32>} : memref<256xi32, #tpu.memory_space<vmem>>, vector<16xi32>,
      %get3A_163 = arith.index_cast %scan3A_59 : i32 to index
      %get3A_164 = arith.constant 160 : index
      %get3A_165 = tpu.vector_load %arg7[%get3A_163, %get3A_164] {strides = array<i32>} : memref<8x256xi32, #tpu.memory_space<vmem>>, vector<16xi32>,
      %swap3A_166 = arith.constant 160 : index
      %swap3A_167 = tpu.vector_load %arg9[%swap3A_166] {strides = array<i32>} : memref<256xi32, #tpu.memory_space<vmem>>, vector<16xi32>,
      tpu.vector_store %arg9[%swap3A_166], %get3A_165 {strides = array<i32>} : memref<256xi32, #tpu.memory_space<vmem>>, vector<16xi32>,
      %get3A_168 = arith.index_cast %scan3A_59 : i32 to index
      %get3A_169 = arith.constant 176 : index
      %get3A_170 = tpu.vector_load %arg6[%get3A_168, %get3A_169] {strides = array<i32>} : memref<8x256xi32, #tpu.memory_space<vmem>>, vector<16xi32>,
      %swap3A_171 = arith.constant 176 : index
      %swap3A_172 = tpu.vector_load %arg8[%swap3A_171] {strides = array<i32>} : memref<256xi32, #tpu.memory_space<vmem>>, vector<16xi32>,
      tpu.vector_store %arg8[%swap3A_171], %get3A_170 {strides = array<i32>} : memref<256xi32, #tpu.memory_space<vmem>>, vector<16xi32>,
      %get3A_173 = arith.index_cast %scan3A_59 : i32 to index
      %get3A_174 = arith.constant 176 : index
      %get3A_175 = tpu.vector_load %arg7[%get3A_173, %get3A_174] {strides = array<i32>} : memref<8x256xi32, #tpu.memory_space<vmem>>, vector<16xi32>,
      %swap3A_176 = arith.constant 176 : index
      %swap3A_177 = tpu.vector_load %arg9[%swap3A_176] {strides = array<i32>} : memref<256xi32, #tpu.memory_space<vmem>>, vector<16xi32>,
      tpu.vector_store %arg9[%swap3A_176], %get3A_175 {strides = array<i32>} : memref<256xi32, #tpu.memory_space<vmem>>, vector<16xi32>,
      %get3A_178 = arith.index_cast %scan3A_59 : i32 to index
      %get3A_179 = arith.constant 192 : index
      %get3A_180 = tpu.vector_load %arg6[%get3A_178, %get3A_179] {strides = array<i32>} : memref<8x256xi32, #tpu.memory_space<vmem>>, vector<16xi32>,
      %swap3A_181 = arith.constant 192 : index
      %swap3A_182 = tpu.vector_load %arg8[%swap3A_181] {strides = array<i32>} : memref<256xi32, #tpu.memory_space<vmem>>, vector<16xi32>,
      tpu.vector_store %arg8[%swap3A_181], %get3A_180 {strides = array<i32>} : memref<256xi32, #tpu.memory_space<vmem>>, vector<16xi32>,
      %get3A_183 = arith.index_cast %scan3A_59 : i32 to index
      %get3A_184 = arith.constant 192 : index
      %get3A_185 = tpu.vector_load %arg7[%get3A_183, %get3A_184] {strides = array<i32>} : memref<8x256xi32, #tpu.memory_space<vmem>>, vector<16xi32>,
      %swap3A_186 = arith.constant 192 : index
      %swap3A_187 = tpu.vector_load %arg9[%swap3A_186] {strides = array<i32>} : memref<256xi32, #tpu.memory_space<vmem>>, vector<16xi32>,
      tpu.vector_store %arg9[%swap3A_186], %get3A_185 {strides = array<i32>} : memref<256xi32, #tpu.memory_space<vmem>>, vector<16xi32>,
      %get3A_188 = arith.index_cast %scan3A_59 : i32 to index
      %get3A_189 = arith.constant 208 : index
      %get3A_190 = tpu.vector_load %arg6[%get3A_188, %get3A_189] {strides = array<i32>} : memref<8x256xi32, #tpu.memory_space<vmem>>, vector<16xi32>,
      %swap3A_191 = arith.constant 208 : index
      %swap3A_192 = tpu.vector_load %arg8[%swap3A_191] {strides = array<i32>} : memref<256xi32, #tpu.memory_space<vmem>>, vector<16xi32>,
      tpu.vector_store %arg8[%swap3A_191], %get3A_190 {strides = array<i32>} : memref<256xi32, #tpu.memory_space<vmem>>, vector<16xi32>,
      %get3A_193 = arith.index_cast %scan3A_59 : i32 to index
      %get3A_194 = arith.constant 208 : index
      %get3A_195 = tpu.vector_load %arg7[%get3A_193, %get3A_194] {strides = array<i32>} : memref<8x256xi32, #tpu.memory_space<vmem>>, vector<16xi32>,
      %swap3A_196 = arith.constant 208 : index
      %swap3A_197 = tpu.vector_load %arg9[%swap3A_196] {strides = array<i32>} : memref<256xi32, #tpu.memory_space<vmem>>, vector<16xi32>,
      tpu.vector_store %arg9[%swap3A_196], %get3A_195 {strides = array<i32>} : memref<256xi32, #tpu.memory_space<vmem>>, vector<16xi32>,
      %get3A_198 = arith.index_cast %scan3A_59 : i32 to index
      %get3A_199 = arith.constant 224 : index
      %get3A_200 = tpu.vector_load %arg6[%get3A_198, %get3A_199] {strides = array<i32>} : memref<8x256xi32, #tpu.memory_space<vmem>>, vector<16xi32>,
      %swap3A_201 = arith.constant 224 : index
      %swap3A_202 = tpu.vector_load %arg8[%swap3A_201] {strides = array<i32>} : memref<256xi32, #tpu.memory_space<vmem>>, vector<16xi32>,
      tpu.vector_store %arg8[%swap3A_201], %get3A_200 {strides = array<i32>} : memref<256xi32, #tpu.memory_space<vmem>>, vector<16xi32>,
      %get3A_203 = arith.index_cast %scan3A_59 : i32 to index
      %get3A_204 = arith.constant 224 : index
      %get3A_205 = tpu.vector_load %arg7[%get3A_203, %get3A_204] {strides = array<i32>} : memref<8x256xi32, #tpu.memory_space<vmem>>, vector<16xi32>,
      %swap3A_206 = arith.constant 224 : index
      %swap3A_207 = tpu.vector_load %arg9[%swap3A_206] {strides = array<i32>} : memref<256xi32, #tpu.memory_space<vmem>>, vector<16xi32>,
      tpu.vector_store %arg9[%swap3A_206], %get3A_205 {strides = array<i32>} : memref<256xi32, #tpu.memory_space<vmem>>, vector<16xi32>,
      %get3A_208 = arith.index_cast %scan3A_59 : i32 to index
      %get3A_209 = arith.constant 240 : index
      %get3A_210 = tpu.vector_load %arg6[%get3A_208, %get3A_209] {strides = array<i32>} : memref<8x256xi32, #tpu.memory_space<vmem>>, vector<16xi32>,
      %swap3A_211 = arith.constant 240 : index
      %swap3A_212 = tpu.vector_load %arg8[%swap3A_211] {strides = array<i32>} : memref<256xi32, #tpu.memory_space<vmem>>, vector<16xi32>,
      tpu.vector_store %arg8[%swap3A_211], %get3A_210 {strides = array<i32>} : memref<256xi32, #tpu.memory_space<vmem>>, vector<16xi32>,
      %get3A_213 = arith.index_cast %scan3A_59 : i32 to index
      %get3A_214 = arith.constant 240 : index
      %get3A_215 = tpu.vector_load %arg7[%get3A_213, %get3A_214] {strides = array<i32>} : memref<8x256xi32, #tpu.memory_space<vmem>>, vector<16xi32>,
      %swap3A_216 = arith.constant 240 : index
      %swap3A_217 = tpu.vector_load %arg9[%swap3A_216] {strides = array<i32>} : memref<256xi32, #tpu.memory_space<vmem>>, vector<16xi32>,
      tpu.vector_store %arg9[%swap3A_216], %get3A_215 {strides = array<i32>} : memref<256xi32, #tpu.memory_space<vmem>>, vector<16xi32>,
      %dma_start3A = arith.constant 0 : i32
      %dma_start3A_218 = arith.constant 0 : i32
      %dma_start3A_219 = tpu.memref_slice %arg2[%dma_start3A, %dma_start3A_218] : memref<10240x128xf32, #tpu.memory_space<hbm>> -> memref<10240x128xf32, #tpu.memory_space<hbm>>
      tpu.enqueue_indirect_dma source(%dma_start3A_219 : memref<10240x128xf32, #tpu.memory_space<hbm>>) target(%arg10 : memref<256x128xf32, #tpu.memory_space<vmem>>) offsets(%arg8 : memref<256xi32, #tpu.memory_space<vmem>>) semaphore(%arg11 : memref<!tpu.dma_semaphore, #tpu.memory_space<semaphore_mem>>)
      %dma_wait3A = arith.constant 0 : i32
      %dma_wait3A_220 = arith.constant 0 : i32
      %dma_wait3A_221 = tpu.memref_slice %arg2[%dma_wait3A, %dma_wait3A_220] : memref<10240x128xf32, #tpu.memory_space<hbm>> -> memref<10240x128xf32, #tpu.memory_space<hbm>>
      tpu.wait_indirect_dma semaphore(%arg11 : memref<!tpu.dma_semaphore, #tpu.memory_space<semaphore_mem>>) src(%dma_wait3A_221 : memref<10240x128xf32, #tpu.memory_space<hbm>>) dst(%arg10 : memref<256x128xf32, #tpu.memory_space<vmem>>)
      "tpu.region"() ({
        %run_scoped3A = tpu.sem_alloc : memref<!tpu.dma_semaphore, #tpu.memory_space<semaphore_mem>>
        %dma_start3A_222 = arith.constant 0 : i32
        %dma_start3A_223 = arith.constant 0 : i32
        %dma_start3A_224 = tpu.memref_slice %arg12[%dma_start3A_222, %dma_start3A_223] : memref<10240x128xf32, #tpu.memory_space<vmem_shared>> -> memref<10240x128xf32, #tpu.memory_space<vmem_shared>>
        tpu.enqueue_indirect_dma source(%arg10 : memref<256x128xf32, #tpu.memory_space<vmem>>) target(%dma_start3A_224 : memref<10240x128xf32, #tpu.memory_space<vmem_shared>>) offsets(%arg9 : memref<256xi32, #tpu.memory_space<vmem>>) semaphore(%run_scoped3A : memref<!tpu.dma_semaphore, #tpu.memory_space<semaphore_mem>>) {add = true}
        %dma_wait3A_225 = arith.constant 0 : i32
        %dma_wait3A_226 = arith.constant 0 : i32
        %dma_wait3A_227 = tpu.memref_slice %arg12[%dma_wait3A_225, %dma_wait3A_226] : memref<10240x128xf32, #tpu.memory_space<vmem_shared>> -> memref<10240x128xf32, #tpu.memory_space<vmem_shared>>
        tpu.wait_indirect_dma semaphore(%run_scoped3A : memref<!tpu.dma_semaphore, #tpu.memory_space<semaphore_mem>>) src(%arg10 : memref<256x128xf32, #tpu.memory_space<vmem>>) dst(%dma_wait3A_227 : memref<10240x128xf32, #tpu.memory_space<vmem_shared>>)
        tpu.yield
      }) : () -> ()
    }
    %scan3A_47 = arith.constant 8 : i32
    "tpu.region"() ({
      %run_scoped3A = tpu.sem_alloc : memref<!tpu.dma_semaphore, #tpu.memory_space<semaphore_mem>>
      %dma_start3A = arith.constant 32 : i32
      %dma_start3A_59 = arith.constant 0 : i32
      %dma_start3A_60 = tpu.memref_slice %arg3[%arg0, %arg1, %dma_start3A, %dma_start3A_59] : memref<2x16x40x256xi32, #tpu.memory_space<hbm>> -> memref<1x1x8x256xi32, #tpu.memory_space<hbm>>
      %dma_start3A_61 = tpu.memref_squeeze %dma_start3A_60 : memref<1x1x8x256xi32, #tpu.memory_space<hbm>> -> memref<8x256xi32, #tpu.memory_space<hbm>>
      %dma_start3A_62 = arith.constant 32 : i32
      %dma_start3A_63 = arith.constant 0 : i32
      %dma_start3A_64 = tpu.memref_slice %arg3[%arg0, %arg1, %dma_start3A_62, %dma_start3A_63] : memref<2x16x40x256xi32, #tpu.memory_space<hbm>> -> memref<1x1x8x256xi32, #tpu.memory_space<hbm>>
      %dma_start3A_65 = tpu.memref_squeeze %dma_start3A_64 : memref<1x1x8x256xi32, #tpu.memory_space<hbm>> -> memref<8x256xi32, #tpu.memory_space<hbm>>
      tpu.enqueue_dma source(%dma_start3A_65 : memref<8x256xi32, #tpu.memory_space<hbm>>) target(%arg6 : memref<8x256xi32, #tpu.memory_space<vmem>>) target_semaphore(%run_scoped3A : memref<!tpu.dma_semaphore, #tpu.memory_space<semaphore_mem>>)
      %dma_wait3A = arith.constant 32 : i32
      %dma_wait3A_66 = arith.constant 0 : i32
      %dma_wait3A_67 = tpu.memref_slice %arg3[%arg0, %arg1, %dma_wait3A, %dma_wait3A_66] : memref<2x16x40x256xi32, #tpu.memory_space<hbm>> -> memref<1x1x8x256xi32, #tpu.memory_space<hbm>>
      %dma_wait3A_68 = tpu.memref_squeeze %dma_wait3A_67 : memref<1x1x8x256xi32, #tpu.memory_space<hbm>> -> memref<8x256xi32, #tpu.memory_space<hbm>>
      %dma_wait3A_69 = arith.constant 32 : i32
      %dma_wait3A_70 = arith.constant 0 : i32
      %dma_wait3A_71 = tpu.memref_slice %arg3[%arg0, %arg1, %dma_wait3A_69, %dma_wait3A_70] : memref<2x16x40x256xi32, #tpu.memory_space<hbm>> -> memref<1x1x8x256xi32, #tpu.memory_space<hbm>>
      %dma_wait3A_72 = tpu.memref_squeeze %dma_wait3A_71 : memref<1x1x8x256xi32, #tpu.memory_space<hbm>> -> memref<8x256xi32, #tpu.memory_space<hbm>>
      tpu.wait_dma2 semaphore(%run_scoped3A : memref<!tpu.dma_semaphore, #tpu.memory_space<semaphore_mem>>) src(%dma_wait3A_72 : memref<8x256xi32, #tpu.memory_space<hbm>>) dst(%arg6 : memref<8x256xi32, #tpu.memory_space<vmem>>)
      tpu.yield
    }) : () -> ()
    "tpu.region"() ({
      %run_scoped3A = tpu.sem_alloc : memref<!tpu.dma_semaphore, #tpu.memory_space<semaphore_mem>>
      %dma_start3A = arith.constant 32 : i32
      %dma_start3A_59 = arith.constant 0 : i32
      %dma_start3A_60 = tpu.memref_slice %arg4[%arg0, %arg1, %dma_start3A, %dma_start3A_59] : memref<2x16x40x256xi32, #tpu.memory_space<hbm>> -> memref<1x1x8x256xi32, #tpu.memory_space<hbm>>
      %dma_start3A_61 = tpu.memref_squeeze %dma_start3A_60 : memref<1x1x8x256xi32, #tpu.memory_space<hbm>> -> memref<8x256xi32, #tpu.memory_space<hbm>>
      %dma_start3A_62 = arith.constant 32 : i32
      %dma_start3A_63 = arith.constant 0 : i32
      %dma_start3A_64 = tpu.memref_slice %arg4[%arg0, %arg1, %dma_start3A_62, %dma_start3A_63] : memref<2x16x40x256xi32, #tpu.memory_space<hbm>> -> memref<1x1x8x256xi32, #tpu.memory_space<hbm>>
      %dma_start3A_65 = tpu.memref_squeeze %dma_start3A_64 : memref<1x1x8x256xi32, #tpu.memory_space<hbm>> -> memref<8x256xi32, #tpu.memory_space<hbm>>
      tpu.enqueue_dma source(%dma_start3A_65 : memref<8x256xi32, #tpu.memory_space<hbm>>) target(%arg7 : memref<8x256xi32, #tpu.memory_space<vmem>>) target_semaphore(%run_scoped3A : memref<!tpu.dma_semaphore, #tpu.memory_space<semaphore_mem>>)
      %dma_wait3A = arith.constant 32 : i32
      %dma_wait3A_66 = arith.constant 0 : i32
      %dma_wait3A_67 = tpu.memref_slice %arg4[%arg0, %arg1, %dma_wait3A, %dma_wait3A_66] : memref<2x16x40x256xi32, #tpu.memory_space<hbm>> -> memref<1x1x8x256xi32, #tpu.memory_space<hbm>>
      %dma_wait3A_68 = tpu.memref_squeeze %dma_wait3A_67 : memref<1x1x8x256xi32, #tpu.memory_space<hbm>> -> memref<8x256xi32, #tpu.memory_space<hbm>>
      %dma_wait3A_69 = arith.constant 32 : i32
      %dma_wait3A_70 = arith.constant 0 : i32
      %dma_wait3A_71 = tpu.memref_slice %arg4[%arg0, %arg1, %dma_wait3A_69, %dma_wait3A_70] : memref<2x16x40x256xi32, #tpu.memory_space<hbm>> -> memref<1x1x8x256xi32, #tpu.memory_space<hbm>>
      %dma_wait3A_72 = tpu.memref_squeeze %dma_wait3A_71 : memref<1x1x8x256xi32, #tpu.memory_space<hbm>> -> memref<8x256xi32, #tpu.memory_space<hbm>>
      tpu.wait_dma2 semaphore(%run_scoped3A : memref<!tpu.dma_semaphore, #tpu.memory_space<semaphore_mem>>) src(%dma_wait3A_72 : memref<8x256xi32, #tpu.memory_space<hbm>>) dst(%arg7 : memref<8x256xi32, #tpu.memory_space<vmem>>)
      tpu.yield
    }) : () -> ()
    %scan3A_48 = arith.constant 0 : i32
    %scan3A_49 = arith.constant 0 : i32
    %scan3A_50 = arith.constant 8 : i32
    %scan3A_51 = arith.addi %scan3A_49, %scan3A_50 : i32
    %scan3A_52 = arith.constant 1 : i32
    scf.for %scan3A_59 = %scan3A_49 to %scan3A_51 step %scan3A_52  : i32 {
      %get3A = arith.index_cast %scan3A_59 : i32 to index
      %get3A_60 = arith.constant 0 : index
      %get3A_61 = tpu.vector_load %arg6[%get3A, %get3A_60] {strides = array<i32>} : memref<8x256xi32, #tpu.memory_space<vmem>>, vector<16xi32>,
      %swap3A = arith.constant 0 : index
      %swap3A_62 = tpu.vector_load %arg8[%swap3A] {strides = array<i32>} : memref<256xi32, #tpu.memory_space<vmem>>, vector<16xi32>,
      tpu.vector_store %arg8[%swap3A], %get3A_61 {strides = array<i32>} : memref<256xi32, #tpu.memory_space<vmem>>, vector<16xi32>,
      %get3A_63 = arith.index_cast %scan3A_59 : i32 to index
      %get3A_64 = arith.constant 0 : index
      %get3A_65 = tpu.vector_load %arg7[%get3A_63, %get3A_64] {strides = array<i32>} : memref<8x256xi32, #tpu.memory_space<vmem>>, vector<16xi32>,
      %swap3A_66 = arith.constant 0 : index
      %swap3A_67 = tpu.vector_load %arg9[%swap3A_66] {strides = array<i32>} : memref<256xi32, #tpu.memory_space<vmem>>, vector<16xi32>,
      tpu.vector_store %arg9[%swap3A_66], %get3A_65 {strides = array<i32>} : memref<256xi32, #tpu.memory_space<vmem>>, vector<16xi32>,
      %get3A_68 = arith.index_cast %scan3A_59 : i32 to index
      %get3A_69 = arith.constant 16 : index
      %get3A_70 = tpu.vector_load %arg6[%get3A_68, %get3A_69] {strides = array<i32>} : memref<8x256xi32, #tpu.memory_space<vmem>>, vector<16xi32>,
      %swap3A_71 = arith.constant 16 : index
      %swap3A_72 = tpu.vector_load %arg8[%swap3A_71] {strides = array<i32>} : memref<256xi32, #tpu.memory_space<vmem>>, vector<16xi32>,
      tpu.vector_store %arg8[%swap3A_71], %get3A_70 {strides = array<i32>} : memref<256xi32, #tpu.memory_space<vmem>>, vector<16xi32>,
      %get3A_73 = arith.index_cast %scan3A_59 : i32 to index
      %get3A_74 = arith.constant 16 : index
      %get3A_75 = tpu.vector_load %arg7[%get3A_73, %get3A_74] {strides = array<i32>} : memref<8x256xi32, #tpu.memory_space<vmem>>, vector<16xi32>,
      %swap3A_76 = arith.constant 16 : index
      %swap3A_77 = tpu.vector_load %arg9[%swap3A_76] {strides = array<i32>} : memref<256xi32, #tpu.memory_space<vmem>>, vector<16xi32>,
      tpu.vector_store %arg9[%swap3A_76], %get3A_75 {strides = array<i32>} : memref<256xi32, #tpu.memory_space<vmem>>, vector<16xi32>,
      %get3A_78 = arith.index_cast %scan3A_59 : i32 to index
      %get3A_79 = arith.constant 32 : index
      %get3A_80 = tpu.vector_load %arg6[%get3A_78, %get3A_79] {strides = array<i32>} : memref<8x256xi32, #tpu.memory_space<vmem>>, vector<16xi32>,
      %swap3A_81 = arith.constant 32 : index
      %swap3A_82 = tpu.vector_load %arg8[%swap3A_81] {strides = array<i32>} : memref<256xi32, #tpu.memory_space<vmem>>, vector<16xi32>,
      tpu.vector_store %arg8[%swap3A_81], %get3A_80 {strides = array<i32>} : memref<256xi32, #tpu.memory_space<vmem>>, vector<16xi32>,
      %get3A_83 = arith.index_cast %scan3A_59 : i32 to index
      %get3A_84 = arith.constant 32 : index
      %get3A_85 = tpu.vector_load %arg7[%get3A_83, %get3A_84] {strides = array<i32>} : memref<8x256xi32, #tpu.memory_space<vmem>>, vector<16xi32>,
      %swap3A_86 = arith.constant 32 : index
      %swap3A_87 = tpu.vector_load %arg9[%swap3A_86] {strides = array<i32>} : memref<256xi32, #tpu.memory_space<vmem>>, vector<16xi32>,
      tpu.vector_store %arg9[%swap3A_86], %get3A_85 {strides = array<i32>} : memref<256xi32, #tpu.memory_space<vmem>>, vector<16xi32>,
      %get3A_88 = arith.index_cast %scan3A_59 : i32 to index
      %get3A_89 = arith.constant 48 : index
      %get3A_90 = tpu.vector_load %arg6[%get3A_88, %get3A_89] {strides = array<i32>} : memref<8x256xi32, #tpu.memory_space<vmem>>, vector<16xi32>,
      %swap3A_91 = arith.constant 48 : index
      %swap3A_92 = tpu.vector_load %arg8[%swap3A_91] {strides = array<i32>} : memref<256xi32, #tpu.memory_space<vmem>>, vector<16xi32>,
      tpu.vector_store %arg8[%swap3A_91], %get3A_90 {strides = array<i32>} : memref<256xi32, #tpu.memory_space<vmem>>, vector<16xi32>,
      %get3A_93 = arith.index_cast %scan3A_59 : i32 to index
      %get3A_94 = arith.constant 48 : index
      %get3A_95 = tpu.vector_load %arg7[%get3A_93, %get3A_94] {strides = array<i32>} : memref<8x256xi32, #tpu.memory_space<vmem>>, vector<16xi32>,
      %swap3A_96 = arith.constant 48 : index
      %swap3A_97 = tpu.vector_load %arg9[%swap3A_96] {strides = array<i32>} : memref<256xi32, #tpu.memory_space<vmem>>, vector<16xi32>,
      tpu.vector_store %arg9[%swap3A_96], %get3A_95 {strides = array<i32>} : memref<256xi32, #tpu.memory_space<vmem>>, vector<16xi32>,
      %get3A_98 = arith.index_cast %scan3A_59 : i32 to index
      %get3A_99 = arith.constant 64 : index
      %get3A_100 = tpu.vector_load %arg6[%get3A_98, %get3A_99] {strides = array<i32>} : memref<8x256xi32, #tpu.memory_space<vmem>>, vector<16xi32>,
      %swap3A_101 = arith.constant 64 : index
      %swap3A_102 = tpu.vector_load %arg8[%swap3A_101] {strides = array<i32>} : memref<256xi32, #tpu.memory_space<vmem>>, vector<16xi32>,
      tpu.vector_store %arg8[%swap3A_101], %get3A_100 {strides = array<i32>} : memref<256xi32, #tpu.memory_space<vmem>>, vector<16xi32>,
      %get3A_103 = arith.index_cast %scan3A_59 : i32 to index
      %get3A_104 = arith.constant 64 : index
      %get3A_105 = tpu.vector_load %arg7[%get3A_103, %get3A_104] {strides = array<i32>} : memref<8x256xi32, #tpu.memory_space<vmem>>, vector<16xi32>,
      %swap3A_106 = arith.constant 64 : index
      %swap3A_107 = tpu.vector_load %arg9[%swap3A_106] {strides = array<i32>} : memref<256xi32, #tpu.memory_space<vmem>>, vector<16xi32>,
      tpu.vector_store %arg9[%swap3A_106], %get3A_105 {strides = array<i32>} : memref<256xi32, #tpu.memory_space<vmem>>, vector<16xi32>,
      %get3A_108 = arith.index_cast %scan3A_59 : i32 to index
      %get3A_109 = arith.constant 80 : index
      %get3A_110 = tpu.vector_load %arg6[%get3A_108, %get3A_109] {strides = array<i32>} : memref<8x256xi32, #tpu.memory_space<vmem>>, vector<16xi32>,
      %swap3A_111 = arith.constant 80 : index
      %swap3A_112 = tpu.vector_load %arg8[%swap3A_111] {strides = array<i32>} : memref<256xi32, #tpu.memory_space<vmem>>, vector<16xi32>,
      tpu.vector_store %arg8[%swap3A_111], %get3A_110 {strides = array<i32>} : memref<256xi32, #tpu.memory_space<vmem>>, vector<16xi32>,
      %get3A_113 = arith.index_cast %scan3A_59 : i32 to index
      %get3A_114 = arith.constant 80 : index
      %get3A_115 = tpu.vector_load %arg7[%get3A_113, %get3A_114] {strides = array<i32>} : memref<8x256xi32, #tpu.memory_space<vmem>>, vector<16xi32>,
      %swap3A_116 = arith.constant 80 : index
      %swap3A_117 = tpu.vector_load %arg9[%swap3A_116] {strides = array<i32>} : memref<256xi32, #tpu.memory_space<vmem>>, vector<16xi32>,
      tpu.vector_store %arg9[%swap3A_116], %get3A_115 {strides = array<i32>} : memref<256xi32, #tpu.memory_space<vmem>>, vector<16xi32>,
      %get3A_118 = arith.index_cast %scan3A_59 : i32 to index
      %get3A_119 = arith.constant 96 : index
      %get3A_120 = tpu.vector_load %arg6[%get3A_118, %get3A_119] {strides = array<i32>} : memref<8x256xi32, #tpu.memory_space<vmem>>, vector<16xi32>,
      %swap3A_121 = arith.constant 96 : index
      %swap3A_122 = tpu.vector_load %arg8[%swap3A_121] {strides = array<i32>} : memref<256xi32, #tpu.memory_space<vmem>>, vector<16xi32>,
      tpu.vector_store %arg8[%swap3A_121], %get3A_120 {strides = array<i32>} : memref<256xi32, #tpu.memory_space<vmem>>, vector<16xi32>,
      %get3A_123 = arith.index_cast %scan3A_59 : i32 to index
      %get3A_124 = arith.constant 96 : index
      %get3A_125 = tpu.vector_load %arg7[%get3A_123, %get3A_124] {strides = array<i32>} : memref<8x256xi32, #tpu.memory_space<vmem>>, vector<16xi32>,
      %swap3A_126 = arith.constant 96 : index
      %swap3A_127 = tpu.vector_load %arg9[%swap3A_126] {strides = array<i32>} : memref<256xi32, #tpu.memory_space<vmem>>, vector<16xi32>,
      tpu.vector_store %arg9[%swap3A_126], %get3A_125 {strides = array<i32>} : memref<256xi32, #tpu.memory_space<vmem>>, vector<16xi32>,
      %get3A_128 = arith.index_cast %scan3A_59 : i32 to index
      %get3A_129 = arith.constant 112 : index
      %get3A_130 = tpu.vector_load %arg6[%get3A_128, %get3A_129] {strides = array<i32>} : memref<8x256xi32, #tpu.memory_space<vmem>>, vector<16xi32>,
      %swap3A_131 = arith.constant 112 : index
      %swap3A_132 = tpu.vector_load %arg8[%swap3A_131] {strides = array<i32>} : memref<256xi32, #tpu.memory_space<vmem>>, vector<16xi32>,
      tpu.vector_store %arg8[%swap3A_131], %get3A_130 {strides = array<i32>} : memref<256xi32, #tpu.memory_space<vmem>>, vector<16xi32>,
      %get3A_133 = arith.index_cast %scan3A_59 : i32 to index
      %get3A_134 = arith.constant 112 : index
      %get3A_135 = tpu.vector_load %arg7[%get3A_133, %get3A_134] {strides = array<i32>} : memref<8x256xi32, #tpu.memory_space<vmem>>, vector<16xi32>,
      %swap3A_136 = arith.constant 112 : index
      %swap3A_137 = tpu.vector_load %arg9[%swap3A_136] {strides = array<i32>} : memref<256xi32, #tpu.memory_space<vmem>>, vector<16xi32>,
      tpu.vector_store %arg9[%swap3A_136], %get3A_135 {strides = array<i32>} : memref<256xi32, #tpu.memory_space<vmem>>, vector<16xi32>,
      %get3A_138 = arith.index_cast %scan3A_59 : i32 to index
      %get3A_139 = arith.constant 128 : index
      %get3A_140 = tpu.vector_load %arg6[%get3A_138, %get3A_139] {strides = array<i32>} : memref<8x256xi32, #tpu.memory_space<vmem>>, vector<16xi32>,
      %swap3A_141 = arith.constant 128 : index
      %swap3A_142 = tpu.vector_load %arg8[%swap3A_141] {strides = array<i32>} : memref<256xi32, #tpu.memory_space<vmem>>, vector<16xi32>,
      tpu.vector_store %arg8[%swap3A_141], %get3A_140 {strides = array<i32>} : memref<256xi32, #tpu.memory_space<vmem>>, vector<16xi32>,
      %get3A_143 = arith.index_cast %scan3A_59 : i32 to index
      %get3A_144 = arith.constant 128 : index
      %get3A_145 = tpu.vector_load %arg7[%get3A_143, %get3A_144] {strides = array<i32>} : memref<8x256xi32, #tpu.memory_space<vmem>>, vector<16xi32>,
      %swap3A_146 = arith.constant 128 : index
      %swap3A_147 = tpu.vector_load %arg9[%swap3A_146] {strides = array<i32>} : memref<256xi32, #tpu.memory_space<vmem>>, vector<16xi32>,
      tpu.vector_store %arg9[%swap3A_146], %get3A_145 {strides = array<i32>} : memref<256xi32, #tpu.memory_space<vmem>>, vector<16xi32>,
      %get3A_148 = arith.index_cast %scan3A_59 : i32 to index
      %get3A_149 = arith.constant 144 : index
      %get3A_150 = tpu.vector_load %arg6[%get3A_148, %get3A_149] {strides = array<i32>} : memref<8x256xi32, #tpu.memory_space<vmem>>, vector<16xi32>,
      %swap3A_151 = arith.constant 144 : index
      %swap3A_152 = tpu.vector_load %arg8[%swap3A_151] {strides = array<i32>} : memref<256xi32, #tpu.memory_space<vmem>>, vector<16xi32>,
      tpu.vector_store %arg8[%swap3A_151], %get3A_150 {strides = array<i32>} : memref<256xi32, #tpu.memory_space<vmem>>, vector<16xi32>,
      %get3A_153 = arith.index_cast %scan3A_59 : i32 to index
      %get3A_154 = arith.constant 144 : index
      %get3A_155 = tpu.vector_load %arg7[%get3A_153, %get3A_154] {strides = array<i32>} : memref<8x256xi32, #tpu.memory_space<vmem>>, vector<16xi32>,
      %swap3A_156 = arith.constant 144 : index
      %swap3A_157 = tpu.vector_load %arg9[%swap3A_156] {strides = array<i32>} : memref<256xi32, #tpu.memory_space<vmem>>, vector<16xi32>,
      tpu.vector_store %arg9[%swap3A_156], %get3A_155 {strides = array<i32>} : memref<256xi32, #tpu.memory_space<vmem>>, vector<16xi32>,
      %get3A_158 = arith.index_cast %scan3A_59 : i32 to index
      %get3A_159 = arith.constant 160 : index
      %get3A_160 = tpu.vector_load %arg6[%get3A_158, %get3A_159] {strides = array<i32>} : memref<8x256xi32, #tpu.memory_space<vmem>>, vector<16xi32>,
      %swap3A_161 = arith.constant 160 : index
      %swap3A_162 = tpu.vector_load %arg8[%swap3A_161] {strides = array<i32>} : memref<256xi32, #tpu.memory_space<vmem>>, vector<16xi32>,
      tpu.vector_store %arg8[%swap3A_161], %get3A_160 {strides = array<i32>} : memref<256xi32, #tpu.memory_space<vmem>>, vector<16xi32>,
      %get3A_163 = arith.index_cast %scan3A_59 : i32 to index
      %get3A_164 = arith.constant 160 : index
      %get3A_165 = tpu.vector_load %arg7[%get3A_163, %get3A_164] {strides = array<i32>} : memref<8x256xi32, #tpu.memory_space<vmem>>, vector<16xi32>,
      %swap3A_166 = arith.constant 160 : index
      %swap3A_167 = tpu.vector_load %arg9[%swap3A_166] {strides = array<i32>} : memref<256xi32, #tpu.memory_space<vmem>>, vector<16xi32>,
      tpu.vector_store %arg9[%swap3A_166], %get3A_165 {strides = array<i32>} : memref<256xi32, #tpu.memory_space<vmem>>, vector<16xi32>,
      %get3A_168 = arith.index_cast %scan3A_59 : i32 to index
      %get3A_169 = arith.constant 176 : index
      %get3A_170 = tpu.vector_load %arg6[%get3A_168, %get3A_169] {strides = array<i32>} : memref<8x256xi32, #tpu.memory_space<vmem>>, vector<16xi32>,
      %swap3A_171 = arith.constant 176 : index
      %swap3A_172 = tpu.vector_load %arg8[%swap3A_171] {strides = array<i32>} : memref<256xi32, #tpu.memory_space<vmem>>, vector<16xi32>,
      tpu.vector_store %arg8[%swap3A_171], %get3A_170 {strides = array<i32>} : memref<256xi32, #tpu.memory_space<vmem>>, vector<16xi32>,
      %get3A_173 = arith.index_cast %scan3A_59 : i32 to index
      %get3A_174 = arith.constant 176 : index
      %get3A_175 = tpu.vector_load %arg7[%get3A_173, %get3A_174] {strides = array<i32>} : memref<8x256xi32, #tpu.memory_space<vmem>>, vector<16xi32>,
      %swap3A_176 = arith.constant 176 : index
      %swap3A_177 = tpu.vector_load %arg9[%swap3A_176] {strides = array<i32>} : memref<256xi32, #tpu.memory_space<vmem>>, vector<16xi32>,
      tpu.vector_store %arg9[%swap3A_176], %get3A_175 {strides = array<i32>} : memref<256xi32, #tpu.memory_space<vmem>>, vector<16xi32>,
      %get3A_178 = arith.index_cast %scan3A_59 : i32 to index
      %get3A_179 = arith.constant 192 : index
      %get3A_180 = tpu.vector_load %arg6[%get3A_178, %get3A_179] {strides = array<i32>} : memref<8x256xi32, #tpu.memory_space<vmem>>, vector<16xi32>,
      %swap3A_181 = arith.constant 192 : index
      %swap3A_182 = tpu.vector_load %arg8[%swap3A_181] {strides = array<i32>} : memref<256xi32, #tpu.memory_space<vmem>>, vector<16xi32>,
      tpu.vector_store %arg8[%swap3A_181], %get3A_180 {strides = array<i32>} : memref<256xi32, #tpu.memory_space<vmem>>, vector<16xi32>,
      %get3A_183 = arith.index_cast %scan3A_59 : i32 to index
      %get3A_184 = arith.constant 192 : index
      %get3A_185 = tpu.vector_load %arg7[%get3A_183, %get3A_184] {strides = array<i32>} : memref<8x256xi32, #tpu.memory_space<vmem>>, vector<16xi32>,
      %swap3A_186 = arith.constant 192 : index
      %swap3A_187 = tpu.vector_load %arg9[%swap3A_186] {strides = array<i32>} : memref<256xi32, #tpu.memory_space<vmem>>, vector<16xi32>,
      tpu.vector_store %arg9[%swap3A_186], %get3A_185 {strides = array<i32>} : memref<256xi32, #tpu.memory_space<vmem>>, vector<16xi32>,
      %get3A_188 = arith.index_cast %scan3A_59 : i32 to index
      %get3A_189 = arith.constant 208 : index
      %get3A_190 = tpu.vector_load %arg6[%get3A_188, %get3A_189] {strides = array<i32>} : memref<8x256xi32, #tpu.memory_space<vmem>>, vector<16xi32>,
      %swap3A_191 = arith.constant 208 : index
      %swap3A_192 = tpu.vector_load %arg8[%swap3A_191] {strides = array<i32>} : memref<256xi32, #tpu.memory_space<vmem>>, vector<16xi32>,
      tpu.vector_store %arg8[%swap3A_191], %get3A_190 {strides = array<i32>} : memref<256xi32, #tpu.memory_space<vmem>>, vector<16xi32>,
      %get3A_193 = arith.index_cast %scan3A_59 : i32 to index
      %get3A_194 = arith.constant 208 : index
      %get3A_195 = tpu.vector_load %arg7[%get3A_193, %get3A_194] {strides = array<i32>} : memref<8x256xi32, #tpu.memory_space<vmem>>, vector<16xi32>,
      %swap3A_196 = arith.constant 208 : index
      %swap3A_197 = tpu.vector_load %arg9[%swap3A_196] {strides = array<i32>} : memref<256xi32, #tpu.memory_space<vmem>>, vector<16xi32>,
      tpu.vector_store %arg9[%swap3A_196], %get3A_195 {strides = array<i32>} : memref<256xi32, #tpu.memory_space<vmem>>, vector<16xi32>,
      %get3A_198 = arith.index_cast %scan3A_59 : i32 to index
      %get3A_199 = arith.constant 224 : index
      %get3A_200 = tpu.vector_load %arg6[%get3A_198, %get3A_199] {strides = array<i32>} : memref<8x256xi32, #tpu.memory_space<vmem>>, vector<16xi32>,
      %swap3A_201 = arith.constant 224 : index
      %swap3A_202 = tpu.vector_load %arg8[%swap3A_201] {strides = array<i32>} : memref<256xi32, #tpu.memory_space<vmem>>, vector<16xi32>,
      tpu.vector_store %arg8[%swap3A_201], %get3A_200 {strides = array<i32>} : memref<256xi32, #tpu.memory_space<vmem>>, vector<16xi32>,
      %get3A_203 = arith.index_cast %scan3A_59 : i32 to index
      %get3A_204 = arith.constant 224 : index
      %get3A_205 = tpu.vector_load %arg7[%get3A_203, %get3A_204] {strides = array<i32>} : memref<8x256xi32, #tpu.memory_space<vmem>>, vector<16xi32>,
      %swap3A_206 = arith.constant 224 : index
      %swap3A_207 = tpu.vector_load %arg9[%swap3A_206] {strides = array<i32>} : memref<256xi32, #tpu.memory_space<vmem>>, vector<16xi32>,
      tpu.vector_store %arg9[%swap3A_206], %get3A_205 {strides = array<i32>} : memref<256xi32, #tpu.memory_space<vmem>>, vector<16xi32>,
      %get3A_208 = arith.index_cast %scan3A_59 : i32 to index
      %get3A_209 = arith.constant 240 : index
      %get3A_210 = tpu.vector_load %arg6[%get3A_208, %get3A_209] {strides = array<i32>} : memref<8x256xi32, #tpu.memory_space<vmem>>, vector<16xi32>,
      %swap3A_211 = arith.constant 240 : index
      %swap3A_212 = tpu.vector_load %arg8[%swap3A_211] {strides = array<i32>} : memref<256xi32, #tpu.memory_space<vmem>>, vector<16xi32>,
      tpu.vector_store %arg8[%swap3A_211], %get3A_210 {strides = array<i32>} : memref<256xi32, #tpu.memory_space<vmem>>, vector<16xi32>,
      %get3A_213 = arith.index_cast %scan3A_59 : i32 to index
      %get3A_214 = arith.constant 240 : index
      %get3A_215 = tpu.vector_load %arg7[%get3A_213, %get3A_214] {strides = array<i32>} : memref<8x256xi32, #tpu.memory_space<vmem>>, vector<16xi32>,
      %swap3A_216 = arith.constant 240 : index
      %swap3A_217 = tpu.vector_load %arg9[%swap3A_216] {strides = array<i32>} : memref<256xi32, #tpu.memory_space<vmem>>, vector<16xi32>,
      tpu.vector_store %arg9[%swap3A_216], %get3A_215 {strides = array<i32>} : memref<256xi32, #tpu.memory_space<vmem>>, vector<16xi32>,
      %dma_start3A = arith.constant 0 : i32
      %dma_start3A_218 = arith.constant 0 : i32
      %dma_start3A_219 = tpu.memref_slice %arg2[%dma_start3A, %dma_start3A_218] : memref<10240x128xf32, #tpu.memory_space<hbm>> -> memref<10240x128xf32, #tpu.memory_space<hbm>>
      tpu.enqueue_indirect_dma source(%dma_start3A_219 : memref<10240x128xf32, #tpu.memory_space<hbm>>) target(%arg10 : memref<256x128xf32, #tpu.memory_space<vmem>>) offsets(%arg8 : memref<256xi32, #tpu.memory_space<vmem>>) semaphore(%arg11 : memref<!tpu.dma_semaphore, #tpu.memory_space<semaphore_mem>>)
      %dma_wait3A = arith.constant 0 : i32
      %dma_wait3A_220 = arith.constant 0 : i32
      %dma_wait3A_221 = tpu.memref_slice %arg2[%dma_wait3A, %dma_wait3A_220] : memref<10240x128xf32, #tpu.memory_space<hbm>> -> memref<10240x128xf32, #tpu.memory_space<hbm>>
      tpu.wait_indirect_dma semaphore(%arg11 : memref<!tpu.dma_semaphore, #tpu.memory_space<semaphore_mem>>) src(%dma_wait3A_221 : memref<10240x128xf32, #tpu.memory_space<hbm>>) dst(%arg10 : memref<256x128xf32, #tpu.memory_space<vmem>>)
      "tpu.region"() ({
        %run_scoped3A = tpu.sem_alloc : memref<!tpu.dma_semaphore, #tpu.memory_space<semaphore_mem>>
        %dma_start3A_222 = arith.constant 0 : i32
        %dma_start3A_223 = arith.constant 0 : i32
        %dma_start3A_224 = tpu.memref_slice %arg12[%dma_start3A_222, %dma_start3A_223] : memref<10240x128xf32, #tpu.memory_space<vmem_shared>> -> memref<10240x128xf32, #tpu.memory_space<vmem_shared>>
        tpu.enqueue_indirect_dma source(%arg10 : memref<256x128xf32, #tpu.memory_space<vmem>>) target(%dma_start3A_224 : memref<10240x128xf32, #tpu.memory_space<vmem_shared>>) offsets(%arg9 : memref<256xi32, #tpu.memory_space<vmem>>) semaphore(%run_scoped3A : memref<!tpu.dma_semaphore, #tpu.memory_space<semaphore_mem>>) {add = true}
        %dma_wait3A_225 = arith.constant 0 : i32
        %dma_wait3A_226 = arith.constant 0 : i32
        %dma_wait3A_227 = tpu.memref_slice %arg12[%dma_wait3A_225, %dma_wait3A_226] : memref<10240x128xf32, #tpu.memory_space<vmem_shared>> -> memref<10240x128xf32, #tpu.memory_space<vmem_shared>>
        tpu.wait_indirect_dma semaphore(%run_scoped3A : memref<!tpu.dma_semaphore, #tpu.memory_space<semaphore_mem>>) src(%arg10 : memref<256x128xf32, #tpu.memory_space<vmem>>) dst(%dma_wait3A_227 : memref<10240x128xf32, #tpu.memory_space<vmem_shared>>)
        tpu.yield
      }) : () -> ()
    }
    %scan3A_53 = arith.constant 8 : i32
    %barrier3A_54 = arith.constant 0 : index
    tpu.barrier barrier_id(%barrier3A_54)
    %mul3A_55 = arith.constant 640 : i32
    %mul3A_56 = arith.muli %arg1, %mul3A_55 : i32
    %mul3A_57 = arith.constant 640 : i32
    %mul3A_58 = arith.muli %arg1, %mul3A_57 : i32
    "tpu.region"() ({
      %run_scoped3A = tpu.sem_alloc : memref<!tpu.dma_semaphore, #tpu.memory_space<semaphore_mem>>
      %dma_start3A = arith.constant 0 : i32
      %dma_start3A_59 = tpu.memref_slice %arg5[%arg0, %mul3A_58, %dma_start3A] : memref<2x10240x128xf32, #tpu.memory_space<hbm>> -> memref<1x640x128xf32, #tpu.memory_space<hbm>>
      %dma_start3A_60 = tpu.memref_squeeze %dma_start3A_59 : memref<1x640x128xf32, #tpu.memory_space<hbm>> -> memref<640x128xf32, #tpu.memory_space<hbm>>
      %dma_start3A_61 = arith.constant 0 : i32
      %dma_start3A_62 = tpu.memref_slice %arg12[%mul3A_56, %dma_start3A_61] : memref<10240x128xf32, #tpu.memory_space<vmem_shared>> -> memref<640x128xf32, #tpu.memory_space<vmem_shared>>
      tpu.enqueue_dma source(%dma_start3A_62 : memref<640x128xf32, #tpu.memory_space<vmem_shared>>) target(%dma_start3A_60 : memref<640x128xf32, #tpu.memory_space<hbm>>) target_semaphore(%run_scoped3A : memref<!tpu.dma_semaphore, #tpu.memory_space<semaphore_mem>>)
      %dma_wait3A = arith.constant 0 : i32
      %dma_wait3A_63 = tpu.memref_slice %arg5[%arg0, %mul3A_58, %dma_wait3A] : memref<2x10240x128xf32, #tpu.memory_space<hbm>> -> memref<1x640x128xf32, #tpu.memory_space<hbm>>
      %dma_wait3A_64 = tpu.memref_squeeze %dma_wait3A_63 : memref<1x640x128xf32, #tpu.memory_space<hbm>> -> memref<640x128xf32, #tpu.memory_space<hbm>>
      %dma_wait3A_65 = arith.constant 0 : i32
      %dma_wait3A_66 = tpu.memref_slice %arg12[%mul3A_56, %dma_wait3A_65] : memref<10240x128xf32, #tpu.memory_space<vmem_shared>> -> memref<640x128xf32, #tpu.memory_space<vmem_shared>>
      tpu.wait_dma2 semaphore(%run_scoped3A : memref<!tpu.dma_semaphore, #tpu.memory_space<semaphore_mem>>) src(%dma_wait3A_66 : memref<640x128xf32, #tpu.memory_space<vmem_shared>>) dst(%dma_wait3A_64 : memref<640x128xf32, #tpu.memory_space<hbm>>)
      tpu.yield
    }) : () -> ()
    return
  }
}

#map = affine_map<(d0, d1) -> (0, 0, 0, 0)>
#map1 = affine_map<(d0, d1) -> (0, 0)>
module attributes {stable_mosaic.version = 14 : i64} {
  func.func @_deg_kernel(%arg0: i32, %arg1: i32, %arg2: memref<2x16x40x256xi32, #tpu.memory_space<hbm>>, %arg3: memref<32x10240xf32, #tpu.memory_space<hbm>>, %arg4: memref<40x256xi32, #tpu.memory_space<vmem>>, %arg5: memref<10240xf32, #tpu.memory_space<vmem>>) attributes {dimension_semantics = [#tpu.dimension_semantics<core_parallel>, #tpu.dimension_semantics<subcore_parallel>], iteration_bounds = array<i64: 2, 16>, scalar_prefetch = 0 : i64, scratch_operands = 2 : i64, tpu.core_type = #tpu.core_type<sc_vector_subcore>, window_params = [{transform_indices = #map}, {transform_indices = #map1}]} {
    %mul3A = arith.constant 16 : i32
    %mul3A_0 = arith.muli %arg0, %mul3A : i32
    %add3A = arith.addi %mul3A_0, %arg1 : i32
    "tpu.region"() ({
      %run_scoped3A = tpu.sem_alloc : memref<!tpu.dma_semaphore, #tpu.memory_space<semaphore_mem>>
      %dma_start3A = arith.constant 0 : i32
      %dma_start3A_15 = arith.constant 0 : i32
      %dma_start3A_16 = tpu.memref_slice %arg2[%arg0, %arg1, %dma_start3A, %dma_start3A_15] : memref<2x16x40x256xi32, #tpu.memory_space<hbm>> -> memref<1x1x40x256xi32, #tpu.memory_space<hbm>>
      %dma_start3A_17 = tpu.memref_squeeze %dma_start3A_16 : memref<1x1x40x256xi32, #tpu.memory_space<hbm>> -> memref<40x256xi32, #tpu.memory_space<hbm>>
      %dma_start3A_18 = arith.constant 0 : i32
      %dma_start3A_19 = arith.constant 0 : i32
      %dma_start3A_20 = tpu.memref_slice %arg2[%arg0, %arg1, %dma_start3A_18, %dma_start3A_19] : memref<2x16x40x256xi32, #tpu.memory_space<hbm>> -> memref<1x1x40x256xi32, #tpu.memory_space<hbm>>
      %dma_start3A_21 = tpu.memref_squeeze %dma_start3A_20 : memref<1x1x40x256xi32, #tpu.memory_space<hbm>> -> memref<40x256xi32, #tpu.memory_space<hbm>>
      tpu.enqueue_dma source(%dma_start3A_21 : memref<40x256xi32, #tpu.memory_space<hbm>>) target(%arg4 : memref<40x256xi32, #tpu.memory_space<vmem>>) target_semaphore(%run_scoped3A : memref<!tpu.dma_semaphore, #tpu.memory_space<semaphore_mem>>)
      %dma_wait3A = arith.constant 0 : i32
      %dma_wait3A_22 = arith.constant 0 : i32
      %dma_wait3A_23 = tpu.memref_slice %arg2[%arg0, %arg1, %dma_wait3A, %dma_wait3A_22] : memref<2x16x40x256xi32, #tpu.memory_space<hbm>> -> memref<1x1x40x256xi32, #tpu.memory_space<hbm>>
      %dma_wait3A_24 = tpu.memref_squeeze %dma_wait3A_23 : memref<1x1x40x256xi32, #tpu.memory_space<hbm>> -> memref<40x256xi32, #tpu.memory_space<hbm>>
      %dma_wait3A_25 = arith.constant 0 : i32
      %dma_wait3A_26 = arith.constant 0 : i32
      %dma_wait3A_27 = tpu.memref_slice %arg2[%arg0, %arg1, %dma_wait3A_25, %dma_wait3A_26] : memref<2x16x40x256xi32, #tpu.memory_space<hbm>> -> memref<1x1x40x256xi32, #tpu.memory_space<hbm>>
      %dma_wait3A_28 = tpu.memref_squeeze %dma_wait3A_27 : memref<1x1x40x256xi32, #tpu.memory_space<hbm>> -> memref<40x256xi32, #tpu.memory_space<hbm>>
      tpu.wait_dma2 semaphore(%run_scoped3A : memref<!tpu.dma_semaphore, #tpu.memory_space<semaphore_mem>>) src(%dma_wait3A_28 : memref<40x256xi32, #tpu.memory_space<hbm>>) dst(%arg4 : memref<40x256xi32, #tpu.memory_space<vmem>>)
      tpu.yield
    }) : () -> ()
    %broadcast_in_dim3A = arith.constant 0.000000e+00 : f32
    %broadcast_in_dim3A_1 = vector.broadcast %broadcast_in_dim3A : f32 to vector<16xf32>
    %scan3A = arith.constant 0 : i32
    %scan3A_2 = arith.constant 0 : i32
    %scan3A_3 = arith.constant 640 : i32
    %scan3A_4 = arith.addi %scan3A_2, %scan3A_3 : i32
    %scan3A_5 = arith.constant 1 : i32
    scf.for %scan3A_15 = %scan3A_2 to %scan3A_4 step %scan3A_5  : i32 {
      %mul3A_16 = arith.constant 16 : i32
      %mul3A_17 = arith.muli %scan3A_15, %mul3A_16 : i32
      %swap3A = arith.index_cast %mul3A_17 : i32 to index
      %swap3A_18 = tpu.vector_load %arg5[%swap3A] {strides = array<i32>} : memref<10240xf32, #tpu.memory_space<vmem>>, vector<16xf32>,
      tpu.vector_store %arg5[%swap3A], %broadcast_in_dim3A_1 {strides = array<i32>} : memref<10240xf32, #tpu.memory_space<vmem>>, vector<16xf32>,
    }
    %scan3A_6 = arith.constant 640 : i32
    %broadcast_in_dim3A_7 = arith.constant 1.000000e+00 : f32
    %broadcast_in_dim3A_8 = vector.broadcast %broadcast_in_dim3A_7 : f32 to vector<16xf32>
    %scan3A_9 = arith.constant 0 : i32
    %scan3A_10 = arith.constant 0 : i32
    %scan3A_11 = arith.constant 40 : i32
    %scan3A_12 = arith.addi %scan3A_10, %scan3A_11 : i32
    %scan3A_13 = arith.constant 1 : i32
    scf.for %scan3A_15 = %scan3A_10 to %scan3A_12 step %scan3A_13  : i32 {
      %get3A = arith.index_cast %scan3A_15 : i32 to index
      %get3A_16 = arith.constant 0 : index
      %get3A_17 = tpu.vector_load %arg4[%get3A, %get3A_16] {strides = array<i32>} : memref<40x256xi32, #tpu.memory_space<vmem>>, vector<16xi32>,
      tpu.vector_store_idx %arg5[%get3A_17], %broadcast_in_dim3A_8 {add = true} : memref<10240xf32, #tpu.memory_space<vmem>>[vector<16xi32>], vector<16xf32>,
      %get3A_18 = arith.index_cast %scan3A_15 : i32 to index
      %get3A_19 = arith.constant 16 : index
      %get3A_20 = tpu.vector_load %arg4[%get3A_18, %get3A_19] {strides = array<i32>} : memref<40x256xi32, #tpu.memory_space<vmem>>, vector<16xi32>,
      tpu.vector_store_idx %arg5[%get3A_20], %broadcast_in_dim3A_8 {add = true} : memref<10240xf32, #tpu.memory_space<vmem>>[vector<16xi32>], vector<16xf32>,
      %get3A_21 = arith.index_cast %scan3A_15 : i32 to index
      %get3A_22 = arith.constant 32 : index
      %get3A_23 = tpu.vector_load %arg4[%get3A_21, %get3A_22] {strides = array<i32>} : memref<40x256xi32, #tpu.memory_space<vmem>>, vector<16xi32>,
      tpu.vector_store_idx %arg5[%get3A_23], %broadcast_in_dim3A_8 {add = true} : memref<10240xf32, #tpu.memory_space<vmem>>[vector<16xi32>], vector<16xf32>,
      %get3A_24 = arith.index_cast %scan3A_15 : i32 to index
      %get3A_25 = arith.constant 48 : index
      %get3A_26 = tpu.vector_load %arg4[%get3A_24, %get3A_25] {strides = array<i32>} : memref<40x256xi32, #tpu.memory_space<vmem>>, vector<16xi32>,
      tpu.vector_store_idx %arg5[%get3A_26], %broadcast_in_dim3A_8 {add = true} : memref<10240xf32, #tpu.memory_space<vmem>>[vector<16xi32>], vector<16xf32>,
      %get3A_27 = arith.index_cast %scan3A_15 : i32 to index
      %get3A_28 = arith.constant 64 : index
      %get3A_29 = tpu.vector_load %arg4[%get3A_27, %get3A_28] {strides = array<i32>} : memref<40x256xi32, #tpu.memory_space<vmem>>, vector<16xi32>,
      tpu.vector_store_idx %arg5[%get3A_29], %broadcast_in_dim3A_8 {add = true} : memref<10240xf32, #tpu.memory_space<vmem>>[vector<16xi32>], vector<16xf32>,
      %get3A_30 = arith.index_cast %scan3A_15 : i32 to index
      %get3A_31 = arith.constant 80 : index
      %get3A_32 = tpu.vector_load %arg4[%get3A_30, %get3A_31] {strides = array<i32>} : memref<40x256xi32, #tpu.memory_space<vmem>>, vector<16xi32>,
      tpu.vector_store_idx %arg5[%get3A_32], %broadcast_in_dim3A_8 {add = true} : memref<10240xf32, #tpu.memory_space<vmem>>[vector<16xi32>], vector<16xf32>,
      %get3A_33 = arith.index_cast %scan3A_15 : i32 to index
      %get3A_34 = arith.constant 96 : index
      %get3A_35 = tpu.vector_load %arg4[%get3A_33, %get3A_34] {strides = array<i32>} : memref<40x256xi32, #tpu.memory_space<vmem>>, vector<16xi32>,
      tpu.vector_store_idx %arg5[%get3A_35], %broadcast_in_dim3A_8 {add = true} : memref<10240xf32, #tpu.memory_space<vmem>>[vector<16xi32>], vector<16xf32>,
      %get3A_36 = arith.index_cast %scan3A_15 : i32 to index
      %get3A_37 = arith.constant 112 : index
      %get3A_38 = tpu.vector_load %arg4[%get3A_36, %get3A_37] {strides = array<i32>} : memref<40x256xi32, #tpu.memory_space<vmem>>, vector<16xi32>,
      tpu.vector_store_idx %arg5[%get3A_38], %broadcast_in_dim3A_8 {add = true} : memref<10240xf32, #tpu.memory_space<vmem>>[vector<16xi32>], vector<16xf32>,
      %get3A_39 = arith.index_cast %scan3A_15 : i32 to index
      %get3A_40 = arith.constant 128 : index
      %get3A_41 = tpu.vector_load %arg4[%get3A_39, %get3A_40] {strides = array<i32>} : memref<40x256xi32, #tpu.memory_space<vmem>>, vector<16xi32>,
      tpu.vector_store_idx %arg5[%get3A_41], %broadcast_in_dim3A_8 {add = true} : memref<10240xf32, #tpu.memory_space<vmem>>[vector<16xi32>], vector<16xf32>,
      %get3A_42 = arith.index_cast %scan3A_15 : i32 to index
      %get3A_43 = arith.constant 144 : index
      %get3A_44 = tpu.vector_load %arg4[%get3A_42, %get3A_43] {strides = array<i32>} : memref<40x256xi32, #tpu.memory_space<vmem>>, vector<16xi32>,
      tpu.vector_store_idx %arg5[%get3A_44], %broadcast_in_dim3A_8 {add = true} : memref<10240xf32, #tpu.memory_space<vmem>>[vector<16xi32>], vector<16xf32>,
      %get3A_45 = arith.index_cast %scan3A_15 : i32 to index
      %get3A_46 = arith.constant 160 : index
      %get3A_47 = tpu.vector_load %arg4[%get3A_45, %get3A_46] {strides = array<i32>} : memref<40x256xi32, #tpu.memory_space<vmem>>, vector<16xi32>,
      tpu.vector_store_idx %arg5[%get3A_47], %broadcast_in_dim3A_8 {add = true} : memref<10240xf32, #tpu.memory_space<vmem>>[vector<16xi32>], vector<16xf32>,
      %get3A_48 = arith.index_cast %scan3A_15 : i32 to index
      %get3A_49 = arith.constant 176 : index
      %get3A_50 = tpu.vector_load %arg4[%get3A_48, %get3A_49] {strides = array<i32>} : memref<40x256xi32, #tpu.memory_space<vmem>>, vector<16xi32>,
      tpu.vector_store_idx %arg5[%get3A_50], %broadcast_in_dim3A_8 {add = true} : memref<10240xf32, #tpu.memory_space<vmem>>[vector<16xi32>], vector<16xf32>,
      %get3A_51 = arith.index_cast %scan3A_15 : i32 to index
      %get3A_52 = arith.constant 192 : index
      %get3A_53 = tpu.vector_load %arg4[%get3A_51, %get3A_52] {strides = array<i32>} : memref<40x256xi32, #tpu.memory_space<vmem>>, vector<16xi32>,
      tpu.vector_store_idx %arg5[%get3A_53], %broadcast_in_dim3A_8 {add = true} : memref<10240xf32, #tpu.memory_space<vmem>>[vector<16xi32>], vector<16xf32>,
      %get3A_54 = arith.index_cast %scan3A_15 : i32 to index
      %get3A_55 = arith.constant 208 : index
      %get3A_56 = tpu.vector_load %arg4[%get3A_54, %get3A_55] {strides = array<i32>} : memref<40x256xi32, #tpu.memory_space<vmem>>, vector<16xi32>,
      tpu.vector_store_idx %arg5[%get3A_56], %broadcast_in_dim3A_8 {add = true} : memref<10240xf32, #tpu.memory_space<vmem>>[vector<16xi32>], vector<16xf32>,
      %get3A_57 = arith.index_cast %scan3A_15 : i32 to index
      %get3A_58 = arith.constant 224 : index
      %get3A_59 = tpu.vector_load %arg4[%get3A_57, %get3A_58] {strides = array<i32>} : memref<40x256xi32, #tpu.memory_space<vmem>>, vector<16xi32>,
      tpu.vector_store_idx %arg5[%get3A_59], %broadcast_in_dim3A_8 {add = true} : memref<10240xf32, #tpu.memory_space<vmem>>[vector<16xi32>], vector<16xf32>,
      %get3A_60 = arith.index_cast %scan3A_15 : i32 to index
      %get3A_61 = arith.constant 240 : index
      %get3A_62 = tpu.vector_load %arg4[%get3A_60, %get3A_61] {strides = array<i32>} : memref<40x256xi32, #tpu.memory_space<vmem>>, vector<16xi32>,
      tpu.vector_store_idx %arg5[%get3A_62], %broadcast_in_dim3A_8 {add = true} : memref<10240xf32, #tpu.memory_space<vmem>>[vector<16xi32>], vector<16xf32>,
    }
    %scan3A_14 = arith.constant 40 : i32
    "tpu.region"() ({
      %run_scoped3A = tpu.sem_alloc : memref<!tpu.dma_semaphore, #tpu.memory_space<semaphore_mem>>
      %dma_start3A = arith.constant 0 : i32
      %dma_start3A_15 = tpu.memref_slice %arg3[%add3A, %dma_start3A] : memref<32x10240xf32, #tpu.memory_space<hbm>> -> memref<1x10240xf32, #tpu.memory_space<hbm>>
      %dma_start3A_16 = tpu.memref_squeeze %dma_start3A_15 : memref<1x10240xf32, #tpu.memory_space<hbm>> -> memref<10240xf32, #tpu.memory_space<hbm>>
      %dma_start3A_17 = arith.constant 0 : i32
      %dma_start3A_18 = tpu.memref_slice %arg3[%add3A, %dma_start3A_17] : memref<32x10240xf32, #tpu.memory_space<hbm>> -> memref<1x10240xf32, #tpu.memory_space<hbm>>
      %dma_start3A_19 = tpu.memref_squeeze %dma_start3A_18 : memref<1x10240xf32, #tpu.memory_space<hbm>> -> memref<10240xf32, #tpu.memory_space<hbm>>
      tpu.enqueue_dma source(%arg5 : memref<10240xf32, #tpu.memory_space<vmem>>) target(%dma_start3A_19 : memref<10240xf32, #tpu.memory_space<hbm>>) target_semaphore(%run_scoped3A : memref<!tpu.dma_semaphore, #tpu.memory_space<semaphore_mem>>)
      %dma_wait3A = arith.constant 0 : i32
      %dma_wait3A_20 = tpu.memref_slice %arg3[%add3A, %dma_wait3A] : memref<32x10240xf32, #tpu.memory_space<hbm>> -> memref<1x10240xf32, #tpu.memory_space<hbm>>
      %dma_wait3A_21 = tpu.memref_squeeze %dma_wait3A_20 : memref<1x10240xf32, #tpu.memory_space<hbm>> -> memref<10240xf32, #tpu.memory_space<hbm>>
      %dma_wait3A_22 = arith.constant 0 : i32
      %dma_wait3A_23 = tpu.memref_slice %arg3[%add3A, %dma_wait3A_22] : memref<32x10240xf32, #tpu.memory_space<hbm>> -> memref<1x10240xf32, #tpu.memory_space<hbm>>
      %dma_wait3A_24 = tpu.memref_squeeze %dma_wait3A_23 : memref<1x10240xf32, #tpu.memory_space<hbm>> -> memref<10240xf32, #tpu.memory_space<hbm>>
      tpu.wait_dma2 semaphore(%run_scoped3A : memref<!tpu.dma_semaphore, #tpu.memory_space<semaphore_mem>>) src(%arg5 : memref<10240xf32, #tpu.memory_space<vmem>>) dst(%dma_wait3A_24 : memref<10240xf32, #tpu.memory_space<hbm>>)
      tpu.yield
    }) : () -> ()
    return
  }
}

#map = affine_map<(d0, d1) -> (0, 0)>
#map1 = affine_map<(d0, d1) -> (0, 0, 0, 0)>
#map2 = affine_map<(d0, d1) -> (0, 0, 0)>
module attributes {stable_mosaic.version = 14 : i64} {
  func.func @_scatter_kernel(%arg0: i32, %arg1: i32, %arg2: memref<10240x128xf32, #tpu.memory_space<hbm>>, %arg3: memref<2x16x40x256xi32, #tpu.memory_space<hbm>>, %arg4: memref<2x16x40x256xi32, #tpu.memory_space<hbm>>, %arg5: memref<2x10240x128xf32, #tpu.memory_space<hbm>>, %arg6: memref<8x256xi32, #tpu.memory_space<vmem>>, %arg7: memref<8x256xi32, #tpu.memory_space<vmem>>, %arg8: memref<256xi32, #tpu.memory_space<vmem>>, %arg9: memref<256xi32, #tpu.memory_space<vmem>>, %arg10: memref<256x128xf32, #tpu.memory_space<vmem>>, %arg11: memref<!tpu.dma_semaphore, #tpu.memory_space<semaphore_mem>>, %arg12: memref<10240x128xf32, #tpu.memory_space<vmem_shared>>) attributes {dimension_semantics = [#tpu.dimension_semantics<core_parallel>, #tpu.dimension_semantics<subcore_parallel>], iteration_bounds = array<i64: 2, 16>, scalar_prefetch = 0 : i64, scratch_operands = 7 : i64, tpu.core_type = #tpu.core_type<sc_vector_subcore>, window_params = [{transform_indices = #map}, {transform_indices = #map1}, {transform_indices = #map1}, {transform_indices = #map2}]} {
    %broadcast_in_dim3A = arith.constant 0.000000e+00 : f32
    %broadcast_in_dim3A_0 = vector.broadcast %broadcast_in_dim3A : f32 to vector<16xf32>
    %scan3A = arith.constant 0 : i32
    %scan3A_1 = arith.constant 0 : i32
    %scan3A_2 = arith.constant 256 : i32
    %scan3A_3 = arith.addi %scan3A_1, %scan3A_2 : i32
    %scan3A_4 = arith.constant 1 : i32
    scf.for %scan3A_59 = %scan3A_1 to %scan3A_3 step %scan3A_4  : i32 {
      %swap3A = arith.index_cast %scan3A_59 : i32 to index
      %swap3A_60 = arith.constant 0 : index
      %swap3A_61 = tpu.vector_load %arg10[%swap3A, %swap3A_60] {strides = array<i32>} : memref<256x128xf32, #tpu.memory_space<vmem>>, vector<16xf32>,
      tpu.vector_store %arg10[%swap3A, %swap3A_60], %broadcast_in_dim3A_0 {strides = array<i32>} : memref<256x128xf32, #tpu.memory_space<vmem>>, vector<16xf32>,
      %swap3A_62 = arith.index_cast %scan3A_59 : i32 to index
      %swap3A_63 = arith.constant 16 : index
      %swap3A_64 = tpu.vector_load %arg10[%swap3A_62, %swap3A_63] {strides = array<i32>} : memref<256x128xf32, #tpu.memory_space<vmem>>, vector<16xf32>,
      tpu.vector_store %arg10[%swap3A_62, %swap3A_63], %broadcast_in_dim3A_0 {strides = array<i32>} : memref<256x128xf32, #tpu.memory_space<vmem>>, vector<16xf32>,
      %swap3A_65 = arith.index_cast %scan3A_59 : i32 to index
      %swap3A_66 = arith.constant 32 : index
      %swap3A_67 = tpu.vector_load %arg10[%swap3A_65, %swap3A_66] {strides = array<i32>} : memref<256x128xf32, #tpu.memory_space<vmem>>, vector<16xf32>,
      tpu.vector_store %arg10[%swap3A_65, %swap3A_66], %broadcast_in_dim3A_0 {strides = array<i32>} : memref<256x128xf32, #tpu.memory_space<vmem>>, vector<16xf32>,
      %swap3A_68 = arith.index_cast %scan3A_59 : i32 to index
      %swap3A_69 = arith.constant 48 : index
      %swap3A_70 = tpu.vector_load %arg10[%swap3A_68, %swap3A_69] {strides = array<i32>} : memref<256x128xf32, #tpu.memory_space<vmem>>, vector<16xf32>,
      tpu.vector_store %arg10[%swap3A_68, %swap3A_69], %broadcast_in_dim3A_0 {strides = array<i32>} : memref<256x128xf32, #tpu.memory_space<vmem>>, vector<16xf32>,
      %swap3A_71 = arith.index_cast %scan3A_59 : i32 to index
      %swap3A_72 = arith.constant 64 : index
      %swap3A_73 = tpu.vector_load %arg10[%swap3A_71, %swap3A_72] {strides = array<i32>} : memref<256x128xf32, #tpu.memory_space<vmem>>, vector<16xf32>,
      tpu.vector_store %arg10[%swap3A_71, %swap3A_72], %broadcast_in_dim3A_0 {strides = array<i32>} : memref<256x128xf32, #tpu.memory_space<vmem>>, vector<16xf32>,
      %swap3A_74 = arith.index_cast %scan3A_59 : i32 to index
      %swap3A_75 = arith.constant 80 : index
      %swap3A_76 = tpu.vector_load %arg10[%swap3A_74, %swap3A_75] {strides = array<i32>} : memref<256x128xf32, #tpu.memory_space<vmem>>, vector<16xf32>,
      tpu.vector_store %arg10[%swap3A_74, %swap3A_75], %broadcast_in_dim3A_0 {strides = array<i32>} : memref<256x128xf32, #tpu.memory_space<vmem>>, vector<16xf32>,
      %swap3A_77 = arith.index_cast %scan3A_59 : i32 to index
      %swap3A_78 = arith.constant 96 : index
      %swap3A_79 = tpu.vector_load %arg10[%swap3A_77, %swap3A_78] {strides = array<i32>} : memref<256x128xf32, #tpu.memory_space<vmem>>, vector<16xf32>,
      tpu.vector_store %arg10[%swap3A_77, %swap3A_78], %broadcast_in_dim3A_0 {strides = array<i32>} : memref<256x128xf32, #tpu.memory_space<vmem>>, vector<16xf32>,
      %swap3A_80 = arith.index_cast %scan3A_59 : i32 to index
      %swap3A_81 = arith.constant 112 : index
      %swap3A_82 = tpu.vector_load %arg10[%swap3A_80, %swap3A_81] {strides = array<i32>} : memref<256x128xf32, #tpu.memory_space<vmem>>, vector<16xf32>,
      tpu.vector_store %arg10[%swap3A_80, %swap3A_81], %broadcast_in_dim3A_0 {strides = array<i32>} : memref<256x128xf32, #tpu.memory_space<vmem>>, vector<16xf32>,
    }
    %scan3A_5 = arith.constant 256 : i32
    %mul3A = arith.constant 640 : i32
    %mul3A_6 = arith.muli %arg1, %mul3A : i32
    %add3A = arith.constant 0 : i32
    %add3A_7 = arith.addi %mul3A_6, %add3A : i32
    "tpu.region"() ({
      %run_scoped3A = tpu.sem_alloc : memref<!tpu.dma_semaphore, #tpu.memory_space<semaphore_mem>>
      %dma_start3A = arith.constant 0 : i32
      %dma_start3A_59 = arith.constant 0 : i32
      %dma_start3A_60 = tpu.memref_slice %arg10[%dma_start3A, %dma_start3A_59] : memref<256x128xf32, #tpu.memory_space<vmem>> -> memref<128x128xf32, #tpu.memory_space<vmem>>
      %dma_start3A_61 = arith.constant 0 : i32
      %dma_start3A_62 = tpu.memref_slice %arg12[%add3A_7, %dma_start3A_61] : memref<10240x128xf32, #tpu.memory_space<vmem_shared>> -> memref<128x128xf32, #tpu.memory_space<vmem_shared>>
      %dma_start3A_63 = arith.constant 0 : i32
      %dma_start3A_64 = tpu.memref_slice %arg12[%add3A_7, %dma_start3A_63] : memref<10240x128xf32, #tpu.memory_space<vmem_shared>> -> memref<128x128xf32, #tpu.memory_space<vmem_shared>>
      %dma_start3A_65 = arith.constant 0 : i32
      %dma_start3A_66 = arith.constant 0 : i32
      %dma_start3A_67 = tpu.memref_slice %arg10[%dma_start3A_65, %dma_start3A_66] : memref<256x128xf32, #tpu.memory_space<vmem>> -> memref<128x128xf32, #tpu.memory_space<vmem>>
      tpu.enqueue_dma source(%dma_start3A_67 : memref<128x128xf32, #tpu.memory_space<vmem>>) target(%dma_start3A_64 : memref<128x128xf32, #tpu.memory_space<vmem_shared>>) target_semaphore(%run_scoped3A : memref<!tpu.dma_semaphore, #tpu.memory_space<semaphore_mem>>)
      %dma_wait3A = arith.constant 0 : i32
      %dma_wait3A_68 = arith.constant 0 : i32
      %dma_wait3A_69 = tpu.memref_slice %arg10[%dma_wait3A, %dma_wait3A_68] : memref<256x128xf32, #tpu.memory_space<vmem>> -> memref<128x128xf32, #tpu.memory_space<vmem>>
      %dma_wait3A_70 = arith.constant 0 : i32
      %dma_wait3A_71 = tpu.memref_slice %arg12[%add3A_7, %dma_wait3A_70] : memref<10240x128xf32, #tpu.memory_space<vmem_shared>> -> memref<128x128xf32, #tpu.memory_space<vmem_shared>>
      %dma_wait3A_72 = arith.constant 0 : i32
      %dma_wait3A_73 = tpu.memref_slice %arg12[%add3A_7, %dma_wait3A_72] : memref<10240x128xf32, #tpu.memory_space<vmem_shared>> -> memref<128x128xf32, #tpu.memory_space<vmem_shared>>
      %dma_wait3A_74 = arith.constant 0 : i32
      %dma_wait3A_75 = arith.constant 0 : i32
      %dma_wait3A_76 = tpu.memref_slice %arg10[%dma_wait3A_74, %dma_wait3A_75] : memref<256x128xf32, #tpu.memory_space<vmem>> -> memref<128x128xf32, #tpu.memory_space<vmem>>
      tpu.wait_dma2 semaphore(%run_scoped3A : memref<!tpu.dma_semaphore, #tpu.memory_space<semaphore_mem>>) src(%dma_wait3A_76 : memref<128x128xf32, #tpu.memory_space<vmem>>) dst(%dma_wait3A_73 : memref<128x128xf32, #tpu.memory_space<vmem_shared>>)
      tpu.yield
    }) : () -> ()
    %mul3A_8 = arith.constant 640 : i32
    %mul3A_9 = arith.muli %arg1, %mul3A_8 : i32
    %add3A_10 = arith.constant 128 : i32
    %add3A_11 = arith.addi %mul3A_9, %add3A_10 : i32
    "tpu.region"() ({
      %run_scoped3A = tpu.sem_alloc : memref<!tpu.dma_semaphore, #tpu.memory_space<semaphore_mem>>
      %dma_start3A = arith.constant 0 : i32
      %dma_start3A_59 = arith.constant 0 : i32
      %dma_start3A_60 = tpu.memref_slice %arg10[%dma_start3A, %dma_start3A_59] : memref<256x128xf32, #tpu.memory_space<vmem>> -> memref<128x128xf32, #tpu.memory_space<vmem>>
      %dma_start3A_61 = arith.constant 0 : i32
      %dma_start3A_62 = tpu.memref_slice %arg12[%add3A_11, %dma_start3A_61] : memref<10240x128xf32, #tpu.memory_space<vmem_shared>> -> memref<128x128xf32, #tpu.memory_space<vmem_shared>>
      %dma_start3A_63 = arith.constant 0 : i32
      %dma_start3A_64 = tpu.memref_slice %arg12[%add3A_11, %dma_start3A_63] : memref<10240x128xf32, #tpu.memory_space<vmem_shared>> -> memref<128x128xf32, #tpu.memory_space<vmem_shared>>
      %dma_start3A_65 = arith.constant 0 : i32
      %dma_start3A_66 = arith.constant 0 : i32
      %dma_start3A_67 = tpu.memref_slice %arg10[%dma_start3A_65, %dma_start3A_66] : memref<256x128xf32, #tpu.memory_space<vmem>> -> memref<128x128xf32, #tpu.memory_space<vmem>>
      tpu.enqueue_dma source(%dma_start3A_67 : memref<128x128xf32, #tpu.memory_space<vmem>>) target(%dma_start3A_64 : memref<128x128xf32, #tpu.memory_space<vmem_shared>>) target_semaphore(%run_scoped3A : memref<!tpu.dma_semaphore, #tpu.memory_space<semaphore_mem>>)
      %dma_wait3A = arith.constant 0 : i32
      %dma_wait3A_68 = arith.constant 0 : i32
      %dma_wait3A_69 = tpu.memref_slice %arg10[%dma_wait3A, %dma_wait3A_68] : memref<256x128xf32, #tpu.memory_space<vmem>> -> memref<128x128xf32, #tpu.memory_space<vmem>>
      %dma_wait3A_70 = arith.constant 0 : i32
      %dma_wait3A_71 = tpu.memref_slice %arg12[%add3A_11, %dma_wait3A_70] : memref<10240x128xf32, #tpu.memory_space<vmem_shared>> -> memref<128x128xf32, #tpu.memory_space<vmem_shared>>
      %dma_wait3A_72 = arith.constant 0 : i32
      %dma_wait3A_73 = tpu.memref_slice %arg12[%add3A_11, %dma_wait3A_72] : memref<10240x128xf32, #tpu.memory_space<vmem_shared>> -> memref<128x128xf32, #tpu.memory_space<vmem_shared>>
      %dma_wait3A_74 = arith.constant 0 : i32
      %dma_wait3A_75 = arith.constant 0 : i32
      %dma_wait3A_76 = tpu.memref_slice %arg10[%dma_wait3A_74, %dma_wait3A_75] : memref<256x128xf32, #tpu.memory_space<vmem>> -> memref<128x128xf32, #tpu.memory_space<vmem>>
      tpu.wait_dma2 semaphore(%run_scoped3A : memref<!tpu.dma_semaphore, #tpu.memory_space<semaphore_mem>>) src(%dma_wait3A_76 : memref<128x128xf32, #tpu.memory_space<vmem>>) dst(%dma_wait3A_73 : memref<128x128xf32, #tpu.memory_space<vmem_shared>>)
      tpu.yield
    }) : () -> ()
    %mul3A_12 = arith.constant 640 : i32
    %mul3A_13 = arith.muli %arg1, %mul3A_12 : i32
    %add3A_14 = arith.constant 256 : i32
    %add3A_15 = arith.addi %mul3A_13, %add3A_14 : i32
    "tpu.region"() ({
      %run_scoped3A = tpu.sem_alloc : memref<!tpu.dma_semaphore, #tpu.memory_space<semaphore_mem>>
      %dma_start3A = arith.constant 0 : i32
      %dma_start3A_59 = arith.constant 0 : i32
      %dma_start3A_60 = tpu.memref_slice %arg10[%dma_start3A, %dma_start3A_59] : memref<256x128xf32, #tpu.memory_space<vmem>> -> memref<128x128xf32, #tpu.memory_space<vmem>>
      %dma_start3A_61 = arith.constant 0 : i32
      %dma_start3A_62 = tpu.memref_slice %arg12[%add3A_15, %dma_start3A_61] : memref<10240x128xf32, #tpu.memory_space<vmem_shared>> -> memref<128x128xf32, #tpu.memory_space<vmem_shared>>
      %dma_start3A_63 = arith.constant 0 : i32
      %dma_start3A_64 = tpu.memref_slice %arg12[%add3A_15, %dma_start3A_63] : memref<10240x128xf32, #tpu.memory_space<vmem_shared>> -> memref<128x128xf32, #tpu.memory_space<vmem_shared>>
      %dma_start3A_65 = arith.constant 0 : i32
      %dma_start3A_66 = arith.constant 0 : i32
      %dma_start3A_67 = tpu.memref_slice %arg10[%dma_start3A_65, %dma_start3A_66] : memref<256x128xf32, #tpu.memory_space<vmem>> -> memref<128x128xf32, #tpu.memory_space<vmem>>
      tpu.enqueue_dma source(%dma_start3A_67 : memref<128x128xf32, #tpu.memory_space<vmem>>) target(%dma_start3A_64 : memref<128x128xf32, #tpu.memory_space<vmem_shared>>) target_semaphore(%run_scoped3A : memref<!tpu.dma_semaphore, #tpu.memory_space<semaphore_mem>>)
      %dma_wait3A = arith.constant 0 : i32
      %dma_wait3A_68 = arith.constant 0 : i32
      %dma_wait3A_69 = tpu.memref_slice %arg10[%dma_wait3A, %dma_wait3A_68] : memref<256x128xf32, #tpu.memory_space<vmem>> -> memref<128x128xf32, #tpu.memory_space<vmem>>
      %dma_wait3A_70 = arith.constant 0 : i32
      %dma_wait3A_71 = tpu.memref_slice %arg12[%add3A_15, %dma_wait3A_70] : memref<10240x128xf32, #tpu.memory_space<vmem_shared>> -> memref<128x128xf32, #tpu.memory_space<vmem_shared>>
      %dma_wait3A_72 = arith.constant 0 : i32
      %dma_wait3A_73 = tpu.memref_slice %arg12[%add3A_15, %dma_wait3A_72] : memref<10240x128xf32, #tpu.memory_space<vmem_shared>> -> memref<128x128xf32, #tpu.memory_space<vmem_shared>>
      %dma_wait3A_74 = arith.constant 0 : i32
      %dma_wait3A_75 = arith.constant 0 : i32
      %dma_wait3A_76 = tpu.memref_slice %arg10[%dma_wait3A_74, %dma_wait3A_75] : memref<256x128xf32, #tpu.memory_space<vmem>> -> memref<128x128xf32, #tpu.memory_space<vmem>>
      tpu.wait_dma2 semaphore(%run_scoped3A : memref<!tpu.dma_semaphore, #tpu.memory_space<semaphore_mem>>) src(%dma_wait3A_76 : memref<128x128xf32, #tpu.memory_space<vmem>>) dst(%dma_wait3A_73 : memref<128x128xf32, #tpu.memory_space<vmem_shared>>)
      tpu.yield
    }) : () -> ()
    %mul3A_16 = arith.constant 640 : i32
    %mul3A_17 = arith.muli %arg1, %mul3A_16 : i32
    %add3A_18 = arith.constant 384 : i32
    %add3A_19 = arith.addi %mul3A_17, %add3A_18 : i32
    "tpu.region"() ({
      %run_scoped3A = tpu.sem_alloc : memref<!tpu.dma_semaphore, #tpu.memory_space<semaphore_mem>>
      %dma_start3A = arith.constant 0 : i32
      %dma_start3A_59 = arith.constant 0 : i32
      %dma_start3A_60 = tpu.memref_slice %arg10[%dma_start3A, %dma_start3A_59] : memref<256x128xf32, #tpu.memory_space<vmem>> -> memref<128x128xf32, #tpu.memory_space<vmem>>
      %dma_start3A_61 = arith.constant 0 : i32
      %dma_start3A_62 = tpu.memref_slice %arg12[%add3A_19, %dma_start3A_61] : memref<10240x128xf32, #tpu.memory_space<vmem_shared>> -> memref<128x128xf32, #tpu.memory_space<vmem_shared>>
      %dma_start3A_63 = arith.constant 0 : i32
      %dma_start3A_64 = tpu.memref_slice %arg12[%add3A_19, %dma_start3A_63] : memref<10240x128xf32, #tpu.memory_space<vmem_shared>> -> memref<128x128xf32, #tpu.memory_space<vmem_shared>>
      %dma_start3A_65 = arith.constant 0 : i32
      %dma_start3A_66 = arith.constant 0 : i32
      %dma_start3A_67 = tpu.memref_slice %arg10[%dma_start3A_65, %dma_start3A_66] : memref<256x128xf32, #tpu.memory_space<vmem>> -> memref<128x128xf32, #tpu.memory_space<vmem>>
      tpu.enqueue_dma source(%dma_start3A_67 : memref<128x128xf32, #tpu.memory_space<vmem>>) target(%dma_start3A_64 : memref<128x128xf32, #tpu.memory_space<vmem_shared>>) target_semaphore(%run_scoped3A : memref<!tpu.dma_semaphore, #tpu.memory_space<semaphore_mem>>)
      %dma_wait3A = arith.constant 0 : i32
      %dma_wait3A_68 = arith.constant 0 : i32
      %dma_wait3A_69 = tpu.memref_slice %arg10[%dma_wait3A, %dma_wait3A_68] : memref<256x128xf32, #tpu.memory_space<vmem>> -> memref<128x128xf32, #tpu.memory_space<vmem>>
      %dma_wait3A_70 = arith.constant 0 : i32
      %dma_wait3A_71 = tpu.memref_slice %arg12[%add3A_19, %dma_wait3A_70] : memref<10240x128xf32, #tpu.memory_space<vmem_shared>> -> memref<128x128xf32, #tpu.memory_space<vmem_shared>>
      %dma_wait3A_72 = arith.constant 0 : i32
      %dma_wait3A_73 = tpu.memref_slice %arg12[%add3A_19, %dma_wait3A_72] : memref<10240x128xf32, #tpu.memory_space<vmem_shared>> -> memref<128x128xf32, #tpu.memory_space<vmem_shared>>
      %dma_wait3A_74 = arith.constant 0 : i32
      %dma_wait3A_75 = arith.constant 0 : i32
      %dma_wait3A_76 = tpu.memref_slice %arg10[%dma_wait3A_74, %dma_wait3A_75] : memref<256x128xf32, #tpu.memory_space<vmem>> -> memref<128x128xf32, #tpu.memory_space<vmem>>
      tpu.wait_dma2 semaphore(%run_scoped3A : memref<!tpu.dma_semaphore, #tpu.memory_space<semaphore_mem>>) src(%dma_wait3A_76 : memref<128x128xf32, #tpu.memory_space<vmem>>) dst(%dma_wait3A_73 : memref<128x128xf32, #tpu.memory_space<vmem_shared>>)
      tpu.yield
    }) : () -> ()
    %mul3A_20 = arith.constant 640 : i32
    %mul3A_21 = arith.muli %arg1, %mul3A_20 : i32
    %add3A_22 = arith.constant 512 : i32
    %add3A_23 = arith.addi %mul3A_21, %add3A_22 : i32
    "tpu.region"() ({
      %run_scoped3A = tpu.sem_alloc : memref<!tpu.dma_semaphore, #tpu.memory_space<semaphore_mem>>
      %dma_start3A = arith.constant 0 : i32
      %dma_start3A_59 = arith.constant 0 : i32
      %dma_start3A_60 = tpu.memref_slice %arg10[%dma_start3A, %dma_start3A_59] : memref<256x128xf32, #tpu.memory_space<vmem>> -> memref<128x128xf32, #tpu.memory_space<vmem>>
      %dma_start3A_61 = arith.constant 0 : i32
      %dma_start3A_62 = tpu.memref_slice %arg12[%add3A_23, %dma_start3A_61] : memref<10240x128xf32, #tpu.memory_space<vmem_shared>> -> memref<128x128xf32, #tpu.memory_space<vmem_shared>>
      %dma_start3A_63 = arith.constant 0 : i32
      %dma_start3A_64 = tpu.memref_slice %arg12[%add3A_23, %dma_start3A_63] : memref<10240x128xf32, #tpu.memory_space<vmem_shared>> -> memref<128x128xf32, #tpu.memory_space<vmem_shared>>
      %dma_start3A_65 = arith.constant 0 : i32
      %dma_start3A_66 = arith.constant 0 : i32
      %dma_start3A_67 = tpu.memref_slice %arg10[%dma_start3A_65, %dma_start3A_66] : memref<256x128xf32, #tpu.memory_space<vmem>> -> memref<128x128xf32, #tpu.memory_space<vmem>>
      tpu.enqueue_dma source(%dma_start3A_67 : memref<128x128xf32, #tpu.memory_space<vmem>>) target(%dma_start3A_64 : memref<128x128xf32, #tpu.memory_space<vmem_shared>>) target_semaphore(%run_scoped3A : memref<!tpu.dma_semaphore, #tpu.memory_space<semaphore_mem>>)
      %dma_wait3A = arith.constant 0 : i32
      %dma_wait3A_68 = arith.constant 0 : i32
      %dma_wait3A_69 = tpu.memref_slice %arg10[%dma_wait3A, %dma_wait3A_68] : memref<256x128xf32, #tpu.memory_space<vmem>> -> memref<128x128xf32, #tpu.memory_space<vmem>>
      %dma_wait3A_70 = arith.constant 0 : i32
      %dma_wait3A_71 = tpu.memref_slice %arg12[%add3A_23, %dma_wait3A_70] : memref<10240x128xf32, #tpu.memory_space<vmem_shared>> -> memref<128x128xf32, #tpu.memory_space<vmem_shared>>
      %dma_wait3A_72 = arith.constant 0 : i32
      %dma_wait3A_73 = tpu.memref_slice %arg12[%add3A_23, %dma_wait3A_72] : memref<10240x128xf32, #tpu.memory_space<vmem_shared>> -> memref<128x128xf32, #tpu.memory_space<vmem_shared>>
      %dma_wait3A_74 = arith.constant 0 : i32
      %dma_wait3A_75 = arith.constant 0 : i32
      %dma_wait3A_76 = tpu.memref_slice %arg10[%dma_wait3A_74, %dma_wait3A_75] : memref<256x128xf32, #tpu.memory_space<vmem>> -> memref<128x128xf32, #tpu.memory_space<vmem>>
      tpu.wait_dma2 semaphore(%run_scoped3A : memref<!tpu.dma_semaphore, #tpu.memory_space<semaphore_mem>>) src(%dma_wait3A_76 : memref<128x128xf32, #tpu.memory_space<vmem>>) dst(%dma_wait3A_73 : memref<128x128xf32, #tpu.memory_space<vmem_shared>>)
      tpu.yield
    }) : () -> ()
    %barrier3A = arith.constant 0 : index
    tpu.barrier barrier_id(%barrier3A)
    "tpu.region"() ({
      %run_scoped3A = tpu.sem_alloc : memref<!tpu.dma_semaphore, #tpu.memory_space<semaphore_mem>>
      %dma_start3A = arith.constant 0 : i32
      %dma_start3A_59 = arith.constant 0 : i32
      %dma_start3A_60 = tpu.memref_slice %arg3[%arg0, %arg1, %dma_start3A, %dma_start3A_59] : memref<2x16x40x256xi32, #tpu.memory_space<hbm>> -> memref<1x1x8x256xi32, #tpu.memory_space<hbm>>
      %dma_start3A_61 = tpu.memref_squeeze %dma_start3A_60 : memref<1x1x8x256xi32, #tpu.memory_space<hbm>> -> memref<8x256xi32, #tpu.memory_space<hbm>>
      %dma_start3A_62 = arith.constant 0 : i32
      %dma_start3A_63 = arith.constant 0 : i32
      %dma_start3A_64 = tpu.memref_slice %arg3[%arg0, %arg1, %dma_start3A_62, %dma_start3A_63] : memref<2x16x40x256xi32, #tpu.memory_space<hbm>> -> memref<1x1x8x256xi32, #tpu.memory_space<hbm>>
      %dma_start3A_65 = tpu.memref_squeeze %dma_start3A_64 : memref<1x1x8x256xi32, #tpu.memory_space<hbm>> -> memref<8x256xi32, #tpu.memory_space<hbm>>
      tpu.enqueue_dma source(%dma_start3A_65 : memref<8x256xi32, #tpu.memory_space<hbm>>) target(%arg6 : memref<8x256xi32, #tpu.memory_space<vmem>>) target_semaphore(%run_scoped3A : memref<!tpu.dma_semaphore, #tpu.memory_space<semaphore_mem>>)
      %dma_wait3A = arith.constant 0 : i32
      %dma_wait3A_66 = arith.constant 0 : i32
      %dma_wait3A_67 = tpu.memref_slice %arg3[%arg0, %arg1, %dma_wait3A, %dma_wait3A_66] : memref<2x16x40x256xi32, #tpu.memory_space<hbm>> -> memref<1x1x8x256xi32, #tpu.memory_space<hbm>>
      %dma_wait3A_68 = tpu.memref_squeeze %dma_wait3A_67 : memref<1x1x8x256xi32, #tpu.memory_space<hbm>> -> memref<8x256xi32, #tpu.memory_space<hbm>>
      %dma_wait3A_69 = arith.constant 0 : i32
      %dma_wait3A_70 = arith.constant 0 : i32
      %dma_wait3A_71 = tpu.memref_slice %arg3[%arg0, %arg1, %dma_wait3A_69, %dma_wait3A_70] : memref<2x16x40x256xi32, #tpu.memory_space<hbm>> -> memref<1x1x8x256xi32, #tpu.memory_space<hbm>>
      %dma_wait3A_72 = tpu.memref_squeeze %dma_wait3A_71 : memref<1x1x8x256xi32, #tpu.memory_space<hbm>> -> memref<8x256xi32, #tpu.memory_space<hbm>>
      tpu.wait_dma2 semaphore(%run_scoped3A : memref<!tpu.dma_semaphore, #tpu.memory_space<semaphore_mem>>) src(%dma_wait3A_72 : memref<8x256xi32, #tpu.memory_space<hbm>>) dst(%arg6 : memref<8x256xi32, #tpu.memory_space<vmem>>)
      tpu.yield
    }) : () -> ()
    "tpu.region"() ({
      %run_scoped3A = tpu.sem_alloc : memref<!tpu.dma_semaphore, #tpu.memory_space<semaphore_mem>>
      %dma_start3A = arith.constant 0 : i32
      %dma_start3A_59 = arith.constant 0 : i32
      %dma_start3A_60 = tpu.memref_slice %arg4[%arg0, %arg1, %dma_start3A, %dma_start3A_59] : memref<2x16x40x256xi32, #tpu.memory_space<hbm>> -> memref<1x1x8x256xi32, #tpu.memory_space<hbm>>
      %dma_start3A_61 = tpu.memref_squeeze %dma_start3A_60 : memref<1x1x8x256xi32, #tpu.memory_space<hbm>> -> memref<8x256xi32, #tpu.memory_space<hbm>>
      %dma_start3A_62 = arith.constant 0 : i32
      %dma_start3A_63 = arith.constant 0 : i32
      %dma_start3A_64 = tpu.memref_slice %arg4[%arg0, %arg1, %dma_start3A_62, %dma_start3A_63] : memref<2x16x40x256xi32, #tpu.memory_space<hbm>> -> memref<1x1x8x256xi32, #tpu.memory_space<hbm>>
      %dma_start3A_65 = tpu.memref_squeeze %dma_start3A_64 : memref<1x1x8x256xi32, #tpu.memory_space<hbm>> -> memref<8x256xi32, #tpu.memory_space<hbm>>
      tpu.enqueue_dma source(%dma_start3A_65 : memref<8x256xi32, #tpu.memory_space<hbm>>) target(%arg7 : memref<8x256xi32, #tpu.memory_space<vmem>>) target_semaphore(%run_scoped3A : memref<!tpu.dma_semaphore, #tpu.memory_space<semaphore_mem>>)
      %dma_wait3A = arith.constant 0 : i32
      %dma_wait3A_66 = arith.constant 0 : i32
      %dma_wait3A_67 = tpu.memref_slice %arg4[%arg0, %arg1, %dma_wait3A, %dma_wait3A_66] : memref<2x16x40x256xi32, #tpu.memory_space<hbm>> -> memref<1x1x8x256xi32, #tpu.memory_space<hbm>>
      %dma_wait3A_68 = tpu.memref_squeeze %dma_wait3A_67 : memref<1x1x8x256xi32, #tpu.memory_space<hbm>> -> memref<8x256xi32, #tpu.memory_space<hbm>>
      %dma_wait3A_69 = arith.constant 0 : i32
      %dma_wait3A_70 = arith.constant 0 : i32
      %dma_wait3A_71 = tpu.memref_slice %arg4[%arg0, %arg1, %dma_wait3A_69, %dma_wait3A_70] : memref<2x16x40x256xi32, #tpu.memory_space<hbm>> -> memref<1x1x8x256xi32, #tpu.memory_space<hbm>>
      %dma_wait3A_72 = tpu.memref_squeeze %dma_wait3A_71 : memref<1x1x8x256xi32, #tpu.memory_space<hbm>> -> memref<8x256xi32, #tpu.memory_space<hbm>>
      tpu.wait_dma2 semaphore(%run_scoped3A : memref<!tpu.dma_semaphore, #tpu.memory_space<semaphore_mem>>) src(%dma_wait3A_72 : memref<8x256xi32, #tpu.memory_space<hbm>>) dst(%arg7 : memref<8x256xi32, #tpu.memory_space<vmem>>)
      tpu.yield
    }) : () -> ()
    %scan3A_24 = arith.constant 0 : i32
    %scan3A_25 = arith.constant 0 : i32
    %scan3A_26 = arith.constant 8 : i32
    %scan3A_27 = arith.addi %scan3A_25, %scan3A_26 : i32
    %scan3A_28 = arith.constant 1 : i32
    scf.for %scan3A_59 = %scan3A_25 to %scan3A_27 step %scan3A_28  : i32 {
      %get3A = arith.index_cast %scan3A_59 : i32 to index
      %get3A_60 = arith.constant 0 : index
      %get3A_61 = tpu.vector_load %arg6[%get3A, %get3A_60] {strides = array<i32>} : memref<8x256xi32, #tpu.memory_space<vmem>>, vector<16xi32>,
      %swap3A = arith.constant 0 : index
      %swap3A_62 = tpu.vector_load %arg8[%swap3A] {strides = array<i32>} : memref<256xi32, #tpu.memory_space<vmem>>, vector<16xi32>,
      tpu.vector_store %arg8[%swap3A], %get3A_61 {strides = array<i32>} : memref<256xi32, #tpu.memory_space<vmem>>, vector<16xi32>,
      %get3A_63 = arith.index_cast %scan3A_59 : i32 to index
      %get3A_64 = arith.constant 0 : index
      %get3A_65 = tpu.vector_load %arg7[%get3A_63, %get3A_64] {strides = array<i32>} : memref<8x256xi32, #tpu.memory_space<vmem>>, vector<16xi32>,
      %swap3A_66 = arith.constant 0 : index
      %swap3A_67 = tpu.vector_load %arg9[%swap3A_66] {strides = array<i32>} : memref<256xi32, #tpu.memory_space<vmem>>, vector<16xi32>,
      tpu.vector_store %arg9[%swap3A_66], %get3A_65 {strides = array<i32>} : memref<256xi32, #tpu.memory_space<vmem>>, vector<16xi32>,
      %get3A_68 = arith.index_cast %scan3A_59 : i32 to index
      %get3A_69 = arith.constant 16 : index
      %get3A_70 = tpu.vector_load %arg6[%get3A_68, %get3A_69] {strides = array<i32>} : memref<8x256xi32, #tpu.memory_space<vmem>>, vector<16xi32>,
      %swap3A_71 = arith.constant 16 : index
      %swap3A_72 = tpu.vector_load %arg8[%swap3A_71] {strides = array<i32>} : memref<256xi32, #tpu.memory_space<vmem>>, vector<16xi32>,
      tpu.vector_store %arg8[%swap3A_71], %get3A_70 {strides = array<i32>} : memref<256xi32, #tpu.memory_space<vmem>>, vector<16xi32>,
      %get3A_73 = arith.index_cast %scan3A_59 : i32 to index
      %get3A_74 = arith.constant 16 : index
      %get3A_75 = tpu.vector_load %arg7[%get3A_73, %get3A_74] {strides = array<i32>} : memref<8x256xi32, #tpu.memory_space<vmem>>, vector<16xi32>,
      %swap3A_76 = arith.constant 16 : index
      %swap3A_77 = tpu.vector_load %arg9[%swap3A_76] {strides = array<i32>} : memref<256xi32, #tpu.memory_space<vmem>>, vector<16xi32>,
      tpu.vector_store %arg9[%swap3A_76], %get3A_75 {strides = array<i32>} : memref<256xi32, #tpu.memory_space<vmem>>, vector<16xi32>,
      %get3A_78 = arith.index_cast %scan3A_59 : i32 to index
      %get3A_79 = arith.constant 32 : index
      %get3A_80 = tpu.vector_load %arg6[%get3A_78, %get3A_79] {strides = array<i32>} : memref<8x256xi32, #tpu.memory_space<vmem>>, vector<16xi32>,
      %swap3A_81 = arith.constant 32 : index
      %swap3A_82 = tpu.vector_load %arg8[%swap3A_81] {strides = array<i32>} : memref<256xi32, #tpu.memory_space<vmem>>, vector<16xi32>,
      tpu.vector_store %arg8[%swap3A_81], %get3A_80 {strides = array<i32>} : memref<256xi32, #tpu.memory_space<vmem>>, vector<16xi32>,
      %get3A_83 = arith.index_cast %scan3A_59 : i32 to index
      %get3A_84 = arith.constant 32 : index
      %get3A_85 = tpu.vector_load %arg7[%get3A_83, %get3A_84] {strides = array<i32>} : memref<8x256xi32, #tpu.memory_space<vmem>>, vector<16xi32>,
      %swap3A_86 = arith.constant 32 : index
      %swap3A_87 = tpu.vector_load %arg9[%swap3A_86] {strides = array<i32>} : memref<256xi32, #tpu.memory_space<vmem>>, vector<16xi32>,
      tpu.vector_store %arg9[%swap3A_86], %get3A_85 {strides = array<i32>} : memref<256xi32, #tpu.memory_space<vmem>>, vector<16xi32>,
      %get3A_88 = arith.index_cast %scan3A_59 : i32 to index
      %get3A_89 = arith.constant 48 : index
      %get3A_90 = tpu.vector_load %arg6[%get3A_88, %get3A_89] {strides = array<i32>} : memref<8x256xi32, #tpu.memory_space<vmem>>, vector<16xi32>,
      %swap3A_91 = arith.constant 48 : index
      %swap3A_92 = tpu.vector_load %arg8[%swap3A_91] {strides = array<i32>} : memref<256xi32, #tpu.memory_space<vmem>>, vector<16xi32>,
      tpu.vector_store %arg8[%swap3A_91], %get3A_90 {strides = array<i32>} : memref<256xi32, #tpu.memory_space<vmem>>, vector<16xi32>,
      %get3A_93 = arith.index_cast %scan3A_59 : i32 to index
      %get3A_94 = arith.constant 48 : index
      %get3A_95 = tpu.vector_load %arg7[%get3A_93, %get3A_94] {strides = array<i32>} : memref<8x256xi32, #tpu.memory_space<vmem>>, vector<16xi32>,
      %swap3A_96 = arith.constant 48 : index
      %swap3A_97 = tpu.vector_load %arg9[%swap3A_96] {strides = array<i32>} : memref<256xi32, #tpu.memory_space<vmem>>, vector<16xi32>,
      tpu.vector_store %arg9[%swap3A_96], %get3A_95 {strides = array<i32>} : memref<256xi32, #tpu.memory_space<vmem>>, vector<16xi32>,
      %get3A_98 = arith.index_cast %scan3A_59 : i32 to index
      %get3A_99 = arith.constant 64 : index
      %get3A_100 = tpu.vector_load %arg6[%get3A_98, %get3A_99] {strides = array<i32>} : memref<8x256xi32, #tpu.memory_space<vmem>>, vector<16xi32>,
      %swap3A_101 = arith.constant 64 : index
      %swap3A_102 = tpu.vector_load %arg8[%swap3A_101] {strides = array<i32>} : memref<256xi32, #tpu.memory_space<vmem>>, vector<16xi32>,
      tpu.vector_store %arg8[%swap3A_101], %get3A_100 {strides = array<i32>} : memref<256xi32, #tpu.memory_space<vmem>>, vector<16xi32>,
      %get3A_103 = arith.index_cast %scan3A_59 : i32 to index
      %get3A_104 = arith.constant 64 : index
      %get3A_105 = tpu.vector_load %arg7[%get3A_103, %get3A_104] {strides = array<i32>} : memref<8x256xi32, #tpu.memory_space<vmem>>, vector<16xi32>,
      %swap3A_106 = arith.constant 64 : index
      %swap3A_107 = tpu.vector_load %arg9[%swap3A_106] {strides = array<i32>} : memref<256xi32, #tpu.memory_space<vmem>>, vector<16xi32>,
      tpu.vector_store %arg9[%swap3A_106], %get3A_105 {strides = array<i32>} : memref<256xi32, #tpu.memory_space<vmem>>, vector<16xi32>,
      %get3A_108 = arith.index_cast %scan3A_59 : i32 to index
      %get3A_109 = arith.constant 80 : index
      %get3A_110 = tpu.vector_load %arg6[%get3A_108, %get3A_109] {strides = array<i32>} : memref<8x256xi32, #tpu.memory_space<vmem>>, vector<16xi32>,
      %swap3A_111 = arith.constant 80 : index
      %swap3A_112 = tpu.vector_load %arg8[%swap3A_111] {strides = array<i32>} : memref<256xi32, #tpu.memory_space<vmem>>, vector<16xi32>,
      tpu.vector_store %arg8[%swap3A_111], %get3A_110 {strides = array<i32>} : memref<256xi32, #tpu.memory_space<vmem>>, vector<16xi32>,
      %get3A_113 = arith.index_cast %scan3A_59 : i32 to index
      %get3A_114 = arith.constant 80 : index
      %get3A_115 = tpu.vector_load %arg7[%get3A_113, %get3A_114] {strides = array<i32>} : memref<8x256xi32, #tpu.memory_space<vmem>>, vector<16xi32>,
      %swap3A_116 = arith.constant 80 : index
      %swap3A_117 = tpu.vector_load %arg9[%swap3A_116] {strides = array<i32>} : memref<256xi32, #tpu.memory_space<vmem>>, vector<16xi32>,
      tpu.vector_store %arg9[%swap3A_116], %get3A_115 {strides = array<i32>} : memref<256xi32, #tpu.memory_space<vmem>>, vector<16xi32>,
      %get3A_118 = arith.index_cast %scan3A_59 : i32 to index
      %get3A_119 = arith.constant 96 : index
      %get3A_120 = tpu.vector_load %arg6[%get3A_118, %get3A_119] {strides = array<i32>} : memref<8x256xi32, #tpu.memory_space<vmem>>, vector<16xi32>,
      %swap3A_121 = arith.constant 96 : index
      %swap3A_122 = tpu.vector_load %arg8[%swap3A_121] {strides = array<i32>} : memref<256xi32, #tpu.memory_space<vmem>>, vector<16xi32>,
      tpu.vector_store %arg8[%swap3A_121], %get3A_120 {strides = array<i32>} : memref<256xi32, #tpu.memory_space<vmem>>, vector<16xi32>,
      %get3A_123 = arith.index_cast %scan3A_59 : i32 to index
      %get3A_124 = arith.constant 96 : index
      %get3A_125 = tpu.vector_load %arg7[%get3A_123, %get3A_124] {strides = array<i32>} : memref<8x256xi32, #tpu.memory_space<vmem>>, vector<16xi32>,
      %swap3A_126 = arith.constant 96 : index
      %swap3A_127 = tpu.vector_load %arg9[%swap3A_126] {strides = array<i32>} : memref<256xi32, #tpu.memory_space<vmem>>, vector<16xi32>,
      tpu.vector_store %arg9[%swap3A_126], %get3A_125 {strides = array<i32>} : memref<256xi32, #tpu.memory_space<vmem>>, vector<16xi32>,
      %get3A_128 = arith.index_cast %scan3A_59 : i32 to index
      %get3A_129 = arith.constant 112 : index
      %get3A_130 = tpu.vector_load %arg6[%get3A_128, %get3A_129] {strides = array<i32>} : memref<8x256xi32, #tpu.memory_space<vmem>>, vector<16xi32>,
      %swap3A_131 = arith.constant 112 : index
      %swap3A_132 = tpu.vector_load %arg8[%swap3A_131] {strides = array<i32>} : memref<256xi32, #tpu.memory_space<vmem>>, vector<16xi32>,
      tpu.vector_store %arg8[%swap3A_131], %get3A_130 {strides = array<i32>} : memref<256xi32, #tpu.memory_space<vmem>>, vector<16xi32>,
      %get3A_133 = arith.index_cast %scan3A_59 : i32 to index
      %get3A_134 = arith.constant 112 : index
      %get3A_135 = tpu.vector_load %arg7[%get3A_133, %get3A_134] {strides = array<i32>} : memref<8x256xi32, #tpu.memory_space<vmem>>, vector<16xi32>,
      %swap3A_136 = arith.constant 112 : index
      %swap3A_137 = tpu.vector_load %arg9[%swap3A_136] {strides = array<i32>} : memref<256xi32, #tpu.memory_space<vmem>>, vector<16xi32>,
      tpu.vector_store %arg9[%swap3A_136], %get3A_135 {strides = array<i32>} : memref<256xi32, #tpu.memory_space<vmem>>, vector<16xi32>,
      %get3A_138 = arith.index_cast %scan3A_59 : i32 to index
      %get3A_139 = arith.constant 128 : index
      %get3A_140 = tpu.vector_load %arg6[%get3A_138, %get3A_139] {strides = array<i32>} : memref<8x256xi32, #tpu.memory_space<vmem>>, vector<16xi32>,
      %swap3A_141 = arith.constant 128 : index
      %swap3A_142 = tpu.vector_load %arg8[%swap3A_141] {strides = array<i32>} : memref<256xi32, #tpu.memory_space<vmem>>, vector<16xi32>,
      tpu.vector_store %arg8[%swap3A_141], %get3A_140 {strides = array<i32>} : memref<256xi32, #tpu.memory_space<vmem>>, vector<16xi32>,
      %get3A_143 = arith.index_cast %scan3A_59 : i32 to index
      %get3A_144 = arith.constant 128 : index
      %get3A_145 = tpu.vector_load %arg7[%get3A_143, %get3A_144] {strides = array<i32>} : memref<8x256xi32, #tpu.memory_space<vmem>>, vector<16xi32>,
      %swap3A_146 = arith.constant 128 : index
      %swap3A_147 = tpu.vector_load %arg9[%swap3A_146] {strides = array<i32>} : memref<256xi32, #tpu.memory_space<vmem>>, vector<16xi32>,
      tpu.vector_store %arg9[%swap3A_146], %get3A_145 {strides = array<i32>} : memref<256xi32, #tpu.memory_space<vmem>>, vector<16xi32>,
      %get3A_148 = arith.index_cast %scan3A_59 : i32 to index
      %get3A_149 = arith.constant 144 : index
      %get3A_150 = tpu.vector_load %arg6[%get3A_148, %get3A_149] {strides = array<i32>} : memref<8x256xi32, #tpu.memory_space<vmem>>, vector<16xi32>,
      %swap3A_151 = arith.constant 144 : index
      %swap3A_152 = tpu.vector_load %arg8[%swap3A_151] {strides = array<i32>} : memref<256xi32, #tpu.memory_space<vmem>>, vector<16xi32>,
      tpu.vector_store %arg8[%swap3A_151], %get3A_150 {strides = array<i32>} : memref<256xi32, #tpu.memory_space<vmem>>, vector<16xi32>,
      %get3A_153 = arith.index_cast %scan3A_59 : i32 to index
      %get3A_154 = arith.constant 144 : index
      %get3A_155 = tpu.vector_load %arg7[%get3A_153, %get3A_154] {strides = array<i32>} : memref<8x256xi32, #tpu.memory_space<vmem>>, vector<16xi32>,
      %swap3A_156 = arith.constant 144 : index
      %swap3A_157 = tpu.vector_load %arg9[%swap3A_156] {strides = array<i32>} : memref<256xi32, #tpu.memory_space<vmem>>, vector<16xi32>,
      tpu.vector_store %arg9[%swap3A_156], %get3A_155 {strides = array<i32>} : memref<256xi32, #tpu.memory_space<vmem>>, vector<16xi32>,
      %get3A_158 = arith.index_cast %scan3A_59 : i32 to index
      %get3A_159 = arith.constant 160 : index
      %get3A_160 = tpu.vector_load %arg6[%get3A_158, %get3A_159] {strides = array<i32>} : memref<8x256xi32, #tpu.memory_space<vmem>>, vector<16xi32>,
      %swap3A_161 = arith.constant 160 : index
      %swap3A_162 = tpu.vector_load %arg8[%swap3A_161] {strides = array<i32>} : memref<256xi32, #tpu.memory_space<vmem>>, vector<16xi32>,
      tpu.vector_store %arg8[%swap3A_161], %get3A_160 {strides = array<i32>} : memref<256xi32, #tpu.memory_space<vmem>>, vector<16xi32>,
      %get3A_163 = arith.index_cast %scan3A_59 : i32 to index
      %get3A_164 = arith.constant 160 : index
      %get3A_165 = tpu.vector_load %arg7[%get3A_163, %get3A_164] {strides = array<i32>} : memref<8x256xi32, #tpu.memory_space<vmem>>, vector<16xi32>,
      %swap3A_166 = arith.constant 160 : index
      %swap3A_167 = tpu.vector_load %arg9[%swap3A_166] {strides = array<i32>} : memref<256xi32, #tpu.memory_space<vmem>>, vector<16xi32>,
      tpu.vector_store %arg9[%swap3A_166], %get3A_165 {strides = array<i32>} : memref<256xi32, #tpu.memory_space<vmem>>, vector<16xi32>,
      %get3A_168 = arith.index_cast %scan3A_59 : i32 to index
      %get3A_169 = arith.constant 176 : index
      %get3A_170 = tpu.vector_load %arg6[%get3A_168, %get3A_169] {strides = array<i32>} : memref<8x256xi32, #tpu.memory_space<vmem>>, vector<16xi32>,
      %swap3A_171 = arith.constant 176 : index
      %swap3A_172 = tpu.vector_load %arg8[%swap3A_171] {strides = array<i32>} : memref<256xi32, #tpu.memory_space<vmem>>, vector<16xi32>,
      tpu.vector_store %arg8[%swap3A_171], %get3A_170 {strides = array<i32>} : memref<256xi32, #tpu.memory_space<vmem>>, vector<16xi32>,
      %get3A_173 = arith.index_cast %scan3A_59 : i32 to index
      %get3A_174 = arith.constant 176 : index
      %get3A_175 = tpu.vector_load %arg7[%get3A_173, %get3A_174] {strides = array<i32>} : memref<8x256xi32, #tpu.memory_space<vmem>>, vector<16xi32>,
      %swap3A_176 = arith.constant 176 : index
      %swap3A_177 = tpu.vector_load %arg9[%swap3A_176] {strides = array<i32>} : memref<256xi32, #tpu.memory_space<vmem>>, vector<16xi32>,
      tpu.vector_store %arg9[%swap3A_176], %get3A_175 {strides = array<i32>} : memref<256xi32, #tpu.memory_space<vmem>>, vector<16xi32>,
      %get3A_178 = arith.index_cast %scan3A_59 : i32 to index
      %get3A_179 = arith.constant 192 : index
      %get3A_180 = tpu.vector_load %arg6[%get3A_178, %get3A_179] {strides = array<i32>} : memref<8x256xi32, #tpu.memory_space<vmem>>, vector<16xi32>,
      %swap3A_181 = arith.constant 192 : index
      %swap3A_182 = tpu.vector_load %arg8[%swap3A_181] {strides = array<i32>} : memref<256xi32, #tpu.memory_space<vmem>>, vector<16xi32>,
      tpu.vector_store %arg8[%swap3A_181], %get3A_180 {strides = array<i32>} : memref<256xi32, #tpu.memory_space<vmem>>, vector<16xi32>,
      %get3A_183 = arith.index_cast %scan3A_59 : i32 to index
      %get3A_184 = arith.constant 192 : index
      %get3A_185 = tpu.vector_load %arg7[%get3A_183, %get3A_184] {strides = array<i32>} : memref<8x256xi32, #tpu.memory_space<vmem>>, vector<16xi32>,
      %swap3A_186 = arith.constant 192 : index
      %swap3A_187 = tpu.vector_load %arg9[%swap3A_186] {strides = array<i32>} : memref<256xi32, #tpu.memory_space<vmem>>, vector<16xi32>,
      tpu.vector_store %arg9[%swap3A_186], %get3A_185 {strides = array<i32>} : memref<256xi32, #tpu.memory_space<vmem>>, vector<16xi32>,
      %get3A_188 = arith.index_cast %scan3A_59 : i32 to index
      %get3A_189 = arith.constant 208 : index
      %get3A_190 = tpu.vector_load %arg6[%get3A_188, %get3A_189] {strides = array<i32>} : memref<8x256xi32, #tpu.memory_space<vmem>>, vector<16xi32>,
      %swap3A_191 = arith.constant 208 : index
      %swap3A_192 = tpu.vector_load %arg8[%swap3A_191] {strides = array<i32>} : memref<256xi32, #tpu.memory_space<vmem>>, vector<16xi32>,
      tpu.vector_store %arg8[%swap3A_191], %get3A_190 {strides = array<i32>} : memref<256xi32, #tpu.memory_space<vmem>>, vector<16xi32>,
      %get3A_193 = arith.index_cast %scan3A_59 : i32 to index
      %get3A_194 = arith.constant 208 : index
      %get3A_195 = tpu.vector_load %arg7[%get3A_193, %get3A_194] {strides = array<i32>} : memref<8x256xi32, #tpu.memory_space<vmem>>, vector<16xi32>,
      %swap3A_196 = arith.constant 208 : index
      %swap3A_197 = tpu.vector_load %arg9[%swap3A_196] {strides = array<i32>} : memref<256xi32, #tpu.memory_space<vmem>>, vector<16xi32>,
      tpu.vector_store %arg9[%swap3A_196], %get3A_195 {strides = array<i32>} : memref<256xi32, #tpu.memory_space<vmem>>, vector<16xi32>,
      %get3A_198 = arith.index_cast %scan3A_59 : i32 to index
      %get3A_199 = arith.constant 224 : index
      %get3A_200 = tpu.vector_load %arg6[%get3A_198, %get3A_199] {strides = array<i32>} : memref<8x256xi32, #tpu.memory_space<vmem>>, vector<16xi32>,
      %swap3A_201 = arith.constant 224 : index
      %swap3A_202 = tpu.vector_load %arg8[%swap3A_201] {strides = array<i32>} : memref<256xi32, #tpu.memory_space<vmem>>, vector<16xi32>,
      tpu.vector_store %arg8[%swap3A_201], %get3A_200 {strides = array<i32>} : memref<256xi32, #tpu.memory_space<vmem>>, vector<16xi32>,
      %get3A_203 = arith.index_cast %scan3A_59 : i32 to index
      %get3A_204 = arith.constant 224 : index
      %get3A_205 = tpu.vector_load %arg7[%get3A_203, %get3A_204] {strides = array<i32>} : memref<8x256xi32, #tpu.memory_space<vmem>>, vector<16xi32>,
      %swap3A_206 = arith.constant 224 : index
      %swap3A_207 = tpu.vector_load %arg9[%swap3A_206] {strides = array<i32>} : memref<256xi32, #tpu.memory_space<vmem>>, vector<16xi32>,
      tpu.vector_store %arg9[%swap3A_206], %get3A_205 {strides = array<i32>} : memref<256xi32, #tpu.memory_space<vmem>>, vector<16xi32>,
      %get3A_208 = arith.index_cast %scan3A_59 : i32 to index
      %get3A_209 = arith.constant 240 : index
      %get3A_210 = tpu.vector_load %arg6[%get3A_208, %get3A_209] {strides = array<i32>} : memref<8x256xi32, #tpu.memory_space<vmem>>, vector<16xi32>,
      %swap3A_211 = arith.constant 240 : index
      %swap3A_212 = tpu.vector_load %arg8[%swap3A_211] {strides = array<i32>} : memref<256xi32, #tpu.memory_space<vmem>>, vector<16xi32>,
      tpu.vector_store %arg8[%swap3A_211], %get3A_210 {strides = array<i32>} : memref<256xi32, #tpu.memory_space<vmem>>, vector<16xi32>,
      %get3A_213 = arith.index_cast %scan3A_59 : i32 to index
      %get3A_214 = arith.constant 240 : index
      %get3A_215 = tpu.vector_load %arg7[%get3A_213, %get3A_214] {strides = array<i32>} : memref<8x256xi32, #tpu.memory_space<vmem>>, vector<16xi32>,
      %swap3A_216 = arith.constant 240 : index
      %swap3A_217 = tpu.vector_load %arg9[%swap3A_216] {strides = array<i32>} : memref<256xi32, #tpu.memory_space<vmem>>, vector<16xi32>,
      tpu.vector_store %arg9[%swap3A_216], %get3A_215 {strides = array<i32>} : memref<256xi32, #tpu.memory_space<vmem>>, vector<16xi32>,
      %dma_start3A = arith.constant 0 : i32
      %dma_start3A_218 = arith.constant 0 : i32
      %dma_start3A_219 = tpu.memref_slice %arg2[%dma_start3A, %dma_start3A_218] : memref<10240x128xf32, #tpu.memory_space<hbm>> -> memref<10240x128xf32, #tpu.memory_space<hbm>>
      tpu.enqueue_indirect_dma source(%dma_start3A_219 : memref<10240x128xf32, #tpu.memory_space<hbm>>) target(%arg10 : memref<256x128xf32, #tpu.memory_space<vmem>>) offsets(%arg8 : memref<256xi32, #tpu.memory_space<vmem>>) semaphore(%arg11 : memref<!tpu.dma_semaphore, #tpu.memory_space<semaphore_mem>>)
      %dma_wait3A = arith.constant 0 : i32
      %dma_wait3A_220 = arith.constant 0 : i32
      %dma_wait3A_221 = tpu.memref_slice %arg2[%dma_wait3A, %dma_wait3A_220] : memref<10240x128xf32, #tpu.memory_space<hbm>> -> memref<10240x128xf32, #tpu.memory_space<hbm>>
      tpu.wait_indirect_dma semaphore(%arg11 : memref<!tpu.dma_semaphore, #tpu.memory_space<semaphore_mem>>) src(%dma_wait3A_221 : memref<10240x128xf32, #tpu.memory_space<hbm>>) dst(%arg10 : memref<256x128xf32, #tpu.memory_space<vmem>>)
      "tpu.region"() ({
        %run_scoped3A = tpu.sem_alloc : memref<!tpu.dma_semaphore, #tpu.memory_space<semaphore_mem>>
        %dma_start3A_222 = arith.constant 0 : i32
        %dma_start3A_223 = arith.constant 0 : i32
        %dma_start3A_224 = tpu.memref_slice %arg12[%dma_start3A_222, %dma_start3A_223] : memref<10240x128xf32, #tpu.memory_space<vmem_shared>> -> memref<10240x128xf32, #tpu.memory_space<vmem_shared>>
        tpu.enqueue_indirect_dma source(%arg10 : memref<256x128xf32, #tpu.memory_space<vmem>>) target(%dma_start3A_224 : memref<10240x128xf32, #tpu.memory_space<vmem_shared>>) offsets(%arg9 : memref<256xi32, #tpu.memory_space<vmem>>) semaphore(%run_scoped3A : memref<!tpu.dma_semaphore, #tpu.memory_space<semaphore_mem>>) {add = true}
        %dma_wait3A_225 = arith.constant 0 : i32
        %dma_wait3A_226 = arith.constant 0 : i32
        %dma_wait3A_227 = tpu.memref_slice %arg12[%dma_wait3A_225, %dma_wait3A_226] : memref<10240x128xf32, #tpu.memory_space<vmem_shared>> -> memref<10240x128xf32, #tpu.memory_space<vmem_shared>>
        tpu.wait_indirect_dma semaphore(%run_scoped3A : memref<!tpu.dma_semaphore, #tpu.memory_space<semaphore_mem>>) src(%arg10 : memref<256x128xf32, #tpu.memory_space<vmem>>) dst(%dma_wait3A_227 : memref<10240x128xf32, #tpu.memory_space<vmem_shared>>)
        tpu.yield
      }) : () -> ()
    }
    %scan3A_29 = arith.constant 8 : i32
    "tpu.region"() ({
      %run_scoped3A = tpu.sem_alloc : memref<!tpu.dma_semaphore, #tpu.memory_space<semaphore_mem>>
      %dma_start3A = arith.constant 8 : i32
      %dma_start3A_59 = arith.constant 0 : i32
      %dma_start3A_60 = tpu.memref_slice %arg3[%arg0, %arg1, %dma_start3A, %dma_start3A_59] : memref<2x16x40x256xi32, #tpu.memory_space<hbm>> -> memref<1x1x8x256xi32, #tpu.memory_space<hbm>>
      %dma_start3A_61 = tpu.memref_squeeze %dma_start3A_60 : memref<1x1x8x256xi32, #tpu.memory_space<hbm>> -> memref<8x256xi32, #tpu.memory_space<hbm>>
      %dma_start3A_62 = arith.constant 8 : i32
      %dma_start3A_63 = arith.constant 0 : i32
      %dma_start3A_64 = tpu.memref_slice %arg3[%arg0, %arg1, %dma_start3A_62, %dma_start3A_63] : memref<2x16x40x256xi32, #tpu.memory_space<hbm>> -> memref<1x1x8x256xi32, #tpu.memory_space<hbm>>
      %dma_start3A_65 = tpu.memref_squeeze %dma_start3A_64 : memref<1x1x8x256xi32, #tpu.memory_space<hbm>> -> memref<8x256xi32, #tpu.memory_space<hbm>>
      tpu.enqueue_dma source(%dma_start3A_65 : memref<8x256xi32, #tpu.memory_space<hbm>>) target(%arg6 : memref<8x256xi32, #tpu.memory_space<vmem>>) target_semaphore(%run_scoped3A : memref<!tpu.dma_semaphore, #tpu.memory_space<semaphore_mem>>)
      %dma_wait3A = arith.constant 8 : i32
      %dma_wait3A_66 = arith.constant 0 : i32
      %dma_wait3A_67 = tpu.memref_slice %arg3[%arg0, %arg1, %dma_wait3A, %dma_wait3A_66] : memref<2x16x40x256xi32, #tpu.memory_space<hbm>> -> memref<1x1x8x256xi32, #tpu.memory_space<hbm>>
      %dma_wait3A_68 = tpu.memref_squeeze %dma_wait3A_67 : memref<1x1x8x256xi32, #tpu.memory_space<hbm>> -> memref<8x256xi32, #tpu.memory_space<hbm>>
      %dma_wait3A_69 = arith.constant 8 : i32
      %dma_wait3A_70 = arith.constant 0 : i32
      %dma_wait3A_71 = tpu.memref_slice %arg3[%arg0, %arg1, %dma_wait3A_69, %dma_wait3A_70] : memref<2x16x40x256xi32, #tpu.memory_space<hbm>> -> memref<1x1x8x256xi32, #tpu.memory_space<hbm>>
      %dma_wait3A_72 = tpu.memref_squeeze %dma_wait3A_71 : memref<1x1x8x256xi32, #tpu.memory_space<hbm>> -> memref<8x256xi32, #tpu.memory_space<hbm>>
      tpu.wait_dma2 semaphore(%run_scoped3A : memref<!tpu.dma_semaphore, #tpu.memory_space<semaphore_mem>>) src(%dma_wait3A_72 : memref<8x256xi32, #tpu.memory_space<hbm>>) dst(%arg6 : memref<8x256xi32, #tpu.memory_space<vmem>>)
      tpu.yield
    }) : () -> ()
    "tpu.region"() ({
      %run_scoped3A = tpu.sem_alloc : memref<!tpu.dma_semaphore, #tpu.memory_space<semaphore_mem>>
      %dma_start3A = arith.constant 8 : i32
      %dma_start3A_59 = arith.constant 0 : i32
      %dma_start3A_60 = tpu.memref_slice %arg4[%arg0, %arg1, %dma_start3A, %dma_start3A_59] : memref<2x16x40x256xi32, #tpu.memory_space<hbm>> -> memref<1x1x8x256xi32, #tpu.memory_space<hbm>>
      %dma_start3A_61 = tpu.memref_squeeze %dma_start3A_60 : memref<1x1x8x256xi32, #tpu.memory_space<hbm>> -> memref<8x256xi32, #tpu.memory_space<hbm>>
      %dma_start3A_62 = arith.constant 8 : i32
      %dma_start3A_63 = arith.constant 0 : i32
      %dma_start3A_64 = tpu.memref_slice %arg4[%arg0, %arg1, %dma_start3A_62, %dma_start3A_63] : memref<2x16x40x256xi32, #tpu.memory_space<hbm>> -> memref<1x1x8x256xi32, #tpu.memory_space<hbm>>
      %dma_start3A_65 = tpu.memref_squeeze %dma_start3A_64 : memref<1x1x8x256xi32, #tpu.memory_space<hbm>> -> memref<8x256xi32, #tpu.memory_space<hbm>>
      tpu.enqueue_dma source(%dma_start3A_65 : memref<8x256xi32, #tpu.memory_space<hbm>>) target(%arg7 : memref<8x256xi32, #tpu.memory_space<vmem>>) target_semaphore(%run_scoped3A : memref<!tpu.dma_semaphore, #tpu.memory_space<semaphore_mem>>)
      %dma_wait3A = arith.constant 8 : i32
      %dma_wait3A_66 = arith.constant 0 : i32
      %dma_wait3A_67 = tpu.memref_slice %arg4[%arg0, %arg1, %dma_wait3A, %dma_wait3A_66] : memref<2x16x40x256xi32, #tpu.memory_space<hbm>> -> memref<1x1x8x256xi32, #tpu.memory_space<hbm>>
      %dma_wait3A_68 = tpu.memref_squeeze %dma_wait3A_67 : memref<1x1x8x256xi32, #tpu.memory_space<hbm>> -> memref<8x256xi32, #tpu.memory_space<hbm>>
      %dma_wait3A_69 = arith.constant 8 : i32
      %dma_wait3A_70 = arith.constant 0 : i32
      %dma_wait3A_71 = tpu.memref_slice %arg4[%arg0, %arg1, %dma_wait3A_69, %dma_wait3A_70] : memref<2x16x40x256xi32, #tpu.memory_space<hbm>> -> memref<1x1x8x256xi32, #tpu.memory_space<hbm>>
      %dma_wait3A_72 = tpu.memref_squeeze %dma_wait3A_71 : memref<1x1x8x256xi32, #tpu.memory_space<hbm>> -> memref<8x256xi32, #tpu.memory_space<hbm>>
      tpu.wait_dma2 semaphore(%run_scoped3A : memref<!tpu.dma_semaphore, #tpu.memory_space<semaphore_mem>>) src(%dma_wait3A_72 : memref<8x256xi32, #tpu.memory_space<hbm>>) dst(%arg7 : memref<8x256xi32, #tpu.memory_space<vmem>>)
      tpu.yield
    }) : () -> ()
    %scan3A_30 = arith.constant 0 : i32
    %scan3A_31 = arith.constant 0 : i32
    %scan3A_32 = arith.constant 8 : i32
    %scan3A_33 = arith.addi %scan3A_31, %scan3A_32 : i32
    %scan3A_34 = arith.constant 1 : i32
    scf.for %scan3A_59 = %scan3A_31 to %scan3A_33 step %scan3A_34  : i32 {
      %get3A = arith.index_cast %scan3A_59 : i32 to index
      %get3A_60 = arith.constant 0 : index
      %get3A_61 = tpu.vector_load %arg6[%get3A, %get3A_60] {strides = array<i32>} : memref<8x256xi32, #tpu.memory_space<vmem>>, vector<16xi32>,
      %swap3A = arith.constant 0 : index
      %swap3A_62 = tpu.vector_load %arg8[%swap3A] {strides = array<i32>} : memref<256xi32, #tpu.memory_space<vmem>>, vector<16xi32>,
      tpu.vector_store %arg8[%swap3A], %get3A_61 {strides = array<i32>} : memref<256xi32, #tpu.memory_space<vmem>>, vector<16xi32>,
      %get3A_63 = arith.index_cast %scan3A_59 : i32 to index
      %get3A_64 = arith.constant 0 : index
      %get3A_65 = tpu.vector_load %arg7[%get3A_63, %get3A_64] {strides = array<i32>} : memref<8x256xi32, #tpu.memory_space<vmem>>, vector<16xi32>,
      %swap3A_66 = arith.constant 0 : index
      %swap3A_67 = tpu.vector_load %arg9[%swap3A_66] {strides = array<i32>} : memref<256xi32, #tpu.memory_space<vmem>>, vector<16xi32>,
      tpu.vector_store %arg9[%swap3A_66], %get3A_65 {strides = array<i32>} : memref<256xi32, #tpu.memory_space<vmem>>, vector<16xi32>,
      %get3A_68 = arith.index_cast %scan3A_59 : i32 to index
      %get3A_69 = arith.constant 16 : index
      %get3A_70 = tpu.vector_load %arg6[%get3A_68, %get3A_69] {strides = array<i32>} : memref<8x256xi32, #tpu.memory_space<vmem>>, vector<16xi32>,
      %swap3A_71 = arith.constant 16 : index
      %swap3A_72 = tpu.vector_load %arg8[%swap3A_71] {strides = array<i32>} : memref<256xi32, #tpu.memory_space<vmem>>, vector<16xi32>,
      tpu.vector_store %arg8[%swap3A_71], %get3A_70 {strides = array<i32>} : memref<256xi32, #tpu.memory_space<vmem>>, vector<16xi32>,
      %get3A_73 = arith.index_cast %scan3A_59 : i32 to index
      %get3A_74 = arith.constant 16 : index
      %get3A_75 = tpu.vector_load %arg7[%get3A_73, %get3A_74] {strides = array<i32>} : memref<8x256xi32, #tpu.memory_space<vmem>>, vector<16xi32>,
      %swap3A_76 = arith.constant 16 : index
      %swap3A_77 = tpu.vector_load %arg9[%swap3A_76] {strides = array<i32>} : memref<256xi32, #tpu.memory_space<vmem>>, vector<16xi32>,
      tpu.vector_store %arg9[%swap3A_76], %get3A_75 {strides = array<i32>} : memref<256xi32, #tpu.memory_space<vmem>>, vector<16xi32>,
      %get3A_78 = arith.index_cast %scan3A_59 : i32 to index
      %get3A_79 = arith.constant 32 : index
      %get3A_80 = tpu.vector_load %arg6[%get3A_78, %get3A_79] {strides = array<i32>} : memref<8x256xi32, #tpu.memory_space<vmem>>, vector<16xi32>,
      %swap3A_81 = arith.constant 32 : index
      %swap3A_82 = tpu.vector_load %arg8[%swap3A_81] {strides = array<i32>} : memref<256xi32, #tpu.memory_space<vmem>>, vector<16xi32>,
      tpu.vector_store %arg8[%swap3A_81], %get3A_80 {strides = array<i32>} : memref<256xi32, #tpu.memory_space<vmem>>, vector<16xi32>,
      %get3A_83 = arith.index_cast %scan3A_59 : i32 to index
      %get3A_84 = arith.constant 32 : index
      %get3A_85 = tpu.vector_load %arg7[%get3A_83, %get3A_84] {strides = array<i32>} : memref<8x256xi32, #tpu.memory_space<vmem>>, vector<16xi32>,
      %swap3A_86 = arith.constant 32 : index
      %swap3A_87 = tpu.vector_load %arg9[%swap3A_86] {strides = array<i32>} : memref<256xi32, #tpu.memory_space<vmem>>, vector<16xi32>,
      tpu.vector_store %arg9[%swap3A_86], %get3A_85 {strides = array<i32>} : memref<256xi32, #tpu.memory_space<vmem>>, vector<16xi32>,
      %get3A_88 = arith.index_cast %scan3A_59 : i32 to index
      %get3A_89 = arith.constant 48 : index
      %get3A_90 = tpu.vector_load %arg6[%get3A_88, %get3A_89] {strides = array<i32>} : memref<8x256xi32, #tpu.memory_space<vmem>>, vector<16xi32>,
      %swap3A_91 = arith.constant 48 : index
      %swap3A_92 = tpu.vector_load %arg8[%swap3A_91] {strides = array<i32>} : memref<256xi32, #tpu.memory_space<vmem>>, vector<16xi32>,
      tpu.vector_store %arg8[%swap3A_91], %get3A_90 {strides = array<i32>} : memref<256xi32, #tpu.memory_space<vmem>>, vector<16xi32>,
      %get3A_93 = arith.index_cast %scan3A_59 : i32 to index
      %get3A_94 = arith.constant 48 : index
      %get3A_95 = tpu.vector_load %arg7[%get3A_93, %get3A_94] {strides = array<i32>} : memref<8x256xi32, #tpu.memory_space<vmem>>, vector<16xi32>,
      %swap3A_96 = arith.constant 48 : index
      %swap3A_97 = tpu.vector_load %arg9[%swap3A_96] {strides = array<i32>} : memref<256xi32, #tpu.memory_space<vmem>>, vector<16xi32>,
      tpu.vector_store %arg9[%swap3A_96], %get3A_95 {strides = array<i32>} : memref<256xi32, #tpu.memory_space<vmem>>, vector<16xi32>,
      %get3A_98 = arith.index_cast %scan3A_59 : i32 to index
      %get3A_99 = arith.constant 64 : index
      %get3A_100 = tpu.vector_load %arg6[%get3A_98, %get3A_99] {strides = array<i32>} : memref<8x256xi32, #tpu.memory_space<vmem>>, vector<16xi32>,
      %swap3A_101 = arith.constant 64 : index
      %swap3A_102 = tpu.vector_load %arg8[%swap3A_101] {strides = array<i32>} : memref<256xi32, #tpu.memory_space<vmem>>, vector<16xi32>,
      tpu.vector_store %arg8[%swap3A_101], %get3A_100 {strides = array<i32>} : memref<256xi32, #tpu.memory_space<vmem>>, vector<16xi32>,
      %get3A_103 = arith.index_cast %scan3A_59 : i32 to index
      %get3A_104 = arith.constant 64 : index
      %get3A_105 = tpu.vector_load %arg7[%get3A_103, %get3A_104] {strides = array<i32>} : memref<8x256xi32, #tpu.memory_space<vmem>>, vector<16xi32>,
      %swap3A_106 = arith.constant 64 : index
      %swap3A_107 = tpu.vector_load %arg9[%swap3A_106] {strides = array<i32>} : memref<256xi32, #tpu.memory_space<vmem>>, vector<16xi32>,
      tpu.vector_store %arg9[%swap3A_106], %get3A_105 {strides = array<i32>} : memref<256xi32, #tpu.memory_space<vmem>>, vector<16xi32>,
      %get3A_108 = arith.index_cast %scan3A_59 : i32 to index
      %get3A_109 = arith.constant 80 : index
      %get3A_110 = tpu.vector_load %arg6[%get3A_108, %get3A_109] {strides = array<i32>} : memref<8x256xi32, #tpu.memory_space<vmem>>, vector<16xi32>,
      %swap3A_111 = arith.constant 80 : index
      %swap3A_112 = tpu.vector_load %arg8[%swap3A_111] {strides = array<i32>} : memref<256xi32, #tpu.memory_space<vmem>>, vector<16xi32>,
      tpu.vector_store %arg8[%swap3A_111], %get3A_110 {strides = array<i32>} : memref<256xi32, #tpu.memory_space<vmem>>, vector<16xi32>,
      %get3A_113 = arith.index_cast %scan3A_59 : i32 to index
      %get3A_114 = arith.constant 80 : index
      %get3A_115 = tpu.vector_load %arg7[%get3A_113, %get3A_114] {strides = array<i32>} : memref<8x256xi32, #tpu.memory_space<vmem>>, vector<16xi32>,
      %swap3A_116 = arith.constant 80 : index
      %swap3A_117 = tpu.vector_load %arg9[%swap3A_116] {strides = array<i32>} : memref<256xi32, #tpu.memory_space<vmem>>, vector<16xi32>,
      tpu.vector_store %arg9[%swap3A_116], %get3A_115 {strides = array<i32>} : memref<256xi32, #tpu.memory_space<vmem>>, vector<16xi32>,
      %get3A_118 = arith.index_cast %scan3A_59 : i32 to index
      %get3A_119 = arith.constant 96 : index
      %get3A_120 = tpu.vector_load %arg6[%get3A_118, %get3A_119] {strides = array<i32>} : memref<8x256xi32, #tpu.memory_space<vmem>>, vector<16xi32>,
      %swap3A_121 = arith.constant 96 : index
      %swap3A_122 = tpu.vector_load %arg8[%swap3A_121] {strides = array<i32>} : memref<256xi32, #tpu.memory_space<vmem>>, vector<16xi32>,
      tpu.vector_store %arg8[%swap3A_121], %get3A_120 {strides = array<i32>} : memref<256xi32, #tpu.memory_space<vmem>>, vector<16xi32>,
      %get3A_123 = arith.index_cast %scan3A_59 : i32 to index
      %get3A_124 = arith.constant 96 : index
      %get3A_125 = tpu.vector_load %arg7[%get3A_123, %get3A_124] {strides = array<i32>} : memref<8x256xi32, #tpu.memory_space<vmem>>, vector<16xi32>,
      %swap3A_126 = arith.constant 96 : index
      %swap3A_127 = tpu.vector_load %arg9[%swap3A_126] {strides = array<i32>} : memref<256xi32, #tpu.memory_space<vmem>>, vector<16xi32>,
      tpu.vector_store %arg9[%swap3A_126], %get3A_125 {strides = array<i32>} : memref<256xi32, #tpu.memory_space<vmem>>, vector<16xi32>,
      %get3A_128 = arith.index_cast %scan3A_59 : i32 to index
      %get3A_129 = arith.constant 112 : index
      %get3A_130 = tpu.vector_load %arg6[%get3A_128, %get3A_129] {strides = array<i32>} : memref<8x256xi32, #tpu.memory_space<vmem>>, vector<16xi32>,
      %swap3A_131 = arith.constant 112 : index
      %swap3A_132 = tpu.vector_load %arg8[%swap3A_131] {strides = array<i32>} : memref<256xi32, #tpu.memory_space<vmem>>, vector<16xi32>,
      tpu.vector_store %arg8[%swap3A_131], %get3A_130 {strides = array<i32>} : memref<256xi32, #tpu.memory_space<vmem>>, vector<16xi32>,
      %get3A_133 = arith.index_cast %scan3A_59 : i32 to index
      %get3A_134 = arith.constant 112 : index
      %get3A_135 = tpu.vector_load %arg7[%get3A_133, %get3A_134] {strides = array<i32>} : memref<8x256xi32, #tpu.memory_space<vmem>>, vector<16xi32>,
      %swap3A_136 = arith.constant 112 : index
      %swap3A_137 = tpu.vector_load %arg9[%swap3A_136] {strides = array<i32>} : memref<256xi32, #tpu.memory_space<vmem>>, vector<16xi32>,
      tpu.vector_store %arg9[%swap3A_136], %get3A_135 {strides = array<i32>} : memref<256xi32, #tpu.memory_space<vmem>>, vector<16xi32>,
      %get3A_138 = arith.index_cast %scan3A_59 : i32 to index
      %get3A_139 = arith.constant 128 : index
      %get3A_140 = tpu.vector_load %arg6[%get3A_138, %get3A_139] {strides = array<i32>} : memref<8x256xi32, #tpu.memory_space<vmem>>, vector<16xi32>,
      %swap3A_141 = arith.constant 128 : index
      %swap3A_142 = tpu.vector_load %arg8[%swap3A_141] {strides = array<i32>} : memref<256xi32, #tpu.memory_space<vmem>>, vector<16xi32>,
      tpu.vector_store %arg8[%swap3A_141], %get3A_140 {strides = array<i32>} : memref<256xi32, #tpu.memory_space<vmem>>, vector<16xi32>,
      %get3A_143 = arith.index_cast %scan3A_59 : i32 to index
      %get3A_144 = arith.constant 128 : index
      %get3A_145 = tpu.vector_load %arg7[%get3A_143, %get3A_144] {strides = array<i32>} : memref<8x256xi32, #tpu.memory_space<vmem>>, vector<16xi32>,
      %swap3A_146 = arith.constant 128 : index
      %swap3A_147 = tpu.vector_load %arg9[%swap3A_146] {strides = array<i32>} : memref<256xi32, #tpu.memory_space<vmem>>, vector<16xi32>,
      tpu.vector_store %arg9[%swap3A_146], %get3A_145 {strides = array<i32>} : memref<256xi32, #tpu.memory_space<vmem>>, vector<16xi32>,
      %get3A_148 = arith.index_cast %scan3A_59 : i32 to index
      %get3A_149 = arith.constant 144 : index
      %get3A_150 = tpu.vector_load %arg6[%get3A_148, %get3A_149] {strides = array<i32>} : memref<8x256xi32, #tpu.memory_space<vmem>>, vector<16xi32>,
      %swap3A_151 = arith.constant 144 : index
      %swap3A_152 = tpu.vector_load %arg8[%swap3A_151] {strides = array<i32>} : memref<256xi32, #tpu.memory_space<vmem>>, vector<16xi32>,
      tpu.vector_store %arg8[%swap3A_151], %get3A_150 {strides = array<i32>} : memref<256xi32, #tpu.memory_space<vmem>>, vector<16xi32>,
      %get3A_153 = arith.index_cast %scan3A_59 : i32 to index
      %get3A_154 = arith.constant 144 : index
      %get3A_155 = tpu.vector_load %arg7[%get3A_153, %get3A_154] {strides = array<i32>} : memref<8x256xi32, #tpu.memory_space<vmem>>, vector<16xi32>,
      %swap3A_156 = arith.constant 144 : index
      %swap3A_157 = tpu.vector_load %arg9[%swap3A_156] {strides = array<i32>} : memref<256xi32, #tpu.memory_space<vmem>>, vector<16xi32>,
      tpu.vector_store %arg9[%swap3A_156], %get3A_155 {strides = array<i32>} : memref<256xi32, #tpu.memory_space<vmem>>, vector<16xi32>,
      %get3A_158 = arith.index_cast %scan3A_59 : i32 to index
      %get3A_159 = arith.constant 160 : index
      %get3A_160 = tpu.vector_load %arg6[%get3A_158, %get3A_159] {strides = array<i32>} : memref<8x256xi32, #tpu.memory_space<vmem>>, vector<16xi32>,
      %swap3A_161 = arith.constant 160 : index
      %swap3A_162 = tpu.vector_load %arg8[%swap3A_161] {strides = array<i32>} : memref<256xi32, #tpu.memory_space<vmem>>, vector<16xi32>,
      tpu.vector_store %arg8[%swap3A_161], %get3A_160 {strides = array<i32>} : memref<256xi32, #tpu.memory_space<vmem>>, vector<16xi32>,
      %get3A_163 = arith.index_cast %scan3A_59 : i32 to index
      %get3A_164 = arith.constant 160 : index
      %get3A_165 = tpu.vector_load %arg7[%get3A_163, %get3A_164] {strides = array<i32>} : memref<8x256xi32, #tpu.memory_space<vmem>>, vector<16xi32>,
      %swap3A_166 = arith.constant 160 : index
      %swap3A_167 = tpu.vector_load %arg9[%swap3A_166] {strides = array<i32>} : memref<256xi32, #tpu.memory_space<vmem>>, vector<16xi32>,
      tpu.vector_store %arg9[%swap3A_166], %get3A_165 {strides = array<i32>} : memref<256xi32, #tpu.memory_space<vmem>>, vector<16xi32>,
      %get3A_168 = arith.index_cast %scan3A_59 : i32 to index
      %get3A_169 = arith.constant 176 : index
      %get3A_170 = tpu.vector_load %arg6[%get3A_168, %get3A_169] {strides = array<i32>} : memref<8x256xi32, #tpu.memory_space<vmem>>, vector<16xi32>,
      %swap3A_171 = arith.constant 176 : index
      %swap3A_172 = tpu.vector_load %arg8[%swap3A_171] {strides = array<i32>} : memref<256xi32, #tpu.memory_space<vmem>>, vector<16xi32>,
      tpu.vector_store %arg8[%swap3A_171], %get3A_170 {strides = array<i32>} : memref<256xi32, #tpu.memory_space<vmem>>, vector<16xi32>,
      %get3A_173 = arith.index_cast %scan3A_59 : i32 to index
      %get3A_174 = arith.constant 176 : index
      %get3A_175 = tpu.vector_load %arg7[%get3A_173, %get3A_174] {strides = array<i32>} : memref<8x256xi32, #tpu.memory_space<vmem>>, vector<16xi32>,
      %swap3A_176 = arith.constant 176 : index
      %swap3A_177 = tpu.vector_load %arg9[%swap3A_176] {strides = array<i32>} : memref<256xi32, #tpu.memory_space<vmem>>, vector<16xi32>,
      tpu.vector_store %arg9[%swap3A_176], %get3A_175 {strides = array<i32>} : memref<256xi32, #tpu.memory_space<vmem>>, vector<16xi32>,
      %get3A_178 = arith.index_cast %scan3A_59 : i32 to index
      %get3A_179 = arith.constant 192 : index
      %get3A_180 = tpu.vector_load %arg6[%get3A_178, %get3A_179] {strides = array<i32>} : memref<8x256xi32, #tpu.memory_space<vmem>>, vector<16xi32>,
      %swap3A_181 = arith.constant 192 : index
      %swap3A_182 = tpu.vector_load %arg8[%swap3A_181] {strides = array<i32>} : memref<256xi32, #tpu.memory_space<vmem>>, vector<16xi32>,
      tpu.vector_store %arg8[%swap3A_181], %get3A_180 {strides = array<i32>} : memref<256xi32, #tpu.memory_space<vmem>>, vector<16xi32>,
      %get3A_183 = arith.index_cast %scan3A_59 : i32 to index
      %get3A_184 = arith.constant 192 : index
      %get3A_185 = tpu.vector_load %arg7[%get3A_183, %get3A_184] {strides = array<i32>} : memref<8x256xi32, #tpu.memory_space<vmem>>, vector<16xi32>,
      %swap3A_186 = arith.constant 192 : index
      %swap3A_187 = tpu.vector_load %arg9[%swap3A_186] {strides = array<i32>} : memref<256xi32, #tpu.memory_space<vmem>>, vector<16xi32>,
      tpu.vector_store %arg9[%swap3A_186], %get3A_185 {strides = array<i32>} : memref<256xi32, #tpu.memory_space<vmem>>, vector<16xi32>,
      %get3A_188 = arith.index_cast %scan3A_59 : i32 to index
      %get3A_189 = arith.constant 208 : index
      %get3A_190 = tpu.vector_load %arg6[%get3A_188, %get3A_189] {strides = array<i32>} : memref<8x256xi32, #tpu.memory_space<vmem>>, vector<16xi32>,
      %swap3A_191 = arith.constant 208 : index
      %swap3A_192 = tpu.vector_load %arg8[%swap3A_191] {strides = array<i32>} : memref<256xi32, #tpu.memory_space<vmem>>, vector<16xi32>,
      tpu.vector_store %arg8[%swap3A_191], %get3A_190 {strides = array<i32>} : memref<256xi32, #tpu.memory_space<vmem>>, vector<16xi32>,
      %get3A_193 = arith.index_cast %scan3A_59 : i32 to index
      %get3A_194 = arith.constant 208 : index
      %get3A_195 = tpu.vector_load %arg7[%get3A_193, %get3A_194] {strides = array<i32>} : memref<8x256xi32, #tpu.memory_space<vmem>>, vector<16xi32>,
      %swap3A_196 = arith.constant 208 : index
      %swap3A_197 = tpu.vector_load %arg9[%swap3A_196] {strides = array<i32>} : memref<256xi32, #tpu.memory_space<vmem>>, vector<16xi32>,
      tpu.vector_store %arg9[%swap3A_196], %get3A_195 {strides = array<i32>} : memref<256xi32, #tpu.memory_space<vmem>>, vector<16xi32>,
      %get3A_198 = arith.index_cast %scan3A_59 : i32 to index
      %get3A_199 = arith.constant 224 : index
      %get3A_200 = tpu.vector_load %arg6[%get3A_198, %get3A_199] {strides = array<i32>} : memref<8x256xi32, #tpu.memory_space<vmem>>, vector<16xi32>,
      %swap3A_201 = arith.constant 224 : index
      %swap3A_202 = tpu.vector_load %arg8[%swap3A_201] {strides = array<i32>} : memref<256xi32, #tpu.memory_space<vmem>>, vector<16xi32>,
      tpu.vector_store %arg8[%swap3A_201], %get3A_200 {strides = array<i32>} : memref<256xi32, #tpu.memory_space<vmem>>, vector<16xi32>,
      %get3A_203 = arith.index_cast %scan3A_59 : i32 to index
      %get3A_204 = arith.constant 224 : index
      %get3A_205 = tpu.vector_load %arg7[%get3A_203, %get3A_204] {strides = array<i32>} : memref<8x256xi32, #tpu.memory_space<vmem>>, vector<16xi32>,
      %swap3A_206 = arith.constant 224 : index
      %swap3A_207 = tpu.vector_load %arg9[%swap3A_206] {strides = array<i32>} : memref<256xi32, #tpu.memory_space<vmem>>, vector<16xi32>,
      tpu.vector_store %arg9[%swap3A_206], %get3A_205 {strides = array<i32>} : memref<256xi32, #tpu.memory_space<vmem>>, vector<16xi32>,
      %get3A_208 = arith.index_cast %scan3A_59 : i32 to index
      %get3A_209 = arith.constant 240 : index
      %get3A_210 = tpu.vector_load %arg6[%get3A_208, %get3A_209] {strides = array<i32>} : memref<8x256xi32, #tpu.memory_space<vmem>>, vector<16xi32>,
      %swap3A_211 = arith.constant 240 : index
      %swap3A_212 = tpu.vector_load %arg8[%swap3A_211] {strides = array<i32>} : memref<256xi32, #tpu.memory_space<vmem>>, vector<16xi32>,
      tpu.vector_store %arg8[%swap3A_211], %get3A_210 {strides = array<i32>} : memref<256xi32, #tpu.memory_space<vmem>>, vector<16xi32>,
      %get3A_213 = arith.index_cast %scan3A_59 : i32 to index
      %get3A_214 = arith.constant 240 : index
      %get3A_215 = tpu.vector_load %arg7[%get3A_213, %get3A_214] {strides = array<i32>} : memref<8x256xi32, #tpu.memory_space<vmem>>, vector<16xi32>,
      %swap3A_216 = arith.constant 240 : index
      %swap3A_217 = tpu.vector_load %arg9[%swap3A_216] {strides = array<i32>} : memref<256xi32, #tpu.memory_space<vmem>>, vector<16xi32>,
      tpu.vector_store %arg9[%swap3A_216], %get3A_215 {strides = array<i32>} : memref<256xi32, #tpu.memory_space<vmem>>, vector<16xi32>,
      %dma_start3A = arith.constant 0 : i32
      %dma_start3A_218 = arith.constant 0 : i32
      %dma_start3A_219 = tpu.memref_slice %arg2[%dma_start3A, %dma_start3A_218] : memref<10240x128xf32, #tpu.memory_space<hbm>> -> memref<10240x128xf32, #tpu.memory_space<hbm>>
      tpu.enqueue_indirect_dma source(%dma_start3A_219 : memref<10240x128xf32, #tpu.memory_space<hbm>>) target(%arg10 : memref<256x128xf32, #tpu.memory_space<vmem>>) offsets(%arg8 : memref<256xi32, #tpu.memory_space<vmem>>) semaphore(%arg11 : memref<!tpu.dma_semaphore, #tpu.memory_space<semaphore_mem>>)
      %dma_wait3A = arith.constant 0 : i32
      %dma_wait3A_220 = arith.constant 0 : i32
      %dma_wait3A_221 = tpu.memref_slice %arg2[%dma_wait3A, %dma_wait3A_220] : memref<10240x128xf32, #tpu.memory_space<hbm>> -> memref<10240x128xf32, #tpu.memory_space<hbm>>
      tpu.wait_indirect_dma semaphore(%arg11 : memref<!tpu.dma_semaphore, #tpu.memory_space<semaphore_mem>>) src(%dma_wait3A_221 : memref<10240x128xf32, #tpu.memory_space<hbm>>) dst(%arg10 : memref<256x128xf32, #tpu.memory_space<vmem>>)
      "tpu.region"() ({
        %run_scoped3A = tpu.sem_alloc : memref<!tpu.dma_semaphore, #tpu.memory_space<semaphore_mem>>
        %dma_start3A_222 = arith.constant 0 : i32
        %dma_start3A_223 = arith.constant 0 : i32
        %dma_start3A_224 = tpu.memref_slice %arg12[%dma_start3A_222, %dma_start3A_223] : memref<10240x128xf32, #tpu.memory_space<vmem_shared>> -> memref<10240x128xf32, #tpu.memory_space<vmem_shared>>
        tpu.enqueue_indirect_dma source(%arg10 : memref<256x128xf32, #tpu.memory_space<vmem>>) target(%dma_start3A_224 : memref<10240x128xf32, #tpu.memory_space<vmem_shared>>) offsets(%arg9 : memref<256xi32, #tpu.memory_space<vmem>>) semaphore(%run_scoped3A : memref<!tpu.dma_semaphore, #tpu.memory_space<semaphore_mem>>) {add = true}
        %dma_wait3A_225 = arith.constant 0 : i32
        %dma_wait3A_226 = arith.constant 0 : i32
        %dma_wait3A_227 = tpu.memref_slice %arg12[%dma_wait3A_225, %dma_wait3A_226] : memref<10240x128xf32, #tpu.memory_space<vmem_shared>> -> memref<10240x128xf32, #tpu.memory_space<vmem_shared>>
        tpu.wait_indirect_dma semaphore(%run_scoped3A : memref<!tpu.dma_semaphore, #tpu.memory_space<semaphore_mem>>) src(%arg10 : memref<256x128xf32, #tpu.memory_space<vmem>>) dst(%dma_wait3A_227 : memref<10240x128xf32, #tpu.memory_space<vmem_shared>>)
        tpu.yield
      }) : () -> ()
    }
    %scan3A_35 = arith.constant 8 : i32
    "tpu.region"() ({
      %run_scoped3A = tpu.sem_alloc : memref<!tpu.dma_semaphore, #tpu.memory_space<semaphore_mem>>
      %dma_start3A = arith.constant 16 : i32
      %dma_start3A_59 = arith.constant 0 : i32
      %dma_start3A_60 = tpu.memref_slice %arg3[%arg0, %arg1, %dma_start3A, %dma_start3A_59] : memref<2x16x40x256xi32, #tpu.memory_space<hbm>> -> memref<1x1x8x256xi32, #tpu.memory_space<hbm>>
      %dma_start3A_61 = tpu.memref_squeeze %dma_start3A_60 : memref<1x1x8x256xi32, #tpu.memory_space<hbm>> -> memref<8x256xi32, #tpu.memory_space<hbm>>
      %dma_start3A_62 = arith.constant 16 : i32
      %dma_start3A_63 = arith.constant 0 : i32
      %dma_start3A_64 = tpu.memref_slice %arg3[%arg0, %arg1, %dma_start3A_62, %dma_start3A_63] : memref<2x16x40x256xi32, #tpu.memory_space<hbm>> -> memref<1x1x8x256xi32, #tpu.memory_space<hbm>>
      %dma_start3A_65 = tpu.memref_squeeze %dma_start3A_64 : memref<1x1x8x256xi32, #tpu.memory_space<hbm>> -> memref<8x256xi32, #tpu.memory_space<hbm>>
      tpu.enqueue_dma source(%dma_start3A_65 : memref<8x256xi32, #tpu.memory_space<hbm>>) target(%arg6 : memref<8x256xi32, #tpu.memory_space<vmem>>) target_semaphore(%run_scoped3A : memref<!tpu.dma_semaphore, #tpu.memory_space<semaphore_mem>>)
      %dma_wait3A = arith.constant 16 : i32
      %dma_wait3A_66 = arith.constant 0 : i32
      %dma_wait3A_67 = tpu.memref_slice %arg3[%arg0, %arg1, %dma_wait3A, %dma_wait3A_66] : memref<2x16x40x256xi32, #tpu.memory_space<hbm>> -> memref<1x1x8x256xi32, #tpu.memory_space<hbm>>
      %dma_wait3A_68 = tpu.memref_squeeze %dma_wait3A_67 : memref<1x1x8x256xi32, #tpu.memory_space<hbm>> -> memref<8x256xi32, #tpu.memory_space<hbm>>
      %dma_wait3A_69 = arith.constant 16 : i32
      %dma_wait3A_70 = arith.constant 0 : i32
      %dma_wait3A_71 = tpu.memref_slice %arg3[%arg0, %arg1, %dma_wait3A_69, %dma_wait3A_70] : memref<2x16x40x256xi32, #tpu.memory_space<hbm>> -> memref<1x1x8x256xi32, #tpu.memory_space<hbm>>
      %dma_wait3A_72 = tpu.memref_squeeze %dma_wait3A_71 : memref<1x1x8x256xi32, #tpu.memory_space<hbm>> -> memref<8x256xi32, #tpu.memory_space<hbm>>
      tpu.wait_dma2 semaphore(%run_scoped3A : memref<!tpu.dma_semaphore, #tpu.memory_space<semaphore_mem>>) src(%dma_wait3A_72 : memref<8x256xi32, #tpu.memory_space<hbm>>) dst(%arg6 : memref<8x256xi32, #tpu.memory_space<vmem>>)
      tpu.yield
    }) : () -> ()
    "tpu.region"() ({
      %run_scoped3A = tpu.sem_alloc : memref<!tpu.dma_semaphore, #tpu.memory_space<semaphore_mem>>
      %dma_start3A = arith.constant 16 : i32
      %dma_start3A_59 = arith.constant 0 : i32
      %dma_start3A_60 = tpu.memref_slice %arg4[%arg0, %arg1, %dma_start3A, %dma_start3A_59] : memref<2x16x40x256xi32, #tpu.memory_space<hbm>> -> memref<1x1x8x256xi32, #tpu.memory_space<hbm>>
      %dma_start3A_61 = tpu.memref_squeeze %dma_start3A_60 : memref<1x1x8x256xi32, #tpu.memory_space<hbm>> -> memref<8x256xi32, #tpu.memory_space<hbm>>
      %dma_start3A_62 = arith.constant 16 : i32
      %dma_start3A_63 = arith.constant 0 : i32
      %dma_start3A_64 = tpu.memref_slice %arg4[%arg0, %arg1, %dma_start3A_62, %dma_start3A_63] : memref<2x16x40x256xi32, #tpu.memory_space<hbm>> -> memref<1x1x8x256xi32, #tpu.memory_space<hbm>>
      %dma_start3A_65 = tpu.memref_squeeze %dma_start3A_64 : memref<1x1x8x256xi32, #tpu.memory_space<hbm>> -> memref<8x256xi32, #tpu.memory_space<hbm>>
      tpu.enqueue_dma source(%dma_start3A_65 : memref<8x256xi32, #tpu.memory_space<hbm>>) target(%arg7 : memref<8x256xi32, #tpu.memory_space<vmem>>) target_semaphore(%run_scoped3A : memref<!tpu.dma_semaphore, #tpu.memory_space<semaphore_mem>>)
      %dma_wait3A = arith.constant 16 : i32
      %dma_wait3A_66 = arith.constant 0 : i32
      %dma_wait3A_67 = tpu.memref_slice %arg4[%arg0, %arg1, %dma_wait3A, %dma_wait3A_66] : memref<2x16x40x256xi32, #tpu.memory_space<hbm>> -> memref<1x1x8x256xi32, #tpu.memory_space<hbm>>
      %dma_wait3A_68 = tpu.memref_squeeze %dma_wait3A_67 : memref<1x1x8x256xi32, #tpu.memory_space<hbm>> -> memref<8x256xi32, #tpu.memory_space<hbm>>
      %dma_wait3A_69 = arith.constant 16 : i32
      %dma_wait3A_70 = arith.constant 0 : i32
      %dma_wait3A_71 = tpu.memref_slice %arg4[%arg0, %arg1, %dma_wait3A_69, %dma_wait3A_70] : memref<2x16x40x256xi32, #tpu.memory_space<hbm>> -> memref<1x1x8x256xi32, #tpu.memory_space<hbm>>
      %dma_wait3A_72 = tpu.memref_squeeze %dma_wait3A_71 : memref<1x1x8x256xi32, #tpu.memory_space<hbm>> -> memref<8x256xi32, #tpu.memory_space<hbm>>
      tpu.wait_dma2 semaphore(%run_scoped3A : memref<!tpu.dma_semaphore, #tpu.memory_space<semaphore_mem>>) src(%dma_wait3A_72 : memref<8x256xi32, #tpu.memory_space<hbm>>) dst(%arg7 : memref<8x256xi32, #tpu.memory_space<vmem>>)
      tpu.yield
    }) : () -> ()
    %scan3A_36 = arith.constant 0 : i32
    %scan3A_37 = arith.constant 0 : i32
    %scan3A_38 = arith.constant 8 : i32
    %scan3A_39 = arith.addi %scan3A_37, %scan3A_38 : i32
    %scan3A_40 = arith.constant 1 : i32
    scf.for %scan3A_59 = %scan3A_37 to %scan3A_39 step %scan3A_40  : i32 {
      %get3A = arith.index_cast %scan3A_59 : i32 to index
      %get3A_60 = arith.constant 0 : index
      %get3A_61 = tpu.vector_load %arg6[%get3A, %get3A_60] {strides = array<i32>} : memref<8x256xi32, #tpu.memory_space<vmem>>, vector<16xi32>,
      %swap3A = arith.constant 0 : index
      %swap3A_62 = tpu.vector_load %arg8[%swap3A] {strides = array<i32>} : memref<256xi32, #tpu.memory_space<vmem>>, vector<16xi32>,
      tpu.vector_store %arg8[%swap3A], %get3A_61 {strides = array<i32>} : memref<256xi32, #tpu.memory_space<vmem>>, vector<16xi32>,
      %get3A_63 = arith.index_cast %scan3A_59 : i32 to index
      %get3A_64 = arith.constant 0 : index
      %get3A_65 = tpu.vector_load %arg7[%get3A_63, %get3A_64] {strides = array<i32>} : memref<8x256xi32, #tpu.memory_space<vmem>>, vector<16xi32>,
      %swap3A_66 = arith.constant 0 : index
      %swap3A_67 = tpu.vector_load %arg9[%swap3A_66] {strides = array<i32>} : memref<256xi32, #tpu.memory_space<vmem>>, vector<16xi32>,
      tpu.vector_store %arg9[%swap3A_66], %get3A_65 {strides = array<i32>} : memref<256xi32, #tpu.memory_space<vmem>>, vector<16xi32>,
      %get3A_68 = arith.index_cast %scan3A_59 : i32 to index
      %get3A_69 = arith.constant 16 : index
      %get3A_70 = tpu.vector_load %arg6[%get3A_68, %get3A_69] {strides = array<i32>} : memref<8x256xi32, #tpu.memory_space<vmem>>, vector<16xi32>,
      %swap3A_71 = arith.constant 16 : index
      %swap3A_72 = tpu.vector_load %arg8[%swap3A_71] {strides = array<i32>} : memref<256xi32, #tpu.memory_space<vmem>>, vector<16xi32>,
      tpu.vector_store %arg8[%swap3A_71], %get3A_70 {strides = array<i32>} : memref<256xi32, #tpu.memory_space<vmem>>, vector<16xi32>,
      %get3A_73 = arith.index_cast %scan3A_59 : i32 to index
      %get3A_74 = arith.constant 16 : index
      %get3A_75 = tpu.vector_load %arg7[%get3A_73, %get3A_74] {strides = array<i32>} : memref<8x256xi32, #tpu.memory_space<vmem>>, vector<16xi32>,
      %swap3A_76 = arith.constant 16 : index
      %swap3A_77 = tpu.vector_load %arg9[%swap3A_76] {strides = array<i32>} : memref<256xi32, #tpu.memory_space<vmem>>, vector<16xi32>,
      tpu.vector_store %arg9[%swap3A_76], %get3A_75 {strides = array<i32>} : memref<256xi32, #tpu.memory_space<vmem>>, vector<16xi32>,
      %get3A_78 = arith.index_cast %scan3A_59 : i32 to index
      %get3A_79 = arith.constant 32 : index
      %get3A_80 = tpu.vector_load %arg6[%get3A_78, %get3A_79] {strides = array<i32>} : memref<8x256xi32, #tpu.memory_space<vmem>>, vector<16xi32>,
      %swap3A_81 = arith.constant 32 : index
      %swap3A_82 = tpu.vector_load %arg8[%swap3A_81] {strides = array<i32>} : memref<256xi32, #tpu.memory_space<vmem>>, vector<16xi32>,
      tpu.vector_store %arg8[%swap3A_81], %get3A_80 {strides = array<i32>} : memref<256xi32, #tpu.memory_space<vmem>>, vector<16xi32>,
      %get3A_83 = arith.index_cast %scan3A_59 : i32 to index
      %get3A_84 = arith.constant 32 : index
      %get3A_85 = tpu.vector_load %arg7[%get3A_83, %get3A_84] {strides = array<i32>} : memref<8x256xi32, #tpu.memory_space<vmem>>, vector<16xi32>,
      %swap3A_86 = arith.constant 32 : index
      %swap3A_87 = tpu.vector_load %arg9[%swap3A_86] {strides = array<i32>} : memref<256xi32, #tpu.memory_space<vmem>>, vector<16xi32>,
      tpu.vector_store %arg9[%swap3A_86], %get3A_85 {strides = array<i32>} : memref<256xi32, #tpu.memory_space<vmem>>, vector<16xi32>,
      %get3A_88 = arith.index_cast %scan3A_59 : i32 to index
      %get3A_89 = arith.constant 48 : index
      %get3A_90 = tpu.vector_load %arg6[%get3A_88, %get3A_89] {strides = array<i32>} : memref<8x256xi32, #tpu.memory_space<vmem>>, vector<16xi32>,
      %swap3A_91 = arith.constant 48 : index
      %swap3A_92 = tpu.vector_load %arg8[%swap3A_91] {strides = array<i32>} : memref<256xi32, #tpu.memory_space<vmem>>, vector<16xi32>,
      tpu.vector_store %arg8[%swap3A_91], %get3A_90 {strides = array<i32>} : memref<256xi32, #tpu.memory_space<vmem>>, vector<16xi32>,
      %get3A_93 = arith.index_cast %scan3A_59 : i32 to index
      %get3A_94 = arith.constant 48 : index
      %get3A_95 = tpu.vector_load %arg7[%get3A_93, %get3A_94] {strides = array<i32>} : memref<8x256xi32, #tpu.memory_space<vmem>>, vector<16xi32>,
      %swap3A_96 = arith.constant 48 : index
      %swap3A_97 = tpu.vector_load %arg9[%swap3A_96] {strides = array<i32>} : memref<256xi32, #tpu.memory_space<vmem>>, vector<16xi32>,
      tpu.vector_store %arg9[%swap3A_96], %get3A_95 {strides = array<i32>} : memref<256xi32, #tpu.memory_space<vmem>>, vector<16xi32>,
      %get3A_98 = arith.index_cast %scan3A_59 : i32 to index
      %get3A_99 = arith.constant 64 : index
      %get3A_100 = tpu.vector_load %arg6[%get3A_98, %get3A_99] {strides = array<i32>} : memref<8x256xi32, #tpu.memory_space<vmem>>, vector<16xi32>,
      %swap3A_101 = arith.constant 64 : index
      %swap3A_102 = tpu.vector_load %arg8[%swap3A_101] {strides = array<i32>} : memref<256xi32, #tpu.memory_space<vmem>>, vector<16xi32>,
      tpu.vector_store %arg8[%swap3A_101], %get3A_100 {strides = array<i32>} : memref<256xi32, #tpu.memory_space<vmem>>, vector<16xi32>,
      %get3A_103 = arith.index_cast %scan3A_59 : i32 to index
      %get3A_104 = arith.constant 64 : index
      %get3A_105 = tpu.vector_load %arg7[%get3A_103, %get3A_104] {strides = array<i32>} : memref<8x256xi32, #tpu.memory_space<vmem>>, vector<16xi32>,
      %swap3A_106 = arith.constant 64 : index
      %swap3A_107 = tpu.vector_load %arg9[%swap3A_106] {strides = array<i32>} : memref<256xi32, #tpu.memory_space<vmem>>, vector<16xi32>,
      tpu.vector_store %arg9[%swap3A_106], %get3A_105 {strides = array<i32>} : memref<256xi32, #tpu.memory_space<vmem>>, vector<16xi32>,
      %get3A_108 = arith.index_cast %scan3A_59 : i32 to index
      %get3A_109 = arith.constant 80 : index
      %get3A_110 = tpu.vector_load %arg6[%get3A_108, %get3A_109] {strides = array<i32>} : memref<8x256xi32, #tpu.memory_space<vmem>>, vector<16xi32>,
      %swap3A_111 = arith.constant 80 : index
      %swap3A_112 = tpu.vector_load %arg8[%swap3A_111] {strides = array<i32>} : memref<256xi32, #tpu.memory_space<vmem>>, vector<16xi32>,
      tpu.vector_store %arg8[%swap3A_111], %get3A_110 {strides = array<i32>} : memref<256xi32, #tpu.memory_space<vmem>>, vector<16xi32>,
      %get3A_113 = arith.index_cast %scan3A_59 : i32 to index
      %get3A_114 = arith.constant 80 : index
      %get3A_115 = tpu.vector_load %arg7[%get3A_113, %get3A_114] {strides = array<i32>} : memref<8x256xi32, #tpu.memory_space<vmem>>, vector<16xi32>,
      %swap3A_116 = arith.constant 80 : index
      %swap3A_117 = tpu.vector_load %arg9[%swap3A_116] {strides = array<i32>} : memref<256xi32, #tpu.memory_space<vmem>>, vector<16xi32>,
      tpu.vector_store %arg9[%swap3A_116], %get3A_115 {strides = array<i32>} : memref<256xi32, #tpu.memory_space<vmem>>, vector<16xi32>,
      %get3A_118 = arith.index_cast %scan3A_59 : i32 to index
      %get3A_119 = arith.constant 96 : index
      %get3A_120 = tpu.vector_load %arg6[%get3A_118, %get3A_119] {strides = array<i32>} : memref<8x256xi32, #tpu.memory_space<vmem>>, vector<16xi32>,
      %swap3A_121 = arith.constant 96 : index
      %swap3A_122 = tpu.vector_load %arg8[%swap3A_121] {strides = array<i32>} : memref<256xi32, #tpu.memory_space<vmem>>, vector<16xi32>,
      tpu.vector_store %arg8[%swap3A_121], %get3A_120 {strides = array<i32>} : memref<256xi32, #tpu.memory_space<vmem>>, vector<16xi32>,
      %get3A_123 = arith.index_cast %scan3A_59 : i32 to index
      %get3A_124 = arith.constant 96 : index
      %get3A_125 = tpu.vector_load %arg7[%get3A_123, %get3A_124] {strides = array<i32>} : memref<8x256xi32, #tpu.memory_space<vmem>>, vector<16xi32>,
      %swap3A_126 = arith.constant 96 : index
      %swap3A_127 = tpu.vector_load %arg9[%swap3A_126] {strides = array<i32>} : memref<256xi32, #tpu.memory_space<vmem>>, vector<16xi32>,
      tpu.vector_store %arg9[%swap3A_126], %get3A_125 {strides = array<i32>} : memref<256xi32, #tpu.memory_space<vmem>>, vector<16xi32>,
      %get3A_128 = arith.index_cast %scan3A_59 : i32 to index
      %get3A_129 = arith.constant 112 : index
      %get3A_130 = tpu.vector_load %arg6[%get3A_128, %get3A_129] {strides = array<i32>} : memref<8x256xi32, #tpu.memory_space<vmem>>, vector<16xi32>,
      %swap3A_131 = arith.constant 112 : index
      %swap3A_132 = tpu.vector_load %arg8[%swap3A_131] {strides = array<i32>} : memref<256xi32, #tpu.memory_space<vmem>>, vector<16xi32>,
      tpu.vector_store %arg8[%swap3A_131], %get3A_130 {strides = array<i32>} : memref<256xi32, #tpu.memory_space<vmem>>, vector<16xi32>,
      %get3A_133 = arith.index_cast %scan3A_59 : i32 to index
      %get3A_134 = arith.constant 112 : index
      %get3A_135 = tpu.vector_load %arg7[%get3A_133, %get3A_134] {strides = array<i32>} : memref<8x256xi32, #tpu.memory_space<vmem>>, vector<16xi32>,
      %swap3A_136 = arith.constant 112 : index
      %swap3A_137 = tpu.vector_load %arg9[%swap3A_136] {strides = array<i32>} : memref<256xi32, #tpu.memory_space<vmem>>, vector<16xi32>,
      tpu.vector_store %arg9[%swap3A_136], %get3A_135 {strides = array<i32>} : memref<256xi32, #tpu.memory_space<vmem>>, vector<16xi32>,
      %get3A_138 = arith.index_cast %scan3A_59 : i32 to index
      %get3A_139 = arith.constant 128 : index
      %get3A_140 = tpu.vector_load %arg6[%get3A_138, %get3A_139] {strides = array<i32>} : memref<8x256xi32, #tpu.memory_space<vmem>>, vector<16xi32>,
      %swap3A_141 = arith.constant 128 : index
      %swap3A_142 = tpu.vector_load %arg8[%swap3A_141] {strides = array<i32>} : memref<256xi32, #tpu.memory_space<vmem>>, vector<16xi32>,
      tpu.vector_store %arg8[%swap3A_141], %get3A_140 {strides = array<i32>} : memref<256xi32, #tpu.memory_space<vmem>>, vector<16xi32>,
      %get3A_143 = arith.index_cast %scan3A_59 : i32 to index
      %get3A_144 = arith.constant 128 : index
      %get3A_145 = tpu.vector_load %arg7[%get3A_143, %get3A_144] {strides = array<i32>} : memref<8x256xi32, #tpu.memory_space<vmem>>, vector<16xi32>,
      %swap3A_146 = arith.constant 128 : index
      %swap3A_147 = tpu.vector_load %arg9[%swap3A_146] {strides = array<i32>} : memref<256xi32, #tpu.memory_space<vmem>>, vector<16xi32>,
      tpu.vector_store %arg9[%swap3A_146], %get3A_145 {strides = array<i32>} : memref<256xi32, #tpu.memory_space<vmem>>, vector<16xi32>,
      %get3A_148 = arith.index_cast %scan3A_59 : i32 to index
      %get3A_149 = arith.constant 144 : index
      %get3A_150 = tpu.vector_load %arg6[%get3A_148, %get3A_149] {strides = array<i32>} : memref<8x256xi32, #tpu.memory_space<vmem>>, vector<16xi32>,
      %swap3A_151 = arith.constant 144 : index
      %swap3A_152 = tpu.vector_load %arg8[%swap3A_151] {strides = array<i32>} : memref<256xi32, #tpu.memory_space<vmem>>, vector<16xi32>,
      tpu.vector_store %arg8[%swap3A_151], %get3A_150 {strides = array<i32>} : memref<256xi32, #tpu.memory_space<vmem>>, vector<16xi32>,
      %get3A_153 = arith.index_cast %scan3A_59 : i32 to index
      %get3A_154 = arith.constant 144 : index
      %get3A_155 = tpu.vector_load %arg7[%get3A_153, %get3A_154] {strides = array<i32>} : memref<8x256xi32, #tpu.memory_space<vmem>>, vector<16xi32>,
      %swap3A_156 = arith.constant 144 : index
      %swap3A_157 = tpu.vector_load %arg9[%swap3A_156] {strides = array<i32>} : memref<256xi32, #tpu.memory_space<vmem>>, vector<16xi32>,
      tpu.vector_store %arg9[%swap3A_156], %get3A_155 {strides = array<i32>} : memref<256xi32, #tpu.memory_space<vmem>>, vector<16xi32>,
      %get3A_158 = arith.index_cast %scan3A_59 : i32 to index
      %get3A_159 = arith.constant 160 : index
      %get3A_160 = tpu.vector_load %arg6[%get3A_158, %get3A_159] {strides = array<i32>} : memref<8x256xi32, #tpu.memory_space<vmem>>, vector<16xi32>,
      %swap3A_161 = arith.constant 160 : index
      %swap3A_162 = tpu.vector_load %arg8[%swap3A_161] {strides = array<i32>} : memref<256xi32, #tpu.memory_space<vmem>>, vector<16xi32>,
      tpu.vector_store %arg8[%swap3A_161], %get3A_160 {strides = array<i32>} : memref<256xi32, #tpu.memory_space<vmem>>, vector<16xi32>,
      %get3A_163 = arith.index_cast %scan3A_59 : i32 to index
      %get3A_164 = arith.constant 160 : index
      %get3A_165 = tpu.vector_load %arg7[%get3A_163, %get3A_164] {strides = array<i32>} : memref<8x256xi32, #tpu.memory_space<vmem>>, vector<16xi32>,
      %swap3A_166 = arith.constant 160 : index
      %swap3A_167 = tpu.vector_load %arg9[%swap3A_166] {strides = array<i32>} : memref<256xi32, #tpu.memory_space<vmem>>, vector<16xi32>,
      tpu.vector_store %arg9[%swap3A_166], %get3A_165 {strides = array<i32>} : memref<256xi32, #tpu.memory_space<vmem>>, vector<16xi32>,
      %get3A_168 = arith.index_cast %scan3A_59 : i32 to index
      %get3A_169 = arith.constant 176 : index
      %get3A_170 = tpu.vector_load %arg6[%get3A_168, %get3A_169] {strides = array<i32>} : memref<8x256xi32, #tpu.memory_space<vmem>>, vector<16xi32>,
      %swap3A_171 = arith.constant 176 : index
      %swap3A_172 = tpu.vector_load %arg8[%swap3A_171] {strides = array<i32>} : memref<256xi32, #tpu.memory_space<vmem>>, vector<16xi32>,
      tpu.vector_store %arg8[%swap3A_171], %get3A_170 {strides = array<i32>} : memref<256xi32, #tpu.memory_space<vmem>>, vector<16xi32>,
      %get3A_173 = arith.index_cast %scan3A_59 : i32 to index
      %get3A_174 = arith.constant 176 : index
      %get3A_175 = tpu.vector_load %arg7[%get3A_173, %get3A_174] {strides = array<i32>} : memref<8x256xi32, #tpu.memory_space<vmem>>, vector<16xi32>,
      %swap3A_176 = arith.constant 176 : index
      %swap3A_177 = tpu.vector_load %arg9[%swap3A_176] {strides = array<i32>} : memref<256xi32, #tpu.memory_space<vmem>>, vector<16xi32>,
      tpu.vector_store %arg9[%swap3A_176], %get3A_175 {strides = array<i32>} : memref<256xi32, #tpu.memory_space<vmem>>, vector<16xi32>,
      %get3A_178 = arith.index_cast %scan3A_59 : i32 to index
      %get3A_179 = arith.constant 192 : index
      %get3A_180 = tpu.vector_load %arg6[%get3A_178, %get3A_179] {strides = array<i32>} : memref<8x256xi32, #tpu.memory_space<vmem>>, vector<16xi32>,
      %swap3A_181 = arith.constant 192 : index
      %swap3A_182 = tpu.vector_load %arg8[%swap3A_181] {strides = array<i32>} : memref<256xi32, #tpu.memory_space<vmem>>, vector<16xi32>,
      tpu.vector_store %arg8[%swap3A_181], %get3A_180 {strides = array<i32>} : memref<256xi32, #tpu.memory_space<vmem>>, vector<16xi32>,
      %get3A_183 = arith.index_cast %scan3A_59 : i32 to index
      %get3A_184 = arith.constant 192 : index
      %get3A_185 = tpu.vector_load %arg7[%get3A_183, %get3A_184] {strides = array<i32>} : memref<8x256xi32, #tpu.memory_space<vmem>>, vector<16xi32>,
      %swap3A_186 = arith.constant 192 : index
      %swap3A_187 = tpu.vector_load %arg9[%swap3A_186] {strides = array<i32>} : memref<256xi32, #tpu.memory_space<vmem>>, vector<16xi32>,
      tpu.vector_store %arg9[%swap3A_186], %get3A_185 {strides = array<i32>} : memref<256xi32, #tpu.memory_space<vmem>>, vector<16xi32>,
      %get3A_188 = arith.index_cast %scan3A_59 : i32 to index
      %get3A_189 = arith.constant 208 : index
      %get3A_190 = tpu.vector_load %arg6[%get3A_188, %get3A_189] {strides = array<i32>} : memref<8x256xi32, #tpu.memory_space<vmem>>, vector<16xi32>,
      %swap3A_191 = arith.constant 208 : index
      %swap3A_192 = tpu.vector_load %arg8[%swap3A_191] {strides = array<i32>} : memref<256xi32, #tpu.memory_space<vmem>>, vector<16xi32>,
      tpu.vector_store %arg8[%swap3A_191], %get3A_190 {strides = array<i32>} : memref<256xi32, #tpu.memory_space<vmem>>, vector<16xi32>,
      %get3A_193 = arith.index_cast %scan3A_59 : i32 to index
      %get3A_194 = arith.constant 208 : index
      %get3A_195 = tpu.vector_load %arg7[%get3A_193, %get3A_194] {strides = array<i32>} : memref<8x256xi32, #tpu.memory_space<vmem>>, vector<16xi32>,
      %swap3A_196 = arith.constant 208 : index
      %swap3A_197 = tpu.vector_load %arg9[%swap3A_196] {strides = array<i32>} : memref<256xi32, #tpu.memory_space<vmem>>, vector<16xi32>,
      tpu.vector_store %arg9[%swap3A_196], %get3A_195 {strides = array<i32>} : memref<256xi32, #tpu.memory_space<vmem>>, vector<16xi32>,
      %get3A_198 = arith.index_cast %scan3A_59 : i32 to index
      %get3A_199 = arith.constant 224 : index
      %get3A_200 = tpu.vector_load %arg6[%get3A_198, %get3A_199] {strides = array<i32>} : memref<8x256xi32, #tpu.memory_space<vmem>>, vector<16xi32>,
      %swap3A_201 = arith.constant 224 : index
      %swap3A_202 = tpu.vector_load %arg8[%swap3A_201] {strides = array<i32>} : memref<256xi32, #tpu.memory_space<vmem>>, vector<16xi32>,
      tpu.vector_store %arg8[%swap3A_201], %get3A_200 {strides = array<i32>} : memref<256xi32, #tpu.memory_space<vmem>>, vector<16xi32>,
      %get3A_203 = arith.index_cast %scan3A_59 : i32 to index
      %get3A_204 = arith.constant 224 : index
      %get3A_205 = tpu.vector_load %arg7[%get3A_203, %get3A_204] {strides = array<i32>} : memref<8x256xi32, #tpu.memory_space<vmem>>, vector<16xi32>,
      %swap3A_206 = arith.constant 224 : index
      %swap3A_207 = tpu.vector_load %arg9[%swap3A_206] {strides = array<i32>} : memref<256xi32, #tpu.memory_space<vmem>>, vector<16xi32>,
      tpu.vector_store %arg9[%swap3A_206], %get3A_205 {strides = array<i32>} : memref<256xi32, #tpu.memory_space<vmem>>, vector<16xi32>,
      %get3A_208 = arith.index_cast %scan3A_59 : i32 to index
      %get3A_209 = arith.constant 240 : index
      %get3A_210 = tpu.vector_load %arg6[%get3A_208, %get3A_209] {strides = array<i32>} : memref<8x256xi32, #tpu.memory_space<vmem>>, vector<16xi32>,
      %swap3A_211 = arith.constant 240 : index
      %swap3A_212 = tpu.vector_load %arg8[%swap3A_211] {strides = array<i32>} : memref<256xi32, #tpu.memory_space<vmem>>, vector<16xi32>,
      tpu.vector_store %arg8[%swap3A_211], %get3A_210 {strides = array<i32>} : memref<256xi32, #tpu.memory_space<vmem>>, vector<16xi32>,
      %get3A_213 = arith.index_cast %scan3A_59 : i32 to index
      %get3A_214 = arith.constant 240 : index
      %get3A_215 = tpu.vector_load %arg7[%get3A_213, %get3A_214] {strides = array<i32>} : memref<8x256xi32, #tpu.memory_space<vmem>>, vector<16xi32>,
      %swap3A_216 = arith.constant 240 : index
      %swap3A_217 = tpu.vector_load %arg9[%swap3A_216] {strides = array<i32>} : memref<256xi32, #tpu.memory_space<vmem>>, vector<16xi32>,
      tpu.vector_store %arg9[%swap3A_216], %get3A_215 {strides = array<i32>} : memref<256xi32, #tpu.memory_space<vmem>>, vector<16xi32>,
      %dma_start3A = arith.constant 0 : i32
      %dma_start3A_218 = arith.constant 0 : i32
      %dma_start3A_219 = tpu.memref_slice %arg2[%dma_start3A, %dma_start3A_218] : memref<10240x128xf32, #tpu.memory_space<hbm>> -> memref<10240x128xf32, #tpu.memory_space<hbm>>
      tpu.enqueue_indirect_dma source(%dma_start3A_219 : memref<10240x128xf32, #tpu.memory_space<hbm>>) target(%arg10 : memref<256x128xf32, #tpu.memory_space<vmem>>) offsets(%arg8 : memref<256xi32, #tpu.memory_space<vmem>>) semaphore(%arg11 : memref<!tpu.dma_semaphore, #tpu.memory_space<semaphore_mem>>)
      %dma_wait3A = arith.constant 0 : i32
      %dma_wait3A_220 = arith.constant 0 : i32
      %dma_wait3A_221 = tpu.memref_slice %arg2[%dma_wait3A, %dma_wait3A_220] : memref<10240x128xf32, #tpu.memory_space<hbm>> -> memref<10240x128xf32, #tpu.memory_space<hbm>>
      tpu.wait_indirect_dma semaphore(%arg11 : memref<!tpu.dma_semaphore, #tpu.memory_space<semaphore_mem>>) src(%dma_wait3A_221 : memref<10240x128xf32, #tpu.memory_space<hbm>>) dst(%arg10 : memref<256x128xf32, #tpu.memory_space<vmem>>)
      "tpu.region"() ({
        %run_scoped3A = tpu.sem_alloc : memref<!tpu.dma_semaphore, #tpu.memory_space<semaphore_mem>>
        %dma_start3A_222 = arith.constant 0 : i32
        %dma_start3A_223 = arith.constant 0 : i32
        %dma_start3A_224 = tpu.memref_slice %arg12[%dma_start3A_222, %dma_start3A_223] : memref<10240x128xf32, #tpu.memory_space<vmem_shared>> -> memref<10240x128xf32, #tpu.memory_space<vmem_shared>>
        tpu.enqueue_indirect_dma source(%arg10 : memref<256x128xf32, #tpu.memory_space<vmem>>) target(%dma_start3A_224 : memref<10240x128xf32, #tpu.memory_space<vmem_shared>>) offsets(%arg9 : memref<256xi32, #tpu.memory_space<vmem>>) semaphore(%run_scoped3A : memref<!tpu.dma_semaphore, #tpu.memory_space<semaphore_mem>>) {add = true}
        %dma_wait3A_225 = arith.constant 0 : i32
        %dma_wait3A_226 = arith.constant 0 : i32
        %dma_wait3A_227 = tpu.memref_slice %arg12[%dma_wait3A_225, %dma_wait3A_226] : memref<10240x128xf32, #tpu.memory_space<vmem_shared>> -> memref<10240x128xf32, #tpu.memory_space<vmem_shared>>
        tpu.wait_indirect_dma semaphore(%run_scoped3A : memref<!tpu.dma_semaphore, #tpu.memory_space<semaphore_mem>>) src(%arg10 : memref<256x128xf32, #tpu.memory_space<vmem>>) dst(%dma_wait3A_227 : memref<10240x128xf32, #tpu.memory_space<vmem_shared>>)
        tpu.yield
      }) : () -> ()
    }
    %scan3A_41 = arith.constant 8 : i32
    "tpu.region"() ({
      %run_scoped3A = tpu.sem_alloc : memref<!tpu.dma_semaphore, #tpu.memory_space<semaphore_mem>>
      %dma_start3A = arith.constant 24 : i32
      %dma_start3A_59 = arith.constant 0 : i32
      %dma_start3A_60 = tpu.memref_slice %arg3[%arg0, %arg1, %dma_start3A, %dma_start3A_59] : memref<2x16x40x256xi32, #tpu.memory_space<hbm>> -> memref<1x1x8x256xi32, #tpu.memory_space<hbm>>
      %dma_start3A_61 = tpu.memref_squeeze %dma_start3A_60 : memref<1x1x8x256xi32, #tpu.memory_space<hbm>> -> memref<8x256xi32, #tpu.memory_space<hbm>>
      %dma_start3A_62 = arith.constant 24 : i32
      %dma_start3A_63 = arith.constant 0 : i32
      %dma_start3A_64 = tpu.memref_slice %arg3[%arg0, %arg1, %dma_start3A_62, %dma_start3A_63] : memref<2x16x40x256xi32, #tpu.memory_space<hbm>> -> memref<1x1x8x256xi32, #tpu.memory_space<hbm>>
      %dma_start3A_65 = tpu.memref_squeeze %dma_start3A_64 : memref<1x1x8x256xi32, #tpu.memory_space<hbm>> -> memref<8x256xi32, #tpu.memory_space<hbm>>
      tpu.enqueue_dma source(%dma_start3A_65 : memref<8x256xi32, #tpu.memory_space<hbm>>) target(%arg6 : memref<8x256xi32, #tpu.memory_space<vmem>>) target_semaphore(%run_scoped3A : memref<!tpu.dma_semaphore, #tpu.memory_space<semaphore_mem>>)
      %dma_wait3A = arith.constant 24 : i32
      %dma_wait3A_66 = arith.constant 0 : i32
      %dma_wait3A_67 = tpu.memref_slice %arg3[%arg0, %arg1, %dma_wait3A, %dma_wait3A_66] : memref<2x16x40x256xi32, #tpu.memory_space<hbm>> -> memref<1x1x8x256xi32, #tpu.memory_space<hbm>>
      %dma_wait3A_68 = tpu.memref_squeeze %dma_wait3A_67 : memref<1x1x8x256xi32, #tpu.memory_space<hbm>> -> memref<8x256xi32, #tpu.memory_space<hbm>>
      %dma_wait3A_69 = arith.constant 24 : i32
      %dma_wait3A_70 = arith.constant 0 : i32
      %dma_wait3A_71 = tpu.memref_slice %arg3[%arg0, %arg1, %dma_wait3A_69, %dma_wait3A_70] : memref<2x16x40x256xi32, #tpu.memory_space<hbm>> -> memref<1x1x8x256xi32, #tpu.memory_space<hbm>>
      %dma_wait3A_72 = tpu.memref_squeeze %dma_wait3A_71 : memref<1x1x8x256xi32, #tpu.memory_space<hbm>> -> memref<8x256xi32, #tpu.memory_space<hbm>>
      tpu.wait_dma2 semaphore(%run_scoped3A : memref<!tpu.dma_semaphore, #tpu.memory_space<semaphore_mem>>) src(%dma_wait3A_72 : memref<8x256xi32, #tpu.memory_space<hbm>>) dst(%arg6 : memref<8x256xi32, #tpu.memory_space<vmem>>)
      tpu.yield
    }) : () -> ()
    "tpu.region"() ({
      %run_scoped3A = tpu.sem_alloc : memref<!tpu.dma_semaphore, #tpu.memory_space<semaphore_mem>>
      %dma_start3A = arith.constant 24 : i32
      %dma_start3A_59 = arith.constant 0 : i32
      %dma_start3A_60 = tpu.memref_slice %arg4[%arg0, %arg1, %dma_start3A, %dma_start3A_59] : memref<2x16x40x256xi32, #tpu.memory_space<hbm>> -> memref<1x1x8x256xi32, #tpu.memory_space<hbm>>
      %dma_start3A_61 = tpu.memref_squeeze %dma_start3A_60 : memref<1x1x8x256xi32, #tpu.memory_space<hbm>> -> memref<8x256xi32, #tpu.memory_space<hbm>>
      %dma_start3A_62 = arith.constant 24 : i32
      %dma_start3A_63 = arith.constant 0 : i32
      %dma_start3A_64 = tpu.memref_slice %arg4[%arg0, %arg1, %dma_start3A_62, %dma_start3A_63] : memref<2x16x40x256xi32, #tpu.memory_space<hbm>> -> memref<1x1x8x256xi32, #tpu.memory_space<hbm>>
      %dma_start3A_65 = tpu.memref_squeeze %dma_start3A_64 : memref<1x1x8x256xi32, #tpu.memory_space<hbm>> -> memref<8x256xi32, #tpu.memory_space<hbm>>
      tpu.enqueue_dma source(%dma_start3A_65 : memref<8x256xi32, #tpu.memory_space<hbm>>) target(%arg7 : memref<8x256xi32, #tpu.memory_space<vmem>>) target_semaphore(%run_scoped3A : memref<!tpu.dma_semaphore, #tpu.memory_space<semaphore_mem>>)
      %dma_wait3A = arith.constant 24 : i32
      %dma_wait3A_66 = arith.constant 0 : i32
      %dma_wait3A_67 = tpu.memref_slice %arg4[%arg0, %arg1, %dma_wait3A, %dma_wait3A_66] : memref<2x16x40x256xi32, #tpu.memory_space<hbm>> -> memref<1x1x8x256xi32, #tpu.memory_space<hbm>>
      %dma_wait3A_68 = tpu.memref_squeeze %dma_wait3A_67 : memref<1x1x8x256xi32, #tpu.memory_space<hbm>> -> memref<8x256xi32, #tpu.memory_space<hbm>>
      %dma_wait3A_69 = arith.constant 24 : i32
      %dma_wait3A_70 = arith.constant 0 : i32
      %dma_wait3A_71 = tpu.memref_slice %arg4[%arg0, %arg1, %dma_wait3A_69, %dma_wait3A_70] : memref<2x16x40x256xi32, #tpu.memory_space<hbm>> -> memref<1x1x8x256xi32, #tpu.memory_space<hbm>>
      %dma_wait3A_72 = tpu.memref_squeeze %dma_wait3A_71 : memref<1x1x8x256xi32, #tpu.memory_space<hbm>> -> memref<8x256xi32, #tpu.memory_space<hbm>>
      tpu.wait_dma2 semaphore(%run_scoped3A : memref<!tpu.dma_semaphore, #tpu.memory_space<semaphore_mem>>) src(%dma_wait3A_72 : memref<8x256xi32, #tpu.memory_space<hbm>>) dst(%arg7 : memref<8x256xi32, #tpu.memory_space<vmem>>)
      tpu.yield
    }) : () -> ()
    %scan3A_42 = arith.constant 0 : i32
    %scan3A_43 = arith.constant 0 : i32
    %scan3A_44 = arith.constant 8 : i32
    %scan3A_45 = arith.addi %scan3A_43, %scan3A_44 : i32
    %scan3A_46 = arith.constant 1 : i32
    scf.for %scan3A_59 = %scan3A_43 to %scan3A_45 step %scan3A_46  : i32 {
      %get3A = arith.index_cast %scan3A_59 : i32 to index
      %get3A_60 = arith.constant 0 : index
      %get3A_61 = tpu.vector_load %arg6[%get3A, %get3A_60] {strides = array<i32>} : memref<8x256xi32, #tpu.memory_space<vmem>>, vector<16xi32>,
      %swap3A = arith.constant 0 : index
      %swap3A_62 = tpu.vector_load %arg8[%swap3A] {strides = array<i32>} : memref<256xi32, #tpu.memory_space<vmem>>, vector<16xi32>,
      tpu.vector_store %arg8[%swap3A], %get3A_61 {strides = array<i32>} : memref<256xi32, #tpu.memory_space<vmem>>, vector<16xi32>,
      %get3A_63 = arith.index_cast %scan3A_59 : i32 to index
      %get3A_64 = arith.constant 0 : index
      %get3A_65 = tpu.vector_load %arg7[%get3A_63, %get3A_64] {strides = array<i32>} : memref<8x256xi32, #tpu.memory_space<vmem>>, vector<16xi32>,
      %swap3A_66 = arith.constant 0 : index
      %swap3A_67 = tpu.vector_load %arg9[%swap3A_66] {strides = array<i32>} : memref<256xi32, #tpu.memory_space<vmem>>, vector<16xi32>,
      tpu.vector_store %arg9[%swap3A_66], %get3A_65 {strides = array<i32>} : memref<256xi32, #tpu.memory_space<vmem>>, vector<16xi32>,
      %get3A_68 = arith.index_cast %scan3A_59 : i32 to index
      %get3A_69 = arith.constant 16 : index
      %get3A_70 = tpu.vector_load %arg6[%get3A_68, %get3A_69] {strides = array<i32>} : memref<8x256xi32, #tpu.memory_space<vmem>>, vector<16xi32>,
      %swap3A_71 = arith.constant 16 : index
      %swap3A_72 = tpu.vector_load %arg8[%swap3A_71] {strides = array<i32>} : memref<256xi32, #tpu.memory_space<vmem>>, vector<16xi32>,
      tpu.vector_store %arg8[%swap3A_71], %get3A_70 {strides = array<i32>} : memref<256xi32, #tpu.memory_space<vmem>>, vector<16xi32>,
      %get3A_73 = arith.index_cast %scan3A_59 : i32 to index
      %get3A_74 = arith.constant 16 : index
      %get3A_75 = tpu.vector_load %arg7[%get3A_73, %get3A_74] {strides = array<i32>} : memref<8x256xi32, #tpu.memory_space<vmem>>, vector<16xi32>,
      %swap3A_76 = arith.constant 16 : index
      %swap3A_77 = tpu.vector_load %arg9[%swap3A_76] {strides = array<i32>} : memref<256xi32, #tpu.memory_space<vmem>>, vector<16xi32>,
      tpu.vector_store %arg9[%swap3A_76], %get3A_75 {strides = array<i32>} : memref<256xi32, #tpu.memory_space<vmem>>, vector<16xi32>,
      %get3A_78 = arith.index_cast %scan3A_59 : i32 to index
      %get3A_79 = arith.constant 32 : index
      %get3A_80 = tpu.vector_load %arg6[%get3A_78, %get3A_79] {strides = array<i32>} : memref<8x256xi32, #tpu.memory_space<vmem>>, vector<16xi32>,
      %swap3A_81 = arith.constant 32 : index
      %swap3A_82 = tpu.vector_load %arg8[%swap3A_81] {strides = array<i32>} : memref<256xi32, #tpu.memory_space<vmem>>, vector<16xi32>,
      tpu.vector_store %arg8[%swap3A_81], %get3A_80 {strides = array<i32>} : memref<256xi32, #tpu.memory_space<vmem>>, vector<16xi32>,
      %get3A_83 = arith.index_cast %scan3A_59 : i32 to index
      %get3A_84 = arith.constant 32 : index
      %get3A_85 = tpu.vector_load %arg7[%get3A_83, %get3A_84] {strides = array<i32>} : memref<8x256xi32, #tpu.memory_space<vmem>>, vector<16xi32>,
      %swap3A_86 = arith.constant 32 : index
      %swap3A_87 = tpu.vector_load %arg9[%swap3A_86] {strides = array<i32>} : memref<256xi32, #tpu.memory_space<vmem>>, vector<16xi32>,
      tpu.vector_store %arg9[%swap3A_86], %get3A_85 {strides = array<i32>} : memref<256xi32, #tpu.memory_space<vmem>>, vector<16xi32>,
      %get3A_88 = arith.index_cast %scan3A_59 : i32 to index
      %get3A_89 = arith.constant 48 : index
      %get3A_90 = tpu.vector_load %arg6[%get3A_88, %get3A_89] {strides = array<i32>} : memref<8x256xi32, #tpu.memory_space<vmem>>, vector<16xi32>,
      %swap3A_91 = arith.constant 48 : index
      %swap3A_92 = tpu.vector_load %arg8[%swap3A_91] {strides = array<i32>} : memref<256xi32, #tpu.memory_space<vmem>>, vector<16xi32>,
      tpu.vector_store %arg8[%swap3A_91], %get3A_90 {strides = array<i32>} : memref<256xi32, #tpu.memory_space<vmem>>, vector<16xi32>,
      %get3A_93 = arith.index_cast %scan3A_59 : i32 to index
      %get3A_94 = arith.constant 48 : index
      %get3A_95 = tpu.vector_load %arg7[%get3A_93, %get3A_94] {strides = array<i32>} : memref<8x256xi32, #tpu.memory_space<vmem>>, vector<16xi32>,
      %swap3A_96 = arith.constant 48 : index
      %swap3A_97 = tpu.vector_load %arg9[%swap3A_96] {strides = array<i32>} : memref<256xi32, #tpu.memory_space<vmem>>, vector<16xi32>,
      tpu.vector_store %arg9[%swap3A_96], %get3A_95 {strides = array<i32>} : memref<256xi32, #tpu.memory_space<vmem>>, vector<16xi32>,
      %get3A_98 = arith.index_cast %scan3A_59 : i32 to index
      %get3A_99 = arith.constant 64 : index
      %get3A_100 = tpu.vector_load %arg6[%get3A_98, %get3A_99] {strides = array<i32>} : memref<8x256xi32, #tpu.memory_space<vmem>>, vector<16xi32>,
      %swap3A_101 = arith.constant 64 : index
      %swap3A_102 = tpu.vector_load %arg8[%swap3A_101] {strides = array<i32>} : memref<256xi32, #tpu.memory_space<vmem>>, vector<16xi32>,
      tpu.vector_store %arg8[%swap3A_101], %get3A_100 {strides = array<i32>} : memref<256xi32, #tpu.memory_space<vmem>>, vector<16xi32>,
      %get3A_103 = arith.index_cast %scan3A_59 : i32 to index
      %get3A_104 = arith.constant 64 : index
      %get3A_105 = tpu.vector_load %arg7[%get3A_103, %get3A_104] {strides = array<i32>} : memref<8x256xi32, #tpu.memory_space<vmem>>, vector<16xi32>,
      %swap3A_106 = arith.constant 64 : index
      %swap3A_107 = tpu.vector_load %arg9[%swap3A_106] {strides = array<i32>} : memref<256xi32, #tpu.memory_space<vmem>>, vector<16xi32>,
      tpu.vector_store %arg9[%swap3A_106], %get3A_105 {strides = array<i32>} : memref<256xi32, #tpu.memory_space<vmem>>, vector<16xi32>,
      %get3A_108 = arith.index_cast %scan3A_59 : i32 to index
      %get3A_109 = arith.constant 80 : index
      %get3A_110 = tpu.vector_load %arg6[%get3A_108, %get3A_109] {strides = array<i32>} : memref<8x256xi32, #tpu.memory_space<vmem>>, vector<16xi32>,
      %swap3A_111 = arith.constant 80 : index
      %swap3A_112 = tpu.vector_load %arg8[%swap3A_111] {strides = array<i32>} : memref<256xi32, #tpu.memory_space<vmem>>, vector<16xi32>,
      tpu.vector_store %arg8[%swap3A_111], %get3A_110 {strides = array<i32>} : memref<256xi32, #tpu.memory_space<vmem>>, vector<16xi32>,
      %get3A_113 = arith.index_cast %scan3A_59 : i32 to index
      %get3A_114 = arith.constant 80 : index
      %get3A_115 = tpu.vector_load %arg7[%get3A_113, %get3A_114] {strides = array<i32>} : memref<8x256xi32, #tpu.memory_space<vmem>>, vector<16xi32>,
      %swap3A_116 = arith.constant 80 : index
      %swap3A_117 = tpu.vector_load %arg9[%swap3A_116] {strides = array<i32>} : memref<256xi32, #tpu.memory_space<vmem>>, vector<16xi32>,
      tpu.vector_store %arg9[%swap3A_116], %get3A_115 {strides = array<i32>} : memref<256xi32, #tpu.memory_space<vmem>>, vector<16xi32>,
      %get3A_118 = arith.index_cast %scan3A_59 : i32 to index
      %get3A_119 = arith.constant 96 : index
      %get3A_120 = tpu.vector_load %arg6[%get3A_118, %get3A_119] {strides = array<i32>} : memref<8x256xi32, #tpu.memory_space<vmem>>, vector<16xi32>,
      %swap3A_121 = arith.constant 96 : index
      %swap3A_122 = tpu.vector_load %arg8[%swap3A_121] {strides = array<i32>} : memref<256xi32, #tpu.memory_space<vmem>>, vector<16xi32>,
      tpu.vector_store %arg8[%swap3A_121], %get3A_120 {strides = array<i32>} : memref<256xi32, #tpu.memory_space<vmem>>, vector<16xi32>,
      %get3A_123 = arith.index_cast %scan3A_59 : i32 to index
      %get3A_124 = arith.constant 96 : index
      %get3A_125 = tpu.vector_load %arg7[%get3A_123, %get3A_124] {strides = array<i32>} : memref<8x256xi32, #tpu.memory_space<vmem>>, vector<16xi32>,
      %swap3A_126 = arith.constant 96 : index
      %swap3A_127 = tpu.vector_load %arg9[%swap3A_126] {strides = array<i32>} : memref<256xi32, #tpu.memory_space<vmem>>, vector<16xi32>,
      tpu.vector_store %arg9[%swap3A_126], %get3A_125 {strides = array<i32>} : memref<256xi32, #tpu.memory_space<vmem>>, vector<16xi32>,
      %get3A_128 = arith.index_cast %scan3A_59 : i32 to index
      %get3A_129 = arith.constant 112 : index
      %get3A_130 = tpu.vector_load %arg6[%get3A_128, %get3A_129] {strides = array<i32>} : memref<8x256xi32, #tpu.memory_space<vmem>>, vector<16xi32>,
      %swap3A_131 = arith.constant 112 : index
      %swap3A_132 = tpu.vector_load %arg8[%swap3A_131] {strides = array<i32>} : memref<256xi32, #tpu.memory_space<vmem>>, vector<16xi32>,
      tpu.vector_store %arg8[%swap3A_131], %get3A_130 {strides = array<i32>} : memref<256xi32, #tpu.memory_space<vmem>>, vector<16xi32>,
      %get3A_133 = arith.index_cast %scan3A_59 : i32 to index
      %get3A_134 = arith.constant 112 : index
      %get3A_135 = tpu.vector_load %arg7[%get3A_133, %get3A_134] {strides = array<i32>} : memref<8x256xi32, #tpu.memory_space<vmem>>, vector<16xi32>,
      %swap3A_136 = arith.constant 112 : index
      %swap3A_137 = tpu.vector_load %arg9[%swap3A_136] {strides = array<i32>} : memref<256xi32, #tpu.memory_space<vmem>>, vector<16xi32>,
      tpu.vector_store %arg9[%swap3A_136], %get3A_135 {strides = array<i32>} : memref<256xi32, #tpu.memory_space<vmem>>, vector<16xi32>,
      %get3A_138 = arith.index_cast %scan3A_59 : i32 to index
      %get3A_139 = arith.constant 128 : index
      %get3A_140 = tpu.vector_load %arg6[%get3A_138, %get3A_139] {strides = array<i32>} : memref<8x256xi32, #tpu.memory_space<vmem>>, vector<16xi32>,
      %swap3A_141 = arith.constant 128 : index
      %swap3A_142 = tpu.vector_load %arg8[%swap3A_141] {strides = array<i32>} : memref<256xi32, #tpu.memory_space<vmem>>, vector<16xi32>,
      tpu.vector_store %arg8[%swap3A_141], %get3A_140 {strides = array<i32>} : memref<256xi32, #tpu.memory_space<vmem>>, vector<16xi32>,
      %get3A_143 = arith.index_cast %scan3A_59 : i32 to index
      %get3A_144 = arith.constant 128 : index
      %get3A_145 = tpu.vector_load %arg7[%get3A_143, %get3A_144] {strides = array<i32>} : memref<8x256xi32, #tpu.memory_space<vmem>>, vector<16xi32>,
      %swap3A_146 = arith.constant 128 : index
      %swap3A_147 = tpu.vector_load %arg9[%swap3A_146] {strides = array<i32>} : memref<256xi32, #tpu.memory_space<vmem>>, vector<16xi32>,
      tpu.vector_store %arg9[%swap3A_146], %get3A_145 {strides = array<i32>} : memref<256xi32, #tpu.memory_space<vmem>>, vector<16xi32>,
      %get3A_148 = arith.index_cast %scan3A_59 : i32 to index
      %get3A_149 = arith.constant 144 : index
      %get3A_150 = tpu.vector_load %arg6[%get3A_148, %get3A_149] {strides = array<i32>} : memref<8x256xi32, #tpu.memory_space<vmem>>, vector<16xi32>,
      %swap3A_151 = arith.constant 144 : index
      %swap3A_152 = tpu.vector_load %arg8[%swap3A_151] {strides = array<i32>} : memref<256xi32, #tpu.memory_space<vmem>>, vector<16xi32>,
      tpu.vector_store %arg8[%swap3A_151], %get3A_150 {strides = array<i32>} : memref<256xi32, #tpu.memory_space<vmem>>, vector<16xi32>,
      %get3A_153 = arith.index_cast %scan3A_59 : i32 to index
      %get3A_154 = arith.constant 144 : index
      %get3A_155 = tpu.vector_load %arg7[%get3A_153, %get3A_154] {strides = array<i32>} : memref<8x256xi32, #tpu.memory_space<vmem>>, vector<16xi32>,
      %swap3A_156 = arith.constant 144 : index
      %swap3A_157 = tpu.vector_load %arg9[%swap3A_156] {strides = array<i32>} : memref<256xi32, #tpu.memory_space<vmem>>, vector<16xi32>,
      tpu.vector_store %arg9[%swap3A_156], %get3A_155 {strides = array<i32>} : memref<256xi32, #tpu.memory_space<vmem>>, vector<16xi32>,
      %get3A_158 = arith.index_cast %scan3A_59 : i32 to index
      %get3A_159 = arith.constant 160 : index
      %get3A_160 = tpu.vector_load %arg6[%get3A_158, %get3A_159] {strides = array<i32>} : memref<8x256xi32, #tpu.memory_space<vmem>>, vector<16xi32>,
      %swap3A_161 = arith.constant 160 : index
      %swap3A_162 = tpu.vector_load %arg8[%swap3A_161] {strides = array<i32>} : memref<256xi32, #tpu.memory_space<vmem>>, vector<16xi32>,
      tpu.vector_store %arg8[%swap3A_161], %get3A_160 {strides = array<i32>} : memref<256xi32, #tpu.memory_space<vmem>>, vector<16xi32>,
      %get3A_163 = arith.index_cast %scan3A_59 : i32 to index
      %get3A_164 = arith.constant 160 : index
      %get3A_165 = tpu.vector_load %arg7[%get3A_163, %get3A_164] {strides = array<i32>} : memref<8x256xi32, #tpu.memory_space<vmem>>, vector<16xi32>,
      %swap3A_166 = arith.constant 160 : index
      %swap3A_167 = tpu.vector_load %arg9[%swap3A_166] {strides = array<i32>} : memref<256xi32, #tpu.memory_space<vmem>>, vector<16xi32>,
      tpu.vector_store %arg9[%swap3A_166], %get3A_165 {strides = array<i32>} : memref<256xi32, #tpu.memory_space<vmem>>, vector<16xi32>,
      %get3A_168 = arith.index_cast %scan3A_59 : i32 to index
      %get3A_169 = arith.constant 176 : index
      %get3A_170 = tpu.vector_load %arg6[%get3A_168, %get3A_169] {strides = array<i32>} : memref<8x256xi32, #tpu.memory_space<vmem>>, vector<16xi32>,
      %swap3A_171 = arith.constant 176 : index
      %swap3A_172 = tpu.vector_load %arg8[%swap3A_171] {strides = array<i32>} : memref<256xi32, #tpu.memory_space<vmem>>, vector<16xi32>,
      tpu.vector_store %arg8[%swap3A_171], %get3A_170 {strides = array<i32>} : memref<256xi32, #tpu.memory_space<vmem>>, vector<16xi32>,
      %get3A_173 = arith.index_cast %scan3A_59 : i32 to index
      %get3A_174 = arith.constant 176 : index
      %get3A_175 = tpu.vector_load %arg7[%get3A_173, %get3A_174] {strides = array<i32>} : memref<8x256xi32, #tpu.memory_space<vmem>>, vector<16xi32>,
      %swap3A_176 = arith.constant 176 : index
      %swap3A_177 = tpu.vector_load %arg9[%swap3A_176] {strides = array<i32>} : memref<256xi32, #tpu.memory_space<vmem>>, vector<16xi32>,
      tpu.vector_store %arg9[%swap3A_176], %get3A_175 {strides = array<i32>} : memref<256xi32, #tpu.memory_space<vmem>>, vector<16xi32>,
      %get3A_178 = arith.index_cast %scan3A_59 : i32 to index
      %get3A_179 = arith.constant 192 : index
      %get3A_180 = tpu.vector_load %arg6[%get3A_178, %get3A_179] {strides = array<i32>} : memref<8x256xi32, #tpu.memory_space<vmem>>, vector<16xi32>,
      %swap3A_181 = arith.constant 192 : index
      %swap3A_182 = tpu.vector_load %arg8[%swap3A_181] {strides = array<i32>} : memref<256xi32, #tpu.memory_space<vmem>>, vector<16xi32>,
      tpu.vector_store %arg8[%swap3A_181], %get3A_180 {strides = array<i32>} : memref<256xi32, #tpu.memory_space<vmem>>, vector<16xi32>,
      %get3A_183 = arith.index_cast %scan3A_59 : i32 to index
      %get3A_184 = arith.constant 192 : index
      %get3A_185 = tpu.vector_load %arg7[%get3A_183, %get3A_184] {strides = array<i32>} : memref<8x256xi32, #tpu.memory_space<vmem>>, vector<16xi32>,
      %swap3A_186 = arith.constant 192 : index
      %swap3A_187 = tpu.vector_load %arg9[%swap3A_186] {strides = array<i32>} : memref<256xi32, #tpu.memory_space<vmem>>, vector<16xi32>,
      tpu.vector_store %arg9[%swap3A_186], %get3A_185 {strides = array<i32>} : memref<256xi32, #tpu.memory_space<vmem>>, vector<16xi32>,
      %get3A_188 = arith.index_cast %scan3A_59 : i32 to index
      %get3A_189 = arith.constant 208 : index
      %get3A_190 = tpu.vector_load %arg6[%get3A_188, %get3A_189] {strides = array<i32>} : memref<8x256xi32, #tpu.memory_space<vmem>>, vector<16xi32>,
      %swap3A_191 = arith.constant 208 : index
      %swap3A_192 = tpu.vector_load %arg8[%swap3A_191] {strides = array<i32>} : memref<256xi32, #tpu.memory_space<vmem>>, vector<16xi32>,
      tpu.vector_store %arg8[%swap3A_191], %get3A_190 {strides = array<i32>} : memref<256xi32, #tpu.memory_space<vmem>>, vector<16xi32>,
      %get3A_193 = arith.index_cast %scan3A_59 : i32 to index
      %get3A_194 = arith.constant 208 : index
      %get3A_195 = tpu.vector_load %arg7[%get3A_193, %get3A_194] {strides = array<i32>} : memref<8x256xi32, #tpu.memory_space<vmem>>, vector<16xi32>,
      %swap3A_196 = arith.constant 208 : index
      %swap3A_197 = tpu.vector_load %arg9[%swap3A_196] {strides = array<i32>} : memref<256xi32, #tpu.memory_space<vmem>>, vector<16xi32>,
      tpu.vector_store %arg9[%swap3A_196], %get3A_195 {strides = array<i32>} : memref<256xi32, #tpu.memory_space<vmem>>, vector<16xi32>,
      %get3A_198 = arith.index_cast %scan3A_59 : i32 to index
      %get3A_199 = arith.constant 224 : index
      %get3A_200 = tpu.vector_load %arg6[%get3A_198, %get3A_199] {strides = array<i32>} : memref<8x256xi32, #tpu.memory_space<vmem>>, vector<16xi32>,
      %swap3A_201 = arith.constant 224 : index
      %swap3A_202 = tpu.vector_load %arg8[%swap3A_201] {strides = array<i32>} : memref<256xi32, #tpu.memory_space<vmem>>, vector<16xi32>,
      tpu.vector_store %arg8[%swap3A_201], %get3A_200 {strides = array<i32>} : memref<256xi32, #tpu.memory_space<vmem>>, vector<16xi32>,
      %get3A_203 = arith.index_cast %scan3A_59 : i32 to index
      %get3A_204 = arith.constant 224 : index
      %get3A_205 = tpu.vector_load %arg7[%get3A_203, %get3A_204] {strides = array<i32>} : memref<8x256xi32, #tpu.memory_space<vmem>>, vector<16xi32>,
      %swap3A_206 = arith.constant 224 : index
      %swap3A_207 = tpu.vector_load %arg9[%swap3A_206] {strides = array<i32>} : memref<256xi32, #tpu.memory_space<vmem>>, vector<16xi32>,
      tpu.vector_store %arg9[%swap3A_206], %get3A_205 {strides = array<i32>} : memref<256xi32, #tpu.memory_space<vmem>>, vector<16xi32>,
      %get3A_208 = arith.index_cast %scan3A_59 : i32 to index
      %get3A_209 = arith.constant 240 : index
      %get3A_210 = tpu.vector_load %arg6[%get3A_208, %get3A_209] {strides = array<i32>} : memref<8x256xi32, #tpu.memory_space<vmem>>, vector<16xi32>,
      %swap3A_211 = arith.constant 240 : index
      %swap3A_212 = tpu.vector_load %arg8[%swap3A_211] {strides = array<i32>} : memref<256xi32, #tpu.memory_space<vmem>>, vector<16xi32>,
      tpu.vector_store %arg8[%swap3A_211], %get3A_210 {strides = array<i32>} : memref<256xi32, #tpu.memory_space<vmem>>, vector<16xi32>,
      %get3A_213 = arith.index_cast %scan3A_59 : i32 to index
      %get3A_214 = arith.constant 240 : index
      %get3A_215 = tpu.vector_load %arg7[%get3A_213, %get3A_214] {strides = array<i32>} : memref<8x256xi32, #tpu.memory_space<vmem>>, vector<16xi32>,
      %swap3A_216 = arith.constant 240 : index
      %swap3A_217 = tpu.vector_load %arg9[%swap3A_216] {strides = array<i32>} : memref<256xi32, #tpu.memory_space<vmem>>, vector<16xi32>,
      tpu.vector_store %arg9[%swap3A_216], %get3A_215 {strides = array<i32>} : memref<256xi32, #tpu.memory_space<vmem>>, vector<16xi32>,
      %dma_start3A = arith.constant 0 : i32
      %dma_start3A_218 = arith.constant 0 : i32
      %dma_start3A_219 = tpu.memref_slice %arg2[%dma_start3A, %dma_start3A_218] : memref<10240x128xf32, #tpu.memory_space<hbm>> -> memref<10240x128xf32, #tpu.memory_space<hbm>>
      tpu.enqueue_indirect_dma source(%dma_start3A_219 : memref<10240x128xf32, #tpu.memory_space<hbm>>) target(%arg10 : memref<256x128xf32, #tpu.memory_space<vmem>>) offsets(%arg8 : memref<256xi32, #tpu.memory_space<vmem>>) semaphore(%arg11 : memref<!tpu.dma_semaphore, #tpu.memory_space<semaphore_mem>>)
      %dma_wait3A = arith.constant 0 : i32
      %dma_wait3A_220 = arith.constant 0 : i32
      %dma_wait3A_221 = tpu.memref_slice %arg2[%dma_wait3A, %dma_wait3A_220] : memref<10240x128xf32, #tpu.memory_space<hbm>> -> memref<10240x128xf32, #tpu.memory_space<hbm>>
      tpu.wait_indirect_dma semaphore(%arg11 : memref<!tpu.dma_semaphore, #tpu.memory_space<semaphore_mem>>) src(%dma_wait3A_221 : memref<10240x128xf32, #tpu.memory_space<hbm>>) dst(%arg10 : memref<256x128xf32, #tpu.memory_space<vmem>>)
      "tpu.region"() ({
        %run_scoped3A = tpu.sem_alloc : memref<!tpu.dma_semaphore, #tpu.memory_space<semaphore_mem>>
        %dma_start3A_222 = arith.constant 0 : i32
        %dma_start3A_223 = arith.constant 0 : i32
        %dma_start3A_224 = tpu.memref_slice %arg12[%dma_start3A_222, %dma_start3A_223] : memref<10240x128xf32, #tpu.memory_space<vmem_shared>> -> memref<10240x128xf32, #tpu.memory_space<vmem_shared>>
        tpu.enqueue_indirect_dma source(%arg10 : memref<256x128xf32, #tpu.memory_space<vmem>>) target(%dma_start3A_224 : memref<10240x128xf32, #tpu.memory_space<vmem_shared>>) offsets(%arg9 : memref<256xi32, #tpu.memory_space<vmem>>) semaphore(%run_scoped3A : memref<!tpu.dma_semaphore, #tpu.memory_space<semaphore_mem>>) {add = true}
        %dma_wait3A_225 = arith.constant 0 : i32
        %dma_wait3A_226 = arith.constant 0 : i32
        %dma_wait3A_227 = tpu.memref_slice %arg12[%dma_wait3A_225, %dma_wait3A_226] : memref<10240x128xf32, #tpu.memory_space<vmem_shared>> -> memref<10240x128xf32, #tpu.memory_space<vmem_shared>>
        tpu.wait_indirect_dma semaphore(%run_scoped3A : memref<!tpu.dma_semaphore, #tpu.memory_space<semaphore_mem>>) src(%arg10 : memref<256x128xf32, #tpu.memory_space<vmem>>) dst(%dma_wait3A_227 : memref<10240x128xf32, #tpu.memory_space<vmem_shared>>)
        tpu.yield
      }) : () -> ()
    }
    %scan3A_47 = arith.constant 8 : i32
    "tpu.region"() ({
      %run_scoped3A = tpu.sem_alloc : memref<!tpu.dma_semaphore, #tpu.memory_space<semaphore_mem>>
      %dma_start3A = arith.constant 32 : i32
      %dma_start3A_59 = arith.constant 0 : i32
      %dma_start3A_60 = tpu.memref_slice %arg3[%arg0, %arg1, %dma_start3A, %dma_start3A_59] : memref<2x16x40x256xi32, #tpu.memory_space<hbm>> -> memref<1x1x8x256xi32, #tpu.memory_space<hbm>>
      %dma_start3A_61 = tpu.memref_squeeze %dma_start3A_60 : memref<1x1x8x256xi32, #tpu.memory_space<hbm>> -> memref<8x256xi32, #tpu.memory_space<hbm>>
      %dma_start3A_62 = arith.constant 32 : i32
      %dma_start3A_63 = arith.constant 0 : i32
      %dma_start3A_64 = tpu.memref_slice %arg3[%arg0, %arg1, %dma_start3A_62, %dma_start3A_63] : memref<2x16x40x256xi32, #tpu.memory_space<hbm>> -> memref<1x1x8x256xi32, #tpu.memory_space<hbm>>
      %dma_start3A_65 = tpu.memref_squeeze %dma_start3A_64 : memref<1x1x8x256xi32, #tpu.memory_space<hbm>> -> memref<8x256xi32, #tpu.memory_space<hbm>>
      tpu.enqueue_dma source(%dma_start3A_65 : memref<8x256xi32, #tpu.memory_space<hbm>>) target(%arg6 : memref<8x256xi32, #tpu.memory_space<vmem>>) target_semaphore(%run_scoped3A : memref<!tpu.dma_semaphore, #tpu.memory_space<semaphore_mem>>)
      %dma_wait3A = arith.constant 32 : i32
      %dma_wait3A_66 = arith.constant 0 : i32
      %dma_wait3A_67 = tpu.memref_slice %arg3[%arg0, %arg1, %dma_wait3A, %dma_wait3A_66] : memref<2x16x40x256xi32, #tpu.memory_space<hbm>> -> memref<1x1x8x256xi32, #tpu.memory_space<hbm>>
      %dma_wait3A_68 = tpu.memref_squeeze %dma_wait3A_67 : memref<1x1x8x256xi32, #tpu.memory_space<hbm>> -> memref<8x256xi32, #tpu.memory_space<hbm>>
      %dma_wait3A_69 = arith.constant 32 : i32
      %dma_wait3A_70 = arith.constant 0 : i32
      %dma_wait3A_71 = tpu.memref_slice %arg3[%arg0, %arg1, %dma_wait3A_69, %dma_wait3A_70] : memref<2x16x40x256xi32, #tpu.memory_space<hbm>> -> memref<1x1x8x256xi32, #tpu.memory_space<hbm>>
      %dma_wait3A_72 = tpu.memref_squeeze %dma_wait3A_71 : memref<1x1x8x256xi32, #tpu.memory_space<hbm>> -> memref<8x256xi32, #tpu.memory_space<hbm>>
      tpu.wait_dma2 semaphore(%run_scoped3A : memref<!tpu.dma_semaphore, #tpu.memory_space<semaphore_mem>>) src(%dma_wait3A_72 : memref<8x256xi32, #tpu.memory_space<hbm>>) dst(%arg6 : memref<8x256xi32, #tpu.memory_space<vmem>>)
      tpu.yield
    }) : () -> ()
    "tpu.region"() ({
      %run_scoped3A = tpu.sem_alloc : memref<!tpu.dma_semaphore, #tpu.memory_space<semaphore_mem>>
      %dma_start3A = arith.constant 32 : i32
      %dma_start3A_59 = arith.constant 0 : i32
      %dma_start3A_60 = tpu.memref_slice %arg4[%arg0, %arg1, %dma_start3A, %dma_start3A_59] : memref<2x16x40x256xi32, #tpu.memory_space<hbm>> -> memref<1x1x8x256xi32, #tpu.memory_space<hbm>>
      %dma_start3A_61 = tpu.memref_squeeze %dma_start3A_60 : memref<1x1x8x256xi32, #tpu.memory_space<hbm>> -> memref<8x256xi32, #tpu.memory_space<hbm>>
      %dma_start3A_62 = arith.constant 32 : i32
      %dma_start3A_63 = arith.constant 0 : i32
      %dma_start3A_64 = tpu.memref_slice %arg4[%arg0, %arg1, %dma_start3A_62, %dma_start3A_63] : memref<2x16x40x256xi32, #tpu.memory_space<hbm>> -> memref<1x1x8x256xi32, #tpu.memory_space<hbm>>
      %dma_start3A_65 = tpu.memref_squeeze %dma_start3A_64 : memref<1x1x8x256xi32, #tpu.memory_space<hbm>> -> memref<8x256xi32, #tpu.memory_space<hbm>>
      tpu.enqueue_dma source(%dma_start3A_65 : memref<8x256xi32, #tpu.memory_space<hbm>>) target(%arg7 : memref<8x256xi32, #tpu.memory_space<vmem>>) target_semaphore(%run_scoped3A : memref<!tpu.dma_semaphore, #tpu.memory_space<semaphore_mem>>)
      %dma_wait3A = arith.constant 32 : i32
      %dma_wait3A_66 = arith.constant 0 : i32
      %dma_wait3A_67 = tpu.memref_slice %arg4[%arg0, %arg1, %dma_wait3A, %dma_wait3A_66] : memref<2x16x40x256xi32, #tpu.memory_space<hbm>> -> memref<1x1x8x256xi32, #tpu.memory_space<hbm>>
      %dma_wait3A_68 = tpu.memref_squeeze %dma_wait3A_67 : memref<1x1x8x256xi32, #tpu.memory_space<hbm>> -> memref<8x256xi32, #tpu.memory_space<hbm>>
      %dma_wait3A_69 = arith.constant 32 : i32
      %dma_wait3A_70 = arith.constant 0 : i32
      %dma_wait3A_71 = tpu.memref_slice %arg4[%arg0, %arg1, %dma_wait3A_69, %dma_wait3A_70] : memref<2x16x40x256xi32, #tpu.memory_space<hbm>> -> memref<1x1x8x256xi32, #tpu.memory_space<hbm>>
      %dma_wait3A_72 = tpu.memref_squeeze %dma_wait3A_71 : memref<1x1x8x256xi32, #tpu.memory_space<hbm>> -> memref<8x256xi32, #tpu.memory_space<hbm>>
      tpu.wait_dma2 semaphore(%run_scoped3A : memref<!tpu.dma_semaphore, #tpu.memory_space<semaphore_mem>>) src(%dma_wait3A_72 : memref<8x256xi32, #tpu.memory_space<hbm>>) dst(%arg7 : memref<8x256xi32, #tpu.memory_space<vmem>>)
      tpu.yield
    }) : () -> ()
    %scan3A_48 = arith.constant 0 : i32
    %scan3A_49 = arith.constant 0 : i32
    %scan3A_50 = arith.constant 8 : i32
    %scan3A_51 = arith.addi %scan3A_49, %scan3A_50 : i32
    %scan3A_52 = arith.constant 1 : i32
    scf.for %scan3A_59 = %scan3A_49 to %scan3A_51 step %scan3A_52  : i32 {
      %get3A = arith.index_cast %scan3A_59 : i32 to index
      %get3A_60 = arith.constant 0 : index
      %get3A_61 = tpu.vector_load %arg6[%get3A, %get3A_60] {strides = array<i32>} : memref<8x256xi32, #tpu.memory_space<vmem>>, vector<16xi32>,
      %swap3A = arith.constant 0 : index
      %swap3A_62 = tpu.vector_load %arg8[%swap3A] {strides = array<i32>} : memref<256xi32, #tpu.memory_space<vmem>>, vector<16xi32>,
      tpu.vector_store %arg8[%swap3A], %get3A_61 {strides = array<i32>} : memref<256xi32, #tpu.memory_space<vmem>>, vector<16xi32>,
      %get3A_63 = arith.index_cast %scan3A_59 : i32 to index
      %get3A_64 = arith.constant 0 : index
      %get3A_65 = tpu.vector_load %arg7[%get3A_63, %get3A_64] {strides = array<i32>} : memref<8x256xi32, #tpu.memory_space<vmem>>, vector<16xi32>,
      %swap3A_66 = arith.constant 0 : index
      %swap3A_67 = tpu.vector_load %arg9[%swap3A_66] {strides = array<i32>} : memref<256xi32, #tpu.memory_space<vmem>>, vector<16xi32>,
      tpu.vector_store %arg9[%swap3A_66], %get3A_65 {strides = array<i32>} : memref<256xi32, #tpu.memory_space<vmem>>, vector<16xi32>,
      %get3A_68 = arith.index_cast %scan3A_59 : i32 to index
      %get3A_69 = arith.constant 16 : index
      %get3A_70 = tpu.vector_load %arg6[%get3A_68, %get3A_69] {strides = array<i32>} : memref<8x256xi32, #tpu.memory_space<vmem>>, vector<16xi32>,
      %swap3A_71 = arith.constant 16 : index
      %swap3A_72 = tpu.vector_load %arg8[%swap3A_71] {strides = array<i32>} : memref<256xi32, #tpu.memory_space<vmem>>, vector<16xi32>,
      tpu.vector_store %arg8[%swap3A_71], %get3A_70 {strides = array<i32>} : memref<256xi32, #tpu.memory_space<vmem>>, vector<16xi32>,
      %get3A_73 = arith.index_cast %scan3A_59 : i32 to index
      %get3A_74 = arith.constant 16 : index
      %get3A_75 = tpu.vector_load %arg7[%get3A_73, %get3A_74] {strides = array<i32>} : memref<8x256xi32, #tpu.memory_space<vmem>>, vector<16xi32>,
      %swap3A_76 = arith.constant 16 : index
      %swap3A_77 = tpu.vector_load %arg9[%swap3A_76] {strides = array<i32>} : memref<256xi32, #tpu.memory_space<vmem>>, vector<16xi32>,
      tpu.vector_store %arg9[%swap3A_76], %get3A_75 {strides = array<i32>} : memref<256xi32, #tpu.memory_space<vmem>>, vector<16xi32>,
      %get3A_78 = arith.index_cast %scan3A_59 : i32 to index
      %get3A_79 = arith.constant 32 : index
      %get3A_80 = tpu.vector_load %arg6[%get3A_78, %get3A_79] {strides = array<i32>} : memref<8x256xi32, #tpu.memory_space<vmem>>, vector<16xi32>,
      %swap3A_81 = arith.constant 32 : index
      %swap3A_82 = tpu.vector_load %arg8[%swap3A_81] {strides = array<i32>} : memref<256xi32, #tpu.memory_space<vmem>>, vector<16xi32>,
      tpu.vector_store %arg8[%swap3A_81], %get3A_80 {strides = array<i32>} : memref<256xi32, #tpu.memory_space<vmem>>, vector<16xi32>,
      %get3A_83 = arith.index_cast %scan3A_59 : i32 to index
      %get3A_84 = arith.constant 32 : index
      %get3A_85 = tpu.vector_load %arg7[%get3A_83, %get3A_84] {strides = array<i32>} : memref<8x256xi32, #tpu.memory_space<vmem>>, vector<16xi32>,
      %swap3A_86 = arith.constant 32 : index
      %swap3A_87 = tpu.vector_load %arg9[%swap3A_86] {strides = array<i32>} : memref<256xi32, #tpu.memory_space<vmem>>, vector<16xi32>,
      tpu.vector_store %arg9[%swap3A_86], %get3A_85 {strides = array<i32>} : memref<256xi32, #tpu.memory_space<vmem>>, vector<16xi32>,
      %get3A_88 = arith.index_cast %scan3A_59 : i32 to index
      %get3A_89 = arith.constant 48 : index
      %get3A_90 = tpu.vector_load %arg6[%get3A_88, %get3A_89] {strides = array<i32>} : memref<8x256xi32, #tpu.memory_space<vmem>>, vector<16xi32>,
      %swap3A_91 = arith.constant 48 : index
      %swap3A_92 = tpu.vector_load %arg8[%swap3A_91] {strides = array<i32>} : memref<256xi32, #tpu.memory_space<vmem>>, vector<16xi32>,
      tpu.vector_store %arg8[%swap3A_91], %get3A_90 {strides = array<i32>} : memref<256xi32, #tpu.memory_space<vmem>>, vector<16xi32>,
      %get3A_93 = arith.index_cast %scan3A_59 : i32 to index
      %get3A_94 = arith.constant 48 : index
      %get3A_95 = tpu.vector_load %arg7[%get3A_93, %get3A_94] {strides = array<i32>} : memref<8x256xi32, #tpu.memory_space<vmem>>, vector<16xi32>,
      %swap3A_96 = arith.constant 48 : index
      %swap3A_97 = tpu.vector_load %arg9[%swap3A_96] {strides = array<i32>} : memref<256xi32, #tpu.memory_space<vmem>>, vector<16xi32>,
      tpu.vector_store %arg9[%swap3A_96], %get3A_95 {strides = array<i32>} : memref<256xi32, #tpu.memory_space<vmem>>, vector<16xi32>,
      %get3A_98 = arith.index_cast %scan3A_59 : i32 to index
      %get3A_99 = arith.constant 64 : index
      %get3A_100 = tpu.vector_load %arg6[%get3A_98, %get3A_99] {strides = array<i32>} : memref<8x256xi32, #tpu.memory_space<vmem>>, vector<16xi32>,
      %swap3A_101 = arith.constant 64 : index
      %swap3A_102 = tpu.vector_load %arg8[%swap3A_101] {strides = array<i32>} : memref<256xi32, #tpu.memory_space<vmem>>, vector<16xi32>,
      tpu.vector_store %arg8[%swap3A_101], %get3A_100 {strides = array<i32>} : memref<256xi32, #tpu.memory_space<vmem>>, vector<16xi32>,
      %get3A_103 = arith.index_cast %scan3A_59 : i32 to index
      %get3A_104 = arith.constant 64 : index
      %get3A_105 = tpu.vector_load %arg7[%get3A_103, %get3A_104] {strides = array<i32>} : memref<8x256xi32, #tpu.memory_space<vmem>>, vector<16xi32>,
      %swap3A_106 = arith.constant 64 : index
      %swap3A_107 = tpu.vector_load %arg9[%swap3A_106] {strides = array<i32>} : memref<256xi32, #tpu.memory_space<vmem>>, vector<16xi32>,
      tpu.vector_store %arg9[%swap3A_106], %get3A_105 {strides = array<i32>} : memref<256xi32, #tpu.memory_space<vmem>>, vector<16xi32>,
      %get3A_108 = arith.index_cast %scan3A_59 : i32 to index
      %get3A_109 = arith.constant 80 : index
      %get3A_110 = tpu.vector_load %arg6[%get3A_108, %get3A_109] {strides = array<i32>} : memref<8x256xi32, #tpu.memory_space<vmem>>, vector<16xi32>,
      %swap3A_111 = arith.constant 80 : index
      %swap3A_112 = tpu.vector_load %arg8[%swap3A_111] {strides = array<i32>} : memref<256xi32, #tpu.memory_space<vmem>>, vector<16xi32>,
      tpu.vector_store %arg8[%swap3A_111], %get3A_110 {strides = array<i32>} : memref<256xi32, #tpu.memory_space<vmem>>, vector<16xi32>,
      %get3A_113 = arith.index_cast %scan3A_59 : i32 to index
      %get3A_114 = arith.constant 80 : index
      %get3A_115 = tpu.vector_load %arg7[%get3A_113, %get3A_114] {strides = array<i32>} : memref<8x256xi32, #tpu.memory_space<vmem>>, vector<16xi32>,
      %swap3A_116 = arith.constant 80 : index
      %swap3A_117 = tpu.vector_load %arg9[%swap3A_116] {strides = array<i32>} : memref<256xi32, #tpu.memory_space<vmem>>, vector<16xi32>,
      tpu.vector_store %arg9[%swap3A_116], %get3A_115 {strides = array<i32>} : memref<256xi32, #tpu.memory_space<vmem>>, vector<16xi32>,
      %get3A_118 = arith.index_cast %scan3A_59 : i32 to index
      %get3A_119 = arith.constant 96 : index
      %get3A_120 = tpu.vector_load %arg6[%get3A_118, %get3A_119] {strides = array<i32>} : memref<8x256xi32, #tpu.memory_space<vmem>>, vector<16xi32>,
      %swap3A_121 = arith.constant 96 : index
      %swap3A_122 = tpu.vector_load %arg8[%swap3A_121] {strides = array<i32>} : memref<256xi32, #tpu.memory_space<vmem>>, vector<16xi32>,
      tpu.vector_store %arg8[%swap3A_121], %get3A_120 {strides = array<i32>} : memref<256xi32, #tpu.memory_space<vmem>>, vector<16xi32>,
      %get3A_123 = arith.index_cast %scan3A_59 : i32 to index
      %get3A_124 = arith.constant 96 : index
      %get3A_125 = tpu.vector_load %arg7[%get3A_123, %get3A_124] {strides = array<i32>} : memref<8x256xi32, #tpu.memory_space<vmem>>, vector<16xi32>,
      %swap3A_126 = arith.constant 96 : index
      %swap3A_127 = tpu.vector_load %arg9[%swap3A_126] {strides = array<i32>} : memref<256xi32, #tpu.memory_space<vmem>>, vector<16xi32>,
      tpu.vector_store %arg9[%swap3A_126], %get3A_125 {strides = array<i32>} : memref<256xi32, #tpu.memory_space<vmem>>, vector<16xi32>,
      %get3A_128 = arith.index_cast %scan3A_59 : i32 to index
      %get3A_129 = arith.constant 112 : index
      %get3A_130 = tpu.vector_load %arg6[%get3A_128, %get3A_129] {strides = array<i32>} : memref<8x256xi32, #tpu.memory_space<vmem>>, vector<16xi32>,
      %swap3A_131 = arith.constant 112 : index
      %swap3A_132 = tpu.vector_load %arg8[%swap3A_131] {strides = array<i32>} : memref<256xi32, #tpu.memory_space<vmem>>, vector<16xi32>,
      tpu.vector_store %arg8[%swap3A_131], %get3A_130 {strides = array<i32>} : memref<256xi32, #tpu.memory_space<vmem>>, vector<16xi32>,
      %get3A_133 = arith.index_cast %scan3A_59 : i32 to index
      %get3A_134 = arith.constant 112 : index
      %get3A_135 = tpu.vector_load %arg7[%get3A_133, %get3A_134] {strides = array<i32>} : memref<8x256xi32, #tpu.memory_space<vmem>>, vector<16xi32>,
      %swap3A_136 = arith.constant 112 : index
      %swap3A_137 = tpu.vector_load %arg9[%swap3A_136] {strides = array<i32>} : memref<256xi32, #tpu.memory_space<vmem>>, vector<16xi32>,
      tpu.vector_store %arg9[%swap3A_136], %get3A_135 {strides = array<i32>} : memref<256xi32, #tpu.memory_space<vmem>>, vector<16xi32>,
      %get3A_138 = arith.index_cast %scan3A_59 : i32 to index
      %get3A_139 = arith.constant 128 : index
      %get3A_140 = tpu.vector_load %arg6[%get3A_138, %get3A_139] {strides = array<i32>} : memref<8x256xi32, #tpu.memory_space<vmem>>, vector<16xi32>,
      %swap3A_141 = arith.constant 128 : index
      %swap3A_142 = tpu.vector_load %arg8[%swap3A_141] {strides = array<i32>} : memref<256xi32, #tpu.memory_space<vmem>>, vector<16xi32>,
      tpu.vector_store %arg8[%swap3A_141], %get3A_140 {strides = array<i32>} : memref<256xi32, #tpu.memory_space<vmem>>, vector<16xi32>,
      %get3A_143 = arith.index_cast %scan3A_59 : i32 to index
      %get3A_144 = arith.constant 128 : index
      %get3A_145 = tpu.vector_load %arg7[%get3A_143, %get3A_144] {strides = array<i32>} : memref<8x256xi32, #tpu.memory_space<vmem>>, vector<16xi32>,
      %swap3A_146 = arith.constant 128 : index
      %swap3A_147 = tpu.vector_load %arg9[%swap3A_146] {strides = array<i32>} : memref<256xi32, #tpu.memory_space<vmem>>, vector<16xi32>,
      tpu.vector_store %arg9[%swap3A_146], %get3A_145 {strides = array<i32>} : memref<256xi32, #tpu.memory_space<vmem>>, vector<16xi32>,
      %get3A_148 = arith.index_cast %scan3A_59 : i32 to index
      %get3A_149 = arith.constant 144 : index
      %get3A_150 = tpu.vector_load %arg6[%get3A_148, %get3A_149] {strides = array<i32>} : memref<8x256xi32, #tpu.memory_space<vmem>>, vector<16xi32>,
      %swap3A_151 = arith.constant 144 : index
      %swap3A_152 = tpu.vector_load %arg8[%swap3A_151] {strides = array<i32>} : memref<256xi32, #tpu.memory_space<vmem>>, vector<16xi32>,
      tpu.vector_store %arg8[%swap3A_151], %get3A_150 {strides = array<i32>} : memref<256xi32, #tpu.memory_space<vmem>>, vector<16xi32>,
      %get3A_153 = arith.index_cast %scan3A_59 : i32 to index
      %get3A_154 = arith.constant 144 : index
      %get3A_155 = tpu.vector_load %arg7[%get3A_153, %get3A_154] {strides = array<i32>} : memref<8x256xi32, #tpu.memory_space<vmem>>, vector<16xi32>,
      %swap3A_156 = arith.constant 144 : index
      %swap3A_157 = tpu.vector_load %arg9[%swap3A_156] {strides = array<i32>} : memref<256xi32, #tpu.memory_space<vmem>>, vector<16xi32>,
      tpu.vector_store %arg9[%swap3A_156], %get3A_155 {strides = array<i32>} : memref<256xi32, #tpu.memory_space<vmem>>, vector<16xi32>,
      %get3A_158 = arith.index_cast %scan3A_59 : i32 to index
      %get3A_159 = arith.constant 160 : index
      %get3A_160 = tpu.vector_load %arg6[%get3A_158, %get3A_159] {strides = array<i32>} : memref<8x256xi32, #tpu.memory_space<vmem>>, vector<16xi32>,
      %swap3A_161 = arith.constant 160 : index
      %swap3A_162 = tpu.vector_load %arg8[%swap3A_161] {strides = array<i32>} : memref<256xi32, #tpu.memory_space<vmem>>, vector<16xi32>,
      tpu.vector_store %arg8[%swap3A_161], %get3A_160 {strides = array<i32>} : memref<256xi32, #tpu.memory_space<vmem>>, vector<16xi32>,
      %get3A_163 = arith.index_cast %scan3A_59 : i32 to index
      %get3A_164 = arith.constant 160 : index
      %get3A_165 = tpu.vector_load %arg7[%get3A_163, %get3A_164] {strides = array<i32>} : memref<8x256xi32, #tpu.memory_space<vmem>>, vector<16xi32>,
      %swap3A_166 = arith.constant 160 : index
      %swap3A_167 = tpu.vector_load %arg9[%swap3A_166] {strides = array<i32>} : memref<256xi32, #tpu.memory_space<vmem>>, vector<16xi32>,
      tpu.vector_store %arg9[%swap3A_166], %get3A_165 {strides = array<i32>} : memref<256xi32, #tpu.memory_space<vmem>>, vector<16xi32>,
      %get3A_168 = arith.index_cast %scan3A_59 : i32 to index
      %get3A_169 = arith.constant 176 : index
      %get3A_170 = tpu.vector_load %arg6[%get3A_168, %get3A_169] {strides = array<i32>} : memref<8x256xi32, #tpu.memory_space<vmem>>, vector<16xi32>,
      %swap3A_171 = arith.constant 176 : index
      %swap3A_172 = tpu.vector_load %arg8[%swap3A_171] {strides = array<i32>} : memref<256xi32, #tpu.memory_space<vmem>>, vector<16xi32>,
      tpu.vector_store %arg8[%swap3A_171], %get3A_170 {strides = array<i32>} : memref<256xi32, #tpu.memory_space<vmem>>, vector<16xi32>,
      %get3A_173 = arith.index_cast %scan3A_59 : i32 to index
      %get3A_174 = arith.constant 176 : index
      %get3A_175 = tpu.vector_load %arg7[%get3A_173, %get3A_174] {strides = array<i32>} : memref<8x256xi32, #tpu.memory_space<vmem>>, vector<16xi32>,
      %swap3A_176 = arith.constant 176 : index
      %swap3A_177 = tpu.vector_load %arg9[%swap3A_176] {strides = array<i32>} : memref<256xi32, #tpu.memory_space<vmem>>, vector<16xi32>,
      tpu.vector_store %arg9[%swap3A_176], %get3A_175 {strides = array<i32>} : memref<256xi32, #tpu.memory_space<vmem>>, vector<16xi32>,
      %get3A_178 = arith.index_cast %scan3A_59 : i32 to index
      %get3A_179 = arith.constant 192 : index
      %get3A_180 = tpu.vector_load %arg6[%get3A_178, %get3A_179] {strides = array<i32>} : memref<8x256xi32, #tpu.memory_space<vmem>>, vector<16xi32>,
      %swap3A_181 = arith.constant 192 : index
      %swap3A_182 = tpu.vector_load %arg8[%swap3A_181] {strides = array<i32>} : memref<256xi32, #tpu.memory_space<vmem>>, vector<16xi32>,
      tpu.vector_store %arg8[%swap3A_181], %get3A_180 {strides = array<i32>} : memref<256xi32, #tpu.memory_space<vmem>>, vector<16xi32>,
      %get3A_183 = arith.index_cast %scan3A_59 : i32 to index
      %get3A_184 = arith.constant 192 : index
      %get3A_185 = tpu.vector_load %arg7[%get3A_183, %get3A_184] {strides = array<i32>} : memref<8x256xi32, #tpu.memory_space<vmem>>, vector<16xi32>,
      %swap3A_186 = arith.constant 192 : index
      %swap3A_187 = tpu.vector_load %arg9[%swap3A_186] {strides = array<i32>} : memref<256xi32, #tpu.memory_space<vmem>>, vector<16xi32>,
      tpu.vector_store %arg9[%swap3A_186], %get3A_185 {strides = array<i32>} : memref<256xi32, #tpu.memory_space<vmem>>, vector<16xi32>,
      %get3A_188 = arith.index_cast %scan3A_59 : i32 to index
      %get3A_189 = arith.constant 208 : index
      %get3A_190 = tpu.vector_load %arg6[%get3A_188, %get3A_189] {strides = array<i32>} : memref<8x256xi32, #tpu.memory_space<vmem>>, vector<16xi32>,
      %swap3A_191 = arith.constant 208 : index
      %swap3A_192 = tpu.vector_load %arg8[%swap3A_191] {strides = array<i32>} : memref<256xi32, #tpu.memory_space<vmem>>, vector<16xi32>,
      tpu.vector_store %arg8[%swap3A_191], %get3A_190 {strides = array<i32>} : memref<256xi32, #tpu.memory_space<vmem>>, vector<16xi32>,
      %get3A_193 = arith.index_cast %scan3A_59 : i32 to index
      %get3A_194 = arith.constant 208 : index
      %get3A_195 = tpu.vector_load %arg7[%get3A_193, %get3A_194] {strides = array<i32>} : memref<8x256xi32, #tpu.memory_space<vmem>>, vector<16xi32>,
      %swap3A_196 = arith.constant 208 : index
      %swap3A_197 = tpu.vector_load %arg9[%swap3A_196] {strides = array<i32>} : memref<256xi32, #tpu.memory_space<vmem>>, vector<16xi32>,
      tpu.vector_store %arg9[%swap3A_196], %get3A_195 {strides = array<i32>} : memref<256xi32, #tpu.memory_space<vmem>>, vector<16xi32>,
      %get3A_198 = arith.index_cast %scan3A_59 : i32 to index
      %get3A_199 = arith.constant 224 : index
      %get3A_200 = tpu.vector_load %arg6[%get3A_198, %get3A_199] {strides = array<i32>} : memref<8x256xi32, #tpu.memory_space<vmem>>, vector<16xi32>,
      %swap3A_201 = arith.constant 224 : index
      %swap3A_202 = tpu.vector_load %arg8[%swap3A_201] {strides = array<i32>} : memref<256xi32, #tpu.memory_space<vmem>>, vector<16xi32>,
      tpu.vector_store %arg8[%swap3A_201], %get3A_200 {strides = array<i32>} : memref<256xi32, #tpu.memory_space<vmem>>, vector<16xi32>,
      %get3A_203 = arith.index_cast %scan3A_59 : i32 to index
      %get3A_204 = arith.constant 224 : index
      %get3A_205 = tpu.vector_load %arg7[%get3A_203, %get3A_204] {strides = array<i32>} : memref<8x256xi32, #tpu.memory_space<vmem>>, vector<16xi32>,
      %swap3A_206 = arith.constant 224 : index
      %swap3A_207 = tpu.vector_load %arg9[%swap3A_206] {strides = array<i32>} : memref<256xi32, #tpu.memory_space<vmem>>, vector<16xi32>,
      tpu.vector_store %arg9[%swap3A_206], %get3A_205 {strides = array<i32>} : memref<256xi32, #tpu.memory_space<vmem>>, vector<16xi32>,
      %get3A_208 = arith.index_cast %scan3A_59 : i32 to index
      %get3A_209 = arith.constant 240 : index
      %get3A_210 = tpu.vector_load %arg6[%get3A_208, %get3A_209] {strides = array<i32>} : memref<8x256xi32, #tpu.memory_space<vmem>>, vector<16xi32>,
      %swap3A_211 = arith.constant 240 : index
      %swap3A_212 = tpu.vector_load %arg8[%swap3A_211] {strides = array<i32>} : memref<256xi32, #tpu.memory_space<vmem>>, vector<16xi32>,
      tpu.vector_store %arg8[%swap3A_211], %get3A_210 {strides = array<i32>} : memref<256xi32, #tpu.memory_space<vmem>>, vector<16xi32>,
      %get3A_213 = arith.index_cast %scan3A_59 : i32 to index
      %get3A_214 = arith.constant 240 : index
      %get3A_215 = tpu.vector_load %arg7[%get3A_213, %get3A_214] {strides = array<i32>} : memref<8x256xi32, #tpu.memory_space<vmem>>, vector<16xi32>,
      %swap3A_216 = arith.constant 240 : index
      %swap3A_217 = tpu.vector_load %arg9[%swap3A_216] {strides = array<i32>} : memref<256xi32, #tpu.memory_space<vmem>>, vector<16xi32>,
      tpu.vector_store %arg9[%swap3A_216], %get3A_215 {strides = array<i32>} : memref<256xi32, #tpu.memory_space<vmem>>, vector<16xi32>,
      %dma_start3A = arith.constant 0 : i32
      %dma_start3A_218 = arith.constant 0 : i32
      %dma_start3A_219 = tpu.memref_slice %arg2[%dma_start3A, %dma_start3A_218] : memref<10240x128xf32, #tpu.memory_space<hbm>> -> memref<10240x128xf32, #tpu.memory_space<hbm>>
      tpu.enqueue_indirect_dma source(%dma_start3A_219 : memref<10240x128xf32, #tpu.memory_space<hbm>>) target(%arg10 : memref<256x128xf32, #tpu.memory_space<vmem>>) offsets(%arg8 : memref<256xi32, #tpu.memory_space<vmem>>) semaphore(%arg11 : memref<!tpu.dma_semaphore, #tpu.memory_space<semaphore_mem>>)
      %dma_wait3A = arith.constant 0 : i32
      %dma_wait3A_220 = arith.constant 0 : i32
      %dma_wait3A_221 = tpu.memref_slice %arg2[%dma_wait3A, %dma_wait3A_220] : memref<10240x128xf32, #tpu.memory_space<hbm>> -> memref<10240x128xf32, #tpu.memory_space<hbm>>
      tpu.wait_indirect_dma semaphore(%arg11 : memref<!tpu.dma_semaphore, #tpu.memory_space<semaphore_mem>>) src(%dma_wait3A_221 : memref<10240x128xf32, #tpu.memory_space<hbm>>) dst(%arg10 : memref<256x128xf32, #tpu.memory_space<vmem>>)
      "tpu.region"() ({
        %run_scoped3A = tpu.sem_alloc : memref<!tpu.dma_semaphore, #tpu.memory_space<semaphore_mem>>
        %dma_start3A_222 = arith.constant 0 : i32
        %dma_start3A_223 = arith.constant 0 : i32
        %dma_start3A_224 = tpu.memref_slice %arg12[%dma_start3A_222, %dma_start3A_223] : memref<10240x128xf32, #tpu.memory_space<vmem_shared>> -> memref<10240x128xf32, #tpu.memory_space<vmem_shared>>
        tpu.enqueue_indirect_dma source(%arg10 : memref<256x128xf32, #tpu.memory_space<vmem>>) target(%dma_start3A_224 : memref<10240x128xf32, #tpu.memory_space<vmem_shared>>) offsets(%arg9 : memref<256xi32, #tpu.memory_space<vmem>>) semaphore(%run_scoped3A : memref<!tpu.dma_semaphore, #tpu.memory_space<semaphore_mem>>) {add = true}
        %dma_wait3A_225 = arith.constant 0 : i32
        %dma_wait3A_226 = arith.constant 0 : i32
        %dma_wait3A_227 = tpu.memref_slice %arg12[%dma_wait3A_225, %dma_wait3A_226] : memref<10240x128xf32, #tpu.memory_space<vmem_shared>> -> memref<10240x128xf32, #tpu.memory_space<vmem_shared>>
        tpu.wait_indirect_dma semaphore(%run_scoped3A : memref<!tpu.dma_semaphore, #tpu.memory_space<semaphore_mem>>) src(%arg10 : memref<256x128xf32, #tpu.memory_space<vmem>>) dst(%dma_wait3A_227 : memref<10240x128xf32, #tpu.memory_space<vmem_shared>>)
        tpu.yield
      }) : () -> ()
    }
    %scan3A_53 = arith.constant 8 : i32
    %barrier3A_54 = arith.constant 0 : index
    tpu.barrier barrier_id(%barrier3A_54)
    %mul3A_55 = arith.constant 640 : i32
    %mul3A_56 = arith.muli %arg1, %mul3A_55 : i32
    %mul3A_57 = arith.constant 640 : i32
    %mul3A_58 = arith.muli %arg1, %mul3A_57 : i32
    "tpu.region"() ({
      %run_scoped3A = tpu.sem_alloc : memref<!tpu.dma_semaphore, #tpu.memory_space<semaphore_mem>>
      %dma_start3A = arith.constant 0 : i32
      %dma_start3A_59 = tpu.memref_slice %arg5[%arg0, %mul3A_58, %dma_start3A] : memref<2x10240x128xf32, #tpu.memory_space<hbm>> -> memref<1x640x128xf32, #tpu.memory_space<hbm>>
      %dma_start3A_60 = tpu.memref_squeeze %dma_start3A_59 : memref<1x640x128xf32, #tpu.memory_space<hbm>> -> memref<640x128xf32, #tpu.memory_space<hbm>>
      %dma_start3A_61 = arith.constant 0 : i32
      %dma_start3A_62 = tpu.memref_slice %arg12[%mul3A_56, %dma_start3A_61] : memref<10240x128xf32, #tpu.memory_space<vmem_shared>> -> memref<640x128xf32, #tpu.memory_space<vmem_shared>>
      tpu.enqueue_dma source(%dma_start3A_62 : memref<640x128xf32, #tpu.memory_space<vmem_shared>>) target(%dma_start3A_60 : memref<640x128xf32, #tpu.memory_space<hbm>>) target_semaphore(%run_scoped3A : memref<!tpu.dma_semaphore, #tpu.memory_space<semaphore_mem>>)
      %dma_wait3A = arith.constant 0 : i32
      %dma_wait3A_63 = tpu.memref_slice %arg5[%arg0, %mul3A_58, %dma_wait3A] : memref<2x10240x128xf32, #tpu.memory_space<hbm>> -> memref<1x640x128xf32, #tpu.memory_space<hbm>>
      %dma_wait3A_64 = tpu.memref_squeeze %dma_wait3A_63 : memref<1x640x128xf32, #tpu.memory_space<hbm>> -> memref<640x128xf32, #tpu.memory_space<hbm>>
      %dma_wait3A_65 = arith.constant 0 : i32
      %dma_wait3A_66 = tpu.memref_slice %arg12[%mul3A_56, %dma_wait3A_65] : memref<10240x128xf32, #tpu.memory_space<vmem_shared>> -> memref<640x128xf32, #tpu.memory_space<vmem_shared>>
      tpu.wait_dma2 semaphore(%run_scoped3A : memref<!tpu.dma_semaphore, #tpu.memory_space<semaphore_mem>>) src(%dma_wait3A_66 : memref<640x128xf32, #tpu.memory_space<vmem_shared>>) dst(%dma_wait3A_64 : memref<640x128xf32, #tpu.memory_space<hbm>>)
      tpu.yield
    }) : () -> ()
    return
  }
}

module attributes {stable_mosaic.version = 14 : i64} {
  func.func @_tc_pre(%arg0: i32, %arg1: memref<1024x128xf32, #tpu.memory_space<vmem>>, %arg2: memref<128x128xf32, #tpu.memory_space<vmem>>, %arg3: memref<32x1024xf32, #tpu.memory_space<vmem>>, %arg4: memref<1024x128xf32, #tpu.memory_space<vmem>>) attributes {dimension_semantics = [#tpu.dimension_semantics<arbitrary>], iteration_bounds = array<i64: 10>, scalar_prefetch = 0 : i64, scratch_operands = 0 : i64, tpu.core_type = #tpu.core_type<tc>, window_params = [{transform_indices = @transform_0, window_bounds = array<i64: 1024, 128>}, {pipeline_mode = #tpu.pipeline_mode<synchronous>, transform_indices = @transform_1, window_bounds = array<i64: 128, 128>}, {transform_indices = @transform_2, window_bounds = array<i64: 32, 1024>}, {transform_indices = @transform_3, window_bounds = array<i64: 1024, 128>}]} {
    %broadcast_in_dim3A = arith.constant 1.000000e+00 : f32
    %broadcast_in_dim3A_0 = vector.broadcast %broadcast_in_dim3A : f32 to vector<32x128xf32>
    %get3A = arith.constant 0 : index
    %get3A_1 = arith.constant 0 : index
    %get3A_2 = vector.load %arg3[%get3A, %get3A_1] : memref<32x1024xf32, #tpu.memory_space<vmem>>, vector<32x1024xf32>
    %dot_general3A = arith.constant dense<0.000000e+00> : vector<1024x128xf32>
    %dot_general3A_3 = tpu.matmul %get3A_2, %broadcast_in_dim3A_0, %dot_general3A {dimension_numbers = #tpu.dot_dimension_numbers<[0], [0], [1], [1], [0, 1, 1, 1], [], []>, transpose_lhs_hint = false} : vector<32x1024xf32>, vector<32x128xf32>, vector<1024x128xf32> -> vector<1024x128xf32>
    %add3A = arith.constant 1.000000e+00 : f32
    %add3A_4 = vector.broadcast %add3A : f32 to vector<1024x128xf32>
    %add3A_5 = arith.addf %dot_general3A_3, %add3A_4 : vector<1024x128xf32>
    %rsqrt3A = math.rsqrt %add3A_5 : vector<1024x128xf32>
    %get3A_6 = arith.constant 0 : index
    %get3A_7 = arith.constant 0 : index
    %get3A_8 = vector.load %arg1[%get3A_6, %get3A_7] : memref<1024x128xf32, #tpu.memory_space<vmem>>, vector<1024x128xf32>
    %get3A_9 = arith.constant 0 : index
    %get3A_10 = arith.constant 0 : index
    %get3A_11 = vector.load %arg2[%get3A_9, %get3A_10] : memref<128x128xf32, #tpu.memory_space<vmem>>, vector<128x128xf32>
    %dot_general3A_12 = arith.constant dense<0.000000e+00> : vector<1024x128xf32>
    %dot_general3A_13 = tpu.matmul %get3A_8, %get3A_11, %dot_general3A_12 {dimension_numbers = #tpu.dot_dimension_numbers<[1], [0], [0], [1], [0, 0, 1, 1], [], []>, transpose_lhs_hint = false} : vector<1024x128xf32>, vector<128x128xf32>, vector<1024x128xf32> -> vector<1024x128xf32>
    %mul3A = arith.mulf %rsqrt3A, %dot_general3A_13 : vector<1024x128xf32>
    %swap3A = arith.constant 0 : index
    %swap3A_14 = arith.constant 0 : index
    %swap3A_15 = vector.load %arg4[%swap3A, %swap3A_14] : memref<1024x128xf32, #tpu.memory_space<vmem>>, vector<1024x128xf32>
    tpu.vector_store %arg4[%swap3A, %swap3A_14], %mul3A {strides = array<i32>} : memref<1024x128xf32, #tpu.memory_space<vmem>>, vector<1024x128xf32>,
    return
  }
  func.func @transform_0(%arg0: i32) -> (i32, i32) {
    %c0_i32 = arith.constant 0 : i32
    %c0_i32_0 = arith.constant 0 : i32
    return %arg0, %c0_i32 : i32, i32
  }
  func.func @transform_1(%arg0: i32) -> (i32, i32) {
    %c0_i32 = arith.constant 0 : i32
    %c0_i32_0 = arith.constant 0 : i32
    %c0_i32_1 = arith.constant 0 : i32
    return %c0_i32, %c0_i32_0 : i32, i32
  }
  func.func @transform_2(%arg0: i32) -> (i32, i32) {
    %c0_i32 = arith.constant 0 : i32
    %c0_i32_0 = arith.constant 0 : i32
    return %c0_i32, %arg0 : i32, i32
  }
  func.func @transform_3(%arg0: i32) -> (i32, i32) {
    %c0_i32 = arith.constant 0 : i32
    %c0_i32_0 = arith.constant 0 : i32
    return %arg0, %c0_i32 : i32, i32
  }
}

module attributes {stable_mosaic.version = 14 : i64} {
  func.func @_tc_mid(%arg0: i32, %arg1: memref<2x1024x128xf32, #tpu.memory_space<vmem>>, %arg2: memref<1024x128xf32, #tpu.memory_space<vmem>>, %arg3: memref<32x1024xf32, #tpu.memory_space<vmem>>, %arg4: memref<128x128xf32, #tpu.memory_space<vmem>>, %arg5: memref<1x128xf32, #tpu.memory_space<vmem>>, %arg6: memref<1024x128xf32, #tpu.memory_space<vmem>>) attributes {dimension_semantics = [#tpu.dimension_semantics<arbitrary>], iteration_bounds = array<i64: 10>, scalar_prefetch = 0 : i64, scratch_operands = 0 : i64, tpu.core_type = #tpu.core_type<tc>, window_params = [{transform_indices = @transform_0, window_bounds = array<i64: 2, 1024, 128>}, {transform_indices = @transform_1, window_bounds = array<i64: 1024, 128>}, {transform_indices = @transform_2, window_bounds = array<i64: 32, 1024>}, {pipeline_mode = #tpu.pipeline_mode<synchronous>, transform_indices = @transform_3, window_bounds = array<i64: 128, 128>}, {pipeline_mode = #tpu.pipeline_mode<synchronous>, transform_indices = @transform_4, window_bounds = array<i64: 1, 128>}, {transform_indices = @transform_5, window_bounds = array<i64: 1024, 128>}]} {
    %broadcast_in_dim3A = arith.constant 1.000000e+00 : f32
    %broadcast_in_dim3A_0 = vector.broadcast %broadcast_in_dim3A : f32 to vector<32x128xf32>
    %get3A = arith.constant 0 : index
    %get3A_1 = arith.constant 0 : index
    %get3A_2 = vector.load %arg3[%get3A, %get3A_1] : memref<32x1024xf32, #tpu.memory_space<vmem>>, vector<32x1024xf32>
    %dot_general3A = arith.constant dense<0.000000e+00> : vector<1024x128xf32>
    %dot_general3A_3 = tpu.matmul %get3A_2, %broadcast_in_dim3A_0, %dot_general3A {dimension_numbers = #tpu.dot_dimension_numbers<[0], [0], [1], [1], [0, 1, 1, 1], [], []>, transpose_lhs_hint = false} : vector<32x1024xf32>, vector<32x128xf32>, vector<1024x128xf32> -> vector<1024x128xf32>
    %add3A = arith.constant 1.000000e+00 : f32
    %add3A_4 = vector.broadcast %add3A : f32 to vector<1024x128xf32>
    %add3A_5 = arith.addf %dot_general3A_3, %add3A_4 : vector<1024x128xf32>
    %rsqrt3A = math.rsqrt %add3A_5 : vector<1024x128xf32>
    %get3A_6 = arith.constant 0 : index
    %get3A_7 = arith.constant 0 : index
    %get3A_8 = arith.constant 0 : index
    %get3A_9 = vector.load %arg1[%get3A_6, %get3A_7, %get3A_8] : memref<2x1024x128xf32, #tpu.memory_space<vmem>>, vector<1x1024x128xf32>
    %get3A_10 = vector.shape_cast %get3A_9 : vector<1x1024x128xf32> to vector<1024x128xf32>
    %get3A_11 = arith.constant 1 : index
    %get3A_12 = arith.constant 0 : index
    %get3A_13 = arith.constant 0 : index
    %get3A_14 = vector.load %arg1[%get3A_11, %get3A_12, %get3A_13] : memref<2x1024x128xf32, #tpu.memory_space<vmem>>, vector<1x1024x128xf32>
    %get3A_15 = vector.shape_cast %get3A_14 : vector<1x1024x128xf32> to vector<1024x128xf32>
    %add3A_16 = arith.addf %get3A_10, %get3A_15 : vector<1024x128xf32>
    %get3A_17 = arith.constant 0 : index
    %get3A_18 = arith.constant 0 : index
    %get3A_19 = vector.load %arg2[%get3A_17, %get3A_18] : memref<1024x128xf32, #tpu.memory_space<vmem>>, vector<1024x128xf32>
    %add3A_20 = arith.addf %add3A_16, %get3A_19 : vector<1024x128xf32>
    %mul3A = arith.mulf %rsqrt3A, %add3A_20 : vector<1024x128xf32>
    %get3A_21 = arith.constant 0 : index
    %get3A_22 = arith.constant 0 : index
    %get3A_23 = vector.load %arg5[%get3A_21, %get3A_22] : memref<1x128xf32, #tpu.memory_space<vmem>>, vector<1x128xf32>
    %add3A_24 = vector.broadcast %get3A_23 : vector<1x128xf32> to vector<1024x128xf32>
    %add3A_25 = arith.addf %mul3A, %add3A_24 : vector<1024x128xf32>
    %max3A = arith.constant 0.000000e+00 : f32
    %max3A_26 = vector.broadcast %max3A : f32 to vector<1024x128xf32>
    %max3A_27 = arith.maximumf %add3A_25, %max3A_26 : vector<1024x128xf32>
    %get3A_28 = arith.constant 0 : index
    %get3A_29 = arith.constant 0 : index
    %get3A_30 = vector.load %arg4[%get3A_28, %get3A_29] : memref<128x128xf32, #tpu.memory_space<vmem>>, vector<128x128xf32>
    %dot_general3A_31 = arith.constant dense<0.000000e+00> : vector<1024x128xf32>
    %dot_general3A_32 = tpu.matmul %max3A_27, %get3A_30, %dot_general3A_31 {dimension_numbers = #tpu.dot_dimension_numbers<[1], [0], [0], [1], [0, 0, 1, 1], [], []>, transpose_lhs_hint = false} : vector<1024x128xf32>, vector<128x128xf32>, vector<1024x128xf32> -> vector<1024x128xf32>
    %mul3A_33 = arith.mulf %rsqrt3A, %dot_general3A_32 : vector<1024x128xf32>
    %swap3A = arith.constant 0 : index
    %swap3A_34 = arith.constant 0 : index
    %swap3A_35 = vector.load %arg6[%swap3A, %swap3A_34] : memref<1024x128xf32, #tpu.memory_space<vmem>>, vector<1024x128xf32>
    tpu.vector_store %arg6[%swap3A, %swap3A_34], %mul3A_33 {strides = array<i32>} : memref<1024x128xf32, #tpu.memory_space<vmem>>, vector<1024x128xf32>,
    return
  }
  func.func @transform_0(%arg0: i32) -> (i32, i32, i32) {
    %c0_i32 = arith.constant 0 : i32
    %c0_i32_0 = arith.constant 0 : i32
    %c0_i32_1 = arith.constant 0 : i32
    return %c0_i32, %arg0, %c0_i32_0 : i32, i32, i32
  }
  func.func @transform_1(%arg0: i32) -> (i32, i32) {
    %c0_i32 = arith.constant 0 : i32
    %c0_i32_0 = arith.constant 0 : i32
    return %arg0, %c0_i32 : i32, i32
  }
  func.func @transform_2(%arg0: i32) -> (i32, i32) {
    %c0_i32 = arith.constant 0 : i32
    %c0_i32_0 = arith.constant 0 : i32
    return %c0_i32, %arg0 : i32, i32
  }
  func.func @transform_3(%arg0: i32) -> (i32, i32) {
    %c0_i32 = arith.constant 0 : i32
    %c0_i32_0 = arith.constant 0 : i32
    %c0_i32_1 = arith.constant 0 : i32
    return %c0_i32, %c0_i32_0 : i32, i32
  }
  func.func @transform_4(%arg0: i32) -> (i32, i32) {
    %c0_i32 = arith.constant 0 : i32
    %c0_i32_0 = arith.constant 0 : i32
    %c0_i32_1 = arith.constant 0 : i32
    return %c0_i32, %c0_i32_0 : i32, i32
  }
  func.func @transform_5(%arg0: i32) -> (i32, i32) {
    %c0_i32 = arith.constant 0 : i32
    %c0_i32_0 = arith.constant 0 : i32
    return %arg0, %c0_i32 : i32, i32
  }
}

module attributes {stable_mosaic.version = 14 : i64} {
  func.func @_tc_post(%arg0: i32, %arg1: memref<2x1024x128xf32, #tpu.memory_space<vmem>>, %arg2: memref<1024x128xf32, #tpu.memory_space<vmem>>, %arg3: memref<32x1024xf32, #tpu.memory_space<vmem>>, %arg4: memref<1x128xf32, #tpu.memory_space<vmem>>, %arg5: memref<1024x128xf32, #tpu.memory_space<vmem>>) attributes {dimension_semantics = [#tpu.dimension_semantics<arbitrary>], iteration_bounds = array<i64: 10>, scalar_prefetch = 0 : i64, scratch_operands = 0 : i64, tpu.core_type = #tpu.core_type<tc>, window_params = [{transform_indices = @transform_0, window_bounds = array<i64: 2, 1024, 128>}, {transform_indices = @transform_1, window_bounds = array<i64: 1024, 128>}, {transform_indices = @transform_2, window_bounds = array<i64: 32, 1024>}, {pipeline_mode = #tpu.pipeline_mode<synchronous>, transform_indices = @transform_3, window_bounds = array<i64: 1, 128>}, {transform_indices = @transform_4, window_bounds = array<i64: 1024, 128>}]} {
    %broadcast_in_dim3A = arith.constant 1.000000e+00 : f32
    %broadcast_in_dim3A_0 = vector.broadcast %broadcast_in_dim3A : f32 to vector<32x128xf32>
    %get3A = arith.constant 0 : index
    %get3A_1 = arith.constant 0 : index
    %get3A_2 = vector.load %arg3[%get3A, %get3A_1] : memref<32x1024xf32, #tpu.memory_space<vmem>>, vector<32x1024xf32>
    %dot_general3A = arith.constant dense<0.000000e+00> : vector<1024x128xf32>
    %dot_general3A_3 = tpu.matmul %get3A_2, %broadcast_in_dim3A_0, %dot_general3A {dimension_numbers = #tpu.dot_dimension_numbers<[0], [0], [1], [1], [0, 1, 1, 1], [], []>, transpose_lhs_hint = false} : vector<32x1024xf32>, vector<32x128xf32>, vector<1024x128xf32> -> vector<1024x128xf32>
    %add3A = arith.constant 1.000000e+00 : f32
    %add3A_4 = vector.broadcast %add3A : f32 to vector<1024x128xf32>
    %add3A_5 = arith.addf %dot_general3A_3, %add3A_4 : vector<1024x128xf32>
    %rsqrt3A = math.rsqrt %add3A_5 : vector<1024x128xf32>
    %get3A_6 = arith.constant 0 : index
    %get3A_7 = arith.constant 0 : index
    %get3A_8 = arith.constant 0 : index
    %get3A_9 = vector.load %arg1[%get3A_6, %get3A_7, %get3A_8] : memref<2x1024x128xf32, #tpu.memory_space<vmem>>, vector<1x1024x128xf32>
    %get3A_10 = vector.shape_cast %get3A_9 : vector<1x1024x128xf32> to vector<1024x128xf32>
    %get3A_11 = arith.constant 1 : index
    %get3A_12 = arith.constant 0 : index
    %get3A_13 = arith.constant 0 : index
    %get3A_14 = vector.load %arg1[%get3A_11, %get3A_12, %get3A_13] : memref<2x1024x128xf32, #tpu.memory_space<vmem>>, vector<1x1024x128xf32>
    %get3A_15 = vector.shape_cast %get3A_14 : vector<1x1024x128xf32> to vector<1024x128xf32>
    %add3A_16 = arith.addf %get3A_10, %get3A_15 : vector<1024x128xf32>
    %get3A_17 = arith.constant 0 : index
    %get3A_18 = arith.constant 0 : index
    %get3A_19 = vector.load %arg2[%get3A_17, %get3A_18] : memref<1024x128xf32, #tpu.memory_space<vmem>>, vector<1024x128xf32>
    %add3A_20 = arith.addf %add3A_16, %get3A_19 : vector<1024x128xf32>
    %mul3A = arith.mulf %rsqrt3A, %add3A_20 : vector<1024x128xf32>
    %get3A_21 = arith.constant 0 : index
    %get3A_22 = arith.constant 0 : index
    %get3A_23 = vector.load %arg4[%get3A_21, %get3A_22] : memref<1x128xf32, #tpu.memory_space<vmem>>, vector<1x128xf32>
    %add3A_24 = vector.broadcast %get3A_23 : vector<1x128xf32> to vector<1024x128xf32>
    %add3A_25 = arith.addf %mul3A, %add3A_24 : vector<1024x128xf32>
    %swap3A = arith.constant 0 : index
    %swap3A_26 = arith.constant 0 : index
    %swap3A_27 = vector.load %arg5[%swap3A, %swap3A_26] : memref<1024x128xf32, #tpu.memory_space<vmem>>, vector<1024x128xf32>
    tpu.vector_store %arg5[%swap3A, %swap3A_26], %add3A_25 {strides = array<i32>} : memref<1024x128xf32, #tpu.memory_space<vmem>>, vector<1024x128xf32>,
    return
  }
  func.func @transform_0(%arg0: i32) -> (i32, i32, i32) {
    %c0_i32 = arith.constant 0 : i32
    %c0_i32_0 = arith.constant 0 : i32
    %c0_i32_1 = arith.constant 0 : i32
    return %c0_i32, %arg0, %c0_i32_0 : i32, i32, i32
  }
  func.func @transform_1(%arg0: i32) -> (i32, i32) {
    %c0_i32 = arith.constant 0 : i32
    %c0_i32_0 = arith.constant 0 : i32
    return %arg0, %c0_i32 : i32, i32
  }
  func.func @transform_2(%arg0: i32) -> (i32, i32) {
    %c0_i32 = arith.constant 0 : i32
    %c0_i32_0 = arith.constant 0 : i32
    return %c0_i32, %arg0 : i32, i32
  }
  func.func @transform_3(%arg0: i32) -> (i32, i32) {
    %c0_i32 = arith.constant 0 : i32
    %c0_i32_0 = arith.constant 0 : i32
    %c0_i32_1 = arith.constant 0 : i32
    return %c0_i32, %c0_i32_0 : i32, i32
  }
  func.func @transform_4(%arg0: i32) -> (i32, i32) {
    %c0_i32 = arith.constant 0 : i32
    %c0_i32_0 = arith.constant 0 : i32
    return %arg0, %c0_i32 : i32, i32
  }
}

</mosaic_0001>

<sc_bundles>
// kernel: kernel.11.cloned.1.call-start
scs
__scs_entry_jumppad:
0x0: {  	(pc) =	sbr.rel $0x88, $3  }
0x1: {  	(tag) =	ssettag $0x0;
	lr =	simm.s32 $0x1  }
0x2: {  	[smem:$0x3F9B] =	sst lr;
	_ =	strace $0xD0000000  }
0x3: {  	_ = 	snop  }
0x4: {  	_ = 	snop  }
0x5: {  	_ = 	snop  }
0x6: {  	_ = 	snop  }
0x7: {  	_ = 	snop  }
__scs_overlays_trampoline_lowered:
0x8: {  	[smem:$0x3FAA] =	sst s0  }
0x9: {  	[smem:$0x3FAB] =	sst s1  }
0xa: {  	[smem:$0x3FAC] =	sst s2  }
0xb: {  	[smem:$0x3FAD] =	sst s3  }
0xc: {  	[smem:$0x3FAE] =	sst s4  }
0xd: {  	[smem:$0x3FAF] =	sst s5  }
0xe: {  	[smem:$0x3FB0] =	sst s6  }
0xf: {  	[smem:$0x3FB1] =	sst s7  }
0x10: {  	[smem:$0x3FB2] =	sst s8  }
0x11: {  	[smem:$0x3FB3] =	sst s9;
	s0 =	simm.s32 @!p0 $0x0  }
0x12: {  	s1 =	sld [smem:$0x3F99];
	s0 =	simm.s32 @p0 $0x1  }
0x13: {  	[smem:$0x3FB4] =	sst s0;
	s0 =	simm.s32 @!p1 $0x0  }
0x14: {  	s2 =	sld [smem:$0x3F98];
	s0 =	simm.s32 @p1 $0x1  }
0x15: {  	[smem:$0x3FB5] =	sst s0;
	s0 =	simm.s32 @!p2 $0x0  }
0x16: {  	s3 =	sld [smem:$0x3FDB];
	s0 =	simm.s32 @p2 $0x1  }
0x17: {  	s4 =	simm.s32 $0x1BF5;
	[smem:$0x3FB7] =	sst s0  }
0x18: {  	s0 =	sld [smem:$0x3F9A];
	_ =	swait.ge [sflag:s4], $0x0  }
0x19: {  	s7 =	sld [smem:$0x3F9B]  }
0x1a: {  	s8 =	sadd.s32 $0xFFFFE003, lr  }
0x1b: {  	s9 =	sadd.s32 $0xFFFFFEF7, lr;
	s5 =	simm.s32 $0xFFFFFFFF;
	p2 =	slt.u32 s8, $0xFFFFF086  }
0x1c: {  	p1 =	slt.u32 s9, $0xF7A;
	s5 =	simm.s32 @!p2 $0x0  }
0x1d: {  	s5 =	simm.s32 @p1 $0x1;
	p0 =	seq.s32 s7, s2  }
0x1e: {  	s7 =	smul.u32 @!p0 $0xF7A, s2;
	p2 =	seq.s32 @!p0 s5, $0x0  }
0x1f: {  	s9 =	smul.u32 $0xF7A, s1;
	s8 =	simm.s32 @!p0 $0x1BF5;
	p2 =	por !p2, p0  }
0x20: {  	[sflag:s8] =	ssyncset.s32 @!p0 $0xFFFFF086;
	s6 =	sadd.s32 @!p0 s3, s7;
	s7 =	simm.s32 @!p0 $0x108  }
0x21: {  	s3 =	sadd.s32 s3, s9;
	s6 =	sadd.s32 @!p0 $0x88, s6;
	s7 =	simm.s32 @p2 $0x1082  }
0x22: {  	[simem:s7], [sflag:s8] =	dma.local @!p0 [hbm:s6], $0xF7A  }
0x23: {  	s9 =	sor.u32 $0xD0000000, s2;
	s6 =	simm.s32 $0x108;
	_ =	swait.ge @!p0 [sflag:s8], $0x0  }
0x24: {  	s3 =	sadd.s32 $0x88, s3;
	s6 =	simm.s32 @!p1 $0x1082;
	[sflag:s4] =	ssyncset.s32 $0xFFFFF086  }
0x25: {  	[simem:s6], [sflag:s4] =	dma.local [hbm:s3], $0xF7A  }
0x26: {  	[smem:$0x3F9B] =	sst s1;
	(tag) =	ssettag s2;
	_ =	strace s9  }
0x27: {  	s1 =	sld [smem:$0x3FAB]  }
0x28: {  	s2 =	sld [smem:$0x3FAC]  }
0x29: {  	s4 =	sld [smem:$0x3FAE]  }
0x2a: {  	p0 =	seq.s32 s5, $0x0;
	s5 =	sld [smem:$0x3FAF]  }
0x2b: {  	s6 =	sld [smem:$0x3FB0]  }
0x2c: {  	s7 =	sld [smem:$0x3FB1]  }
0x2d: {  	s3 =	simm.s32 $0x108;
	s8 =	sld [smem:$0x3FB2]  }
0x2e: {  	s3 =	simm.s32 @!p0 $0x1082;
	s9 =	sld [smem:$0x3FB3]  }
0x2f: {  	lr =	sadd.s32 s0, s3;
	s0 =	sld [smem:$0x3FAA]  }
0x30: {  	s3 =	sld [smem:$0x3FAD]  }
0x31: {  	[smem:$0x3FB6] =	sst s10  }
0x32: {  	s10 =	sld [smem:$0x3FB4];
	_ =	sdelay $0x3  }
0x33: {  	p0 =	seq.s32 s10, $0x1;
	s10 =	sld [smem:$0x3FB6];
	_ =	sdelay $0x3  }
0x34: {  	[smem:$0x3FB6] =	sst s10  }
0x35: {  	s10 =	sld [smem:$0x3FB5];
	_ =	sdelay $0x3  }
0x36: {  	p1 =	seq.s32 s10, $0x1;
	s10 =	sld [smem:$0x3FB6];
	_ =	sdelay $0x3  }
0x37: {  	[smem:$0x3FB6] =	sst s10  }
0x38: {  	s10 =	sld [smem:$0x3FB7]  }
0x39: {  	_ = 	snop;
	(pc) =	sbr.ind lr, $3  }
0x3a: {  	_ = 	snop  }
0x3b: {  	_ = 	snop  }
0x3c: {  	p2 =	seq.s32 s10, $0x1;
	s10 =	sld [smem:$0x3FB6]  }
0x3d: {  	_ =	shalt  }
0x3e: {  	_ =	shalt  }
0x3f: {  	_ =	shalt  }
0x40: {  	_ =	shalt  }
0x41: {  	_ =	shalt  }
0x42: {  	_ =	shalt  }
0x43: {  	_ =	shalt  }
0x44: {  	_ =	shalt  }
0x45: {  	_ =	shalt  }
0x46: {  	_ =	shalt  }
0x47: {  	_ =	shalt  }
0x48: {  	_ =	shalt  }
0x49: {  	_ =	shalt  }
0x4a: {  	_ =	shalt  }
0x4b: {  	_ =	shalt  }
0x4c: {  	_ =	shalt  }
0x4d: {  	_ =	shalt  }
0x4e: {  	_ =	shalt  }
0x4f: {  	_ =	shalt  }
0x50: {  	_ =	shalt  }
0x51: {  	_ =	shalt  }
0x52: {  	_ =	shalt  }
0x53: {  	_ =	shalt  }
0x54: {  	_ =	shalt  }
0x55: {  	_ =	shalt  }
0x56: {  	_ =	shalt  }
0x57: {  	_ =	shalt  }
0x58: {  	_ =	shalt  }
0x59: {  	_ =	shalt  }
0x5a: {  	_ =	shalt  }
0x5b: {  	_ =	shalt  }
0x5c: {  	_ =	shalt  }
0x5d: {  	_ =	shalt  }
0x5e: {  	_ =	shalt  }
0x5f: {  	_ =	shalt  }
0x60: {  	_ =	shalt  }
0x61: {  	_ =	shalt  }
0x62: {  	_ =	shalt  }
0x63: {  	_ =	shalt  }
0x64: {  	_ =	shalt  }
0x65: {  	_ =	shalt  }
0x66: {  	_ =	shalt  }
0x67: {  	_ =	shalt  }
0x68: {  	_ =	shalt  }
0x69: {  	_ =	shalt  }
0x6a: {  	_ =	shalt  }
0x6b: {  	_ =	shalt  }
0x6c: {  	_ =	shalt  }
0x6d: {  	_ =	shalt  }
0x6e: {  	_ =	shalt  }
0x6f: {  	_ =	shalt  }
0x70: {  	_ =	shalt  }
0x71: {  	_ =	shalt  }
0x72: {  	_ =	shalt  }
0x73: {  	_ =	shalt  }
0x74: {  	_ =	shalt  }
0x75: {  	_ =	shalt  }
0x76: {  	_ =	shalt  }
0x77: {  	_ =	shalt  }
0x78: {  	_ =	shalt  }
0x79: {  	_ =	shalt  }
0x7a: {  	_ =	shalt  }
0x7b: {  	_ =	shalt  }
0x7c: {  	_ =	shalt  }
0x7d: {  	_ =	shalt  }
0x7e: {  	_ =	shalt  }
0x7f: {  	_ =	shalt  }
0x80: {  	_ =	shalt  }
0x81: {  	_ =	shalt  }
0x82: {  	_ =	shalt  }
0x83: {  	_ =	shalt  }
0x84: {  	_ =	shalt  }
0x85: {  	_ =	shalt  }
0x86: {  	_ =	shalt  }
0x87: {  	_ =	shalt  }
.Lfunc_end0:
.L_simem_size_0:
called_computation.1_lowered:
.L_overlay_start_0:
0x88: {  	s2 =	sld [smem:$0x3FD9]  }
0x89: {  	s3 =	sld [smem:$0x3FFE];
	_ =	sdelay $0x1  }
0x8a: {  	s1 =	srdreg.scid  }
0x8b: {  	s0 =	sand.u32 $0x1, s1  }
0x8c: {  	s17 =	sshll.u32 s0, $0xA;
	s2 =	sadd.s32 s3, s2  }
0x8d: {  	s2 =	sadd.s32 s2, s17  }
0x8e: {  	[smem:$0x3FC2] =	sst s2  }
0x8f: {  	_ = 	snop  }
0x90: {  	s2 =	sld [smem:$0x3FD0];
	(tm) =	ssettm $0x1  }
0x91: {  	s18 =	sld [smem:$0x3FFB];
	_ =	sdelay $0x3  }
0x92: {  	_ =	strace s18  }
0x93: {  	s3 =	sld [smem:$0x3FFC];
	_ =	sdelay $0x3  }
0x94: {  	_ =	strace s3  }
0x95: {  	s3 =	sld [smem:$0x3FFD];
	_ =	sdelay $0x3  }
0x96: {  	_ =	strace s3  }
0x97: {  	_ =	strace $0x8FFFFFFF  }
0x98: {  	s19 =	sld [smem:$0x3FDB];
	_ =	sdelay $0x1  }
0x99: {  	s4 =	simm.s32 $_scs_section_size  }
0x9a: {  	s5 =	simm.s32 $_size__tile_overlayer_lowered;
	s6 =	simm.s32 $_tile_overlayer_lowered  }
0x9b: {  	s22 =	simm.s32 $0x1BFF;
	s21 =	sshll.u32 s6, $0x1;
	s3 =	sadd.s32 s4, s19  }
0x9c: {  	s7 =	simm.s32 $0x0;
	s20 =	sshll.u32 s5, $0x1;
	s5 =	sadd.s32 s21, s3  }
0x9d: {  	[timem:s7], [sflag:s22] =	dma.local [hbm:s5], s20  }
0x9e: {  	_ =	swait.ge [sflag:s22], s20  }
0x9f: {  	s4 =	ssub.s32 $0x0, s20;
	[sflag:s22] =	ssyncset.done $0x0  }
0xa0: {  	[sflag:s22] =	ssyncadd.s32 s4;
	_ =	sdelay $0x1  }
0xa1: {  	s23 =	simm.s32 $0x1B8B  }
0xa2: {  	_ =	swait.ge [sflag:s23], $0x1  }
0xa3: {  	[sflag:s23] =	ssyncset.done $0x0  }
0xa4: {  	s25 =	simm.s32 $0x1B8E;
	s24 =	sld [smem:$0x3FFE];
	[sflag:s23] =	ssyncadd.s32 $0xFFFFFFFF  }
0xa5: {  	s26 =	simm.s32 $execute0_lowered;
	[smem:$0x3FD2] =	sst s25  }
0xa6: {  	s5 =	sshll.u32 s26, $0x1;
	_ =	strace $0x80000049;
	[dreg:$0x1] =	wrdreg $0xFFFFFFFF  }
0xa7: {  	s28 =	simm.s32 $_size_execute0_lowered;
	s3 =	sadd.s32 s3, s5;
	[dreg:$0x0] =	wrdreg $0x0  }
0xa8: {  	s5 =	sshll.u32 s28, $0x1;
	[dreg:$0x2] =	wrdreg s3  }
0xa9: {  	[dreg:$0x3] =	wrdreg s5  }
0xaa: {  	[dreg:$0x4] =	wrdreg $0xC0  }
0xab: {  	_ =	task [dreg:s7], $0x5FFFF  }
0xac: {  	[dreg:$0x1] =	wrdreg $0xFFFFFFFF  }
0xad: {  	[dreg:$0x0] =	wrdreg $0x60  }
0xae: {  	[dreg:$0x2] =	wrdreg s24  }
0xaf: {  	[dreg:$0x3] =	wrdreg s2  }
0xb0: {  	[dreg:$0x4] =	wrdreg $0x92000  }
0xb1: {  	[dreg:$0x5] =	wrdreg $0x9  }
0xb2: {  	_ =	task.clear_ibuf [dreg:s7], $0x6FFFF;
	_ =	strace $0x90000049  }
0xb3: {  	s29 =	simm.s32 $0x9;
	_ =	strace $0x8000004B  }
0xb4: {  	_ =	swait.ge [sflag:s29], $0x1  }
0xb5: {  	[sflag:s29] =	ssyncadd.s32 $0xFFFFFFFF  }
0xb6: {  	_ =	strace $0x9000004B  }
0xb7: {  	_ =	sfence  }
0xb8: {  	s30 =	sld [smem:$0x0];
	_ =	sdelay $0x2  }
0xb9: {  	s31 =	sshll.u32 s1, $0xD;
	s1 =	sshrl.u32 s1, $0x2  }
0xba: {  	s3 =	sand.u32 $0x4000, s31;
	s1 =	sadd.s32 s1, s30  }
0xbb: {  	s0 =	sor.u32 s3, s0;
	s1 =	sshll.u32 s1, $0x11  }
0xbc: {  	s0 =	sor.u32 s1, s0  }
0xbd: {  	s0 =	sadd.s32 $0x8F2B, s0  }
0xbe: {  	[sflag:s0] =	ssyncadd.remote.s32 $0x1  }
0xbf: {  	_ =	sfence.sel $0xFFFF  }
0xc0: {  	[dreg:$0x0] =	wrdreg $0xFFFFFFFF;
	(pc) =	sbr.abs _section_cstart, $3  }
0xc1: {  	[dreg:$0x1] =	wrdreg $0xFFFFFFFF  }
0xc2: {  	_ =	task.clear_ibuf [dreg:s7], $0x2FFFF;
	_ =	strace $0x9FFFFFFF  }
0xc3: {  	(tm) =	ssettm $0x7FFFFFFF  }
tec
execute0_lowered:
.L_overlay_start_1:
0x0: {  	(tag) =	ssettag $0x1  }
0x1: {  	s0 =	rddreg [dreg:$0x0]  }
0x2: {  	s2 =	rddreg [dreg:$0x1]  }
0x3: {  	s1 =	rddreg [dreg:$0x2]  }
0x4: {  	s3 =	srdreg.scid;
	s10 =	stileid.u32  }
0x5: {  	s22 =	simm.s32 $0x1200;
	s23 =	simm.s32 $0x2;
	s7 =	smul.u32 $0x14000, s10  }
0x6: {  	s28 =	simm.s32 $0x1;
	s29 =	simm.s32 $0x1100;
	s24 =	smul.u32 $0x50000, s10  }
0x7: {  	s5 =	sand.u32 $0x1, s3;
	s3 =	simm.s32 $0x0;
	s26 =	smul.u32 $0x2800, s10  }
0x8: {  	s4 =	sadd.s32 $0x17200, s0;
	s18 =	sadd.s32 $0xD200, s0;
	s6 =	smul.u32 $0x140000, s5  }
0x9: {  	[smem:$0x7FF] =	sst s3;
	s8 =	smul.u32 $0x28000, s5;
	s9 =	ssub.s32 $0x2, s5  }
0xa: {  	_ =	strace $0x8000004A;
	s25 =	sshrl.u32 s24, $0x2;
	s30 =	sshrl.u32 s9, $0x1  }
0xb: {  	s24 =	simm.s32 $0x800;
	s6 =	sadd.s32 s7, s6;
	s5 =	sadd.s32 s25, s1  }
0xc: {  	s21 =	ssub.s32 s9, s30;
	s31 =	sadd.s32 s26, s8;
	s25 =	simm.s32 $0x100  }
0xd: {  	s26 =	simm.s32 $0x1000;
	s6 =	sshrl.u32 s6, $0x3;
	s7 =	sadd.s32 $0x8000, s5  }
0xe: {  	s8 =	sadd.s32 $0xC000, s5;
	s17 =	sshrl.u32 s31, $0x3;
	s9 =	sadd.s32 $0x10000, s5  }
0xf: {  	s21 =	smax.u32 s21, $0x1;
	s0 =	sadd.s32 s6, s0;
	s6 =	sadd.s32 $0x4000, s5  }
0x10: {  	s10 =	sadd.s32 s18, s17;
	s13 =	sadd.s32 $0x100, s17;
	s11 =	sadd.s32 s2, s17  }
0x11: {  	s15 =	sadd.s32 $0x200, s17;
	s19 =	sadd.s32 $0x300, s17;
	s20 =	sadd.s32 $0x400, s17  }
0x12: {  	s12 =	sadd.s32 s18, s13;
	s13 =	sadd.s32 s2, s13;
	s14 =	sadd.s32 s18, s15  }
0x13: {  	s15 =	sadd.s32 s2, s15;
	s16 =	sadd.s32 s18, s19;
	s17 =	sadd.s32 s2, s19  }
0x14: {  	v0 =	vimm.f32 $0.0e+00;
	s18 =	sadd.s32 s18, s20;
	s19 =	sadd.s32 s2, s20;
	s20 =	sadd.s32 $0x3F200, s0  }
.LBB2_1:
0x15: {  	s0 =	simm.s32 $0x0;
	s30 =	simm.s32 $0x200  }
.LBB2_2:
0x16: {  	p0 =	sne.s32 s30, $0x1FE00;
	[tilespmem:s0+$0x1270] =	vst v0  }
0x17: {  	[tilespmem:s0+$0x1200] =	vst v0  }
0x18: {  	[tilespmem:s0+$0x1210] =	vst v0  }
.Ltmp0:
0x19: {  	[tilespmem:s0+$0x1220] =	vst v0;
	(pc) =	sbr.rel @p0 .LBB2_2-.Ltmp0, $4  }
0x1a: {  	[tilespmem:s0+$0x1230] =	vst v0  }
0x1b: {  	[tilespmem:s0+$0x1240] =	vst v0  }
0x1c: {  	[tilespmem:s0+$0x1250] =	vst v0  }
0x1d: {  	[tilespmem:s0+$0x1260] =	vst v0;
	s0 =	sshra.s32 s30, $0x2;
	s30 =	sadd.s32 $0x200, s30  }
0x1e: {  	[tilespmem:s0+$0x1270] =	vst v0  }
0x1f: {  	[tilespmem:s0+$0x1200] =	vst v0  }
0x20: {  	[tilespmem:s0+$0x1210] =	vst v0  }
0x21: {  	[tilespmem:s0+$0x1220] =	vst v0  }
0x22: {  	[tilespmem:s0+$0x1230] =	vst v0  }
0x23: {  	[tilespmem:s0+$0x1240] =	vst v0  }
0x24: {  	[tilespmem:s0+$0x1250] =	vst v0  }
0x25: {  	[tilespmem:s0+$0x1260] =	vst v0  }
0x26: {  	[spmem:s5] =	stream.linear.scatter [tilespmem:s22], [sflag:$0x2], $0x4000, $0x38;
	[tilespmem:$0x1D200] =	vst v63  }
0x27: {  	_ =	swait.ge [sflag:s23], $0x4000  }
0x28: {  	[sflag:s23] =	ssyncset.done $0x0  }
0x29: {  	[sflag:s23] =	ssyncadd.s32 $0xFFFFC000  }
0x2a: {  	[spmem:s6] =	stream.linear.scatter [tilespmem:s22], [sflag:$0x2], $0x4000, $0x38;
	[tilespmem:$0x1D200] =	vst v63  }
0x2b: {  	_ =	swait.ge [sflag:s23], $0x4000  }
0x2c: {  	[sflag:s23] =	ssyncset.done $0x0  }
0x2d: {  	[sflag:s23] =	ssyncadd.s32 $0xFFFFC000  }
0x2e: {  	[spmem:s7] =	stream.linear.scatter [tilespmem:s22], [sflag:$0x2], $0x4000, $0x38;
	[tilespmem:$0x1D200] =	vst v63  }
0x2f: {  	_ =	swait.ge [sflag:s23], $0x4000  }
0x30: {  	[sflag:s23] =	ssyncset.done $0x0  }
0x31: {  	[sflag:s23] =	ssyncadd.s32 $0xFFFFC000  }
0x32: {  	[spmem:s8] =	stream.linear.scatter [tilespmem:s22], [sflag:$0x2], $0x4000, $0x38;
	[tilespmem:$0x1D200] =	vst v63  }
0x33: {  	_ =	swait.ge [sflag:s23], $0x4000  }
0x34: {  	[sflag:s23] =	ssyncset.done $0x0  }
0x35: {  	[sflag:s23] =	ssyncadd.s32 $0xFFFFC000  }
0x36: {  	[spmem:s9] =	stream.linear.scatter [tilespmem:s22], [sflag:$0x2], $0x4000, $0x38;
	[tilespmem:$0x1D200] =	vst v63  }
0x37: {  	_ =	swait.ge [sflag:s23], $0x4000  }
0x38: {  	[sflag:s23] =	ssyncset.done $0x0  }
0x39: {  	[sflag:s23] =	ssyncadd.s32 $0xFFFFC000  }
0x3a: {  	s2 =	simm.s32 $0x0;
	[bflag:$0x0] =	sbarrier.arrive $0xFFFF  }
0x3b: {  	[tilespmem:s2], [sflag:$0x2] =	stream.linear.gather [hbm4b:s10+s2], $0x800, $0x38;
	[tilespmem:$0x1D200] =	vst v63  }
0x3c: {  	_ =	swait.ge [sflag:s23], $0x800  }
0x3d: {  	[sflag:s23] =	ssyncset.done $0x0  }
0x3e: {  	[sflag:s23] =	ssyncadd.s32 $0xFFFFF800  }
0x3f: {  	[tilespmem:s24], [sflag:$0x2] =	stream.linear.gather [hbm4b:s11+s2], $0x800, $0x38;
	[tilespmem:$0x1D200] =	vst v63  }
0x40: {  	_ =	swait.ge [sflag:s23], $0x800  }
0x41: {  	[sflag:s23] =	ssyncset.done $0x0  }
0x42: {  	s2 =	simm.s32 $0x0;
	[sflag:s23] =	ssyncadd.s32 $0xFFFFF800  }
0x43: {  	v1 =	vld [tilespmem:s2+$0x0];
	_ =	sdelay $0x4  }
0x44: {  	[tilespmem:$0x1000] =	vst v1  }
0x45: {  	v1 =	vld [tilespmem:s2+$0x800];
	_ =	sdelay $0x4  }
0x46: {  	[tilespmem:$0x1100] =	vst v1  }
0x47: {  	v1 =	vld [tilespmem:s2+$0x10];
	_ =	sdelay $0x4  }
0x48: {  	[tilespmem:$0x1010] =	vst v1  }
0x49: {  	v1 =	vld [tilespmem:s2+$0x810];
	_ =	sdelay $0x4  }
0x4a: {  	[tilespmem:$0x1110] =	vst v1  }
0x4b: {  	v1 =	vld [tilespmem:s2+$0x20];
	_ =	sdelay $0x4  }
0x4c: {  	[tilespmem:$0x1020] =	vst v1  }
0x4d: {  	v1 =	vld [tilespmem:s2+$0x820];
	_ =	sdelay $0x4  }
0x4e: {  	[tilespmem:$0x1120] =	vst v1  }
0x4f: {  	v1 =	vld [tilespmem:s2+$0x30];
	_ =	sdelay $0x4  }
0x50: {  	[tilespmem:$0x1030] =	vst v1  }
0x51: {  	v1 =	vld [tilespmem:s2+$0x830];
	_ =	sdelay $0x4  }
0x52: {  	[tilespmem:$0x1130] =	vst v1  }
0x53: {  	v1 =	vld [tilespmem:s2+$0x40];
	_ =	sdelay $0x4  }
0x54: {  	[tilespmem:$0x1040] =	vst v1  }
0x55: {  	v1 =	vld [tilespmem:s2+$0x840];
	_ =	sdelay $0x4  }
0x56: {  	[tilespmem:$0x1140] =	vst v1  }
0x57: {  	v1 =	vld [tilespmem:s2+$0x50];
	_ =	sdelay $0x4  }
0x58: {  	[tilespmem:$0x1050] =	vst v1  }
0x59: {  	v1 =	vld [tilespmem:s2+$0x850];
	_ =	sdelay $0x4  }
0x5a: {  	[tilespmem:$0x1150] =	vst v1  }
0x5b: {  	v1 =	vld [tilespmem:s2+$0x60];
	_ =	sdelay $0x4  }
0x5c: {  	[tilespmem:$0x1060] =	vst v1  }
0x5d: {  	v1 =	vld [tilespmem:s2+$0x860];
	_ =	sdelay $0x4  }
0x5e: {  	[tilespmem:$0x1160] =	vst v1  }
0x5f: {  	v1 =	vld [tilespmem:s2+$0x70];
	_ =	sdelay $0x4  }
0x60: {  	[tilespmem:$0x1070] =	vst v1  }
0x61: {  	v1 =	vld [tilespmem:s2+$0x870];
	_ =	sdelay $0x4  }
0x62: {  	[tilespmem:$0x1170] =	vst v1  }
0x63: {  	v1 =	vld [tilespmem:s2+$0x400];
	_ =	sdelay $0x4  }
0x64: {  	[tilespmem:$0x1080] =	vst v1  }
0x65: {  	v1 =	vld [tilespmem:s2+$0xC00];
	_ =	sdelay $0x4  }
0x66: {  	[tilespmem:$0x1180] =	vst v1  }
0x67: {  	v1 =	vld [tilespmem:s2+$0x410];
	_ =	sdelay $0x4  }
0x68: {  	[tilespmem:$0x1090] =	vst v1  }
0x69: {  	v1 =	vld [tilespmem:s2+$0xC10];
	_ =	sdelay $0x4  }
0x6a: {  	[tilespmem:$0x1190] =	vst v1  }
0x6b: {  	v1 =	vld [tilespmem:s2+$0x420];
	_ =	sdelay $0x4  }
0x6c: {  	[tilespmem:$0x10A0] =	vst v1  }
0x6d: {  	v1 =	vld [tilespmem:s2+$0xC20];
	_ =	sdelay $0x4  }
0x6e: {  	[tilespmem:$0x11A0] =	vst v1  }
0x6f: {  	v1 =	vld [tilespmem:s2+$0x430];
	_ =	sdelay $0x4  }
0x70: {  	[tilespmem:$0x10B0] =	vst v1  }
0x71: {  	v1 =	vld [tilespmem:s2+$0xC30];
	_ =	sdelay $0x4  }
0x72: {  	[tilespmem:$0x11B0] =	vst v1  }
0x73: {  	v1 =	vld [tilespmem:s2+$0x440];
	_ =	sdelay $0x4  }
0x74: {  	[tilespmem:$0x10C0] =	vst v1  }
0x75: {  	v1 =	vld [tilespmem:s2+$0xC40];
	_ =	sdelay $0x4  }
0x76: {  	[tilespmem:$0x11C0] =	vst v1  }
0x77: {  	v1 =	vld [tilespmem:s2+$0x450];
	_ =	sdelay $0x4  }
0x78: {  	[tilespmem:$0x10D0] =	vst v1  }
0x79: {  	v1 =	vld [tilespmem:s2+$0xC50];
	_ =	sdelay $0x4  }
0x7a: {  	[tilespmem:$0x11D0] =	vst v1  }
0x7b: {  	v1 =	vld [tilespmem:s2+$0x460];
	_ =	sdelay $0x4  }
0x7c: {  	[tilespmem:$0x10E0] =	vst v1  }
0x7d: {  	v1 =	vld [tilespmem:s2+$0xC60];
	_ =	sdelay $0x4  }
0x7e: {  	[tilespmem:$0x11E0] =	vst v1  }
0x7f: {  	v1 =	vld [tilespmem:s2+$0x470];
	_ =	sdelay $0x4  }
0x80: {  	[tilespmem:$0x10F0] =	vst v1  }
0x81: {  	v1 =	vld [tilespmem:s2+$0xC70];
	_ =	sdelay $0x4  }
0x82: {  	[tilespmem:$0x11F0] =	vst v1  }
0x83: {  	[tilespmem:s22], [sflag:$0x1] =	stream.indirect.gather [hbm4b:s4+s25], $0x80, s26, s25, $0xb8;
	[tilespmem:$0x1D200] =	vst v63  }
0x84: {  	_ =	swait.ge [sflag:s28], $0x8000  }
0x85: {  	[sflag:s28] =	ssyncset.done $0x0  }
0x86: {  	[sflag:s28] =	ssyncadd.s32 $0xFFFF8000  }
0x87: {  	[spmem:s1] =	stream.indirect.scatter.add.f32 [tilespmem:s22], [sflag:$0x2], $0x80, s29, s25, $0xb8;
	[tilespmem:$0x1D200] =	vst v63  }
0x88: {  	_ =	swait.ge [sflag:s23], $0x8000  }
0x89: {  	s30 =	simm.s32 $0x200;
	s31 =	simm.s32 $0x400;
	[sflag:s23] =	ssyncset.done $0x0  }
.LBB2_4:
0x8a: {  	s0 =	sshra.s32 s30, $0x2  }
0x8b: {  	[sflag:s23] =	ssyncadd.s32 $0xFFFF8000;
	s30 =	smov.u32 s31;
	s2 =	sadd.s32 $0x200, s31  }
0x8c: {  	p0 =	sne.s32 s31, $0xE00;
	v1 =	vld [tilespmem:s0+$0x0];
	_ =	sdelay $0x4  }
0x8d: {  	[tilespmem:$0x1000] =	vst v1  }
0x8e: {  	v1 =	vld [tilespmem:s0+$0x800];
	_ =	sdelay $0x4  }
0x8f: {  	[tilespmem:$0x1100] =	vst v1  }
0x90: {  	v1 =	vld [tilespmem:s0+$0x10];
	_ =	sdelay $0x4  }
0x91: {  	[tilespmem:$0x1010] =	vst v1  }
0x92: {  	v1 =	vld [tilespmem:s0+$0x810];
	_ =	sdelay $0x4  }
0x93: {  	[tilespmem:$0x1110] =	vst v1  }
0x94: {  	v1 =	vld [tilespmem:s0+$0x20];
	_ =	sdelay $0x4  }
0x95: {  	[tilespmem:$0x1020] =	vst v1  }
0x96: {  	v1 =	vld [tilespmem:s0+$0x820];
	_ =	sdelay $0x4  }
0x97: {  	[tilespmem:$0x1120] =	vst v1  }
0x98: {  	v1 =	vld [tilespmem:s0+$0x30];
	_ =	sdelay $0x4  }
0x99: {  	[tilespmem:$0x1030] =	vst v1  }
0x9a: {  	v1 =	vld [tilespmem:s0+$0x830];
	_ =	sdelay $0x4  }
0x9b: {  	[tilespmem:$0x1130] =	vst v1  }
0x9c: {  	v1 =	vld [tilespmem:s0+$0x40];
	_ =	sdelay $0x4  }
0x9d: {  	[tilespmem:$0x1040] =	vst v1  }
0x9e: {  	v1 =	vld [tilespmem:s0+$0x840];
	_ =	sdelay $0x4  }
0x9f: {  	[tilespmem:$0x1140] =	vst v1  }
0xa0: {  	v1 =	vld [tilespmem:s0+$0x50];
	_ =	sdelay $0x4  }
0xa1: {  	[tilespmem:$0x1050] =	vst v1  }
0xa2: {  	v1 =	vld [tilespmem:s0+$0x850];
	_ =	sdelay $0x4  }
0xa3: {  	[tilespmem:$0x1150] =	vst v1  }
0xa4: {  	v1 =	vld [tilespmem:s0+$0x60];
	_ =	sdelay $0x4  }
0xa5: {  	[tilespmem:$0x1060] =	vst v1  }
0xa6: {  	v1 =	vld [tilespmem:s0+$0x860];
	_ =	sdelay $0x4  }
0xa7: {  	[tilespmem:$0x1160] =	vst v1  }
0xa8: {  	v1 =	vld [tilespmem:s0+$0x70];
	_ =	sdelay $0x4  }
0xa9: {  	[tilespmem:$0x1070] =	vst v1  }
0xaa: {  	v1 =	vld [tilespmem:s0+$0x870];
	_ =	sdelay $0x4  }
0xab: {  	[tilespmem:$0x1170] =	vst v1  }
0xac: {  	v1 =	vld [tilespmem:s0+$0x400];
	_ =	sdelay $0x4  }
0xad: {  	[tilespmem:$0x1080] =	vst v1  }
0xae: {  	v1 =	vld [tilespmem:s0+$0xC00];
	_ =	sdelay $0x4  }
0xaf: {  	[tilespmem:$0x1180] =	vst v1  }
0xb0: {  	v1 =	vld [tilespmem:s0+$0x410];
	_ =	sdelay $0x4  }
0xb1: {  	[tilespmem:$0x1090] =	vst v1  }
0xb2: {  	v1 =	vld [tilespmem:s0+$0xC10];
	_ =	sdelay $0x4  }
0xb3: {  	[tilespmem:$0x1190] =	vst v1  }
0xb4: {  	v1 =	vld [tilespmem:s0+$0x420];
	_ =	sdelay $0x4  }
0xb5: {  	[tilespmem:$0x10A0] =	vst v1  }
0xb6: {  	v1 =	vld [tilespmem:s0+$0xC20];
	_ =	sdelay $0x4  }
0xb7: {  	[tilespmem:$0x11A0] =	vst v1  }
0xb8: {  	v1 =	vld [tilespmem:s0+$0x430];
	_ =	sdelay $0x4  }
0xb9: {  	[tilespmem:$0x10B0] =	vst v1  }
0xba: {  	v1 =	vld [tilespmem:s0+$0xC30];
	_ =	sdelay $0x4  }
0xbb: {  	[tilespmem:$0x11B0] =	vst v1  }
0xbc: {  	v1 =	vld [tilespmem:s0+$0x440];
	_ =	sdelay $0x4  }
0xbd: {  	[tilespmem:$0x10C0] =	vst v1  }
0xbe: {  	v1 =	vld [tilespmem:s0+$0xC40];
	_ =	sdelay $0x4  }
0xbf: {  	[tilespmem:$0x11C0] =	vst v1  }
0xc0: {  	v1 =	vld [tilespmem:s0+$0x450];
	_ =	sdelay $0x4  }
0xc1: {  	[tilespmem:$0x10D0] =	vst v1  }
0xc2: {  	v1 =	vld [tilespmem:s0+$0xC50];
	_ =	sdelay $0x4  }
0xc3: {  	[tilespmem:$0x11D0] =	vst v1  }
0xc4: {  	v1 =	vld [tilespmem:s0+$0x460];
	_ =	sdelay $0x4  }
0xc5: {  	[tilespmem:$0x10E0] =	vst v1  }
0xc6: {  	v1 =	vld [tilespmem:s0+$0xC60];
	_ =	sdelay $0x4  }
0xc7: {  	[tilespmem:$0x11E0] =	vst v1  }
0xc8: {  	v1 =	vld [tilespmem:s0+$0x470];
	_ =	sdelay $0x4  }
0xc9: {  	[tilespmem:$0x10F0] =	vst v1  }
0xca: {  	v1 =	vld [tilespmem:s0+$0xC70];
	_ =	sdelay $0x4  }
0xcb: {  	[tilespmem:$0x11F0] =	vst v1  }
0xcc: {  	[tilespmem:s22], [sflag:$0x1] =	stream.indirect.gather [hbm4b:s4+s25], $0x80, s26, s25, $0xb8;
	[tilespmem:$0x1D200] =	vst v63  }
0xcd: {  	_ =	swait.ge [sflag:s28], $0x8000  }
.Ltmp1:
0xce: {  	[sflag:s28] =	ssyncset.done $0x0;
	(pc) =	sbr.rel @p0 .LBB2_4-.Ltmp1, $4  }
0xcf: {  	[sflag:s28] =	ssyncadd.s32 $0xFFFF8000  }
0xd0: {  	[spmem:s1] =	stream.indirect.scatter.add.f32 [tilespmem:s22], [sflag:$0x2], $0x80, s29, s25, $0xb8;
	[tilespmem:$0x1D200] =	vst v63  }
0xd1: {  	_ =	swait.ge [sflag:s23], $0x8000  }
0xd2: {  	s31 =	smov.u32 s2;
	[sflag:s23] =	ssyncset.done $0x0  }
0xd3: {  	s0 =	sshra.s32 s30, $0x2;
	[sflag:s23] =	ssyncadd.s32 $0xFFFF8000  }
0xd4: {  	v1 =	vld [tilespmem:s0+$0x0];
	_ =	sdelay $0x4  }
0xd5: {  	[tilespmem:$0x1000] =	vst v1  }
0xd6: {  	v1 =	vld [tilespmem:s0+$0x800];
	_ =	sdelay $0x4  }
0xd7: {  	[tilespmem:$0x1100] =	vst v1  }
0xd8: {  	v1 =	vld [tilespmem:s0+$0x10];
	_ =	sdelay $0x4  }
0xd9: {  	[tilespmem:$0x1010] =	vst v1  }
0xda: {  	v1 =	vld [tilespmem:s0+$0x810];
	_ =	sdelay $0x4  }
0xdb: {  	[tilespmem:$0x1110] =	vst v1  }
0xdc: {  	v1 =	vld [tilespmem:s0+$0x20];
	_ =	sdelay $0x4  }
0xdd: {  	[tilespmem:$0x1020] =	vst v1  }
0xde: {  	v1 =	vld [tilespmem:s0+$0x820];
	_ =	sdelay $0x4  }
0xdf: {  	[tilespmem:$0x1120] =	vst v1  }
0xe0: {  	v1 =	vld [tilespmem:s0+$0x30];
	_ =	sdelay $0x4  }
0xe1: {  	[tilespmem:$0x1030] =	vst v1  }
0xe2: {  	v1 =	vld [tilespmem:s0+$0x830];
	_ =	sdelay $0x4  }
0xe3: {  	[tilespmem:$0x1130] =	vst v1  }
0xe4: {  	v1 =	vld [tilespmem:s0+$0x40];
	_ =	sdelay $0x4  }
0xe5: {  	[tilespmem:$0x1040] =	vst v1  }
0xe6: {  	v1 =	vld [tilespmem:s0+$0x840];
	_ =	sdelay $0x4  }
0xe7: {  	[tilespmem:$0x1140] =	vst v1  }
0xe8: {  	v1 =	vld [tilespmem:s0+$0x50];
	_ =	sdelay $0x4  }
0xe9: {  	[tilespmem:$0x1050] =	vst v1  }
0xea: {  	v1 =	vld [tilespmem:s0+$0x850];
	_ =	sdelay $0x4  }
0xeb: {  	[tilespmem:$0x1150] =	vst v1  }
0xec: {  	v1 =	vld [tilespmem:s0+$0x60];
	_ =	sdelay $0x4  }
0xed: {  	[tilespmem:$0x1060] =	vst v1  }
0xee: {  	v1 =	vld [tilespmem:s0+$0x860];
	_ =	sdelay $0x4  }
0xef: {  	[tilespmem:$0x1160] =	vst v1  }
0xf0: {  	v1 =	vld [tilespmem:s0+$0x70];
	_ =	sdelay $0x4  }
0xf1: {  	[tilespmem:$0x1070] =	vst v1  }
0xf2: {  	v1 =	vld [tilespmem:s0+$0x870];
	_ =	sdelay $0x4  }
0xf3: {  	[tilespmem:$0x1170] =	vst v1  }
0xf4: {  	v1 =	vld [tilespmem:s0+$0x400];
	_ =	sdelay $0x4  }
0xf5: {  	[tilespmem:$0x1080] =	vst v1  }
0xf6: {  	v1 =	vld [tilespmem:s0+$0xC00];
	_ =	sdelay $0x4  }
0xf7: {  	[tilespmem:$0x1180] =	vst v1  }
0xf8: {  	v1 =	vld [tilespmem:s0+$0x410];
	_ =	sdelay $0x4  }
0xf9: {  	[tilespmem:$0x1090] =	vst v1  }
0xfa: {  	v1 =	vld [tilespmem:s0+$0xC10];
	_ =	sdelay $0x4  }
0xfb: {  	[tilespmem:$0x1190] =	vst v1  }
0xfc: {  	v1 =	vld [tilespmem:s0+$0x420];
	_ =	sdelay $0x4  }
0xfd: {  	[tilespmem:$0x10A0] =	vst v1  }
0xfe: {  	v1 =	vld [tilespmem:s0+$0xC20];
	_ =	sdelay $0x4  }
0xff: {  	[tilespmem:$0x11A0] =	vst v1  }
0x100: {  	v1 =	vld [tilespmem:s0+$0x430];
	_ =	sdelay $0x4  }
0x101: {  	[tilespmem:$0x10B0] =	vst v1  }
0x102: {  	v1 =	vld [tilespmem:s0+$0xC30];
	_ =	sdelay $0x4  }
0x103: {  	[tilespmem:$0x11B0] =	vst v1  }
0x104: {  	v1 =	vld [tilespmem:s0+$0x440];
	_ =	sdelay $0x4  }
0x105: {  	[tilespmem:$0x10C0] =	vst v1  }
0x106: {  	v1 =	vld [tilespmem:s0+$0xC40];
	_ =	sdelay $0x4  }
0x107: {  	[tilespmem:$0x11C0] =	vst v1  }
0x108: {  	v1 =	vld [tilespmem:s0+$0x450];
	_ =	sdelay $0x4  }
0x109: {  	[tilespmem:$0x10D0] =	vst v1  }
0x10a: {  	v1 =	vld [tilespmem:s0+$0xC50];
	_ =	sdelay $0x4  }
0x10b: {  	[tilespmem:$0x11D0] =	vst v1  }
0x10c: {  	v1 =	vld [tilespmem:s0+$0x460];
	_ =	sdelay $0x4  }
0x10d: {  	[tilespmem:$0x10E0] =	vst v1  }
0x10e: {  	v1 =	vld [tilespmem:s0+$0xC60];
	_ =	sdelay $0x4  }
0x10f: {  	[tilespmem:$0x11E0] =	vst v1  }
0x110: {  	v1 =	vld [tilespmem:s0+$0x470];
	_ =	sdelay $0x4  }
0x111: {  	[tilespmem:$0x10F0] =	vst v1  }
0x112: {  	v1 =	vld [tilespmem:s0+$0xC70];
	_ =	sdelay $0x4  }
0x113: {  	[tilespmem:$0x11F0] =	vst v1  }
0x114: {  	[tilespmem:s22], [sflag:$0x1] =	stream.indirect.gather [hbm4b:s4+s25], $0x80, s26, s25, $0xb8;
	[tilespmem:$0x1D200] =	vst v63  }
0x115: {  	_ =	swait.ge [sflag:s28], $0x8000  }
0x116: {  	[sflag:s28] =	ssyncset.done $0x0  }
0x117: {  	[sflag:s28] =	ssyncadd.s32 $0xFFFF8000  }
0x118: {  	[spmem:s1] =	stream.indirect.scatter.add.f32 [tilespmem:s22], [sflag:$0x2], $0x80, s29, s25, $0xb8;
	[tilespmem:$0x1D200] =	vst v63  }
0x119: {  	_ =	swait.ge [sflag:s23], $0x8000  }
0x11a: {  	[sflag:s23] =	ssyncset.done $0x0  }
0x11b: {  	s2 =	simm.s32 $0x0;
	[sflag:s23] =	ssyncadd.s32 $0xFFFF8000  }
0x11c: {  	[tilespmem:s2], [sflag:$0x2] =	stream.linear.gather [hbm4b:s12+s2], $0x800, $0x38;
	[tilespmem:$0x1D200] =	vst v63  }
0x11d: {  	_ =	swait.ge [sflag:s23], $0x800  }
0x11e: {  	[sflag:s23] =	ssyncset.done $0x0  }
0x11f: {  	[sflag:s23] =	ssyncadd.s32 $0xFFFFF800  }
0x120: {  	[tilespmem:s24], [sflag:$0x2] =	stream.linear.gather [hbm4b:s13+s2], $0x800, $0x38;
	[tilespmem:$0x1D200] =	vst v63  }
0x121: {  	_ =	swait.ge [sflag:s23], $0x800  }
0x122: {  	[sflag:s23] =	ssyncset.done $0x0  }
0x123: {  	s31 =	simm.s32 $0x0;
	[sflag:s23] =	ssyncadd.s32 $0xFFFFF800  }
0x124: {  	v1 =	vld [tilespmem:s31+$0x0];
	_ =	sdelay $0x4  }
0x125: {  	[tilespmem:$0x1000] =	vst v1  }
0x126: {  	v1 =	vld [tilespmem:s31+$0x800];
	_ =	sdelay $0x4  }
0x127: {  	[tilespmem:$0x1100] =	vst v1  }
0x128: {  	v1 =	vld [tilespmem:s31+$0x10];
	_ =	sdelay $0x4  }
0x129: {  	[tilespmem:$0x1010] =	vst v1  }
0x12a: {  	v1 =	vld [tilespmem:s31+$0x810];
	_ =	sdelay $0x4  }
0x12b: {  	[tilespmem:$0x1110] =	vst v1  }
0x12c: {  	v1 =	vld [tilespmem:s31+$0x20];
	_ =	sdelay $0x4  }
0x12d: {  	[tilespmem:$0x1020] =	vst v1  }
0x12e: {  	v1 =	vld [tilespmem:s31+$0x820];
	_ =	sdelay $0x4  }
0x12f: {  	[tilespmem:$0x1120] =	vst v1  }
0x130: {  	v1 =	vld [tilespmem:s31+$0x30];
	_ =	sdelay $0x4  }
0x131: {  	[tilespmem:$0x1030] =	vst v1  }
0x132: {  	v1 =	vld [tilespmem:s31+$0x830];
	_ =	sdelay $0x4  }
0x133: {  	[tilespmem:$0x1130] =	vst v1  }
0x134: {  	v1 =	vld [tilespmem:s31+$0x40];
	_ =	sdelay $0x4  }
0x135: {  	[tilespmem:$0x1040] =	vst v1  }
0x136: {  	v1 =	vld [tilespmem:s31+$0x840];
	_ =	sdelay $0x4  }
0x137: {  	[tilespmem:$0x1140] =	vst v1  }
0x138: {  	v1 =	vld [tilespmem:s31+$0x50];
	_ =	sdelay $0x4  }
0x139: {  	[tilespmem:$0x1050] =	vst v1  }
0x13a: {  	v1 =	vld [tilespmem:s31+$0x850];
	_ =	sdelay $0x4  }
0x13b: {  	[tilespmem:$0x1150] =	vst v1  }
0x13c: {  	v1 =	vld [tilespmem:s31+$0x60];
	_ =	sdelay $0x4  }
0x13d: {  	[tilespmem:$0x1060] =	vst v1  }
0x13e: {  	v1 =	vld [tilespmem:s31+$0x860];
	_ =	sdelay $0x4  }
0x13f: {  	[tilespmem:$0x1160] =	vst v1  }
0x140: {  	v1 =	vld [tilespmem:s31+$0x70];
	_ =	sdelay $0x4  }
0x141: {  	[tilespmem:$0x1070] =	vst v1  }
0x142: {  	v1 =	vld [tilespmem:s31+$0x870];
	_ =	sdelay $0x4  }
0x143: {  	[tilespmem:$0x1170] =	vst v1  }
0x144: {  	v1 =	vld [tilespmem:s31+$0x400];
	_ =	sdelay $0x4  }
0x145: {  	[tilespmem:$0x1080] =	vst v1  }
0x146: {  	v1 =	vld [tilespmem:s31+$0xC00];
	_ =	sdelay $0x4  }
0x147: {  	[tilespmem:$0x1180] =	vst v1  }
0x148: {  	v1 =	vld [tilespmem:s31+$0x410];
	_ =	sdelay $0x4  }
0x149: {  	[tilespmem:$0x1090] =	vst v1  }
0x14a: {  	v1 =	vld [tilespmem:s31+$0xC10];
	_ =	sdelay $0x4  }
0x14b: {  	[tilespmem:$0x1190] =	vst v1  }
0x14c: {  	v1 =	vld [tilespmem:s31+$0x420];
	_ =	sdelay $0x4  }
0x14d: {  	[tilespmem:$0x10A0] =	vst v1  }
0x14e: {  	v1 =	vld [tilespmem:s31+$0xC20];
	_ =	sdelay $0x4  }
0x14f: {  	[tilespmem:$0x11A0] =	vst v1  }
0x150: {  	v1 =	vld [tilespmem:s31+$0x430];
	_ =	sdelay $0x4  }
0x151: {  	[tilespmem:$0x10B0] =	vst v1  }
0x152: {  	v1 =	vld [tilespmem:s31+$0xC30];
	_ =	sdelay $0x4  }
0x153: {  	[tilespmem:$0x11B0] =	vst v1  }
0x154: {  	v1 =	vld [tilespmem:s31+$0x440];
	_ =	sdelay $0x4  }
0x155: {  	[tilespmem:$0x10C0] =	vst v1  }
0x156: {  	v1 =	vld [tilespmem:s31+$0xC40];
	_ =	sdelay $0x4  }
0x157: {  	[tilespmem:$0x11C0] =	vst v1  }
0x158: {  	v1 =	vld [tilespmem:s31+$0x450];
	_ =	sdelay $0x4  }
0x159: {  	[tilespmem:$0x10D0] =	vst v1  }
0x15a: {  	v1 =	vld [tilespmem:s31+$0xC50];
	_ =	sdelay $0x4  }
0x15b: {  	[tilespmem:$0x11D0] =	vst v1  }
0x15c: {  	v1 =	vld [tilespmem:s31+$0x460];
	_ =	sdelay $0x4  }
0x15d: {  	[tilespmem:$0x10E0] =	vst v1  }
0x15e: {  	v1 =	vld [tilespmem:s31+$0xC60];
	_ =	sdelay $0x4  }
0x15f: {  	[tilespmem:$0x11E0] =	vst v1  }
0x160: {  	v1 =	vld [tilespmem:s31+$0x470];
	_ =	sdelay $0x4  }
0x161: {  	[tilespmem:$0x10F0] =	vst v1  }
0x162: {  	v1 =	vld [tilespmem:s31+$0xC70];
	_ =	sdelay $0x4  }
0x163: {  	[tilespmem:$0x11F0] =	vst v1  }
0x164: {  	[tilespmem:s22], [sflag:$0x1] =	stream.indirect.gather [hbm4b:s4+s25], $0x80, s26, s25, $0xb8;
	[tilespmem:$0x1D200] =	vst v63  }
0x165: {  	_ =	swait.ge [sflag:s28], $0x8000  }
0x166: {  	[sflag:s28] =	ssyncset.done $0x0  }
0x167: {  	[sflag:s28] =	ssyncadd.s32 $0xFFFF8000  }
0x168: {  	[spmem:s1] =	stream.indirect.scatter.add.f32 [tilespmem:s22], [sflag:$0x2], $0x80, s29, s25, $0xb8;
	[tilespmem:$0x1D200] =	vst v63  }
0x169: {  	_ =	swait.ge [sflag:s23], $0x8000  }
0x16a: {  	s30 =	simm.s32 $0x200;
	s2 =	simm.s32 $0x400;
	[sflag:s23] =	ssyncset.done $0x0  }
.LBB2_6:
0x16b: {  	s0 =	sshra.s32 s30, $0x2  }
0x16c: {  	[sflag:s23] =	ssyncadd.s32 $0xFFFF8000;
	s30 =	smov.u32 s2;
	s31 =	sadd.s32 $0x200, s2  }
0x16d: {  	p0 =	sne.s32 s2, $0xE00;
	v1 =	vld [tilespmem:s0+$0x0];
	_ =	sdelay $0x4  }
0x16e: {  	[tilespmem:$0x1000] =	vst v1  }
0x16f: {  	v1 =	vld [tilespmem:s0+$0x800];
	_ =	sdelay $0x4  }
0x170: {  	[tilespmem:$0x1100] =	vst v1  }
0x171: {  	v1 =	vld [tilespmem:s0+$0x10];
	_ =	sdelay $0x4  }
0x172: {  	[tilespmem:$0x1010] =	vst v1  }
0x173: {  	v1 =	vld [tilespmem:s0+$0x810];
	_ =	sdelay $0x4  }
0x174: {  	[tilespmem:$0x1110] =	vst v1  }
0x175: {  	v1 =	vld [tilespmem:s0+$0x20];
	_ =	sdelay $0x4  }
0x176: {  	[tilespmem:$0x1020] =	vst v1  }
0x177: {  	v1 =	vld [tilespmem:s0+$0x820];
	_ =	sdelay $0x4  }
0x178: {  	[tilespmem:$0x1120] =	vst v1  }
0x179: {  	v1 =	vld [tilespmem:s0+$0x30];
	_ =	sdelay $0x4  }
0x17a: {  	[tilespmem:$0x1030] =	vst v1  }
0x17b: {  	v1 =	vld [tilespmem:s0+$0x830];
	_ =	sdelay $0x4  }
0x17c: {  	[tilespmem:$0x1130] =	vst v1  }
0x17d: {  	v1 =	vld [tilespmem:s0+$0x40];
	_ =	sdelay $0x4  }
0x17e: {  	[tilespmem:$0x1040] =	vst v1  }
0x17f: {  	v1 =	vld [tilespmem:s0+$0x840];
	_ =	sdelay $0x4  }
0x180: {  	[tilespmem:$0x1140] =	vst v1  }
0x181: {  	v1 =	vld [tilespmem:s0+$0x50];
	_ =	sdelay $0x4  }
0x182: {  	[tilespmem:$0x1050] =	vst v1  }
0x183: {  	v1 =	vld [tilespmem:s0+$0x850];
	_ =	sdelay $0x4  }
0x184: {  	[tilespmem:$0x1150] =	vst v1  }
0x185: {  	v1 =	vld [tilespmem:s0+$0x60];
	_ =	sdelay $0x4  }
0x186: {  	[tilespmem:$0x1060] =	vst v1  }
0x187: {  	v1 =	vld [tilespmem:s0+$0x860];
	_ =	sdelay $0x4  }
0x188: {  	[tilespmem:$0x1160] =	vst v1  }
0x189: {  	v1 =	vld [tilespmem:s0+$0x70];
	_ =	sdelay $0x4  }
0x18a: {  	[tilespmem:$0x1070] =	vst v1  }
0x18b: {  	v1 =	vld [tilespmem:s0+$0x870];
	_ =	sdelay $0x4  }
0x18c: {  	[tilespmem:$0x1170] =	vst v1  }
0x18d: {  	v1 =	vld [tilespmem:s0+$0x400];
	_ =	sdelay $0x4  }
0x18e: {  	[tilespmem:$0x1080] =	vst v1  }
0x18f: {  	v1 =	vld [tilespmem:s0+$0xC00];
	_ =	sdelay $0x4  }
0x190: {  	[tilespmem:$0x1180] =	vst v1  }
0x191: {  	v1 =	vld [tilespmem:s0+$0x410];
	_ =	sdelay $0x4  }
0x192: {  	[tilespmem:$0x1090] =	vst v1  }
0x193: {  	v1 =	vld [tilespmem:s0+$0xC10];
	_ =	sdelay $0x4  }
0x194: {  	[tilespmem:$0x1190] =	vst v1  }
0x195: {  	v1 =	vld [tilespmem:s0+$0x420];
	_ =	sdelay $0x4  }
0x196: {  	[tilespmem:$0x10A0] =	vst v1  }
0x197: {  	v1 =	vld [tilespmem:s0+$0xC20];
	_ =	sdelay $0x4  }
0x198: {  	[tilespmem:$0x11A0] =	vst v1  }
0x199: {  	v1 =	vld [tilespmem:s0+$0x430];
	_ =	sdelay $0x4  }
0x19a: {  	[tilespmem:$0x10B0] =	vst v1  }
0x19b: {  	v1 =	vld [tilespmem:s0+$0xC30];
	_ =	sdelay $0x4  }
0x19c: {  	[tilespmem:$0x11B0] =	vst v1  }
0x19d: {  	v1 =	vld [tilespmem:s0+$0x440];
	_ =	sdelay $0x4  }
0x19e: {  	[tilespmem:$0x10C0] =	vst v1  }
0x19f: {  	v1 =	vld [tilespmem:s0+$0xC40];
	_ =	sdelay $0x4  }
0x1a0: {  	[tilespmem:$0x11C0] =	vst v1  }
0x1a1: {  	v1 =	vld [tilespmem:s0+$0x450];
	_ =	sdelay $0x4  }
0x1a2: {  	[tilespmem:$0x10D0] =	vst v1  }
0x1a3: {  	v1 =	vld [tilespmem:s0+$0xC50];
	_ =	sdelay $0x4  }
0x1a4: {  	[tilespmem:$0x11D0] =	vst v1  }
0x1a5: {  	v1 =	vld [tilespmem:s0+$0x460];
	_ =	sdelay $0x4  }
0x1a6: {  	[tilespmem:$0x10E0] =	vst v1  }
0x1a7: {  	v1 =	vld [tilespmem:s0+$0xC60];
	_ =	sdelay $0x4  }
0x1a8: {  	[tilespmem:$0x11E0] =	vst v1  }
0x1a9: {  	v1 =	vld [tilespmem:s0+$0x470];
	_ =	sdelay $0x4  }
0x1aa: {  	[tilespmem:$0x10F0] =	vst v1  }
0x1ab: {  	v1 =	vld [tilespmem:s0+$0xC70];
	_ =	sdelay $0x4  }
0x1ac: {  	[tilespmem:$0x11F0] =	vst v1  }
0x1ad: {  	[tilespmem:s22], [sflag:$0x1] =	stream.indirect.gather [hbm4b:s4+s25], $0x80, s26, s25, $0xb8;
	[tilespmem:$0x1D200] =	vst v63  }
0x1ae: {  	_ =	swait.ge [sflag:s28], $0x8000  }
.Ltmp2:
0x1af: {  	[sflag:s28] =	ssyncset.done $0x0;
	(pc) =	sbr.rel @p0 .LBB2_6-.Ltmp2, $4  }
0x1b0: {  	[sflag:s28] =	ssyncadd.s32 $0xFFFF8000  }
0x1b1: {  	[spmem:s1] =	stream.indirect.scatter.add.f32 [tilespmem:s22], [sflag:$0x2], $0x80, s29, s25, $0xb8;
	[tilespmem:$0x1D200] =	vst v63  }
0x1b2: {  	_ =	swait.ge [sflag:s23], $0x8000  }
0x1b3: {  	s2 =	smov.u32 s31;
	[sflag:s23] =	ssyncset.done $0x0  }
0x1b4: {  	s0 =	sshra.s32 s30, $0x2;
	[sflag:s23] =	ssyncadd.s32 $0xFFFF8000  }
0x1b5: {  	v1 =	vld [tilespmem:s0+$0x0];
	_ =	sdelay $0x4  }
0x1b6: {  	[tilespmem:$0x1000] =	vst v1  }
0x1b7: {  	v1 =	vld [tilespmem:s0+$0x800];
	_ =	sdelay $0x4  }
0x1b8: {  	[tilespmem:$0x1100] =	vst v1  }
0x1b9: {  	v1 =	vld [tilespmem:s0+$0x10];
	_ =	sdelay $0x4  }
0x1ba: {  	[tilespmem:$0x1010] =	vst v1  }
0x1bb: {  	v1 =	vld [tilespmem:s0+$0x810];
	_ =	sdelay $0x4  }
0x1bc: {  	[tilespmem:$0x1110] =	vst v1  }
0x1bd: {  	v1 =	vld [tilespmem:s0+$0x20];
	_ =	sdelay $0x4  }
0x1be: {  	[tilespmem:$0x1020] =	vst v1  }
0x1bf: {  	v1 =	vld [tilespmem:s0+$0x820];
	_ =	sdelay $0x4  }
0x1c0: {  	[tilespmem:$0x1120] =	vst v1  }
0x1c1: {  	v1 =	vld [tilespmem:s0+$0x30];
	_ =	sdelay $0x4  }
0x1c2: {  	[tilespmem:$0x1030] =	vst v1  }
0x1c3: {  	v1 =	vld [tilespmem:s0+$0x830];
	_ =	sdelay $0x4  }
0x1c4: {  	[tilespmem:$0x1130] =	vst v1  }
0x1c5: {  	v1 =	vld [tilespmem:s0+$0x40];
	_ =	sdelay $0x4  }
0x1c6: {  	[tilespmem:$0x1040] =	vst v1  }
0x1c7: {  	v1 =	vld [tilespmem:s0+$0x840];
	_ =	sdelay $0x4  }
0x1c8: {  	[tilespmem:$0x1140] =	vst v1  }
0x1c9: {  	v1 =	vld [tilespmem:s0+$0x50];
	_ =	sdelay $0x4  }
0x1ca: {  	[tilespmem:$0x1050] =	vst v1  }
0x1cb: {  	v1 =	vld [tilespmem:s0+$0x850];
	_ =	sdelay $0x4  }
0x1cc: {  	[tilespmem:$0x1150] =	vst v1  }
0x1cd: {  	v1 =	vld [tilespmem:s0+$0x60];
	_ =	sdelay $0x4  }
0x1ce: {  	[tilespmem:$0x1060] =	vst v1  }
0x1cf: {  	v1 =	vld [tilespmem:s0+$0x860];
	_ =	sdelay $0x4  }
0x1d0: {  	[tilespmem:$0x1160] =	vst v1  }
0x1d1: {  	v1 =	vld [tilespmem:s0+$0x70];
	_ =	sdelay $0x4  }
0x1d2: {  	[tilespmem:$0x1070] =	vst v1  }
0x1d3: {  	v1 =	vld [tilespmem:s0+$0x870];
	_ =	sdelay $0x4  }
0x1d4: {  	[tilespmem:$0x1170] =	vst v1  }
0x1d5: {  	v1 =	vld [tilespmem:s0+$0x400];
	_ =	sdelay $0x4  }
0x1d6: {  	[tilespmem:$0x1080] =	vst v1  }
0x1d7: {  	v1 =	vld [tilespmem:s0+$0xC00];
	_ =	sdelay $0x4  }
0x1d8: {  	[tilespmem:$0x1180] =	vst v1  }
0x1d9: {  	v1 =	vld [tilespmem:s0+$0x410];
	_ =	sdelay $0x4  }
0x1da: {  	[tilespmem:$0x1090] =	vst v1  }
0x1db: {  	v1 =	vld [tilespmem:s0+$0xC10];
	_ =	sdelay $0x4  }
0x1dc: {  	[tilespmem:$0x1190] =	vst v1  }
0x1dd: {  	v1 =	vld [tilespmem:s0+$0x420];
	_ =	sdelay $0x4  }
0x1de: {  	[tilespmem:$0x10A0] =	vst v1  }
0x1df: {  	v1 =	vld [tilespmem:s0+$0xC20];
	_ =	sdelay $0x4  }
0x1e0: {  	[tilespmem:$0x11A0] =	vst v1  }
0x1e1: {  	v1 =	vld [tilespmem:s0+$0x430];
	_ =	sdelay $0x4  }
0x1e2: {  	[tilespmem:$0x10B0] =	vst v1  }
0x1e3: {  	v1 =	vld [tilespmem:s0+$0xC30];
	_ =	sdelay $0x4  }
0x1e4: {  	[tilespmem:$0x11B0] =	vst v1  }
0x1e5: {  	v1 =	vld [tilespmem:s0+$0x440];
	_ =	sdelay $0x4  }
0x1e6: {  	[tilespmem:$0x10C0] =	vst v1  }
0x1e7: {  	v1 =	vld [tilespmem:s0+$0xC40];
	_ =	sdelay $0x4  }
0x1e8: {  	[tilespmem:$0x11C0] =	vst v1  }
0x1e9: {  	v1 =	vld [tilespmem:s0+$0x450];
	_ =	sdelay $0x4  }
0x1ea: {  	[tilespmem:$0x10D0] =	vst v1  }
0x1eb: {  	v1 =	vld [tilespmem:s0+$0xC50];
	_ =	sdelay $0x4  }
0x1ec: {  	[tilespmem:$0x11D0] =	vst v1  }
0x1ed: {  	v1 =	vld [tilespmem:s0+$0x460];
	_ =	sdelay $0x4  }
0x1ee: {  	[tilespmem:$0x10E0] =	vst v1  }
0x1ef: {  	v1 =	vld [tilespmem:s0+$0xC60];
	_ =	sdelay $0x4  }
0x1f0: {  	[tilespmem:$0x11E0] =	vst v1  }
0x1f1: {  	v1 =	vld [tilespmem:s0+$0x470];
	_ =	sdelay $0x4  }
0x1f2: {  	[tilespmem:$0x10F0] =	vst v1  }
0x1f3: {  	v1 =	vld [tilespmem:s0+$0xC70];
	_ =	sdelay $0x4  }
0x1f4: {  	[tilespmem:$0x11F0] =	vst v1  }
0x1f5: {  	[tilespmem:s22], [sflag:$0x1] =	stream.indirect.gather [hbm4b:s4+s25], $0x80, s26, s25, $0xb8;
	[tilespmem:$0x1D200] =	vst v63  }
0x1f6: {  	_ =	swait.ge [sflag:s28], $0x8000  }
0x1f7: {  	[sflag:s28] =	ssyncset.done $0x0  }
0x1f8: {  	[sflag:s28] =	ssyncadd.s32 $0xFFFF8000  }
0x1f9: {  	[spmem:s1] =	stream.indirect.scatter.add.f32 [tilespmem:s22], [sflag:$0x2], $0x80, s29, s25, $0xb8;
	[tilespmem:$0x1D200] =	vst v63  }
0x1fa: {  	_ =	swait.ge [sflag:s23], $0x8000  }
0x1fb: {  	[sflag:s23] =	ssyncset.done $0x0  }
0x1fc: {  	s2 =	simm.s32 $0x0;
	[sflag:s23] =	ssyncadd.s32 $0xFFFF8000  }
0x1fd: {  	[tilespmem:s2], [sflag:$0x2] =	stream.linear.gather [hbm4b:s14+s2], $0x800, $0x38;
	[tilespmem:$0x1D200] =	vst v63  }
0x1fe: {  	_ =	swait.ge [sflag:s23], $0x800  }
0x1ff: {  	[sflag:s23] =	ssyncset.done $0x0  }
0x200: {  	[sflag:s23] =	ssyncadd.s32 $0xFFFFF800  }
0x201: {  	[tilespmem:s24], [sflag:$0x2] =	stream.linear.gather [hbm4b:s15+s2], $0x800, $0x38;
	[tilespmem:$0x1D200] =	vst v63  }
0x202: {  	_ =	swait.ge [sflag:s23], $0x800  }
0x203: {  	[sflag:s23] =	ssyncset.done $0x0  }
0x204: {  	s31 =	simm.s32 $0x0;
	[sflag:s23] =	ssyncadd.s32 $0xFFFFF800  }
0x205: {  	v1 =	vld [tilespmem:s31+$0x0];
	_ =	sdelay $0x4  }
0x206: {  	[tilespmem:$0x1000] =	vst v1  }
0x207: {  	v1 =	vld [tilespmem:s31+$0x800];
	_ =	sdelay $0x4  }
0x208: {  	[tilespmem:$0x1100] =	vst v1  }
0x209: {  	v1 =	vld [tilespmem:s31+$0x10];
	_ =	sdelay $0x4  }
0x20a: {  	[tilespmem:$0x1010] =	vst v1  }
0x20b: {  	v1 =	vld [tilespmem:s31+$0x810];
	_ =	sdelay $0x4  }
0x20c: {  	[tilespmem:$0x1110] =	vst v1  }
0x20d: {  	v1 =	vld [tilespmem:s31+$0x20];
	_ =	sdelay $0x4  }
0x20e: {  	[tilespmem:$0x1020] =	vst v1  }
0x20f: {  	v1 =	vld [tilespmem:s31+$0x820];
	_ =	sdelay $0x4  }
0x210: {  	[tilespmem:$0x1120] =	vst v1  }
0x211: {  	v1 =	vld [tilespmem:s31+$0x30];
	_ =	sdelay $0x4  }
0x212: {  	[tilespmem:$0x1030] =	vst v1  }
0x213: {  	v1 =	vld [tilespmem:s31+$0x830];
	_ =	sdelay $0x4  }
0x214: {  	[tilespmem:$0x1130] =	vst v1  }
0x215: {  	v1 =	vld [tilespmem:s31+$0x40];
	_ =	sdelay $0x4  }
0x216: {  	[tilespmem:$0x1040] =	vst v1  }
0x217: {  	v1 =	vld [tilespmem:s31+$0x840];
	_ =	sdelay $0x4  }
0x218: {  	[tilespmem:$0x1140] =	vst v1  }
0x219: {  	v1 =	vld [tilespmem:s31+$0x50];
	_ =	sdelay $0x4  }
0x21a: {  	[tilespmem:$0x1050] =	vst v1  }
0x21b: {  	v1 =	vld [tilespmem:s31+$0x850];
	_ =	sdelay $0x4  }
0x21c: {  	[tilespmem:$0x1150] =	vst v1  }
0x21d: {  	v1 =	vld [tilespmem:s31+$0x60];
	_ =	sdelay $0x4  }
0x21e: {  	[tilespmem:$0x1060] =	vst v1  }
0x21f: {  	v1 =	vld [tilespmem:s31+$0x860];
	_ =	sdelay $0x4  }
0x220: {  	[tilespmem:$0x1160] =	vst v1  }
0x221: {  	v1 =	vld [tilespmem:s31+$0x70];
	_ =	sdelay $0x4  }
0x222: {  	[tilespmem:$0x1070] =	vst v1  }
0x223: {  	v1 =	vld [tilespmem:s31+$0x870];
	_ =	sdelay $0x4  }
0x224: {  	[tilespmem:$0x1170] =	vst v1  }
0x225: {  	v1 =	vld [tilespmem:s31+$0x400];
	_ =	sdelay $0x4  }
0x226: {  	[tilespmem:$0x1080] =	vst v1  }
0x227: {  	v1 =	vld [tilespmem:s31+$0xC00];
	_ =	sdelay $0x4  }
0x228: {  	[tilespmem:$0x1180] =	vst v1  }
0x229: {  	v1 =	vld [tilespmem:s31+$0x410];
	_ =	sdelay $0x4  }
0x22a: {  	[tilespmem:$0x1090] =	vst v1  }
0x22b: {  	v1 =	vld [tilespmem:s31+$0xC10];
	_ =	sdelay $0x4  }
0x22c: {  	[tilespmem:$0x1190] =	vst v1  }
0x22d: {  	v1 =	vld [tilespmem:s31+$0x420];
	_ =	sdelay $0x4  }
0x22e: {  	[tilespmem:$0x10A0] =	vst v1  }
0x22f: {  	v1 =	vld [tilespmem:s31+$0xC20];
	_ =	sdelay $0x4  }
0x230: {  	[tilespmem:$0x11A0] =	vst v1  }
0x231: {  	v1 =	vld [tilespmem:s31+$0x430];
	_ =	sdelay $0x4  }
0x232: {  	[tilespmem:$0x10B0] =	vst v1  }
0x233: {  	v1 =	vld [tilespmem:s31+$0xC30];
	_ =	sdelay $0x4  }
0x234: {  	[tilespmem:$0x11B0] =	vst v1  }
0x235: {  	v1 =	vld [tilespmem:s31+$0x440];
	_ =	sdelay $0x4  }
0x236: {  	[tilespmem:$0x10C0] =	vst v1  }
0x237: {  	v1 =	vld [tilespmem:s31+$0xC40];
	_ =	sdelay $0x4  }
0x238: {  	[tilespmem:$0x11C0] =	vst v1  }
0x239: {  	v1 =	vld [tilespmem:s31+$0x450];
	_ =	sdelay $0x4  }
0x23a: {  	[tilespmem:$0x10D0] =	vst v1  }
0x23b: {  	v1 =	vld [tilespmem:s31+$0xC50];
	_ =	sdelay $0x4  }
0x23c: {  	[tilespmem:$0x11D0] =	vst v1  }
0x23d: {  	v1 =	vld [tilespmem:s31+$0x460];
	_ =	sdelay $0x4  }
0x23e: {  	[tilespmem:$0x10E0] =	vst v1  }
0x23f: {  	v1 =	vld [tilespmem:s31+$0xC60];
	_ =	sdelay $0x4  }
0x240: {  	[tilespmem:$0x11E0] =	vst v1  }
0x241: {  	v1 =	vld [tilespmem:s31+$0x470];
	_ =	sdelay $0x4  }
0x242: {  	[tilespmem:$0x10F0] =	vst v1  }
0x243: {  	v1 =	vld [tilespmem:s31+$0xC70];
	_ =	sdelay $0x4  }
0x244: {  	[tilespmem:$0x11F0] =	vst v1  }
0x245: {  	[tilespmem:s22], [sflag:$0x1] =	stream.indirect.gather [hbm4b:s4+s25], $0x80, s26, s25, $0xb8;
	[tilespmem:$0x1D200] =	vst v63  }
0x246: {  	_ =	swait.ge [sflag:s28], $0x8000  }
0x247: {  	[sflag:s28] =	ssyncset.done $0x0  }
0x248: {  	[sflag:s28] =	ssyncadd.s32 $0xFFFF8000  }
0x249: {  	[spmem:s1] =	stream.indirect.scatter.add.f32 [tilespmem:s22], [sflag:$0x2], $0x80, s29, s25, $0xb8;
	[tilespmem:$0x1D200] =	vst v63  }
0x24a: {  	_ =	swait.ge [sflag:s23], $0x8000  }
0x24b: {  	s30 =	simm.s32 $0x200;
	s2 =	simm.s32 $0x400;
	[sflag:s23] =	ssyncset.done $0x0  }
.LBB2_8:
0x24c: {  	s0 =	sshra.s32 s30, $0x2  }
0x24d: {  	[sflag:s23] =	ssyncadd.s32 $0xFFFF8000;
	s30 =	smov.u32 s2;
	s31 =	sadd.s32 $0x200, s2  }
0x24e: {  	p0 =	sne.s32 s2, $0xE00;
	v1 =	vld [tilespmem:s0+$0x0];
	_ =	sdelay $0x4  }
0x24f: {  	[tilespmem:$0x1000] =	vst v1  }
0x250: {  	v1 =	vld [tilespmem:s0+$0x800];
	_ =	sdelay $0x4  }
0x251: {  	[tilespmem:$0x1100] =	vst v1  }
0x252: {  	v1 =	vld [tilespmem:s0+$0x10];
	_ =	sdelay $0x4  }
0x253: {  	[tilespmem:$0x1010] =	vst v1  }
0x254: {  	v1 =	vld [tilespmem:s0+$0x810];
	_ =	sdelay $0x4  }
0x255: {  	[tilespmem:$0x1110] =	vst v1  }
0x256: {  	v1 =	vld [tilespmem:s0+$0x20];
	_ =	sdelay $0x4  }
0x257: {  	[tilespmem:$0x1020] =	vst v1  }
0x258: {  	v1 =	vld [tilespmem:s0+$0x820];
	_ =	sdelay $0x4  }
0x259: {  	[tilespmem:$0x1120] =	vst v1  }
0x25a: {  	v1 =	vld [tilespmem:s0+$0x30];
	_ =	sdelay $0x4  }
0x25b: {  	[tilespmem:$0x1030] =	vst v1  }
0x25c: {  	v1 =	vld [tilespmem:s0+$0x830];
	_ =	sdelay $0x4  }
0x25d: {  	[tilespmem:$0x1130] =	vst v1  }
0x25e: {  	v1 =	vld [tilespmem:s0+$0x40];
	_ =	sdelay $0x4  }
0x25f: {  	[tilespmem:$0x1040] =	vst v1  }
0x260: {  	v1 =	vld [tilespmem:s0+$0x840];
	_ =	sdelay $0x4  }
0x261: {  	[tilespmem:$0x1140] =	vst v1  }
0x262: {  	v1 =	vld [tilespmem:s0+$0x50];
	_ =	sdelay $0x4  }
0x263: {  	[tilespmem:$0x1050] =	vst v1  }
0x264: {  	v1 =	vld [tilespmem:s0+$0x850];
	_ =	sdelay $0x4  }
0x265: {  	[tilespmem:$0x1150] =	vst v1  }
0x266: {  	v1 =	vld [tilespmem:s0+$0x60];
	_ =	sdelay $0x4  }
0x267: {  	[tilespmem:$0x1060] =	vst v1  }
0x268: {  	v1 =	vld [tilespmem:s0+$0x860];
	_ =	sdelay $0x4  }
0x269: {  	[tilespmem:$0x1160] =	vst v1  }
0x26a: {  	v1 =	vld [tilespmem:s0+$0x70];
	_ =	sdelay $0x4  }
0x26b: {  	[tilespmem:$0x1070] =	vst v1  }
0x26c: {  	v1 =	vld [tilespmem:s0+$0x870];
	_ =	sdelay $0x4  }
0x26d: {  	[tilespmem:$0x1170] =	vst v1  }
0x26e: {  	v1 =	vld [tilespmem:s0+$0x400];
	_ =	sdelay $0x4  }
0x26f: {  	[tilespmem:$0x1080] =	vst v1  }
0x270: {  	v1 =	vld [tilespmem:s0+$0xC00];
	_ =	sdelay $0x4  }
0x271: {  	[tilespmem:$0x1180] =	vst v1  }
0x272: {  	v1 =	vld [tilespmem:s0+$0x410];
	_ =	sdelay $0x4  }
0x273: {  	[tilespmem:$0x1090] =	vst v1  }
0x274: {  	v1 =	vld [tilespmem:s0+$0xC10];
	_ =	sdelay $0x4  }
0x275: {  	[tilespmem:$0x1190] =	vst v1  }
0x276: {  	v1 =	vld [tilespmem:s0+$0x420];
	_ =	sdelay $0x4  }
0x277: {  	[tilespmem:$0x10A0] =	vst v1  }
0x278: {  	v1 =	vld [tilespmem:s0+$0xC20];
	_ =	sdelay $0x4  }
0x279: {  	[tilespmem:$0x11A0] =	vst v1  }
0x27a: {  	v1 =	vld [tilespmem:s0+$0x430];
	_ =	sdelay $0x4  }
0x27b: {  	[tilespmem:$0x10B0] =	vst v1  }
0x27c: {  	v1 =	vld [tilespmem:s0+$0xC30];
	_ =	sdelay $0x4  }
0x27d: {  	[tilespmem:$0x11B0] =	vst v1  }
0x27e: {  	v1 =	vld [tilespmem:s0+$0x440];
	_ =	sdelay $0x4  }
0x27f: {  	[tilespmem:$0x10C0] =	vst v1  }
0x280: {  	v1 =	vld [tilespmem:s0+$0xC40];
	_ =	sdelay $0x4  }
0x281: {  	[tilespmem:$0x11C0] =	vst v1  }
0x282: {  	v1 =	vld [tilespmem:s0+$0x450];
	_ =	sdelay $0x4  }
0x283: {  	[tilespmem:$0x10D0] =	vst v1  }
0x284: {  	v1 =	vld [tilespmem:s0+$0xC50];
	_ =	sdelay $0x4  }
0x285: {  	[tilespmem:$0x11D0] =	vst v1  }
0x286: {  	v1 =	vld [tilespmem:s0+$0x460];
	_ =	sdelay $0x4  }
0x287: {  	[tilespmem:$0x10E0] =	vst v1  }
0x288: {  	v1 =	vld [tilespmem:s0+$0xC60];
	_ =	sdelay $0x4  }
0x289: {  	[tilespmem:$0x11E0] =	vst v1  }
0x28a: {  	v1 =	vld [tilespmem:s0+$0x470];
	_ =	sdelay $0x4  }
0x28b: {  	[tilespmem:$0x10F0] =	vst v1  }
0x28c: {  	v1 =	vld [tilespmem:s0+$0xC70];
	_ =	sdelay $0x4  }
0x28d: {  	[tilespmem:$0x11F0] =	vst v1  }
0x28e: {  	[tilespmem:s22], [sflag:$0x1] =	stream.indirect.gather [hbm4b:s4+s25], $0x80, s26, s25, $0xb8;
	[tilespmem:$0x1D200] =	vst v63  }
0x28f: {  	_ =	swait.ge [sflag:s28], $0x8000  }
.Ltmp3:
0x290: {  	[sflag:s28] =	ssyncset.done $0x0;
	(pc) =	sbr.rel @p0 .LBB2_8-.Ltmp3, $4  }
0x291: {  	[sflag:s28] =	ssyncadd.s32 $0xFFFF8000  }
0x292: {  	[spmem:s1] =	stream.indirect.scatter.add.f32 [tilespmem:s22], [sflag:$0x2], $0x80, s29, s25, $0xb8;
	[tilespmem:$0x1D200] =	vst v63  }
0x293: {  	_ =	swait.ge [sflag:s23], $0x8000  }
0x294: {  	s2 =	smov.u32 s31;
	[sflag:s23] =	ssyncset.done $0x0  }
0x295: {  	s0 =	sshra.s32 s30, $0x2;
	[sflag:s23] =	ssyncadd.s32 $0xFFFF8000  }
0x296: {  	v1 =	vld [tilespmem:s0+$0x0];
	_ =	sdelay $0x4  }
0x297: {  	[tilespmem:$0x1000] =	vst v1  }
0x298: {  	v1 =	vld [tilespmem:s0+$0x800];
	_ =	sdelay $0x4  }
0x299: {  	[tilespmem:$0x1100] =	vst v1  }
0x29a: {  	v1 =	vld [tilespmem:s0+$0x10];
	_ =	sdelay $0x4  }
0x29b: {  	[tilespmem:$0x1010] =	vst v1  }
0x29c: {  	v1 =	vld [tilespmem:s0+$0x810];
	_ =	sdelay $0x4  }
0x29d: {  	[tilespmem:$0x1110] =	vst v1  }
0x29e: {  	v1 =	vld [tilespmem:s0+$0x20];
	_ =	sdelay $0x4  }
0x29f: {  	[tilespmem:$0x1020] =	vst v1  }
0x2a0: {  	v1 =	vld [tilespmem:s0+$0x820];
	_ =	sdelay $0x4  }
0x2a1: {  	[tilespmem:$0x1120] =	vst v1  }
0x2a2: {  	v1 =	vld [tilespmem:s0+$0x30];
	_ =	sdelay $0x4  }
0x2a3: {  	[tilespmem:$0x1030] =	vst v1  }
0x2a4: {  	v1 =	vld [tilespmem:s0+$0x830];
	_ =	sdelay $0x4  }
0x2a5: {  	[tilespmem:$0x1130] =	vst v1  }
0x2a6: {  	v1 =	vld [tilespmem:s0+$0x40];
	_ =	sdelay $0x4  }
0x2a7: {  	[tilespmem:$0x1040] =	vst v1  }
0x2a8: {  	v1 =	vld [tilespmem:s0+$0x840];
	_ =	sdelay $0x4  }
0x2a9: {  	[tilespmem:$0x1140] =	vst v1  }
0x2aa: {  	v1 =	vld [tilespmem:s0+$0x50];
	_ =	sdelay $0x4  }
0x2ab: {  	[tilespmem:$0x1050] =	vst v1  }
0x2ac: {  	v1 =	vld [tilespmem:s0+$0x850];
	_ =	sdelay $0x4  }
0x2ad: {  	[tilespmem:$0x1150] =	vst v1  }
0x2ae: {  	v1 =	vld [tilespmem:s0+$0x60];
	_ =	sdelay $0x4  }
0x2af: {  	[tilespmem:$0x1060] =	vst v1  }
0x2b0: {  	v1 =	vld [tilespmem:s0+$0x860];
	_ =	sdelay $0x4  }
0x2b1: {  	[tilespmem:$0x1160] =	vst v1  }
0x2b2: {  	v1 =	vld [tilespmem:s0+$0x70];
	_ =	sdelay $0x4  }
0x2b3: {  	[tilespmem:$0x1070] =	vst v1  }
0x2b4: {  	v1 =	vld [tilespmem:s0+$0x870];
	_ =	sdelay $0x4  }
0x2b5: {  	[tilespmem:$0x1170] =	vst v1  }
0x2b6: {  	v1 =	vld [tilespmem:s0+$0x400];
	_ =	sdelay $0x4  }
0x2b7: {  	[tilespmem:$0x1080] =	vst v1  }
0x2b8: {  	v1 =	vld [tilespmem:s0+$0xC00];
	_ =	sdelay $0x4  }
0x2b9: {  	[tilespmem:$0x1180] =	vst v1  }
0x2ba: {  	v1 =	vld [tilespmem:s0+$0x410];
	_ =	sdelay $0x4  }
0x2bb: {  	[tilespmem:$0x1090] =	vst v1  }
0x2bc: {  	v1 =	vld [tilespmem:s0+$0xC10];
	_ =	sdelay $0x4  }
0x2bd: {  	[tilespmem:$0x1190] =	vst v1  }
0x2be: {  	v1 =	vld [tilespmem:s0+$0x420];
	_ =	sdelay $0x4  }
0x2bf: {  	[tilespmem:$0x10A0] =	vst v1  }
0x2c0: {  	v1 =	vld [tilespmem:s0+$0xC20];
	_ =	sdelay $0x4  }
0x2c1: {  	[tilespmem:$0x11A0] =	vst v1  }
0x2c2: {  	v1 =	vld [tilespmem:s0+$0x430];
	_ =	sdelay $0x4  }
0x2c3: {  	[tilespmem:$0x10B0] =	vst v1  }
0x2c4: {  	v1 =	vld [tilespmem:s0+$0xC30];
	_ =	sdelay $0x4  }
0x2c5: {  	[tilespmem:$0x11B0] =	vst v1  }
0x2c6: {  	v1 =	vld [tilespmem:s0+$0x440];
	_ =	sdelay $0x4  }
0x2c7: {  	[tilespmem:$0x10C0] =	vst v1  }
0x2c8: {  	v1 =	vld [tilespmem:s0+$0xC40];
	_ =	sdelay $0x4  }
0x2c9: {  	[tilespmem:$0x11C0] =	vst v1  }
0x2ca: {  	v1 =	vld [tilespmem:s0+$0x450];
	_ =	sdelay $0x4  }
0x2cb: {  	[tilespmem:$0x10D0] =	vst v1  }
0x2cc: {  	v1 =	vld [tilespmem:s0+$0xC50];
	_ =	sdelay $0x4  }
0x2cd: {  	[tilespmem:$0x11D0] =	vst v1  }
0x2ce: {  	v1 =	vld [tilespmem:s0+$0x460];
	_ =	sdelay $0x4  }
0x2cf: {  	[tilespmem:$0x10E0] =	vst v1  }
0x2d0: {  	v1 =	vld [tilespmem:s0+$0xC60];
	_ =	sdelay $0x4  }
0x2d1: {  	[tilespmem:$0x11E0] =	vst v1  }
0x2d2: {  	v1 =	vld [tilespmem:s0+$0x470];
	_ =	sdelay $0x4  }
0x2d3: {  	[tilespmem:$0x10F0] =	vst v1  }
0x2d4: {  	v1 =	vld [tilespmem:s0+$0xC70];
	_ =	sdelay $0x4  }
0x2d5: {  	[tilespmem:$0x11F0] =	vst v1  }
0x2d6: {  	[tilespmem:s22], [sflag:$0x1] =	stream.indirect.gather [hbm4b:s4+s25], $0x80, s26, s25, $0xb8;
	[tilespmem:$0x1D200] =	vst v63  }
0x2d7: {  	_ =	swait.ge [sflag:s28], $0x8000  }
0x2d8: {  	[sflag:s28] =	ssyncset.done $0x0  }
0x2d9: {  	[sflag:s28] =	ssyncadd.s32 $0xFFFF8000  }
0x2da: {  	[spmem:s1] =	stream.indirect.scatter.add.f32 [tilespmem:s22], [sflag:$0x2], $0x80, s29, s25, $0xb8;
	[tilespmem:$0x1D200] =	vst v63  }
0x2db: {  	_ =	swait.ge [sflag:s23], $0x8000  }
0x2dc: {  	[sflag:s23] =	ssyncset.done $0x0  }
0x2dd: {  	s2 =	simm.s32 $0x0;
	[sflag:s23] =	ssyncadd.s32 $0xFFFF8000  }
0x2de: {  	[tilespmem:s2], [sflag:$0x2] =	stream.linear.gather [hbm4b:s16+s2], $0x800, $0x38;
	[tilespmem:$0x1D200] =	vst v63  }
0x2df: {  	_ =	swait.ge [sflag:s23], $0x800  }
0x2e0: {  	[sflag:s23] =	ssyncset.done $0x0  }
0x2e1: {  	[sflag:s23] =	ssyncadd.s32 $0xFFFFF800  }
0x2e2: {  	[tilespmem:s24], [sflag:$0x2] =	stream.linear.gather [hbm4b:s17+s2], $0x800, $0x38;
	[tilespmem:$0x1D200] =	vst v63  }
0x2e3: {  	_ =	swait.ge [sflag:s23], $0x800  }
0x2e4: {  	[sflag:s23] =	ssyncset.done $0x0  }
0x2e5: {  	s31 =	simm.s32 $0x0;
	[sflag:s23] =	ssyncadd.s32 $0xFFFFF800  }
0x2e6: {  	v1 =	vld [tilespmem:s31+$0x0];
	_ =	sdelay $0x4  }
0x2e7: {  	[tilespmem:$0x1000] =	vst v1  }
0x2e8: {  	v1 =	vld [tilespmem:s31+$0x800];
	_ =	sdelay $0x4  }
0x2e9: {  	[tilespmem:$0x1100] =	vst v1  }
0x2ea: {  	v1 =	vld [tilespmem:s31+$0x10];
	_ =	sdelay $0x4  }
0x2eb: {  	[tilespmem:$0x1010] =	vst v1  }
0x2ec: {  	v1 =	vld [tilespmem:s31+$0x810];
	_ =	sdelay $0x4  }
0x2ed: {  	[tilespmem:$0x1110] =	vst v1  }
0x2ee: {  	v1 =	vld [tilespmem:s31+$0x20];
	_ =	sdelay $0x4  }
0x2ef: {  	[tilespmem:$0x1020] =	vst v1  }
0x2f0: {  	v1 =	vld [tilespmem:s31+$0x820];
	_ =	sdelay $0x4  }
0x2f1: {  	[tilespmem:$0x1120] =	vst v1  }
0x2f2: {  	v1 =	vld [tilespmem:s31+$0x30];
	_ =	sdelay $0x4  }
0x2f3: {  	[tilespmem:$0x1030] =	vst v1  }
0x2f4: {  	v1 =	vld [tilespmem:s31+$0x830];
	_ =	sdelay $0x4  }
0x2f5: {  	[tilespmem:$0x1130] =	vst v1  }
0x2f6: {  	v1 =	vld [tilespmem:s31+$0x40];
	_ =	sdelay $0x4  }
0x2f7: {  	[tilespmem:$0x1040] =	vst v1  }
0x2f8: {  	v1 =	vld [tilespmem:s31+$0x840];
	_ =	sdelay $0x4  }
0x2f9: {  	[tilespmem:$0x1140] =	vst v1  }
0x2fa: {  	v1 =	vld [tilespmem:s31+$0x50];
	_ =	sdelay $0x4  }
0x2fb: {  	[tilespmem:$0x1050] =	vst v1  }
0x2fc: {  	v1 =	vld [tilespmem:s31+$0x850];
	_ =	sdelay $0x4  }
0x2fd: {  	[tilespmem:$0x1150] =	vst v1  }
0x2fe: {  	v1 =	vld [tilespmem:s31+$0x60];
	_ =	sdelay $0x4  }
0x2ff: {  	[tilespmem:$0x1060] =	vst v1  }
0x300: {  	v1 =	vld [tilespmem:s31+$0x860];
	_ =	sdelay $0x4  }
0x301: {  	[tilespmem:$0x1160] =	vst v1  }
0x302: {  	v1 =	vld [tilespmem:s31+$0x70];
	_ =	sdelay $0x4  }
0x303: {  	[tilespmem:$0x1070] =	vst v1  }
0x304: {  	v1 =	vld [tilespmem:s31+$0x870];
	_ =	sdelay $0x4  }
0x305: {  	[tilespmem:$0x1170] =	vst v1  }
0x306: {  	v1 =	vld [tilespmem:s31+$0x400];
	_ =	sdelay $0x4  }
0x307: {  	[tilespmem:$0x1080] =	vst v1  }
0x308: {  	v1 =	vld [tilespmem:s31+$0xC00];
	_ =	sdelay $0x4  }
0x309: {  	[tilespmem:$0x1180] =	vst v1  }
0x30a: {  	v1 =	vld [tilespmem:s31+$0x410];
	_ =	sdelay $0x4  }
0x30b: {  	[tilespmem:$0x1090] =	vst v1  }
0x30c: {  	v1 =	vld [tilespmem:s31+$0xC10];
	_ =	sdelay $0x4  }
0x30d: {  	[tilespmem:$0x1190] =	vst v1  }
0x30e: {  	v1 =	vld [tilespmem:s31+$0x420];
	_ =	sdelay $0x4  }
0x30f: {  	[tilespmem:$0x10A0] =	vst v1  }
0x310: {  	v1 =	vld [tilespmem:s31+$0xC20];
	_ =	sdelay $0x4  }
0x311: {  	[tilespmem:$0x11A0] =	vst v1  }
0x312: {  	v1 =	vld [tilespmem:s31+$0x430];
	_ =	sdelay $0x4  }
0x313: {  	[tilespmem:$0x10B0] =	vst v1  }
0x314: {  	v1 =	vld [tilespmem:s31+$0xC30];
	_ =	sdelay $0x4  }
0x315: {  	[tilespmem:$0x11B0] =	vst v1  }
0x316: {  	v1 =	vld [tilespmem:s31+$0x440];
	_ =	sdelay $0x4  }
0x317: {  	[tilespmem:$0x10C0] =	vst v1  }
0x318: {  	v1 =	vld [tilespmem:s31+$0xC40];
	_ =	sdelay $0x4  }
0x319: {  	[tilespmem:$0x11C0] =	vst v1  }
0x31a: {  	v1 =	vld [tilespmem:s31+$0x450];
	_ =	sdelay $0x4  }
0x31b: {  	[tilespmem:$0x10D0] =	vst v1  }
0x31c: {  	v1 =	vld [tilespmem:s31+$0xC50];
	_ =	sdelay $0x4  }
0x31d: {  	[tilespmem:$0x11D0] =	vst v1  }
0x31e: {  	v1 =	vld [tilespmem:s31+$0x460];
	_ =	sdelay $0x4  }
0x31f: {  	[tilespmem:$0x10E0] =	vst v1  }
0x320: {  	v1 =	vld [tilespmem:s31+$0xC60];
	_ =	sdelay $0x4  }
0x321: {  	[tilespmem:$0x11E0] =	vst v1  }
0x322: {  	v1 =	vld [tilespmem:s31+$0x470];
	_ =	sdelay $0x4  }
0x323: {  	[tilespmem:$0x10F0] =	vst v1  }
0x324: {  	v1 =	vld [tilespmem:s31+$0xC70];
	_ =	sdelay $0x4  }
0x325: {  	[tilespmem:$0x11F0] =	vst v1  }
0x326: {  	[tilespmem:s22], [sflag:$0x1] =	stream.indirect.gather [hbm4b:s4+s25], $0x80, s26, s25, $0xb8;
	[tilespmem:$0x1D200] =	vst v63  }
0x327: {  	_ =	swait.ge [sflag:s28], $0x8000  }
0x328: {  	[sflag:s28] =	ssyncset.done $0x0  }
0x329: {  	[sflag:s28] =	ssyncadd.s32 $0xFFFF8000  }
0x32a: {  	[spmem:s1] =	stream.indirect.scatter.add.f32 [tilespmem:s22], [sflag:$0x2], $0x80, s29, s25, $0xb8;
	[tilespmem:$0x1D200] =	vst v63  }
0x32b: {  	_ =	swait.ge [sflag:s23], $0x8000  }
0x32c: {  	s30 =	simm.s32 $0x200;
	s2 =	simm.s32 $0x400;
	[sflag:s23] =	ssyncset.done $0x0  }
.LBB2_10:
0x32d: {  	s0 =	sshra.s32 s30, $0x2  }
0x32e: {  	[sflag:s23] =	ssyncadd.s32 $0xFFFF8000;
	s30 =	smov.u32 s2;
	s31 =	sadd.s32 $0x200, s2  }
0x32f: {  	p0 =	sne.s32 s2, $0xE00;
	v1 =	vld [tilespmem:s0+$0x0];
	_ =	sdelay $0x4  }
0x330: {  	[tilespmem:$0x1000] =	vst v1  }
0x331: {  	v1 =	vld [tilespmem:s0+$0x800];
	_ =	sdelay $0x4  }
0x332: {  	[tilespmem:$0x1100] =	vst v1  }
0x333: {  	v1 =	vld [tilespmem:s0+$0x10];
	_ =	sdelay $0x4  }
0x334: {  	[tilespmem:$0x1010] =	vst v1  }
0x335: {  	v1 =	vld [tilespmem:s0+$0x810];
	_ =	sdelay $0x4  }
0x336: {  	[tilespmem:$0x1110] =	vst v1  }
0x337: {  	v1 =	vld [tilespmem:s0+$0x20];
	_ =	sdelay $0x4  }
0x338: {  	[tilespmem:$0x1020] =	vst v1  }
0x339: {  	v1 =	vld [tilespmem:s0+$0x820];
	_ =	sdelay $0x4  }
0x33a: {  	[tilespmem:$0x1120] =	vst v1  }
0x33b: {  	v1 =	vld [tilespmem:s0+$0x30];
	_ =	sdelay $0x4  }
0x33c: {  	[tilespmem:$0x1030] =	vst v1  }
0x33d: {  	v1 =	vld [tilespmem:s0+$0x830];
	_ =	sdelay $0x4  }
0x33e: {  	[tilespmem:$0x1130] =	vst v1  }
0x33f: {  	v1 =	vld [tilespmem:s0+$0x40];
	_ =	sdelay $0x4  }
0x340: {  	[tilespmem:$0x1040] =	vst v1  }
0x341: {  	v1 =	vld [tilespmem:s0+$0x840];
	_ =	sdelay $0x4  }
0x342: {  	[tilespmem:$0x1140] =	vst v1  }
0x343: {  	v1 =	vld [tilespmem:s0+$0x50];
	_ =	sdelay $0x4  }
0x344: {  	[tilespmem:$0x1050] =	vst v1  }
0x345: {  	v1 =	vld [tilespmem:s0+$0x850];
	_ =	sdelay $0x4  }
0x346: {  	[tilespmem:$0x1150] =	vst v1  }
0x347: {  	v1 =	vld [tilespmem:s0+$0x60];
	_ =	sdelay $0x4  }
0x348: {  	[tilespmem:$0x1060] =	vst v1  }
0x349: {  	v1 =	vld [tilespmem:s0+$0x860];
	_ =	sdelay $0x4  }
0x34a: {  	[tilespmem:$0x1160] =	vst v1  }
0x34b: {  	v1 =	vld [tilespmem:s0+$0x70];
	_ =	sdelay $0x4  }
0x34c: {  	[tilespmem:$0x1070] =	vst v1  }
0x34d: {  	v1 =	vld [tilespmem:s0+$0x870];
	_ =	sdelay $0x4  }
0x34e: {  	[tilespmem:$0x1170] =	vst v1  }
0x34f: {  	v1 =	vld [tilespmem:s0+$0x400];
	_ =	sdelay $0x4  }
0x350: {  	[tilespmem:$0x1080] =	vst v1  }
0x351: {  	v1 =	vld [tilespmem:s0+$0xC00];
	_ =	sdelay $0x4  }
0x352: {  	[tilespmem:$0x1180] =	vst v1  }
0x353: {  	v1 =	vld [tilespmem:s0+$0x410];
	_ =	sdelay $0x4  }
0x354: {  	[tilespmem:$0x1090] =	vst v1  }
0x355: {  	v1 =	vld [tilespmem:s0+$0xC10];
	_ =	sdelay $0x4  }
0x356: {  	[tilespmem:$0x1190] =	vst v1  }
0x357: {  	v1 =	vld [tilespmem:s0+$0x420];
	_ =	sdelay $0x4  }
0x358: {  	[tilespmem:$0x10A0] =	vst v1  }
0x359: {  	v1 =	vld [tilespmem:s0+$0xC20];
	_ =	sdelay $0x4  }
0x35a: {  	[tilespmem:$0x11A0] =	vst v1  }
0x35b: {  	v1 =	vld [tilespmem:s0+$0x430];
	_ =	sdelay $0x4  }
0x35c: {  	[tilespmem:$0x10B0] =	vst v1  }
0x35d: {  	v1 =	vld [tilespmem:s0+$0xC30];
	_ =	sdelay $0x4  }
0x35e: {  	[tilespmem:$0x11B0] =	vst v1  }
0x35f: {  	v1 =	vld [tilespmem:s0+$0x440];
	_ =	sdelay $0x4  }
0x360: {  	[tilespmem:$0x10C0] =	vst v1  }
0x361: {  	v1 =	vld [tilespmem:s0+$0xC40];
	_ =	sdelay $0x4  }
0x362: {  	[tilespmem:$0x11C0] =	vst v1  }
0x363: {  	v1 =	vld [tilespmem:s0+$0x450];
	_ =	sdelay $0x4  }
0x364: {  	[tilespmem:$0x10D0] =	vst v1  }
0x365: {  	v1 =	vld [tilespmem:s0+$0xC50];
	_ =	sdelay $0x4  }
0x366: {  	[tilespmem:$0x11D0] =	vst v1  }
0x367: {  	v1 =	vld [tilespmem:s0+$0x460];
	_ =	sdelay $0x4  }
0x368: {  	[tilespmem:$0x10E0] =	vst v1  }
0x369: {  	v1 =	vld [tilespmem:s0+$0xC60];
	_ =	sdelay $0x4  }
0x36a: {  	[tilespmem:$0x11E0] =	vst v1  }
0x36b: {  	v1 =	vld [tilespmem:s0+$0x470];
	_ =	sdelay $0x4  }
0x36c: {  	[tilespmem:$0x10F0] =	vst v1  }
0x36d: {  	v1 =	vld [tilespmem:s0+$0xC70];
	_ =	sdelay $0x4  }
0x36e: {  	[tilespmem:$0x11F0] =	vst v1  }
0x36f: {  	[tilespmem:s22], [sflag:$0x1] =	stream.indirect.gather [hbm4b:s4+s25], $0x80, s26, s25, $0xb8;
	[tilespmem:$0x1D200] =	vst v63  }
0x370: {  	_ =	swait.ge [sflag:s28], $0x8000  }
.Ltmp4:
0x371: {  	[sflag:s28] =	ssyncset.done $0x0;
	(pc) =	sbr.rel @p0 .LBB2_10-.Ltmp4, $4  }
0x372: {  	[sflag:s28] =	ssyncadd.s32 $0xFFFF8000  }
0x373: {  	[spmem:s1] =	stream.indirect.scatter.add.f32 [tilespmem:s22], [sflag:$0x2], $0x80, s29, s25, $0xb8;
	[tilespmem:$0x1D200] =	vst v63  }
0x374: {  	_ =	swait.ge [sflag:s23], $0x8000  }
0x375: {  	s2 =	smov.u32 s31;
	[sflag:s23] =	ssyncset.done $0x0  }
0x376: {  	s0 =	sshra.s32 s30, $0x2;
	[sflag:s23] =	ssyncadd.s32 $0xFFFF8000  }
0x377: {  	v1 =	vld [tilespmem:s0+$0x0];
	_ =	sdelay $0x4  }
0x378: {  	[tilespmem:$0x1000] =	vst v1  }
0x379: {  	v1 =	vld [tilespmem:s0+$0x800];
	_ =	sdelay $0x4  }
0x37a: {  	[tilespmem:$0x1100] =	vst v1  }
0x37b: {  	v1 =	vld [tilespmem:s0+$0x10];
	_ =	sdelay $0x4  }
0x37c: {  	[tilespmem:$0x1010] =	vst v1  }
0x37d: {  	v1 =	vld [tilespmem:s0+$0x810];
	_ =	sdelay $0x4  }
0x37e: {  	[tilespmem:$0x1110] =	vst v1  }
0x37f: {  	v1 =	vld [tilespmem:s0+$0x20];
	_ =	sdelay $0x4  }
0x380: {  	[tilespmem:$0x1020] =	vst v1  }
0x381: {  	v1 =	vld [tilespmem:s0+$0x820];
	_ =	sdelay $0x4  }
0x382: {  	[tilespmem:$0x1120] =	vst v1  }
0x383: {  	v1 =	vld [tilespmem:s0+$0x30];
	_ =	sdelay $0x4  }
0x384: {  	[tilespmem:$0x1030] =	vst v1  }
0x385: {  	v1 =	vld [tilespmem:s0+$0x830];
	_ =	sdelay $0x4  }
0x386: {  	[tilespmem:$0x1130] =	vst v1  }
0x387: {  	v1 =	vld [tilespmem:s0+$0x40];
	_ =	sdelay $0x4  }
0x388: {  	[tilespmem:$0x1040] =	vst v1  }
0x389: {  	v1 =	vld [tilespmem:s0+$0x840];
	_ =	sdelay $0x4  }
0x38a: {  	[tilespmem:$0x1140] =	vst v1  }
0x38b: {  	v1 =	vld [tilespmem:s0+$0x50];
	_ =	sdelay $0x4  }
0x38c: {  	[tilespmem:$0x1050] =	vst v1  }
0x38d: {  	v1 =	vld [tilespmem:s0+$0x850];
	_ =	sdelay $0x4  }
0x38e: {  	[tilespmem:$0x1150] =	vst v1  }
0x38f: {  	v1 =	vld [tilespmem:s0+$0x60];
	_ =	sdelay $0x4  }
0x390: {  	[tilespmem:$0x1060] =	vst v1  }
0x391: {  	v1 =	vld [tilespmem:s0+$0x860];
	_ =	sdelay $0x4  }
0x392: {  	[tilespmem:$0x1160] =	vst v1  }
0x393: {  	v1 =	vld [tilespmem:s0+$0x70];
	_ =	sdelay $0x4  }
0x394: {  	[tilespmem:$0x1070] =	vst v1  }
0x395: {  	v1 =	vld [tilespmem:s0+$0x870];
	_ =	sdelay $0x4  }
0x396: {  	[tilespmem:$0x1170] =	vst v1  }
0x397: {  	v1 =	vld [tilespmem:s0+$0x400];
	_ =	sdelay $0x4  }
0x398: {  	[tilespmem:$0x1080] =	vst v1  }
0x399: {  	v1 =	vld [tilespmem:s0+$0xC00];
	_ =	sdelay $0x4  }
0x39a: {  	[tilespmem:$0x1180] =	vst v1  }
0x39b: {  	v1 =	vld [tilespmem:s0+$0x410];
	_ =	sdelay $0x4  }
0x39c: {  	[tilespmem:$0x1090] =	vst v1  }
0x39d: {  	v1 =	vld [tilespmem:s0+$0xC10];
	_ =	sdelay $0x4  }
0x39e: {  	[tilespmem:$0x1190] =	vst v1  }
0x39f: {  	v1 =	vld [tilespmem:s0+$0x420];
	_ =	sdelay $0x4  }
0x3a0: {  	[tilespmem:$0x10A0] =	vst v1  }
0x3a1: {  	v1 =	vld [tilespmem:s0+$0xC20];
	_ =	sdelay $0x4  }
0x3a2: {  	[tilespmem:$0x11A0] =	vst v1  }
0x3a3: {  	v1 =	vld [tilespmem:s0+$0x430];
	_ =	sdelay $0x4  }
0x3a4: {  	[tilespmem:$0x10B0] =	vst v1  }
0x3a5: {  	v1 =	vld [tilespmem:s0+$0xC30];
	_ =	sdelay $0x4  }
0x3a6: {  	[tilespmem:$0x11B0] =	vst v1  }
0x3a7: {  	v1 =	vld [tilespmem:s0+$0x440];
	_ =	sdelay $0x4  }
0x3a8: {  	[tilespmem:$0x10C0] =	vst v1  }
0x3a9: {  	v1 =	vld [tilespmem:s0+$0xC40];
	_ =	sdelay $0x4  }
0x3aa: {  	[tilespmem:$0x11C0] =	vst v1  }
0x3ab: {  	v1 =	vld [tilespmem:s0+$0x450];
	_ =	sdelay $0x4  }
0x3ac: {  	[tilespmem:$0x10D0] =	vst v1  }
0x3ad: {  	v1 =	vld [tilespmem:s0+$0xC50];
	_ =	sdelay $0x4  }
0x3ae: {  	[tilespmem:$0x11D0] =	vst v1  }
0x3af: {  	v1 =	vld [tilespmem:s0+$0x460];
	_ =	sdelay $0x4  }
0x3b0: {  	[tilespmem:$0x10E0] =	vst v1  }
0x3b1: {  	v1 =	vld [tilespmem:s0+$0xC60];
	_ =	sdelay $0x4  }
0x3b2: {  	[tilespmem:$0x11E0] =	vst v1  }
0x3b3: {  	v1 =	vld [tilespmem:s0+$0x470];
	_ =	sdelay $0x4  }
0x3b4: {  	[tilespmem:$0x10F0] =	vst v1  }
0x3b5: {  	v1 =	vld [tilespmem:s0+$0xC70];
	_ =	sdelay $0x4  }
0x3b6: {  	[tilespmem:$0x11F0] =	vst v1  }
0x3b7: {  	[tilespmem:s22], [sflag:$0x1] =	stream.indirect.gather [hbm4b:s4+s25], $0x80, s26, s25, $0xb8;
	[tilespmem:$0x1D200] =	vst v63  }
0x3b8: {  	_ =	swait.ge [sflag:s28], $0x8000  }
0x3b9: {  	[sflag:s28] =	ssyncset.done $0x0  }
0x3ba: {  	[sflag:s28] =	ssyncadd.s32 $0xFFFF8000  }
0x3bb: {  	[spmem:s1] =	stream.indirect.scatter.add.f32 [tilespmem:s22], [sflag:$0x2], $0x80, s29, s25, $0xb8;
	[tilespmem:$0x1D200] =	vst v63  }
0x3bc: {  	_ =	swait.ge [sflag:s23], $0x8000  }
0x3bd: {  	[sflag:s23] =	ssyncset.done $0x0  }
0x3be: {  	s2 =	simm.s32 $0x0;
	[sflag:s23] =	ssyncadd.s32 $0xFFFF8000  }
0x3bf: {  	[tilespmem:s2], [sflag:$0x2] =	stream.linear.gather [hbm4b:s18+s2], $0x800, $0x38;
	[tilespmem:$0x1D200] =	vst v63  }
0x3c0: {  	_ =	swait.ge [sflag:s23], $0x800  }
0x3c1: {  	[sflag:s23] =	ssyncset.done $0x0  }
0x3c2: {  	[sflag:s23] =	ssyncadd.s32 $0xFFFFF800  }
0x3c3: {  	[tilespmem:s24], [sflag:$0x2] =	stream.linear.gather [hbm4b:s19+s2], $0x800, $0x38;
	[tilespmem:$0x1D200] =	vst v63  }
0x3c4: {  	_ =	swait.ge [sflag:s23], $0x800  }
0x3c5: {  	[sflag:s23] =	ssyncset.done $0x0  }
0x3c6: {  	s31 =	simm.s32 $0x0;
	[sflag:s23] =	ssyncadd.s32 $0xFFFFF800  }
0x3c7: {  	v1 =	vld [tilespmem:s31+$0x0];
	_ =	sdelay $0x4  }
0x3c8: {  	[tilespmem:$0x1000] =	vst v1  }
0x3c9: {  	v1 =	vld [tilespmem:s31+$0x800];
	_ =	sdelay $0x4  }
0x3ca: {  	[tilespmem:$0x1100] =	vst v1  }
0x3cb: {  	v1 =	vld [tilespmem:s31+$0x10];
	_ =	sdelay $0x4  }
0x3cc: {  	[tilespmem:$0x1010] =	vst v1  }
0x3cd: {  	v1 =	vld [tilespmem:s31+$0x810];
	_ =	sdelay $0x4  }
0x3ce: {  	[tilespmem:$0x1110] =	vst v1  }
0x3cf: {  	v1 =	vld [tilespmem:s31+$0x20];
	_ =	sdelay $0x4  }
0x3d0: {  	[tilespmem:$0x1020] =	vst v1  }
0x3d1: {  	v1 =	vld [tilespmem:s31+$0x820];
	_ =	sdelay $0x4  }
0x3d2: {  	[tilespmem:$0x1120] =	vst v1  }
0x3d3: {  	v1 =	vld [tilespmem:s31+$0x30];
	_ =	sdelay $0x4  }
0x3d4: {  	[tilespmem:$0x1030] =	vst v1  }
0x3d5: {  	v1 =	vld [tilespmem:s31+$0x830];
	_ =	sdelay $0x4  }
0x3d6: {  	[tilespmem:$0x1130] =	vst v1  }
0x3d7: {  	v1 =	vld [tilespmem:s31+$0x40];
	_ =	sdelay $0x4  }
0x3d8: {  	[tilespmem:$0x1040] =	vst v1  }
0x3d9: {  	v1 =	vld [tilespmem:s31+$0x840];
	_ =	sdelay $0x4  }
0x3da: {  	[tilespmem:$0x1140] =	vst v1  }
0x3db: {  	v1 =	vld [tilespmem:s31+$0x50];
	_ =	sdelay $0x4  }
0x3dc: {  	[tilespmem:$0x1050] =	vst v1  }
0x3dd: {  	v1 =	vld [tilespmem:s31+$0x850];
	_ =	sdelay $0x4  }
0x3de: {  	[tilespmem:$0x1150] =	vst v1  }
0x3df: {  	v1 =	vld [tilespmem:s31+$0x60];
	_ =	sdelay $0x4  }
0x3e0: {  	[tilespmem:$0x1060] =	vst v1  }
0x3e1: {  	v1 =	vld [tilespmem:s31+$0x860];
	_ =	sdelay $0x4  }
0x3e2: {  	[tilespmem:$0x1160] =	vst v1  }
0x3e3: {  	v1 =	vld [tilespmem:s31+$0x70];
	_ =	sdelay $0x4  }
0x3e4: {  	[tilespmem:$0x1070] =	vst v1  }
0x3e5: {  	v1 =	vld [tilespmem:s31+$0x870];
	_ =	sdelay $0x4  }
0x3e6: {  	[tilespmem:$0x1170] =	vst v1  }
0x3e7: {  	v1 =	vld [tilespmem:s31+$0x400];
	_ =	sdelay $0x4  }
0x3e8: {  	[tilespmem:$0x1080] =	vst v1  }
0x3e9: {  	v1 =	vld [tilespmem:s31+$0xC00];
	_ =	sdelay $0x4  }
0x3ea: {  	[tilespmem:$0x1180] =	vst v1  }
0x3eb: {  	v1 =	vld [tilespmem:s31+$0x410];
	_ =	sdelay $0x4  }
0x3ec: {  	[tilespmem:$0x1090] =	vst v1  }
0x3ed: {  	v1 =	vld [tilespmem:s31+$0xC10];
	_ =	sdelay $0x4  }
0x3ee: {  	[tilespmem:$0x1190] =	vst v1  }
0x3ef: {  	v1 =	vld [tilespmem:s31+$0x420];
	_ =	sdelay $0x4  }
0x3f0: {  	[tilespmem:$0x10A0] =	vst v1  }
0x3f1: {  	v1 =	vld [tilespmem:s31+$0xC20];
	_ =	sdelay $0x4  }
0x3f2: {  	[tilespmem:$0x11A0] =	vst v1  }
0x3f3: {  	v1 =	vld [tilespmem:s31+$0x430];
	_ =	sdelay $0x4  }
0x3f4: {  	[tilespmem:$0x10B0] =	vst v1  }
0x3f5: {  	v1 =	vld [tilespmem:s31+$0xC30];
	_ =	sdelay $0x4  }
0x3f6: {  	[tilespmem:$0x11B0] =	vst v1  }
0x3f7: {  	v1 =	vld [tilespmem:s31+$0x440];
	_ =	sdelay $0x4  }
0x3f8: {  	[tilespmem:$0x10C0] =	vst v1  }
0x3f9: {  	v1 =	vld [tilespmem:s31+$0xC40];
	_ =	sdelay $0x4  }
0x3fa: {  	[tilespmem:$0x11C0] =	vst v1  }
0x3fb: {  	v1 =	vld [tilespmem:s31+$0x450];
	_ =	sdelay $0x4  }
0x3fc: {  	[tilespmem:$0x10D0] =	vst v1  }
0x3fd: {  	v1 =	vld [tilespmem:s31+$0xC50];
	_ =	sdelay $0x4  }
0x3fe: {  	[tilespmem:$0x11D0] =	vst v1  }
0x3ff: {  	v1 =	vld [tilespmem:s31+$0x460];
	_ =	sdelay $0x4  }
0x400: {  	[tilespmem:$0x10E0] =	vst v1  }
0x401: {  	v1 =	vld [tilespmem:s31+$0xC60];
	_ =	sdelay $0x4  }
0x402: {  	[tilespmem:$0x11E0] =	vst v1  }
0x403: {  	v1 =	vld [tilespmem:s31+$0x470];
	_ =	sdelay $0x4  }
0x404: {  	[tilespmem:$0x10F0] =	vst v1  }
0x405: {  	v1 =	vld [tilespmem:s31+$0xC70];
	_ =	sdelay $0x4  }
0x406: {  	[tilespmem:$0x11F0] =	vst v1  }
0x407: {  	[tilespmem:s22], [sflag:$0x1] =	stream.indirect.gather [hbm4b:s4+s25], $0x80, s26, s25, $0xb8;
	[tilespmem:$0x1D200] =	vst v63  }
0x408: {  	_ =	swait.ge [sflag:s28], $0x8000  }
0x409: {  	[sflag:s28] =	ssyncset.done $0x0  }
0x40a: {  	[sflag:s28] =	ssyncadd.s32 $0xFFFF8000  }
0x40b: {  	[spmem:s1] =	stream.indirect.scatter.add.f32 [tilespmem:s22], [sflag:$0x2], $0x80, s29, s25, $0xb8;
	[tilespmem:$0x1D200] =	vst v63  }
0x40c: {  	_ =	swait.ge [sflag:s23], $0x8000  }
0x40d: {  	s30 =	simm.s32 $0x200;
	s2 =	simm.s32 $0x400;
	[sflag:s23] =	ssyncset.done $0x0  }
.LBB2_12:
0x40e: {  	s0 =	sshra.s32 s30, $0x2  }
0x40f: {  	[sflag:s23] =	ssyncadd.s32 $0xFFFF8000;
	s30 =	smov.u32 s2;
	s31 =	sadd.s32 $0x200, s2  }
0x410: {  	p0 =	sne.s32 s2, $0xE00;
	v1 =	vld [tilespmem:s0+$0x0];
	_ =	sdelay $0x4  }
0x411: {  	[tilespmem:$0x1000] =	vst v1  }
0x412: {  	v1 =	vld [tilespmem:s0+$0x800];
	_ =	sdelay $0x4  }
0x413: {  	[tilespmem:$0x1100] =	vst v1  }
0x414: {  	v1 =	vld [tilespmem:s0+$0x10];
	_ =	sdelay $0x4  }
0x415: {  	[tilespmem:$0x1010] =	vst v1  }
0x416: {  	v1 =	vld [tilespmem:s0+$0x810];
	_ =	sdelay $0x4  }
0x417: {  	[tilespmem:$0x1110] =	vst v1  }
0x418: {  	v1 =	vld [tilespmem:s0+$0x20];
	_ =	sdelay $0x4  }
0x419: {  	[tilespmem:$0x1020] =	vst v1  }
0x41a: {  	v1 =	vld [tilespmem:s0+$0x820];
	_ =	sdelay $0x4  }
0x41b: {  	[tilespmem:$0x1120] =	vst v1  }
0x41c: {  	v1 =	vld [tilespmem:s0+$0x30];
	_ =	sdelay $0x4  }
0x41d: {  	[tilespmem:$0x1030] =	vst v1  }
0x41e: {  	v1 =	vld [tilespmem:s0+$0x830];
	_ =	sdelay $0x4  }
0x41f: {  	[tilespmem:$0x1130] =	vst v1  }
0x420: {  	v1 =	vld [tilespmem:s0+$0x40];
	_ =	sdelay $0x4  }
0x421: {  	[tilespmem:$0x1040] =	vst v1  }
0x422: {  	v1 =	vld [tilespmem:s0+$0x840];
	_ =	sdelay $0x4  }
0x423: {  	[tilespmem:$0x1140] =	vst v1  }
0x424: {  	v1 =	vld [tilespmem:s0+$0x50];
	_ =	sdelay $0x4  }
0x425: {  	[tilespmem:$0x1050] =	vst v1  }
0x426: {  	v1 =	vld [tilespmem:s0+$0x850];
	_ =	sdelay $0x4  }
0x427: {  	[tilespmem:$0x1150] =	vst v1  }
0x428: {  	v1 =	vld [tilespmem:s0+$0x60];
	_ =	sdelay $0x4  }
0x429: {  	[tilespmem:$0x1060] =	vst v1  }
0x42a: {  	v1 =	vld [tilespmem:s0+$0x860];
	_ =	sdelay $0x4  }
0x42b: {  	[tilespmem:$0x1160] =	vst v1  }
0x42c: {  	v1 =	vld [tilespmem:s0+$0x70];
	_ =	sdelay $0x4  }
0x42d: {  	[tilespmem:$0x1070] =	vst v1  }
0x42e: {  	v1 =	vld [tilespmem:s0+$0x870];
	_ =	sdelay $0x4  }
0x42f: {  	[tilespmem:$0x1170] =	vst v1  }
0x430: {  	v1 =	vld [tilespmem:s0+$0x400];
	_ =	sdelay $0x4  }
0x431: {  	[tilespmem:$0x1080] =	vst v1  }
0x432: {  	v1 =	vld [tilespmem:s0+$0xC00];
	_ =	sdelay $0x4  }
0x433: {  	[tilespmem:$0x1180] =	vst v1  }
0x434: {  	v1 =	vld [tilespmem:s0+$0x410];
	_ =	sdelay $0x4  }
0x435: {  	[tilespmem:$0x1090] =	vst v1  }
0x436: {  	v1 =	vld [tilespmem:s0+$0xC10];
	_ =	sdelay $0x4  }
0x437: {  	[tilespmem:$0x1190] =	vst v1  }
0x438: {  	v1 =	vld [tilespmem:s0+$0x420];
	_ =	sdelay $0x4  }
0x439: {  	[tilespmem:$0x10A0] =	vst v1  }
0x43a: {  	v1 =	vld [tilespmem:s0+$0xC20];
	_ =	sdelay $0x4  }
0x43b: {  	[tilespmem:$0x11A0] =	vst v1  }
0x43c: {  	v1 =	vld [tilespmem:s0+$0x430];
	_ =	sdelay $0x4  }
0x43d: {  	[tilespmem:$0x10B0] =	vst v1  }
0x43e: {  	v1 =	vld [tilespmem:s0+$0xC30];
	_ =	sdelay $0x4  }
0x43f: {  	[tilespmem:$0x11B0] =	vst v1  }
0x440: {  	v1 =	vld [tilespmem:s0+$0x440];
	_ =	sdelay $0x4  }
0x441: {  	[tilespmem:$0x10C0] =	vst v1  }
0x442: {  	v1 =	vld [tilespmem:s0+$0xC40];
	_ =	sdelay $0x4  }
0x443: {  	[tilespmem:$0x11C0] =	vst v1  }
0x444: {  	v1 =	vld [tilespmem:s0+$0x450];
	_ =	sdelay $0x4  }
0x445: {  	[tilespmem:$0x10D0] =	vst v1  }
0x446: {  	v1 =	vld [tilespmem:s0+$0xC50];
	_ =	sdelay $0x4  }
0x447: {  	[tilespmem:$0x11D0] =	vst v1  }
0x448: {  	v1 =	vld [tilespmem:s0+$0x460];
	_ =	sdelay $0x4  }
0x449: {  	[tilespmem:$0x10E0] =	vst v1  }
0x44a: {  	v1 =	vld [tilespmem:s0+$0xC60];
	_ =	sdelay $0x4  }
0x44b: {  	[tilespmem:$0x11E0] =	vst v1  }
0x44c: {  	v1 =	vld [tilespmem:s0+$0x470];
	_ =	sdelay $0x4  }
0x44d: {  	[tilespmem:$0x10F0] =	vst v1  }
0x44e: {  	v1 =	vld [tilespmem:s0+$0xC70];
	_ =	sdelay $0x4  }
0x44f: {  	[tilespmem:$0x11F0] =	vst v1  }
0x450: {  	[tilespmem:s22], [sflag:$0x1] =	stream.indirect.gather [hbm4b:s4+s25], $0x80, s26, s25, $0xb8;
	[tilespmem:$0x1D200] =	vst v63  }
0x451: {  	_ =	swait.ge [sflag:s28], $0x8000  }
.Ltmp5:
0x452: {  	[sflag:s28] =	ssyncset.done $0x0;
	(pc) =	sbr.rel @p0 .LBB2_12-.Ltmp5, $4  }
0x453: {  	[sflag:s28] =	ssyncadd.s32 $0xFFFF8000  }
0x454: {  	[spmem:s1] =	stream.indirect.scatter.add.f32 [tilespmem:s22], [sflag:$0x2], $0x80, s29, s25, $0xb8;
	[tilespmem:$0x1D200] =	vst v63  }
0x455: {  	_ =	swait.ge [sflag:s23], $0x8000  }
0x456: {  	s2 =	smov.u32 s31;
	[sflag:s23] =	ssyncset.done $0x0  }
0x457: {  	s0 =	sshra.s32 s30, $0x2;
	[sflag:s23] =	ssyncadd.s32 $0xFFFF8000  }
0x458: {  	v1 =	vld [tilespmem:s0+$0x0];
	_ =	sdelay $0x4  }
0x459: {  	[tilespmem:$0x1000] =	vst v1  }
0x45a: {  	v1 =	vld [tilespmem:s0+$0x800];
	_ =	sdelay $0x4  }
0x45b: {  	[tilespmem:$0x1100] =	vst v1  }
0x45c: {  	v1 =	vld [tilespmem:s0+$0x10];
	_ =	sdelay $0x4  }
0x45d: {  	[tilespmem:$0x1010] =	vst v1  }
0x45e: {  	v1 =	vld [tilespmem:s0+$0x810];
	_ =	sdelay $0x4  }
0x45f: {  	[tilespmem:$0x1110] =	vst v1  }
0x460: {  	v1 =	vld [tilespmem:s0+$0x20];
	_ =	sdelay $0x4  }
0x461: {  	[tilespmem:$0x1020] =	vst v1  }
0x462: {  	v1 =	vld [tilespmem:s0+$0x820];
	_ =	sdelay $0x4  }
0x463: {  	[tilespmem:$0x1120] =	vst v1  }
0x464: {  	v1 =	vld [tilespmem:s0+$0x30];
	_ =	sdelay $0x4  }
0x465: {  	[tilespmem:$0x1030] =	vst v1  }
0x466: {  	v1 =	vld [tilespmem:s0+$0x830];
	_ =	sdelay $0x4  }
0x467: {  	[tilespmem:$0x1130] =	vst v1  }
0x468: {  	v1 =	vld [tilespmem:s0+$0x40];
	_ =	sdelay $0x4  }
0x469: {  	[tilespmem:$0x1040] =	vst v1  }
0x46a: {  	v1 =	vld [tilespmem:s0+$0x840];
	_ =	sdelay $0x4  }
0x46b: {  	[tilespmem:$0x1140] =	vst v1  }
0x46c: {  	v1 =	vld [tilespmem:s0+$0x50];
	_ =	sdelay $0x4  }
0x46d: {  	[tilespmem:$0x1050] =	vst v1  }
0x46e: {  	v1 =	vld [tilespmem:s0+$0x850];
	_ =	sdelay $0x4  }
0x46f: {  	[tilespmem:$0x1150] =	vst v1  }
0x470: {  	v1 =	vld [tilespmem:s0+$0x60];
	_ =	sdelay $0x4  }
0x471: {  	[tilespmem:$0x1060] =	vst v1  }
0x472: {  	v1 =	vld [tilespmem:s0+$0x860];
	_ =	sdelay $0x4  }
0x473: {  	[tilespmem:$0x1160] =	vst v1  }
0x474: {  	v1 =	vld [tilespmem:s0+$0x70];
	_ =	sdelay $0x4  }
0x475: {  	[tilespmem:$0x1070] =	vst v1  }
0x476: {  	v1 =	vld [tilespmem:s0+$0x870];
	_ =	sdelay $0x4  }
0x477: {  	[tilespmem:$0x1170] =	vst v1  }
0x478: {  	v1 =	vld [tilespmem:s0+$0x400];
	_ =	sdelay $0x4  }
0x479: {  	[tilespmem:$0x1080] =	vst v1  }
0x47a: {  	v1 =	vld [tilespmem:s0+$0xC00];
	_ =	sdelay $0x4  }
0x47b: {  	[tilespmem:$0x1180] =	vst v1  }
0x47c: {  	v1 =	vld [tilespmem:s0+$0x410];
	_ =	sdelay $0x4  }
0x47d: {  	[tilespmem:$0x1090] =	vst v1  }
0x47e: {  	v1 =	vld [tilespmem:s0+$0xC10];
	_ =	sdelay $0x4  }
0x47f: {  	[tilespmem:$0x1190] =	vst v1  }
0x480: {  	v1 =	vld [tilespmem:s0+$0x420];
	_ =	sdelay $0x4  }
0x481: {  	[tilespmem:$0x10A0] =	vst v1  }
0x482: {  	v1 =	vld [tilespmem:s0+$0xC20];
	_ =	sdelay $0x4  }
0x483: {  	[tilespmem:$0x11A0] =	vst v1  }
0x484: {  	v1 =	vld [tilespmem:s0+$0x430];
	_ =	sdelay $0x4  }
0x485: {  	[tilespmem:$0x10B0] =	vst v1  }
0x486: {  	v1 =	vld [tilespmem:s0+$0xC30];
	_ =	sdelay $0x4  }
0x487: {  	[tilespmem:$0x11B0] =	vst v1  }
0x488: {  	v1 =	vld [tilespmem:s0+$0x440];
	_ =	sdelay $0x4  }
0x489: {  	[tilespmem:$0x10C0] =	vst v1  }
0x48a: {  	v1 =	vld [tilespmem:s0+$0xC40];
	_ =	sdelay $0x4  }
0x48b: {  	[tilespmem:$0x11C0] =	vst v1  }
0x48c: {  	v1 =	vld [tilespmem:s0+$0x450];
	_ =	sdelay $0x4  }
0x48d: {  	[tilespmem:$0x10D0] =	vst v1  }
0x48e: {  	v1 =	vld [tilespmem:s0+$0xC50];
	_ =	sdelay $0x4  }
0x48f: {  	[tilespmem:$0x11D0] =	vst v1  }
0x490: {  	v1 =	vld [tilespmem:s0+$0x460];
	_ =	sdelay $0x4  }
0x491: {  	[tilespmem:$0x10E0] =	vst v1  }
0x492: {  	v1 =	vld [tilespmem:s0+$0xC60];
	_ =	sdelay $0x4  }
0x493: {  	[tilespmem:$0x11E0] =	vst v1  }
0x494: {  	v1 =	vld [tilespmem:s0+$0x470];
	_ =	sdelay $0x4  }
0x495: {  	[tilespmem:$0x10F0] =	vst v1  }
0x496: {  	v1 =	vld [tilespmem:s0+$0xC70];
	_ =	sdelay $0x4  }
0x497: {  	[tilespmem:$0x11F0] =	vst v1  }
0x498: {  	[tilespmem:s22], [sflag:$0x1] =	stream.indirect.gather [hbm4b:s4+s25], $0x80, s26, s25, $0xb8;
	[tilespmem:$0x1D200] =	vst v63  }
0x499: {  	_ =	swait.ge [sflag:s28], $0x8000  }
0x49a: {  	[sflag:s28] =	ssyncset.done $0x0  }
0x49b: {  	[sflag:s28] =	ssyncadd.s32 $0xFFFF8000  }
0x49c: {  	[spmem:s1] =	stream.indirect.scatter.add.f32 [tilespmem:s22], [sflag:$0x2], $0x80, s29, s25, $0xb8;
	[tilespmem:$0x1D200] =	vst v63  }
0x49d: {  	s31 =	stileid.u32;
	_ =	swait.ge [sflag:s23], $0x8000  }
0x49e: {  	s2 =	sshrl.u32 s5, $0x3;
	s3 =	sadd.s32 $0x1, s3;
	[sflag:s23] =	ssyncset.done $0x0  }
0x49f: {  	p0 =	sne.s32 s3, s21;
	s0 =	sshll.u32 s31, $0x6;
	[sflag:s23] =	ssyncadd.s32 $0xFFFF8000  }
.Ltmp6:
0x4a0: {  	s0 =	sor.u32 $0x1C02, s0;
	[bflag:$0x0] =	sbarrier.arrive $0xFFFF;
	(pc) =	sbr.rel @p0 .LBB2_1-.Ltmp6, $4  }
0x4a1: {  	[hbm:s20], [sflag:s0] =	dma.local [spmem:s2], $0x2800  }
0x4a2: {  	_ =	swait.ge [sflag:s23], $0x2800  }
0x4a3: {  	[sflag:s23] =	ssyncset.done $0x0  }
0x4a4: {  	[sflag:s23] =	ssyncadd.s32 $0xFFFFD800  }
0x4a5: {  	_ =	sfence.sel $0x180000  }
0x4a6: {  	[bflag:$0x0] =	sbarrier.arrive $0xFFFF  }
0x4a7: {  	_ =	strace $0x9000004A  }
0x4a8: {  	s0 =	stileid.u32;
	[bflag:$0x2] =	sbarrier.arrive $0xFFFF  }
0x4a9: {  	p0 =	sne.s32 s0, $0x0;
	s0 =	rddreg [dreg:$0x3]  }
0x4aa: {  	s0 =	sadd.s32 @!p0 $0x100000, s0  }
0x4ab: {  	[sflag:s0] =	ssyncadd.tile.s32 @!p0 $0x1;
	_ =	shalt  }
.Lfunc_end2:
_tile_overlayer_lowered:
.L_overlay_start_2:
0x4ac: {  	(tag) =	ssettag $0x2  }
0x4ad: {  	s0 =	rddreg [dreg:$0x0];
	s2 =	stileid.u32  }
0x4ae: {  	s1 =	rddreg [dreg:$0x1];
	p0 =	sne.s32 s2, $0x0  }
0x4af: {  	s3 =	rddreg [dreg:$0x2];
	[bflag:$0x3] =	sbarrier.arrive $0xFFFF;
	s2 =	simm.s32 @!p0 $0x1C02  }
0x4b0: {  	[timem:s3], [sflag:s2] =	dma.local @!p0 [hbm:s0], s1  }
0x4b1: {  	s0 =	simm.s32 @!p0 $0x2  }
0x4b2: {  	_ =	swait.ge @!p0 [sflag:s0], s1  }
0x4b3: {  	s1 =	ssub.s32 @!p0 $0x0, s1;
	[sflag:s0] =	ssyncset.done @!p0 $0x0  }
0x4b4: {  	[sflag:s0] =	ssyncadd.s32 @!p0 s1  }
0x4b5: {  	[bflag:$0x3] =	sbarrier.arrive $0xFFFF  }
0x4b6: {  	_ =	shalt  }

// kernel: kernel.14.cloned.1.call-start
scs
__scs_entry_jumppad:
0x0: {  	(pc) =	sbr.rel $0x88, $3  }
0x1: {  	(tag) =	ssettag $0x0;
	lr =	simm.s32 $0x1  }
0x2: {  	[smem:$0x3F9B] =	sst lr;
	_ =	strace $0xD0000000  }
0x3: {  	_ = 	snop  }
0x4: {  	_ = 	snop  }
0x5: {  	_ = 	snop  }
0x6: {  	_ = 	snop  }
0x7: {  	_ = 	snop  }
__scs_overlays_trampoline_lowered:
0x8: {  	[smem:$0x3FAA] =	sst s0  }
0x9: {  	[smem:$0x3FAB] =	sst s1  }
0xa: {  	[smem:$0x3FAC] =	sst s2  }
0xb: {  	[smem:$0x3FAD] =	sst s3  }
0xc: {  	[smem:$0x3FAE] =	sst s4  }
0xd: {  	[smem:$0x3FAF] =	sst s5  }
0xe: {  	[smem:$0x3FB0] =	sst s6  }
0xf: {  	[smem:$0x3FB1] =	sst s7  }
0x10: {  	[smem:$0x3FB2] =	sst s8  }
0x11: {  	[smem:$0x3FB3] =	sst s9;
	s0 =	simm.s32 @!p0 $0x0  }
0x12: {  	s1 =	sld [smem:$0x3F99];
	s0 =	simm.s32 @p0 $0x1  }
0x13: {  	[smem:$0x3FB4] =	sst s0;
	s0 =	simm.s32 @!p1 $0x0  }
0x14: {  	s2 =	sld [smem:$0x3F98];
	s0 =	simm.s32 @p1 $0x1  }
0x15: {  	[smem:$0x3FB5] =	sst s0;
	s0 =	simm.s32 @!p2 $0x0  }
0x16: {  	s3 =	sld [smem:$0x3FDB];
	s0 =	simm.s32 @p2 $0x1  }
0x17: {  	s4 =	simm.s32 $0x1BF5;
	[smem:$0x3FB7] =	sst s0  }
0x18: {  	s0 =	sld [smem:$0x3F9A];
	_ =	swait.ge [sflag:s4], $0x0  }
0x19: {  	s7 =	sld [smem:$0x3F9B]  }
0x1a: {  	s8 =	sadd.s32 $0xFFFFE003, lr  }
0x1b: {  	s9 =	sadd.s32 $0xFFFFFEF7, lr;
	s5 =	simm.s32 $0xFFFFFFFF;
	p2 =	slt.u32 s8, $0xFFFFF086  }
0x1c: {  	p1 =	slt.u32 s9, $0xF7A;
	s5 =	simm.s32 @!p2 $0x0  }
0x1d: {  	s5 =	simm.s32 @p1 $0x1;
	p0 =	seq.s32 s7, s2  }
0x1e: {  	s7 =	smul.u32 @!p0 $0xF7A, s2;
	p2 =	seq.s32 @!p0 s5, $0x0  }
0x1f: {  	s9 =	smul.u32 $0xF7A, s1;
	s8 =	simm.s32 @!p0 $0x1BF5;
	p2 =	por !p2, p0  }
0x20: {  	[sflag:s8] =	ssyncset.s32 @!p0 $0xFFFFF086;
	s6 =	sadd.s32 @!p0 s3, s7;
	s7 =	simm.s32 @!p0 $0x108  }
0x21: {  	s3 =	sadd.s32 s3, s9;
	s6 =	sadd.s32 @!p0 $0x88, s6;
	s7 =	simm.s32 @p2 $0x1082  }
0x22: {  	[simem:s7], [sflag:s8] =	dma.local @!p0 [hbm:s6], $0xF7A  }
0x23: {  	s9 =	sor.u32 $0xD0000000, s2;
	s6 =	simm.s32 $0x108;
	_ =	swait.ge @!p0 [sflag:s8], $0x0  }
0x24: {  	s3 =	sadd.s32 $0x88, s3;
	s6 =	simm.s32 @!p1 $0x1082;
	[sflag:s4] =	ssyncset.s32 $0xFFFFF086  }
0x25: {  	[simem:s6], [sflag:s4] =	dma.local [hbm:s3], $0xF7A  }
0x26: {  	[smem:$0x3F9B] =	sst s1;
	(tag) =	ssettag s2;
	_ =	strace s9  }
0x27: {  	s1 =	sld [smem:$0x3FAB]  }
0x28: {  	s2 =	sld [smem:$0x3FAC]  }
0x29: {  	s4 =	sld [smem:$0x3FAE]  }
0x2a: {  	p0 =	seq.s32 s5, $0x0;
	s5 =	sld [smem:$0x3FAF]  }
0x2b: {  	s6 =	sld [smem:$0x3FB0]  }
0x2c: {  	s7 =	sld [smem:$0x3FB1]  }
0x2d: {  	s3 =	simm.s32 $0x108;
	s8 =	sld [smem:$0x3FB2]  }
0x2e: {  	s3 =	simm.s32 @!p0 $0x1082;
	s9 =	sld [smem:$0x3FB3]  }
0x2f: {  	lr =	sadd.s32 s0, s3;
	s0 =	sld [smem:$0x3FAA]  }
0x30: {  	s3 =	sld [smem:$0x3FAD]  }
0x31: {  	[smem:$0x3FB6] =	sst s10  }
0x32: {  	s10 =	sld [smem:$0x3FB4];
	_ =	sdelay $0x3  }
0x33: {  	p0 =	seq.s32 s10, $0x1;
	s10 =	sld [smem:$0x3FB6];
	_ =	sdelay $0x3  }
0x34: {  	[smem:$0x3FB6] =	sst s10  }
0x35: {  	s10 =	sld [smem:$0x3FB5];
	_ =	sdelay $0x3  }
0x36: {  	p1 =	seq.s32 s10, $0x1;
	s10 =	sld [smem:$0x3FB6];
	_ =	sdelay $0x3  }
0x37: {  	[smem:$0x3FB6] =	sst s10  }
0x38: {  	s10 =	sld [smem:$0x3FB7]  }
0x39: {  	_ = 	snop;
	(pc) =	sbr.ind lr, $3  }
0x3a: {  	_ = 	snop  }
0x3b: {  	_ = 	snop  }
0x3c: {  	p2 =	seq.s32 s10, $0x1;
	s10 =	sld [smem:$0x3FB6]  }
0x3d: {  	_ =	shalt  }
0x3e: {  	_ =	shalt  }
0x3f: {  	_ =	shalt  }
0x40: {  	_ =	shalt  }
0x41: {  	_ =	shalt  }
0x42: {  	_ =	shalt  }
0x43: {  	_ =	shalt  }
0x44: {  	_ =	shalt  }
0x45: {  	_ =	shalt  }
0x46: {  	_ =	shalt  }
0x47: {  	_ =	shalt  }
0x48: {  	_ =	shalt  }
0x49: {  	_ =	shalt  }
0x4a: {  	_ =	shalt  }
0x4b: {  	_ =	shalt  }
0x4c: {  	_ =	shalt  }
0x4d: {  	_ =	shalt  }
0x4e: {  	_ =	shalt  }
0x4f: {  	_ =	shalt  }
0x50: {  	_ =	shalt  }
0x51: {  	_ =	shalt  }
0x52: {  	_ =	shalt  }
0x53: {  	_ =	shalt  }
0x54: {  	_ =	shalt  }
0x55: {  	_ =	shalt  }
0x56: {  	_ =	shalt  }
0x57: {  	_ =	shalt  }
0x58: {  	_ =	shalt  }
0x59: {  	_ =	shalt  }
0x5a: {  	_ =	shalt  }
0x5b: {  	_ =	shalt  }
0x5c: {  	_ =	shalt  }
0x5d: {  	_ =	shalt  }
0x5e: {  	_ =	shalt  }
0x5f: {  	_ =	shalt  }
0x60: {  	_ =	shalt  }
0x61: {  	_ =	shalt  }
0x62: {  	_ =	shalt  }
0x63: {  	_ =	shalt  }
0x64: {  	_ =	shalt  }
0x65: {  	_ =	shalt  }
0x66: {  	_ =	shalt  }
0x67: {  	_ =	shalt  }
0x68: {  	_ =	shalt  }
0x69: {  	_ =	shalt  }
0x6a: {  	_ =	shalt  }
0x6b: {  	_ =	shalt  }
0x6c: {  	_ =	shalt  }
0x6d: {  	_ =	shalt  }
0x6e: {  	_ =	shalt  }
0x6f: {  	_ =	shalt  }
0x70: {  	_ =	shalt  }
0x71: {  	_ =	shalt  }
0x72: {  	_ =	shalt  }
0x73: {  	_ =	shalt  }
0x74: {  	_ =	shalt  }
0x75: {  	_ =	shalt  }
0x76: {  	_ =	shalt  }
0x77: {  	_ =	shalt  }
0x78: {  	_ =	shalt  }
0x79: {  	_ =	shalt  }
0x7a: {  	_ =	shalt  }
0x7b: {  	_ =	shalt  }
0x7c: {  	_ =	shalt  }
0x7d: {  	_ =	shalt  }
0x7e: {  	_ =	shalt  }
0x7f: {  	_ =	shalt  }
0x80: {  	_ =	shalt  }
0x81: {  	_ =	shalt  }
0x82: {  	_ =	shalt  }
0x83: {  	_ =	shalt  }
0x84: {  	_ =	shalt  }
0x85: {  	_ =	shalt  }
0x86: {  	_ =	shalt  }
0x87: {  	_ =	shalt  }
.Lfunc_end0:
.L_simem_size_0:
called_computation.2_lowered:
.L_overlay_start_0:
0x88: {  	s2 =	sld [smem:$0x3FD9]  }
0x89: {  	s3 =	sld [smem:$0x3FFE];
	_ =	sdelay $0x1  }
0x8a: {  	s1 =	srdreg.scid  }
0x8b: {  	s0 =	sand.u32 $0x1, s1  }
0x8c: {  	s17 =	sshll.u32 s0, $0xA;
	s2 =	sadd.s32 s3, s2  }
0x8d: {  	s2 =	sadd.s32 s2, s17  }
0x8e: {  	[smem:$0x3FC2] =	sst s2  }
0x8f: {  	_ = 	snop  }
0x90: {  	s2 =	sld [smem:$0x3FD0];
	(tm) =	ssettm $0x1  }
0x91: {  	s18 =	sld [smem:$0x3FFB];
	_ =	sdelay $0x3  }
0x92: {  	_ =	strace s18  }
0x93: {  	s3 =	sld [smem:$0x3FFC];
	_ =	sdelay $0x3  }
0x94: {  	_ =	strace s3  }
0x95: {  	s3 =	sld [smem:$0x3FFD];
	_ =	sdelay $0x3  }
0x96: {  	_ =	strace s3  }
0x97: {  	_ =	strace $0x8FFFFFFF  }
0x98: {  	s19 =	sld [smem:$0x3FDB];
	_ =	sdelay $0x1  }
0x99: {  	s4 =	simm.s32 $_scs_section_size  }
0x9a: {  	s5 =	simm.s32 $_size__tile_overlayer_lowered;
	s6 =	simm.s32 $_tile_overlayer_lowered  }
0x9b: {  	s22 =	simm.s32 $0x1BFF;
	s21 =	sshll.u32 s6, $0x1;
	s3 =	sadd.s32 s4, s19  }
0x9c: {  	s7 =	simm.s32 $0x0;
	s20 =	sshll.u32 s5, $0x1;
	s5 =	sadd.s32 s21, s3  }
0x9d: {  	[timem:s7], [sflag:s22] =	dma.local [hbm:s5], s20  }
0x9e: {  	_ =	swait.ge [sflag:s22], s20  }
0x9f: {  	s4 =	ssub.s32 $0x0, s20;
	[sflag:s22] =	ssyncset.done $0x0  }
0xa0: {  	[sflag:s22] =	ssyncadd.s32 s4;
	_ =	sdelay $0x1  }
0xa1: {  	s23 =	simm.s32 $0x1B8B  }
0xa2: {  	_ =	swait.ge [sflag:s23], $0x1  }
0xa3: {  	[sflag:s23] =	ssyncset.done $0x0  }
0xa4: {  	s25 =	simm.s32 $0x1B8E;
	s24 =	sld [smem:$0x3FFE];
	[sflag:s23] =	ssyncadd.s32 $0xFFFFFFFF  }
0xa5: {  	s26 =	simm.s32 $execute0_lowered;
	[smem:$0x3FD2] =	sst s25  }
0xa6: {  	s5 =	sshll.u32 s26, $0x1;
	_ =	strace $0x8000004C;
	[dreg:$0x1] =	wrdreg $0xFFFFFFFF  }
0xa7: {  	s28 =	simm.s32 $_size_execute0_lowered;
	s3 =	sadd.s32 s3, s5;
	[dreg:$0x0] =	wrdreg $0x0  }
0xa8: {  	s5 =	sshll.u32 s28, $0x1;
	[dreg:$0x2] =	wrdreg s3  }
0xa9: {  	[dreg:$0x3] =	wrdreg s5  }
0xaa: {  	[dreg:$0x4] =	wrdreg $0xC0  }
0xab: {  	_ =	task [dreg:s7], $0x5FFFF  }
0xac: {  	[dreg:$0x1] =	wrdreg $0xFFFFFFFF  }
0xad: {  	[dreg:$0x0] =	wrdreg $0x60  }
0xae: {  	[dreg:$0x2] =	wrdreg s24  }
0xaf: {  	[dreg:$0x3] =	wrdreg s2  }
0xb0: {  	[dreg:$0x4] =	wrdreg $0x92000  }
0xb1: {  	[dreg:$0x5] =	wrdreg $0x9  }
0xb2: {  	_ =	task.clear_ibuf [dreg:s7], $0x6FFFF;
	_ =	strace $0x9000004C  }
0xb3: {  	s29 =	simm.s32 $0x9;
	_ =	strace $0x8000004E  }
0xb4: {  	_ =	swait.ge [sflag:s29], $0x1  }
0xb5: {  	[sflag:s29] =	ssyncadd.s32 $0xFFFFFFFF  }
0xb6: {  	_ =	strace $0x9000004E  }
0xb7: {  	_ =	sfence  }
0xb8: {  	s30 =	sld [smem:$0x0];
	_ =	sdelay $0x2  }
0xb9: {  	s31 =	sshll.u32 s1, $0xD;
	s1 =	sshrl.u32 s1, $0x2  }
0xba: {  	s3 =	sand.u32 $0x4000, s31;
	s1 =	sadd.s32 s1, s30  }
0xbb: {  	s0 =	sor.u32 s3, s0;
	s1 =	sshll.u32 s1, $0x11  }
0xbc: {  	s0 =	sor.u32 s1, s0  }
0xbd: {  	s0 =	sadd.s32 $0x8F2B, s0  }
0xbe: {  	[sflag:s0] =	ssyncadd.remote.s32 $0x1  }
0xbf: {  	_ =	sfence.sel $0xFFFF  }
0xc0: {  	[dreg:$0x0] =	wrdreg $0xFFFFFFFF;
	(pc) =	sbr.abs _section_cstart, $3  }
0xc1: {  	[dreg:$0x1] =	wrdreg $0xFFFFFFFF  }
0xc2: {  	_ =	task.clear_ibuf [dreg:s7], $0x2FFFF;
	_ =	strace $0x9FFFFFFF  }
0xc3: {  	(tm) =	ssettm $0x7FFFFFFF  }
tec
execute0_lowered:
.L_overlay_start_1:
0x0: {  	(tag) =	ssettag $0x1  }
0x1: {  	s0 =	rddreg [dreg:$0x0]  }
0x2: {  	s2 =	rddreg [dreg:$0x1]  }
0x3: {  	s1 =	rddreg [dreg:$0x2]  }
0x4: {  	s3 =	srdreg.scid;
	s10 =	stileid.u32  }
0x5: {  	s22 =	simm.s32 $0x1200;
	s23 =	simm.s32 $0x2;
	s7 =	smul.u32 $0x14000, s10  }
0x6: {  	s28 =	simm.s32 $0x1;
	s29 =	simm.s32 $0x1100;
	s24 =	smul.u32 $0x50000, s10  }
0x7: {  	s5 =	sand.u32 $0x1, s3;
	s3 =	simm.s32 $0x0;
	s26 =	smul.u32 $0x2800, s10  }
0x8: {  	s4 =	sadd.s32 $0x17200, s0;
	s18 =	sadd.s32 $0xD200, s0;
	s6 =	smul.u32 $0x140000, s5  }
0x9: {  	[smem:$0x7FF] =	sst s3;
	s8 =	smul.u32 $0x28000, s5;
	s9 =	ssub.s32 $0x2, s5  }
0xa: {  	_ =	strace $0x8000004D;
	s25 =	sshrl.u32 s24, $0x2;
	s30 =	sshrl.u32 s9, $0x1  }
0xb: {  	s24 =	simm.s32 $0x800;
	s6 =	sadd.s32 s7, s6;
	s5 =	sadd.s32 s25, s1  }
0xc: {  	s21 =	ssub.s32 s9, s30;
	s31 =	sadd.s32 s26, s8;
	s25 =	simm.s32 $0x100  }
0xd: {  	s26 =	simm.s32 $0x1000;
	s6 =	sshrl.u32 s6, $0x3;
	s7 =	sadd.s32 $0x8000, s5  }
0xe: {  	s8 =	sadd.s32 $0xC000, s5;
	s17 =	sshrl.u32 s31, $0x3;
	s9 =	sadd.s32 $0x10000, s5  }
0xf: {  	s21 =	smax.u32 s21, $0x1;
	s0 =	sadd.s32 s6, s0;
	s6 =	sadd.s32 $0x4000, s5  }
0x10: {  	s10 =	sadd.s32 s18, s17;
	s13 =	sadd.s32 $0x100, s17;
	s11 =	sadd.s32 s2, s17  }
0x11: {  	s15 =	sadd.s32 $0x200, s17;
	s19 =	sadd.s32 $0x300, s17;
	s20 =	sadd.s32 $0x400, s17  }
0x12: {  	s12 =	sadd.s32 s18, s13;
	s13 =	sadd.s32 s2, s13;
	s14 =	sadd.s32 s18, s15  }
0x13: {  	s15 =	sadd.s32 s2, s15;
	s16 =	sadd.s32 s18, s19;
	s17 =	sadd.s32 s2, s19  }
0x14: {  	v0 =	vimm.f32 $0.0e+00;
	s18 =	sadd.s32 s18, s20;
	s19 =	sadd.s32 s2, s20;
	s20 =	sadd.s32 $0x3F200, s0  }
.LBB2_1:
0x15: {  	s0 =	simm.s32 $0x0;
	s30 =	simm.s32 $0x200  }
.LBB2_2:
0x16: {  	p0 =	sne.s32 s30, $0x1FE00;
	[tilespmem:s0+$0x1270] =	vst v0  }
0x17: {  	[tilespmem:s0+$0x1200] =	vst v0  }
0x18: {  	[tilespmem:s0+$0x1210] =	vst v0  }
.Ltmp0:
0x19: {  	[tilespmem:s0+$0x1220] =	vst v0;
	(pc) =	sbr.rel @p0 .LBB2_2-.Ltmp0, $4  }
0x1a: {  	[tilespmem:s0+$0x1230] =	vst v0  }
0x1b: {  	[tilespmem:s0+$0x1240] =	vst v0  }
0x1c: {  	[tilespmem:s0+$0x1250] =	vst v0  }
0x1d: {  	[tilespmem:s0+$0x1260] =	vst v0;
	s0 =	sshra.s32 s30, $0x2;
	s30 =	sadd.s32 $0x200, s30  }
0x1e: {  	[tilespmem:s0+$0x1270] =	vst v0  }
0x1f: {  	[tilespmem:s0+$0x1200] =	vst v0  }
0x20: {  	[tilespmem:s0+$0x1210] =	vst v0  }
0x21: {  	[tilespmem:s0+$0x1220] =	vst v0  }
0x22: {  	[tilespmem:s0+$0x1230] =	vst v0  }
0x23: {  	[tilespmem:s0+$0x1240] =	vst v0  }
0x24: {  	[tilespmem:s0+$0x1250] =	vst v0  }
0x25: {  	[tilespmem:s0+$0x1260] =	vst v0  }
0x26: {  	[spmem:s5] =	stream.linear.scatter [tilespmem:s22], [sflag:$0x2], $0x4000, $0x38;
	[tilespmem:$0x1D200] =	vst v63  }
0x27: {  	_ =	swait.ge [sflag:s23], $0x4000  }
0x28: {  	[sflag:s23] =	ssyncset.done $0x0  }
0x29: {  	[sflag:s23] =	ssyncadd.s32 $0xFFFFC000  }
0x2a: {  	[spmem:s6] =	stream.linear.scatter [tilespmem:s22], [sflag:$0x2], $0x4000, $0x38;
	[tilespmem:$0x1D200] =	vst v63  }
0x2b: {  	_ =	swait.ge [sflag:s23], $0x4000  }
0x2c: {  	[sflag:s23] =	ssyncset.done $0x0  }
0x2d: {  	[sflag:s23] =	ssyncadd.s32 $0xFFFFC000  }
0x2e: {  	[spmem:s7] =	stream.linear.scatter [tilespmem:s22], [sflag:$0x2], $0x4000, $0x38;
	[tilespmem:$0x1D200] =	vst v63  }
0x2f: {  	_ =	swait.ge [sflag:s23], $0x4000  }
0x30: {  	[sflag:s23] =	ssyncset.done $0x0  }
0x31: {  	[sflag:s23] =	ssyncadd.s32 $0xFFFFC000  }
0x32: {  	[spmem:s8] =	stream.linear.scatter [tilespmem:s22], [sflag:$0x2], $0x4000, $0x38;
	[tilespmem:$0x1D200] =	vst v63  }
0x33: {  	_ =	swait.ge [sflag:s23], $0x4000  }
0x34: {  	[sflag:s23] =	ssyncset.done $0x0  }
0x35: {  	[sflag:s23] =	ssyncadd.s32 $0xFFFFC000  }
0x36: {  	[spmem:s9] =	stream.linear.scatter [tilespmem:s22], [sflag:$0x2], $0x4000, $0x38;
	[tilespmem:$0x1D200] =	vst v63  }
0x37: {  	_ =	swait.ge [sflag:s23], $0x4000  }
0x38: {  	[sflag:s23] =	ssyncset.done $0x0  }
0x39: {  	[sflag:s23] =	ssyncadd.s32 $0xFFFFC000  }
0x3a: {  	s2 =	simm.s32 $0x0;
	[bflag:$0x0] =	sbarrier.arrive $0xFFFF  }
0x3b: {  	[tilespmem:s2], [sflag:$0x2] =	stream.linear.gather [hbm4b:s10+s2], $0x800, $0x38;
	[tilespmem:$0x1D200] =	vst v63  }
0x3c: {  	_ =	swait.ge [sflag:s23], $0x800  }
0x3d: {  	[sflag:s23] =	ssyncset.done $0x0  }
0x3e: {  	[sflag:s23] =	ssyncadd.s32 $0xFFFFF800  }
0x3f: {  	[tilespmem:s24], [sflag:$0x2] =	stream.linear.gather [hbm4b:s11+s2], $0x800, $0x38;
	[tilespmem:$0x1D200] =	vst v63  }
0x40: {  	_ =	swait.ge [sflag:s23], $0x800  }
0x41: {  	[sflag:s23] =	ssyncset.done $0x0  }
0x42: {  	s2 =	simm.s32 $0x0;
	[sflag:s23] =	ssyncadd.s32 $0xFFFFF800  }
0x43: {  	v1 =	vld [tilespmem:s2+$0x0];
	_ =	sdelay $0x4  }
0x44: {  	[tilespmem:$0x1000] =	vst v1  }
0x45: {  	v1 =	vld [tilespmem:s2+$0x800];
	_ =	sdelay $0x4  }
0x46: {  	[tilespmem:$0x1100] =	vst v1  }
0x47: {  	v1 =	vld [tilespmem:s2+$0x10];
	_ =	sdelay $0x4  }
0x48: {  	[tilespmem:$0x1010] =	vst v1  }
0x49: {  	v1 =	vld [tilespmem:s2+$0x810];
	_ =	sdelay $0x4  }
0x4a: {  	[tilespmem:$0x1110] =	vst v1  }
0x4b: {  	v1 =	vld [tilespmem:s2+$0x20];
	_ =	sdelay $0x4  }
0x4c: {  	[tilespmem:$0x1020] =	vst v1  }
0x4d: {  	v1 =	vld [tilespmem:s2+$0x820];
	_ =	sdelay $0x4  }
0x4e: {  	[tilespmem:$0x1120] =	vst v1  }
0x4f: {  	v1 =	vld [tilespmem:s2+$0x30];
	_ =	sdelay $0x4  }
0x50: {  	[tilespmem:$0x1030] =	vst v1  }
0x51: {  	v1 =	vld [tilespmem:s2+$0x830];
	_ =	sdelay $0x4  }
0x52: {  	[tilespmem:$0x1130] =	vst v1  }
0x53: {  	v1 =	vld [tilespmem:s2+$0x40];
	_ =	sdelay $0x4  }
0x54: {  	[tilespmem:$0x1040] =	vst v1  }
0x55: {  	v1 =	vld [tilespmem:s2+$0x840];
	_ =	sdelay $0x4  }
0x56: {  	[tilespmem:$0x1140] =	vst v1  }
0x57: {  	v1 =	vld [tilespmem:s2+$0x50];
	_ =	sdelay $0x4  }
0x58: {  	[tilespmem:$0x1050] =	vst v1  }
0x59: {  	v1 =	vld [tilespmem:s2+$0x850];
	_ =	sdelay $0x4  }
0x5a: {  	[tilespmem:$0x1150] =	vst v1  }
0x5b: {  	v1 =	vld [tilespmem:s2+$0x60];
	_ =	sdelay $0x4  }
0x5c: {  	[tilespmem:$0x1060] =	vst v1  }
0x5d: {  	v1 =	vld [tilespmem:s2+$0x860];
	_ =	sdelay $0x4  }
0x5e: {  	[tilespmem:$0x1160] =	vst v1  }
0x5f: {  	v1 =	vld [tilespmem:s2+$0x70];
	_ =	sdelay $0x4  }
0x60: {  	[tilespmem:$0x1070] =	vst v1  }
0x61: {  	v1 =	vld [tilespmem:s2+$0x870];
	_ =	sdelay $0x4  }
0x62: {  	[tilespmem:$0x1170] =	vst v1  }
0x63: {  	v1 =	vld [tilespmem:s2+$0x400];
	_ =	sdelay $0x4  }
0x64: {  	[tilespmem:$0x1080] =	vst v1  }
0x65: {  	v1 =	vld [tilespmem:s2+$0xC00];
	_ =	sdelay $0x4  }
0x66: {  	[tilespmem:$0x1180] =	vst v1  }
0x67: {  	v1 =	vld [tilespmem:s2+$0x410];
	_ =	sdelay $0x4  }
0x68: {  	[tilespmem:$0x1090] =	vst v1  }
0x69: {  	v1 =	vld [tilespmem:s2+$0xC10];
	_ =	sdelay $0x4  }
0x6a: {  	[tilespmem:$0x1190] =	vst v1  }
0x6b: {  	v1 =	vld [tilespmem:s2+$0x420];
	_ =	sdelay $0x4  }
0x6c: {  	[tilespmem:$0x10A0] =	vst v1  }
0x6d: {  	v1 =	vld [tilespmem:s2+$0xC20];
	_ =	sdelay $0x4  }
0x6e: {  	[tilespmem:$0x11A0] =	vst v1  }
0x6f: {  	v1 =	vld [tilespmem:s2+$0x430];
	_ =	sdelay $0x4  }
0x70: {  	[tilespmem:$0x10B0] =	vst v1  }
0x71: {  	v1 =	vld [tilespmem:s2+$0xC30];
	_ =	sdelay $0x4  }
0x72: {  	[tilespmem:$0x11B0] =	vst v1  }
0x73: {  	v1 =	vld [tilespmem:s2+$0x440];
	_ =	sdelay $0x4  }
0x74: {  	[tilespmem:$0x10C0] =	vst v1  }
0x75: {  	v1 =	vld [tilespmem:s2+$0xC40];
	_ =	sdelay $0x4  }
0x76: {  	[tilespmem:$0x11C0] =	vst v1  }
0x77: {  	v1 =	vld [tilespmem:s2+$0x450];
	_ =	sdelay $0x4  }
0x78: {  	[tilespmem:$0x10D0] =	vst v1  }
0x79: {  	v1 =	vld [tilespmem:s2+$0xC50];
	_ =	sdelay $0x4  }
0x7a: {  	[tilespmem:$0x11D0] =	vst v1  }
0x7b: {  	v1 =	vld [tilespmem:s2+$0x460];
	_ =	sdelay $0x4  }
0x7c: {  	[tilespmem:$0x10E0] =	vst v1  }
0x7d: {  	v1 =	vld [tilespmem:s2+$0xC60];
	_ =	sdelay $0x4  }
0x7e: {  	[tilespmem:$0x11E0] =	vst v1  }
0x7f: {  	v1 =	vld [tilespmem:s2+$0x470];
	_ =	sdelay $0x4  }
0x80: {  	[tilespmem:$0x10F0] =	vst v1  }
0x81: {  	v1 =	vld [tilespmem:s2+$0xC70];
	_ =	sdelay $0x4  }
0x82: {  	[tilespmem:$0x11F0] =	vst v1  }
0x83: {  	[tilespmem:s22], [sflag:$0x1] =	stream.indirect.gather [hbm4b:s4+s25], $0x80, s26, s25, $0xb8;
	[tilespmem:$0x1D200] =	vst v63  }
0x84: {  	_ =	swait.ge [sflag:s28], $0x8000  }
0x85: {  	[sflag:s28] =	ssyncset.done $0x0  }
0x86: {  	[sflag:s28] =	ssyncadd.s32 $0xFFFF8000  }
0x87: {  	[spmem:s1] =	stream.indirect.scatter.add.f32 [tilespmem:s22], [sflag:$0x2], $0x80, s29, s25, $0xb8;
	[tilespmem:$0x1D200] =	vst v63  }
0x88: {  	_ =	swait.ge [sflag:s23], $0x8000  }
0x89: {  	s30 =	simm.s32 $0x200;
	s31 =	simm.s32 $0x400;
	[sflag:s23] =	ssyncset.done $0x0  }
.LBB2_4:
0x8a: {  	s0 =	sshra.s32 s30, $0x2  }
0x8b: {  	[sflag:s23] =	ssyncadd.s32 $0xFFFF8000;
	s30 =	smov.u32 s31;
	s2 =	sadd.s32 $0x200, s31  }
0x8c: {  	p0 =	sne.s32 s31, $0xE00;
	v1 =	vld [tilespmem:s0+$0x0];
	_ =	sdelay $0x4  }
0x8d: {  	[tilespmem:$0x1000] =	vst v1  }
0x8e: {  	v1 =	vld [tilespmem:s0+$0x800];
	_ =	sdelay $0x4  }
0x8f: {  	[tilespmem:$0x1100] =	vst v1  }
0x90: {  	v1 =	vld [tilespmem:s0+$0x10];
	_ =	sdelay $0x4  }
0x91: {  	[tilespmem:$0x1010] =	vst v1  }
0x92: {  	v1 =	vld [tilespmem:s0+$0x810];
	_ =	sdelay $0x4  }
0x93: {  	[tilespmem:$0x1110] =	vst v1  }
0x94: {  	v1 =	vld [tilespmem:s0+$0x20];
	_ =	sdelay $0x4  }
0x95: {  	[tilespmem:$0x1020] =	vst v1  }
0x96: {  	v1 =	vld [tilespmem:s0+$0x820];
	_ =	sdelay $0x4  }
0x97: {  	[tilespmem:$0x1120] =	vst v1  }
0x98: {  	v1 =	vld [tilespmem:s0+$0x30];
	_ =	sdelay $0x4  }
0x99: {  	[tilespmem:$0x1030] =	vst v1  }
0x9a: {  	v1 =	vld [tilespmem:s0+$0x830];
	_ =	sdelay $0x4  }
0x9b: {  	[tilespmem:$0x1130] =	vst v1  }
0x9c: {  	v1 =	vld [tilespmem:s0+$0x40];
	_ =	sdelay $0x4  }
0x9d: {  	[tilespmem:$0x1040] =	vst v1  }
0x9e: {  	v1 =	vld [tilespmem:s0+$0x840];
	_ =	sdelay $0x4  }
0x9f: {  	[tilespmem:$0x1140] =	vst v1  }
0xa0: {  	v1 =	vld [tilespmem:s0+$0x50];
	_ =	sdelay $0x4  }
0xa1: {  	[tilespmem:$0x1050] =	vst v1  }
0xa2: {  	v1 =	vld [tilespmem:s0+$0x850];
	_ =	sdelay $0x4  }
0xa3: {  	[tilespmem:$0x1150] =	vst v1  }
0xa4: {  	v1 =	vld [tilespmem:s0+$0x60];
	_ =	sdelay $0x4  }
0xa5: {  	[tilespmem:$0x1060] =	vst v1  }
0xa6: {  	v1 =	vld [tilespmem:s0+$0x860];
	_ =	sdelay $0x4  }
0xa7: {  	[tilespmem:$0x1160] =	vst v1  }
0xa8: {  	v1 =	vld [tilespmem:s0+$0x70];
	_ =	sdelay $0x4  }
0xa9: {  	[tilespmem:$0x1070] =	vst v1  }
0xaa: {  	v1 =	vld [tilespmem:s0+$0x870];
	_ =	sdelay $0x4  }
0xab: {  	[tilespmem:$0x1170] =	vst v1  }
0xac: {  	v1 =	vld [tilespmem:s0+$0x400];
	_ =	sdelay $0x4  }
0xad: {  	[tilespmem:$0x1080] =	vst v1  }
0xae: {  	v1 =	vld [tilespmem:s0+$0xC00];
	_ =	sdelay $0x4  }
0xaf: {  	[tilespmem:$0x1180] =	vst v1  }
0xb0: {  	v1 =	vld [tilespmem:s0+$0x410];
	_ =	sdelay $0x4  }
0xb1: {  	[tilespmem:$0x1090] =	vst v1  }
0xb2: {  	v1 =	vld [tilespmem:s0+$0xC10];
	_ =	sdelay $0x4  }
0xb3: {  	[tilespmem:$0x1190] =	vst v1  }
0xb4: {  	v1 =	vld [tilespmem:s0+$0x420];
	_ =	sdelay $0x4  }
0xb5: {  	[tilespmem:$0x10A0] =	vst v1  }
0xb6: {  	v1 =	vld [tilespmem:s0+$0xC20];
	_ =	sdelay $0x4  }
0xb7: {  	[tilespmem:$0x11A0] =	vst v1  }
0xb8: {  	v1 =	vld [tilespmem:s0+$0x430];
	_ =	sdelay $0x4  }
0xb9: {  	[tilespmem:$0x10B0] =	vst v1  }
0xba: {  	v1 =	vld [tilespmem:s0+$0xC30];
	_ =	sdelay $0x4  }
0xbb: {  	[tilespmem:$0x11B0] =	vst v1  }
0xbc: {  	v1 =	vld [tilespmem:s0+$0x440];
	_ =	sdelay $0x4  }
0xbd: {  	[tilespmem:$0x10C0] =	vst v1  }
0xbe: {  	v1 =	vld [tilespmem:s0+$0xC40];
	_ =	sdelay $0x4  }
0xbf: {  	[tilespmem:$0x11C0] =	vst v1  }
0xc0: {  	v1 =	vld [tilespmem:s0+$0x450];
	_ =	sdelay $0x4  }
0xc1: {  	[tilespmem:$0x10D0] =	vst v1  }
0xc2: {  	v1 =	vld [tilespmem:s0+$0xC50];
	_ =	sdelay $0x4  }
0xc3: {  	[tilespmem:$0x11D0] =	vst v1  }
0xc4: {  	v1 =	vld [tilespmem:s0+$0x460];
	_ =	sdelay $0x4  }
0xc5: {  	[tilespmem:$0x10E0] =	vst v1  }
0xc6: {  	v1 =	vld [tilespmem:s0+$0xC60];
	_ =	sdelay $0x4  }
0xc7: {  	[tilespmem:$0x11E0] =	vst v1  }
0xc8: {  	v1 =	vld [tilespmem:s0+$0x470];
	_ =	sdelay $0x4  }
0xc9: {  	[tilespmem:$0x10F0] =	vst v1  }
0xca: {  	v1 =	vld [tilespmem:s0+$0xC70];
	_ =	sdelay $0x4  }
0xcb: {  	[tilespmem:$0x11F0] =	vst v1  }
0xcc: {  	[tilespmem:s22], [sflag:$0x1] =	stream.indirect.gather [hbm4b:s4+s25], $0x80, s26, s25, $0xb8;
	[tilespmem:$0x1D200] =	vst v63  }
0xcd: {  	_ =	swait.ge [sflag:s28], $0x8000  }
.Ltmp1:
0xce: {  	[sflag:s28] =	ssyncset.done $0x0;
	(pc) =	sbr.rel @p0 .LBB2_4-.Ltmp1, $4  }
0xcf: {  	[sflag:s28] =	ssyncadd.s32 $0xFFFF8000  }
0xd0: {  	[spmem:s1] =	stream.indirect.scatter.add.f32 [tilespmem:s22], [sflag:$0x2], $0x80, s29, s25, $0xb8;
	[tilespmem:$0x1D200] =	vst v63  }
0xd1: {  	_ =	swait.ge [sflag:s23], $0x8000  }
0xd2: {  	s31 =	smov.u32 s2;
	[sflag:s23] =	ssyncset.done $0x0  }
0xd3: {  	s0 =	sshra.s32 s30, $0x2;
	[sflag:s23] =	ssyncadd.s32 $0xFFFF8000  }
0xd4: {  	v1 =	vld [tilespmem:s0+$0x0];
	_ =	sdelay $0x4  }
0xd5: {  	[tilespmem:$0x1000] =	vst v1  }
0xd6: {  	v1 =	vld [tilespmem:s0+$0x800];
	_ =	sdelay $0x4  }
0xd7: {  	[tilespmem:$0x1100] =	vst v1  }
0xd8: {  	v1 =	vld [tilespmem:s0+$0x10];
	_ =	sdelay $0x4  }
0xd9: {  	[tilespmem:$0x1010] =	vst v1  }
0xda: {  	v1 =	vld [tilespmem:s0+$0x810];
	_ =	sdelay $0x4  }
0xdb: {  	[tilespmem:$0x1110] =	vst v1  }
0xdc: {  	v1 =	vld [tilespmem:s0+$0x20];
	_ =	sdelay $0x4  }
0xdd: {  	[tilespmem:$0x1020] =	vst v1  }
0xde: {  	v1 =	vld [tilespmem:s0+$0x820];
	_ =	sdelay $0x4  }
0xdf: {  	[tilespmem:$0x1120] =	vst v1  }
0xe0: {  	v1 =	vld [tilespmem:s0+$0x30];
	_ =	sdelay $0x4  }
0xe1: {  	[tilespmem:$0x1030] =	vst v1  }
0xe2: {  	v1 =	vld [tilespmem:s0+$0x830];
	_ =	sdelay $0x4  }
0xe3: {  	[tilespmem:$0x1130] =	vst v1  }
0xe4: {  	v1 =	vld [tilespmem:s0+$0x40];
	_ =	sdelay $0x4  }
0xe5: {  	[tilespmem:$0x1040] =	vst v1  }
0xe6: {  	v1 =	vld [tilespmem:s0+$0x840];
	_ =	sdelay $0x4  }
0xe7: {  	[tilespmem:$0x1140] =	vst v1  }
0xe8: {  	v1 =	vld [tilespmem:s0+$0x50];
	_ =	sdelay $0x4  }
0xe9: {  	[tilespmem:$0x1050] =	vst v1  }
0xea: {  	v1 =	vld [tilespmem:s0+$0x850];
	_ =	sdelay $0x4  }
0xeb: {  	[tilespmem:$0x1150] =	vst v1  }
0xec: {  	v1 =	vld [tilespmem:s0+$0x60];
	_ =	sdelay $0x4  }
0xed: {  	[tilespmem:$0x1060] =	vst v1  }
0xee: {  	v1 =	vld [tilespmem:s0+$0x860];
	_ =	sdelay $0x4  }
0xef: {  	[tilespmem:$0x1160] =	vst v1  }
0xf0: {  	v1 =	vld [tilespmem:s0+$0x70];
	_ =	sdelay $0x4  }
0xf1: {  	[tilespmem:$0x1070] =	vst v1  }
0xf2: {  	v1 =	vld [tilespmem:s0+$0x870];
	_ =	sdelay $0x4  }
0xf3: {  	[tilespmem:$0x1170] =	vst v1  }
0xf4: {  	v1 =	vld [tilespmem:s0+$0x400];
	_ =	sdelay $0x4  }
0xf5: {  	[tilespmem:$0x1080] =	vst v1  }
0xf6: {  	v1 =	vld [tilespmem:s0+$0xC00];
	_ =	sdelay $0x4  }
0xf7: {  	[tilespmem:$0x1180] =	vst v1  }
0xf8: {  	v1 =	vld [tilespmem:s0+$0x410];
	_ =	sdelay $0x4  }
0xf9: {  	[tilespmem:$0x1090] =	vst v1  }
0xfa: {  	v1 =	vld [tilespmem:s0+$0xC10];
	_ =	sdelay $0x4  }
0xfb: {  	[tilespmem:$0x1190] =	vst v1  }
0xfc: {  	v1 =	vld [tilespmem:s0+$0x420];
	_ =	sdelay $0x4  }
0xfd: {  	[tilespmem:$0x10A0] =	vst v1  }
0xfe: {  	v1 =	vld [tilespmem:s0+$0xC20];
	_ =	sdelay $0x4  }
0xff: {  	[tilespmem:$0x11A0] =	vst v1  }
0x100: {  	v1 =	vld [tilespmem:s0+$0x430];
	_ =	sdelay $0x4  }
0x101: {  	[tilespmem:$0x10B0] =	vst v1  }
0x102: {  	v1 =	vld [tilespmem:s0+$0xC30];
	_ =	sdelay $0x4  }
0x103: {  	[tilespmem:$0x11B0] =	vst v1  }
0x104: {  	v1 =	vld [tilespmem:s0+$0x440];
	_ =	sdelay $0x4  }
0x105: {  	[tilespmem:$0x10C0] =	vst v1  }
0x106: {  	v1 =	vld [tilespmem:s0+$0xC40];
	_ =	sdelay $0x4  }
0x107: {  	[tilespmem:$0x11C0] =	vst v1  }
0x108: {  	v1 =	vld [tilespmem:s0+$0x450];
	_ =	sdelay $0x4  }
0x109: {  	[tilespmem:$0x10D0] =	vst v1  }
0x10a: {  	v1 =	vld [tilespmem:s0+$0xC50];
	_ =	sdelay $0x4  }
0x10b: {  	[tilespmem:$0x11D0] =	vst v1  }
0x10c: {  	v1 =	vld [tilespmem:s0+$0x460];
	_ =	sdelay $0x4  }
0x10d: {  	[tilespmem:$0x10E0] =	vst v1  }
0x10e: {  	v1 =	vld [tilespmem:s0+$0xC60];
	_ =	sdelay $0x4  }
0x10f: {  	[tilespmem:$0x11E0] =	vst v1  }
0x110: {  	v1 =	vld [tilespmem:s0+$0x470];
	_ =	sdelay $0x4  }
0x111: {  	[tilespmem:$0x10F0] =	vst v1  }
0x112: {  	v1 =	vld [tilespmem:s0+$0xC70];
	_ =	sdelay $0x4  }
0x113: {  	[tilespmem:$0x11F0] =	vst v1  }
0x114: {  	[tilespmem:s22], [sflag:$0x1] =	stream.indirect.gather [hbm4b:s4+s25], $0x80, s26, s25, $0xb8;
	[tilespmem:$0x1D200] =	vst v63  }
0x115: {  	_ =	swait.ge [sflag:s28], $0x8000  }
0x116: {  	[sflag:s28] =	ssyncset.done $0x0  }
0x117: {  	[sflag:s28] =	ssyncadd.s32 $0xFFFF8000  }
0x118: {  	[spmem:s1] =	stream.indirect.scatter.add.f32 [tilespmem:s22], [sflag:$0x2], $0x80, s29, s25, $0xb8;
	[tilespmem:$0x1D200] =	vst v63  }
0x119: {  	_ =	swait.ge [sflag:s23], $0x8000  }
0x11a: {  	[sflag:s23] =	ssyncset.done $0x0  }
0x11b: {  	s2 =	simm.s32 $0x0;
	[sflag:s23] =	ssyncadd.s32 $0xFFFF8000  }
0x11c: {  	[tilespmem:s2], [sflag:$0x2] =	stream.linear.gather [hbm4b:s12+s2], $0x800, $0x38;
	[tilespmem:$0x1D200] =	vst v63  }
0x11d: {  	_ =	swait.ge [sflag:s23], $0x800  }
0x11e: {  	[sflag:s23] =	ssyncset.done $0x0  }
0x11f: {  	[sflag:s23] =	ssyncadd.s32 $0xFFFFF800  }
0x120: {  	[tilespmem:s24], [sflag:$0x2] =	stream.linear.gather [hbm4b:s13+s2], $0x800, $0x38;
	[tilespmem:$0x1D200] =	vst v63  }
0x121: {  	_ =	swait.ge [sflag:s23], $0x800  }
0x122: {  	[sflag:s23] =	ssyncset.done $0x0  }
0x123: {  	s31 =	simm.s32 $0x0;
	[sflag:s23] =	ssyncadd.s32 $0xFFFFF800  }
0x124: {  	v1 =	vld [tilespmem:s31+$0x0];
	_ =	sdelay $0x4  }
0x125: {  	[tilespmem:$0x1000] =	vst v1  }
0x126: {  	v1 =	vld [tilespmem:s31+$0x800];
	_ =	sdelay $0x4  }
0x127: {  	[tilespmem:$0x1100] =	vst v1  }
0x128: {  	v1 =	vld [tilespmem:s31+$0x10];
	_ =	sdelay $0x4  }
0x129: {  	[tilespmem:$0x1010] =	vst v1  }
0x12a: {  	v1 =	vld [tilespmem:s31+$0x810];
	_ =	sdelay $0x4  }
0x12b: {  	[tilespmem:$0x1110] =	vst v1  }
0x12c: {  	v1 =	vld [tilespmem:s31+$0x20];
	_ =	sdelay $0x4  }
0x12d: {  	[tilespmem:$0x1020] =	vst v1  }
0x12e: {  	v1 =	vld [tilespmem:s31+$0x820];
	_ =	sdelay $0x4  }
0x12f: {  	[tilespmem:$0x1120] =	vst v1  }
0x130: {  	v1 =	vld [tilespmem:s31+$0x30];
	_ =	sdelay $0x4  }
0x131: {  	[tilespmem:$0x1030] =	vst v1  }
0x132: {  	v1 =	vld [tilespmem:s31+$0x830];
	_ =	sdelay $0x4  }
0x133: {  	[tilespmem:$0x1130] =	vst v1  }
0x134: {  	v1 =	vld [tilespmem:s31+$0x40];
	_ =	sdelay $0x4  }
0x135: {  	[tilespmem:$0x1040] =	vst v1  }
0x136: {  	v1 =	vld [tilespmem:s31+$0x840];
	_ =	sdelay $0x4  }
0x137: {  	[tilespmem:$0x1140] =	vst v1  }
0x138: {  	v1 =	vld [tilespmem:s31+$0x50];
	_ =	sdelay $0x4  }
0x139: {  	[tilespmem:$0x1050] =	vst v1  }
0x13a: {  	v1 =	vld [tilespmem:s31+$0x850];
	_ =	sdelay $0x4  }
0x13b: {  	[tilespmem:$0x1150] =	vst v1  }
0x13c: {  	v1 =	vld [tilespmem:s31+$0x60];
	_ =	sdelay $0x4  }
0x13d: {  	[tilespmem:$0x1060] =	vst v1  }
0x13e: {  	v1 =	vld [tilespmem:s31+$0x860];
	_ =	sdelay $0x4  }
0x13f: {  	[tilespmem:$0x1160] =	vst v1  }
0x140: {  	v1 =	vld [tilespmem:s31+$0x70];
	_ =	sdelay $0x4  }
0x141: {  	[tilespmem:$0x1070] =	vst v1  }
0x142: {  	v1 =	vld [tilespmem:s31+$0x870];
	_ =	sdelay $0x4  }
0x143: {  	[tilespmem:$0x1170] =	vst v1  }
0x144: {  	v1 =	vld [tilespmem:s31+$0x400];
	_ =	sdelay $0x4  }
0x145: {  	[tilespmem:$0x1080] =	vst v1  }
0x146: {  	v1 =	vld [tilespmem:s31+$0xC00];
	_ =	sdelay $0x4  }
0x147: {  	[tilespmem:$0x1180] =	vst v1  }
0x148: {  	v1 =	vld [tilespmem:s31+$0x410];
	_ =	sdelay $0x4  }
0x149: {  	[tilespmem:$0x1090] =	vst v1  }
0x14a: {  	v1 =	vld [tilespmem:s31+$0xC10];
	_ =	sdelay $0x4  }
0x14b: {  	[tilespmem:$0x1190] =	vst v1  }
0x14c: {  	v1 =	vld [tilespmem:s31+$0x420];
	_ =	sdelay $0x4  }
0x14d: {  	[tilespmem:$0x10A0] =	vst v1  }
0x14e: {  	v1 =	vld [tilespmem:s31+$0xC20];
	_ =	sdelay $0x4  }
0x14f: {  	[tilespmem:$0x11A0] =	vst v1  }
0x150: {  	v1 =	vld [tilespmem:s31+$0x430];
	_ =	sdelay $0x4  }
0x151: {  	[tilespmem:$0x10B0] =	vst v1  }
0x152: {  	v1 =	vld [tilespmem:s31+$0xC30];
	_ =	sdelay $0x4  }
0x153: {  	[tilespmem:$0x11B0] =	vst v1  }
0x154: {  	v1 =	vld [tilespmem:s31+$0x440];
	_ =	sdelay $0x4  }
0x155: {  	[tilespmem:$0x10C0] =	vst v1  }
0x156: {  	v1 =	vld [tilespmem:s31+$0xC40];
	_ =	sdelay $0x4  }
0x157: {  	[tilespmem:$0x11C0] =	vst v1  }
0x158: {  	v1 =	vld [tilespmem:s31+$0x450];
	_ =	sdelay $0x4  }
0x159: {  	[tilespmem:$0x10D0] =	vst v1  }
0x15a: {  	v1 =	vld [tilespmem:s31+$0xC50];
	_ =	sdelay $0x4  }
0x15b: {  	[tilespmem:$0x11D0] =	vst v1  }
0x15c: {  	v1 =	vld [tilespmem:s31+$0x460];
	_ =	sdelay $0x4  }
0x15d: {  	[tilespmem:$0x10E0] =	vst v1  }
0x15e: {  	v1 =	vld [tilespmem:s31+$0xC60];
	_ =	sdelay $0x4  }
0x15f: {  	[tilespmem:$0x11E0] =	vst v1  }
0x160: {  	v1 =	vld [tilespmem:s31+$0x470];
	_ =	sdelay $0x4  }
0x161: {  	[tilespmem:$0x10F0] =	vst v1  }
0x162: {  	v1 =	vld [tilespmem:s31+$0xC70];
	_ =	sdelay $0x4  }
0x163: {  	[tilespmem:$0x11F0] =	vst v1  }
0x164: {  	[tilespmem:s22], [sflag:$0x1] =	stream.indirect.gather [hbm4b:s4+s25], $0x80, s26, s25, $0xb8;
	[tilespmem:$0x1D200] =	vst v63  }
0x165: {  	_ =	swait.ge [sflag:s28], $0x8000  }
0x166: {  	[sflag:s28] =	ssyncset.done $0x0  }
0x167: {  	[sflag:s28] =	ssyncadd.s32 $0xFFFF8000  }
0x168: {  	[spmem:s1] =	stream.indirect.scatter.add.f32 [tilespmem:s22], [sflag:$0x2], $0x80, s29, s25, $0xb8;
	[tilespmem:$0x1D200] =	vst v63  }
0x169: {  	_ =	swait.ge [sflag:s23], $0x8000  }
0x16a: {  	s30 =	simm.s32 $0x200;
	s2 =	simm.s32 $0x400;
	[sflag:s23] =	ssyncset.done $0x0  }
.LBB2_6:
0x16b: {  	s0 =	sshra.s32 s30, $0x2  }
0x16c: {  	[sflag:s23] =	ssyncadd.s32 $0xFFFF8000;
	s30 =	smov.u32 s2;
	s31 =	sadd.s32 $0x200, s2  }
0x16d: {  	p0 =	sne.s32 s2, $0xE00;
	v1 =	vld [tilespmem:s0+$0x0];
	_ =	sdelay $0x4  }
0x16e: {  	[tilespmem:$0x1000] =	vst v1  }
0x16f: {  	v1 =	vld [tilespmem:s0+$0x800];
	_ =	sdelay $0x4  }
0x170: {  	[tilespmem:$0x1100] =	vst v1  }
0x171: {  	v1 =	vld [tilespmem:s0+$0x10];
	_ =	sdelay $0x4  }
0x172: {  	[tilespmem:$0x1010] =	vst v1  }
0x173: {  	v1 =	vld [tilespmem:s0+$0x810];
	_ =	sdelay $0x4  }
0x174: {  	[tilespmem:$0x1110] =	vst v1  }
0x175: {  	v1 =	vld [tilespmem:s0+$0x20];
	_ =	sdelay $0x4  }
0x176: {  	[tilespmem:$0x1020] =	vst v1  }
0x177: {  	v1 =	vld [tilespmem:s0+$0x820];
	_ =	sdelay $0x4  }
0x178: {  	[tilespmem:$0x1120] =	vst v1  }
0x179: {  	v1 =	vld [tilespmem:s0+$0x30];
	_ =	sdelay $0x4  }
0x17a: {  	[tilespmem:$0x1030] =	vst v1  }
0x17b: {  	v1 =	vld [tilespmem:s0+$0x830];
	_ =	sdelay $0x4  }
0x17c: {  	[tilespmem:$0x1130] =	vst v1  }
0x17d: {  	v1 =	vld [tilespmem:s0+$0x40];
	_ =	sdelay $0x4  }
0x17e: {  	[tilespmem:$0x1040] =	vst v1  }
0x17f: {  	v1 =	vld [tilespmem:s0+$0x840];
	_ =	sdelay $0x4  }
0x180: {  	[tilespmem:$0x1140] =	vst v1  }
0x181: {  	v1 =	vld [tilespmem:s0+$0x50];
	_ =	sdelay $0x4  }
0x182: {  	[tilespmem:$0x1050] =	vst v1  }
0x183: {  	v1 =	vld [tilespmem:s0+$0x850];
	_ =	sdelay $0x4  }
0x184: {  	[tilespmem:$0x1150] =	vst v1  }
0x185: {  	v1 =	vld [tilespmem:s0+$0x60];
	_ =	sdelay $0x4  }
0x186: {  	[tilespmem:$0x1060] =	vst v1  }
0x187: {  	v1 =	vld [tilespmem:s0+$0x860];
	_ =	sdelay $0x4  }
0x188: {  	[tilespmem:$0x1160] =	vst v1  }
0x189: {  	v1 =	vld [tilespmem:s0+$0x70];
	_ =	sdelay $0x4  }
0x18a: {  	[tilespmem:$0x1070] =	vst v1  }
0x18b: {  	v1 =	vld [tilespmem:s0+$0x870];
	_ =	sdelay $0x4  }
0x18c: {  	[tilespmem:$0x1170] =	vst v1  }
0x18d: {  	v1 =	vld [tilespmem:s0+$0x400];
	_ =	sdelay $0x4  }
0x18e: {  	[tilespmem:$0x1080] =	vst v1  }
0x18f: {  	v1 =	vld [tilespmem:s0+$0xC00];
	_ =	sdelay $0x4  }
0x190: {  	[tilespmem:$0x1180] =	vst v1  }
0x191: {  	v1 =	vld [tilespmem:s0+$0x410];
	_ =	sdelay $0x4  }
0x192: {  	[tilespmem:$0x1090] =	vst v1  }
0x193: {  	v1 =	vld [tilespmem:s0+$0xC10];
	_ =	sdelay $0x4  }
0x194: {  	[tilespmem:$0x1190] =	vst v1  }
0x195: {  	v1 =	vld [tilespmem:s0+$0x420];
	_ =	sdelay $0x4  }
0x196: {  	[tilespmem:$0x10A0] =	vst v1  }
0x197: {  	v1 =	vld [tilespmem:s0+$0xC20];
	_ =	sdelay $0x4  }
0x198: {  	[tilespmem:$0x11A0] =	vst v1  }
0x199: {  	v1 =	vld [tilespmem:s0+$0x430];
	_ =	sdelay $0x4  }
0x19a: {  	[tilespmem:$0x10B0] =	vst v1  }
0x19b: {  	v1 =	vld [tilespmem:s0+$0xC30];
	_ =	sdelay $0x4  }
0x19c: {  	[tilespmem:$0x11B0] =	vst v1  }
0x19d: {  	v1 =	vld [tilespmem:s0+$0x440];
	_ =	sdelay $0x4  }
0x19e: {  	[tilespmem:$0x10C0] =	vst v1  }
0x19f: {  	v1 =	vld [tilespmem:s0+$0xC40];
	_ =	sdelay $0x4  }
0x1a0: {  	[tilespmem:$0x11C0] =	vst v1  }
0x1a1: {  	v1 =	vld [tilespmem:s0+$0x450];
	_ =	sdelay $0x4  }
0x1a2: {  	[tilespmem:$0x10D0] =	vst v1  }
0x1a3: {  	v1 =	vld [tilespmem:s0+$0xC50];
	_ =	sdelay $0x4  }
0x1a4: {  	[tilespmem:$0x11D0] =	vst v1  }
0x1a5: {  	v1 =	vld [tilespmem:s0+$0x460];
	_ =	sdelay $0x4  }
0x1a6: {  	[tilespmem:$0x10E0] =	vst v1  }
0x1a7: {  	v1 =	vld [tilespmem:s0+$0xC60];
	_ =	sdelay $0x4  }
0x1a8: {  	[tilespmem:$0x11E0] =	vst v1  }
0x1a9: {  	v1 =	vld [tilespmem:s0+$0x470];
	_ =	sdelay $0x4  }
0x1aa: {  	[tilespmem:$0x10F0] =	vst v1  }
0x1ab: {  	v1 =	vld [tilespmem:s0+$0xC70];
	_ =	sdelay $0x4  }
0x1ac: {  	[tilespmem:$0x11F0] =	vst v1  }
0x1ad: {  	[tilespmem:s22], [sflag:$0x1] =	stream.indirect.gather [hbm4b:s4+s25], $0x80, s26, s25, $0xb8;
	[tilespmem:$0x1D200] =	vst v63  }
0x1ae: {  	_ =	swait.ge [sflag:s28], $0x8000  }
.Ltmp2:
0x1af: {  	[sflag:s28] =	ssyncset.done $0x0;
	(pc) =	sbr.rel @p0 .LBB2_6-.Ltmp2, $4  }
0x1b0: {  	[sflag:s28] =	ssyncadd.s32 $0xFFFF8000  }
0x1b1: {  	[spmem:s1] =	stream.indirect.scatter.add.f32 [tilespmem:s22], [sflag:$0x2], $0x80, s29, s25, $0xb8;
	[tilespmem:$0x1D200] =	vst v63  }
0x1b2: {  	_ =	swait.ge [sflag:s23], $0x8000  }
0x1b3: {  	s2 =	smov.u32 s31;
	[sflag:s23] =	ssyncset.done $0x0  }
0x1b4: {  	s0 =	sshra.s32 s30, $0x2;
	[sflag:s23] =	ssyncadd.s32 $0xFFFF8000  }
0x1b5: {  	v1 =	vld [tilespmem:s0+$0x0];
	_ =	sdelay $0x4  }
0x1b6: {  	[tilespmem:$0x1000] =	vst v1  }
0x1b7: {  	v1 =	vld [tilespmem:s0+$0x800];
	_ =	sdelay $0x4  }
0x1b8: {  	[tilespmem:$0x1100] =	vst v1  }
0x1b9: {  	v1 =	vld [tilespmem:s0+$0x10];
	_ =	sdelay $0x4  }
0x1ba: {  	[tilespmem:$0x1010] =	vst v1  }
0x1bb: {  	v1 =	vld [tilespmem:s0+$0x810];
	_ =	sdelay $0x4  }
0x1bc: {  	[tilespmem:$0x1110] =	vst v1  }
0x1bd: {  	v1 =	vld [tilespmem:s0+$0x20];
	_ =	sdelay $0x4  }
0x1be: {  	[tilespmem:$0x1020] =	vst v1  }
0x1bf: {  	v1 =	vld [tilespmem:s0+$0x820];
	_ =	sdelay $0x4  }
0x1c0: {  	[tilespmem:$0x1120] =	vst v1  }
0x1c1: {  	v1 =	vld [tilespmem:s0+$0x30];
	_ =	sdelay $0x4  }
0x1c2: {  	[tilespmem:$0x1030] =	vst v1  }
0x1c3: {  	v1 =	vld [tilespmem:s0+$0x830];
	_ =	sdelay $0x4  }
0x1c4: {  	[tilespmem:$0x1130] =	vst v1  }
0x1c5: {  	v1 =	vld [tilespmem:s0+$0x40];
	_ =	sdelay $0x4  }
0x1c6: {  	[tilespmem:$0x1040] =	vst v1  }
0x1c7: {  	v1 =	vld [tilespmem:s0+$0x840];
	_ =	sdelay $0x4  }
0x1c8: {  	[tilespmem:$0x1140] =	vst v1  }
0x1c9: {  	v1 =	vld [tilespmem:s0+$0x50];
	_ =	sdelay $0x4  }
0x1ca: {  	[tilespmem:$0x1050] =	vst v1  }
0x1cb: {  	v1 =	vld [tilespmem:s0+$0x850];
	_ =	sdelay $0x4  }
0x1cc: {  	[tilespmem:$0x1150] =	vst v1  }
0x1cd: {  	v1 =	vld [tilespmem:s0+$0x60];
	_ =	sdelay $0x4  }
0x1ce: {  	[tilespmem:$0x1060] =	vst v1  }
0x1cf: {  	v1 =	vld [tilespmem:s0+$0x860];
	_ =	sdelay $0x4  }
0x1d0: {  	[tilespmem:$0x1160] =	vst v1  }
0x1d1: {  	v1 =	vld [tilespmem:s0+$0x70];
	_ =	sdelay $0x4  }
0x1d2: {  	[tilespmem:$0x1070] =	vst v1  }
0x1d3: {  	v1 =	vld [tilespmem:s0+$0x870];
	_ =	sdelay $0x4  }
0x1d4: {  	[tilespmem:$0x1170] =	vst v1  }
0x1d5: {  	v1 =	vld [tilespmem:s0+$0x400];
	_ =	sdelay $0x4  }
0x1d6: {  	[tilespmem:$0x1080] =	vst v1  }
0x1d7: {  	v1 =	vld [tilespmem:s0+$0xC00];
	_ =	sdelay $0x4  }
0x1d8: {  	[tilespmem:$0x1180] =	vst v1  }
0x1d9: {  	v1 =	vld [tilespmem:s0+$0x410];
	_ =	sdelay $0x4  }
0x1da: {  	[tilespmem:$0x1090] =	vst v1  }
0x1db: {  	v1 =	vld [tilespmem:s0+$0xC10];
	_ =	sdelay $0x4  }
0x1dc: {  	[tilespmem:$0x1190] =	vst v1  }
0x1dd: {  	v1 =	vld [tilespmem:s0+$0x420];
	_ =	sdelay $0x4  }
0x1de: {  	[tilespmem:$0x10A0] =	vst v1  }
0x1df: {  	v1 =	vld [tilespmem:s0+$0xC20];
	_ =	sdelay $0x4  }
0x1e0: {  	[tilespmem:$0x11A0] =	vst v1  }
0x1e1: {  	v1 =	vld [tilespmem:s0+$0x430];
	_ =	sdelay $0x4  }
0x1e2: {  	[tilespmem:$0x10B0] =	vst v1  }
0x1e3: {  	v1 =	vld [tilespmem:s0+$0xC30];
	_ =	sdelay $0x4  }
0x1e4: {  	[tilespmem:$0x11B0] =	vst v1  }
0x1e5: {  	v1 =	vld [tilespmem:s0+$0x440];
	_ =	sdelay $0x4  }
0x1e6: {  	[tilespmem:$0x10C0] =	vst v1  }
0x1e7: {  	v1 =	vld [tilespmem:s0+$0xC40];
	_ =	sdelay $0x4  }
0x1e8: {  	[tilespmem:$0x11C0] =	vst v1  }
0x1e9: {  	v1 =	vld [tilespmem:s0+$0x450];
	_ =	sdelay $0x4  }
0x1ea: {  	[tilespmem:$0x10D0] =	vst v1  }
0x1eb: {  	v1 =	vld [tilespmem:s0+$0xC50];
	_ =	sdelay $0x4  }
0x1ec: {  	[tilespmem:$0x11D0] =	vst v1  }
0x1ed: {  	v1 =	vld [tilespmem:s0+$0x460];
	_ =	sdelay $0x4  }
0x1ee: {  	[tilespmem:$0x10E0] =	vst v1  }
0x1ef: {  	v1 =	vld [tilespmem:s0+$0xC60];
	_ =	sdelay $0x4  }
0x1f0: {  	[tilespmem:$0x11E0] =	vst v1  }
0x1f1: {  	v1 =	vld [tilespmem:s0+$0x470];
	_ =	sdelay $0x4  }
0x1f2: {  	[tilespmem:$0x10F0] =	vst v1  }
0x1f3: {  	v1 =	vld [tilespmem:s0+$0xC70];
	_ =	sdelay $0x4  }
0x1f4: {  	[tilespmem:$0x11F0] =	vst v1  }
0x1f5: {  	[tilespmem:s22], [sflag:$0x1] =	stream.indirect.gather [hbm4b:s4+s25], $0x80, s26, s25, $0xb8;
	[tilespmem:$0x1D200] =	vst v63  }
0x1f6: {  	_ =	swait.ge [sflag:s28], $0x8000  }
0x1f7: {  	[sflag:s28] =	ssyncset.done $0x0  }
0x1f8: {  	[sflag:s28] =	ssyncadd.s32 $0xFFFF8000  }
0x1f9: {  	[spmem:s1] =	stream.indirect.scatter.add.f32 [tilespmem:s22], [sflag:$0x2], $0x80, s29, s25, $0xb8;
	[tilespmem:$0x1D200] =	vst v63  }
0x1fa: {  	_ =	swait.ge [sflag:s23], $0x8000  }
0x1fb: {  	[sflag:s23] =	ssyncset.done $0x0  }
0x1fc: {  	s2 =	simm.s32 $0x0;
	[sflag:s23] =	ssyncadd.s32 $0xFFFF8000  }
0x1fd: {  	[tilespmem:s2], [sflag:$0x2] =	stream.linear.gather [hbm4b:s14+s2], $0x800, $0x38;
	[tilespmem:$0x1D200] =	vst v63  }
0x1fe: {  	_ =	swait.ge [sflag:s23], $0x800  }
0x1ff: {  	[sflag:s23] =	ssyncset.done $0x0  }
0x200: {  	[sflag:s23] =	ssyncadd.s32 $0xFFFFF800  }
0x201: {  	[tilespmem:s24], [sflag:$0x2] =	stream.linear.gather [hbm4b:s15+s2], $0x800, $0x38;
	[tilespmem:$0x1D200] =	vst v63  }
0x202: {  	_ =	swait.ge [sflag:s23], $0x800  }
0x203: {  	[sflag:s23] =	ssyncset.done $0x0  }
0x204: {  	s31 =	simm.s32 $0x0;
	[sflag:s23] =	ssyncadd.s32 $0xFFFFF800  }
0x205: {  	v1 =	vld [tilespmem:s31+$0x0];
	_ =	sdelay $0x4  }
0x206: {  	[tilespmem:$0x1000] =	vst v1  }
0x207: {  	v1 =	vld [tilespmem:s31+$0x800];
	_ =	sdelay $0x4  }
0x208: {  	[tilespmem:$0x1100] =	vst v1  }
0x209: {  	v1 =	vld [tilespmem:s31+$0x10];
	_ =	sdelay $0x4  }
0x20a: {  	[tilespmem:$0x1010] =	vst v1  }
0x20b: {  	v1 =	vld [tilespmem:s31+$0x810];
	_ =	sdelay $0x4  }
0x20c: {  	[tilespmem:$0x1110] =	vst v1  }
0x20d: {  	v1 =	vld [tilespmem:s31+$0x20];
	_ =	sdelay $0x4  }
0x20e: {  	[tilespmem:$0x1020] =	vst v1  }
0x20f: {  	v1 =	vld [tilespmem:s31+$0x820];
	_ =	sdelay $0x4  }
0x210: {  	[tilespmem:$0x1120] =	vst v1  }
0x211: {  	v1 =	vld [tilespmem:s31+$0x30];
	_ =	sdelay $0x4  }
0x212: {  	[tilespmem:$0x1030] =	vst v1  }
0x213: {  	v1 =	vld [tilespmem:s31+$0x830];
	_ =	sdelay $0x4  }
0x214: {  	[tilespmem:$0x1130] =	vst v1  }
0x215: {  	v1 =	vld [tilespmem:s31+$0x40];
	_ =	sdelay $0x4  }
0x216: {  	[tilespmem:$0x1040] =	vst v1  }
0x217: {  	v1 =	vld [tilespmem:s31+$0x840];
	_ =	sdelay $0x4  }
0x218: {  	[tilespmem:$0x1140] =	vst v1  }
0x219: {  	v1 =	vld [tilespmem:s31+$0x50];
	_ =	sdelay $0x4  }
0x21a: {  	[tilespmem:$0x1050] =	vst v1  }
0x21b: {  	v1 =	vld [tilespmem:s31+$0x850];
	_ =	sdelay $0x4  }
0x21c: {  	[tilespmem:$0x1150] =	vst v1  }
0x21d: {  	v1 =	vld [tilespmem:s31+$0x60];
	_ =	sdelay $0x4  }
0x21e: {  	[tilespmem:$0x1060] =	vst v1  }
0x21f: {  	v1 =	vld [tilespmem:s31+$0x860];
	_ =	sdelay $0x4  }
0x220: {  	[tilespmem:$0x1160] =	vst v1  }
0x221: {  	v1 =	vld [tilespmem:s31+$0x70];
	_ =	sdelay $0x4  }
0x222: {  	[tilespmem:$0x1070] =	vst v1  }
0x223: {  	v1 =	vld [tilespmem:s31+$0x870];
	_ =	sdelay $0x4  }
0x224: {  	[tilespmem:$0x1170] =	vst v1  }
0x225: {  	v1 =	vld [tilespmem:s31+$0x400];
	_ =	sdelay $0x4  }
0x226: {  	[tilespmem:$0x1080] =	vst v1  }
0x227: {  	v1 =	vld [tilespmem:s31+$0xC00];
	_ =	sdelay $0x4  }
0x228: {  	[tilespmem:$0x1180] =	vst v1  }
0x229: {  	v1 =	vld [tilespmem:s31+$0x410];
	_ =	sdelay $0x4  }
0x22a: {  	[tilespmem:$0x1090] =	vst v1  }
0x22b: {  	v1 =	vld [tilespmem:s31+$0xC10];
	_ =	sdelay $0x4  }
0x22c: {  	[tilespmem:$0x1190] =	vst v1  }
0x22d: {  	v1 =	vld [tilespmem:s31+$0x420];
	_ =	sdelay $0x4  }
0x22e: {  	[tilespmem:$0x10A0] =	vst v1  }
0x22f: {  	v1 =	vld [tilespmem:s31+$0xC20];
	_ =	sdelay $0x4  }
0x230: {  	[tilespmem:$0x11A0] =	vst v1  }
0x231: {  	v1 =	vld [tilespmem:s31+$0x430];
	_ =	sdelay $0x4  }
0x232: {  	[tilespmem:$0x10B0] =	vst v1  }
0x233: {  	v1 =	vld [tilespmem:s31+$0xC30];
	_ =	sdelay $0x4  }
0x234: {  	[tilespmem:$0x11B0] =	vst v1  }
0x235: {  	v1 =	vld [tilespmem:s31+$0x440];
	_ =	sdelay $0x4  }
0x236: {  	[tilespmem:$0x10C0] =	vst v1  }
0x237: {  	v1 =	vld [tilespmem:s31+$0xC40];
	_ =	sdelay $0x4  }
0x238: {  	[tilespmem:$0x11C0] =	vst v1  }
0x239: {  	v1 =	vld [tilespmem:s31+$0x450];
	_ =	sdelay $0x4  }
0x23a: {  	[tilespmem:$0x10D0] =	vst v1  }
0x23b: {  	v1 =	vld [tilespmem:s31+$0xC50];
	_ =	sdelay $0x4  }
0x23c: {  	[tilespmem:$0x11D0] =	vst v1  }
0x23d: {  	v1 =	vld [tilespmem:s31+$0x460];
	_ =	sdelay $0x4  }
0x23e: {  	[tilespmem:$0x10E0] =	vst v1  }
0x23f: {  	v1 =	vld [tilespmem:s31+$0xC60];
	_ =	sdelay $0x4  }
0x240: {  	[tilespmem:$0x11E0] =	vst v1  }
0x241: {  	v1 =	vld [tilespmem:s31+$0x470];
	_ =	sdelay $0x4  }
0x242: {  	[tilespmem:$0x10F0] =	vst v1  }
0x243: {  	v1 =	vld [tilespmem:s31+$0xC70];
	_ =	sdelay $0x4  }
0x244: {  	[tilespmem:$0x11F0] =	vst v1  }
0x245: {  	[tilespmem:s22], [sflag:$0x1] =	stream.indirect.gather [hbm4b:s4+s25], $0x80, s26, s25, $0xb8;
	[tilespmem:$0x1D200] =	vst v63  }
0x246: {  	_ =	swait.ge [sflag:s28], $0x8000  }
0x247: {  	[sflag:s28] =	ssyncset.done $0x0  }
0x248: {  	[sflag:s28] =	ssyncadd.s32 $0xFFFF8000  }
0x249: {  	[spmem:s1] =	stream.indirect.scatter.add.f32 [tilespmem:s22], [sflag:$0x2], $0x80, s29, s25, $0xb8;
	[tilespmem:$0x1D200] =	vst v63  }
0x24a: {  	_ =	swait.ge [sflag:s23], $0x8000  }
0x24b: {  	s30 =	simm.s32 $0x200;
	s2 =	simm.s32 $0x400;
	[sflag:s23] =	ssyncset.done $0x0  }
.LBB2_8:
0x24c: {  	s0 =	sshra.s32 s30, $0x2  }
0x24d: {  	[sflag:s23] =	ssyncadd.s32 $0xFFFF8000;
	s30 =	smov.u32 s2;
	s31 =	sadd.s32 $0x200, s2  }
0x24e: {  	p0 =	sne.s32 s2, $0xE00;
	v1 =	vld [tilespmem:s0+$0x0];
	_ =	sdelay $0x4  }
0x24f: {  	[tilespmem:$0x1000] =	vst v1  }
0x250: {  	v1 =	vld [tilespmem:s0+$0x800];
	_ =	sdelay $0x4  }
0x251: {  	[tilespmem:$0x1100] =	vst v1  }
0x252: {  	v1 =	vld [tilespmem:s0+$0x10];
	_ =	sdelay $0x4  }
0x253: {  	[tilespmem:$0x1010] =	vst v1  }
0x254: {  	v1 =	vld [tilespmem:s0+$0x810];
	_ =	sdelay $0x4  }
0x255: {  	[tilespmem:$0x1110] =	vst v1  }
0x256: {  	v1 =	vld [tilespmem:s0+$0x20];
	_ =	sdelay $0x4  }
0x257: {  	[tilespmem:$0x1020] =	vst v1  }
0x258: {  	v1 =	vld [tilespmem:s0+$0x820];
	_ =	sdelay $0x4  }
0x259: {  	[tilespmem:$0x1120] =	vst v1  }
0x25a: {  	v1 =	vld [tilespmem:s0+$0x30];
	_ =	sdelay $0x4  }
0x25b: {  	[tilespmem:$0x1030] =	vst v1  }
0x25c: {  	v1 =	vld [tilespmem:s0+$0x830];
	_ =	sdelay $0x4  }
0x25d: {  	[tilespmem:$0x1130] =	vst v1  }
0x25e: {  	v1 =	vld [tilespmem:s0+$0x40];
	_ =	sdelay $0x4  }
0x25f: {  	[tilespmem:$0x1040] =	vst v1  }
0x260: {  	v1 =	vld [tilespmem:s0+$0x840];
	_ =	sdelay $0x4  }
0x261: {  	[tilespmem:$0x1140] =	vst v1  }
0x262: {  	v1 =	vld [tilespmem:s0+$0x50];
	_ =	sdelay $0x4  }
0x263: {  	[tilespmem:$0x1050] =	vst v1  }
0x264: {  	v1 =	vld [tilespmem:s0+$0x850];
	_ =	sdelay $0x4  }
0x265: {  	[tilespmem:$0x1150] =	vst v1  }
0x266: {  	v1 =	vld [tilespmem:s0+$0x60];
	_ =	sdelay $0x4  }
0x267: {  	[tilespmem:$0x1060] =	vst v1  }
0x268: {  	v1 =	vld [tilespmem:s0+$0x860];
	_ =	sdelay $0x4  }
0x269: {  	[tilespmem:$0x1160] =	vst v1  }
0x26a: {  	v1 =	vld [tilespmem:s0+$0x70];
	_ =	sdelay $0x4  }
0x26b: {  	[tilespmem:$0x1070] =	vst v1  }
0x26c: {  	v1 =	vld [tilespmem:s0+$0x870];
	_ =	sdelay $0x4  }
0x26d: {  	[tilespmem:$0x1170] =	vst v1  }
0x26e: {  	v1 =	vld [tilespmem:s0+$0x400];
	_ =	sdelay $0x4  }
0x26f: {  	[tilespmem:$0x1080] =	vst v1  }
0x270: {  	v1 =	vld [tilespmem:s0+$0xC00];
	_ =	sdelay $0x4  }
0x271: {  	[tilespmem:$0x1180] =	vst v1  }
0x272: {  	v1 =	vld [tilespmem:s0+$0x410];
	_ =	sdelay $0x4  }
0x273: {  	[tilespmem:$0x1090] =	vst v1  }
0x274: {  	v1 =	vld [tilespmem:s0+$0xC10];
	_ =	sdelay $0x4  }
0x275: {  	[tilespmem:$0x1190] =	vst v1  }
0x276: {  	v1 =	vld [tilespmem:s0+$0x420];
	_ =	sdelay $0x4  }
0x277: {  	[tilespmem:$0x10A0] =	vst v1  }
0x278: {  	v1 =	vld [tilespmem:s0+$0xC20];
	_ =	sdelay $0x4  }
0x279: {  	[tilespmem:$0x11A0] =	vst v1  }
0x27a: {  	v1 =	vld [tilespmem:s0+$0x430];
	_ =	sdelay $0x4  }
0x27b: {  	[tilespmem:$0x10B0] =	vst v1  }
0x27c: {  	v1 =	vld [tilespmem:s0+$0xC30];
	_ =	sdelay $0x4  }
0x27d: {  	[tilespmem:$0x11B0] =	vst v1  }
0x27e: {  	v1 =	vld [tilespmem:s0+$0x440];
	_ =	sdelay $0x4  }
0x27f: {  	[tilespmem:$0x10C0] =	vst v1  }
0x280: {  	v1 =	vld [tilespmem:s0+$0xC40];
	_ =	sdelay $0x4  }
0x281: {  	[tilespmem:$0x11C0] =	vst v1  }
0x282: {  	v1 =	vld [tilespmem:s0+$0x450];
	_ =	sdelay $0x4  }
0x283: {  	[tilespmem:$0x10D0] =	vst v1  }
0x284: {  	v1 =	vld [tilespmem:s0+$0xC50];
	_ =	sdelay $0x4  }
0x285: {  	[tilespmem:$0x11D0] =	vst v1  }
0x286: {  	v1 =	vld [tilespmem:s0+$0x460];
	_ =	sdelay $0x4  }
0x287: {  	[tilespmem:$0x10E0] =	vst v1  }
0x288: {  	v1 =	vld [tilespmem:s0+$0xC60];
	_ =	sdelay $0x4  }
0x289: {  	[tilespmem:$0x11E0] =	vst v1  }
0x28a: {  	v1 =	vld [tilespmem:s0+$0x470];
	_ =	sdelay $0x4  }
0x28b: {  	[tilespmem:$0x10F0] =	vst v1  }
0x28c: {  	v1 =	vld [tilespmem:s0+$0xC70];
	_ =	sdelay $0x4  }
0x28d: {  	[tilespmem:$0x11F0] =	vst v1  }
0x28e: {  	[tilespmem:s22], [sflag:$0x1] =	stream.indirect.gather [hbm4b:s4+s25], $0x80, s26, s25, $0xb8;
	[tilespmem:$0x1D200] =	vst v63  }
0x28f: {  	_ =	swait.ge [sflag:s28], $0x8000  }
.Ltmp3:
0x290: {  	[sflag:s28] =	ssyncset.done $0x0;
	(pc) =	sbr.rel @p0 .LBB2_8-.Ltmp3, $4  }
0x291: {  	[sflag:s28] =	ssyncadd.s32 $0xFFFF8000  }
0x292: {  	[spmem:s1] =	stream.indirect.scatter.add.f32 [tilespmem:s22], [sflag:$0x2], $0x80, s29, s25, $0xb8;
	[tilespmem:$0x1D200] =	vst v63  }
0x293: {  	_ =	swait.ge [sflag:s23], $0x8000  }
0x294: {  	s2 =	smov.u32 s31;
	[sflag:s23] =	ssyncset.done $0x0  }
0x295: {  	s0 =	sshra.s32 s30, $0x2;
	[sflag:s23] =	ssyncadd.s32 $0xFFFF8000  }
0x296: {  	v1 =	vld [tilespmem:s0+$0x0];
	_ =	sdelay $0x4  }
0x297: {  	[tilespmem:$0x1000] =	vst v1  }
0x298: {  	v1 =	vld [tilespmem:s0+$0x800];
	_ =	sdelay $0x4  }
0x299: {  	[tilespmem:$0x1100] =	vst v1  }
0x29a: {  	v1 =	vld [tilespmem:s0+$0x10];
	_ =	sdelay $0x4  }
0x29b: {  	[tilespmem:$0x1010] =	vst v1  }
0x29c: {  	v1 =	vld [tilespmem:s0+$0x810];
	_ =	sdelay $0x4  }
0x29d: {  	[tilespmem:$0x1110] =	vst v1  }
0x29e: {  	v1 =	vld [tilespmem:s0+$0x20];
	_ =	sdelay $0x4  }
0x29f: {  	[tilespmem:$0x1020] =	vst v1  }
0x2a0: {  	v1 =	vld [tilespmem:s0+$0x820];
	_ =	sdelay $0x4  }
0x2a1: {  	[tilespmem:$0x1120] =	vst v1  }
0x2a2: {  	v1 =	vld [tilespmem:s0+$0x30];
	_ =	sdelay $0x4  }
0x2a3: {  	[tilespmem:$0x1030] =	vst v1  }
0x2a4: {  	v1 =	vld [tilespmem:s0+$0x830];
	_ =	sdelay $0x4  }
0x2a5: {  	[tilespmem:$0x1130] =	vst v1  }
0x2a6: {  	v1 =	vld [tilespmem:s0+$0x40];
	_ =	sdelay $0x4  }
0x2a7: {  	[tilespmem:$0x1040] =	vst v1  }
0x2a8: {  	v1 =	vld [tilespmem:s0+$0x840];
	_ =	sdelay $0x4  }
0x2a9: {  	[tilespmem:$0x1140] =	vst v1  }
0x2aa: {  	v1 =	vld [tilespmem:s0+$0x50];
	_ =	sdelay $0x4  }
0x2ab: {  	[tilespmem:$0x1050] =	vst v1  }
0x2ac: {  	v1 =	vld [tilespmem:s0+$0x850];
	_ =	sdelay $0x4  }
0x2ad: {  	[tilespmem:$0x1150] =	vst v1  }
0x2ae: {  	v1 =	vld [tilespmem:s0+$0x60];
	_ =	sdelay $0x4  }
0x2af: {  	[tilespmem:$0x1060] =	vst v1  }
0x2b0: {  	v1 =	vld [tilespmem:s0+$0x860];
	_ =	sdelay $0x4  }
0x2b1: {  	[tilespmem:$0x1160] =	vst v1  }
0x2b2: {  	v1 =	vld [tilespmem:s0+$0x70];
	_ =	sdelay $0x4  }
0x2b3: {  	[tilespmem:$0x1070] =	vst v1  }
0x2b4: {  	v1 =	vld [tilespmem:s0+$0x870];
	_ =	sdelay $0x4  }
0x2b5: {  	[tilespmem:$0x1170] =	vst v1  }
0x2b6: {  	v1 =	vld [tilespmem:s0+$0x400];
	_ =	sdelay $0x4  }
0x2b7: {  	[tilespmem:$0x1080] =	vst v1  }
0x2b8: {  	v1 =	vld [tilespmem:s0+$0xC00];
	_ =	sdelay $0x4  }
0x2b9: {  	[tilespmem:$0x1180] =	vst v1  }
0x2ba: {  	v1 =	vld [tilespmem:s0+$0x410];
	_ =	sdelay $0x4  }
0x2bb: {  	[tilespmem:$0x1090] =	vst v1  }
0x2bc: {  	v1 =	vld [tilespmem:s0+$0xC10];
	_ =	sdelay $0x4  }
0x2bd: {  	[tilespmem:$0x1190] =	vst v1  }
0x2be: {  	v1 =	vld [tilespmem:s0+$0x420];
	_ =	sdelay $0x4  }
0x2bf: {  	[tilespmem:$0x10A0] =	vst v1  }
0x2c0: {  	v1 =	vld [tilespmem:s0+$0xC20];
	_ =	sdelay $0x4  }
0x2c1: {  	[tilespmem:$0x11A0] =	vst v1  }
0x2c2: {  	v1 =	vld [tilespmem:s0+$0x430];
	_ =	sdelay $0x4  }
0x2c3: {  	[tilespmem:$0x10B0] =	vst v1  }
0x2c4: {  	v1 =	vld [tilespmem:s0+$0xC30];
	_ =	sdelay $0x4  }
0x2c5: {  	[tilespmem:$0x11B0] =	vst v1  }
0x2c6: {  	v1 =	vld [tilespmem:s0+$0x440];
	_ =	sdelay $0x4  }
0x2c7: {  	[tilespmem:$0x10C0] =	vst v1  }
0x2c8: {  	v1 =	vld [tilespmem:s0+$0xC40];
	_ =	sdelay $0x4  }
0x2c9: {  	[tilespmem:$0x11C0] =	vst v1  }
0x2ca: {  	v1 =	vld [tilespmem:s0+$0x450];
	_ =	sdelay $0x4  }
0x2cb: {  	[tilespmem:$0x10D0] =	vst v1  }
0x2cc: {  	v1 =	vld [tilespmem:s0+$0xC50];
	_ =	sdelay $0x4  }
0x2cd: {  	[tilespmem:$0x11D0] =	vst v1  }
0x2ce: {  	v1 =	vld [tilespmem:s0+$0x460];
	_ =	sdelay $0x4  }
0x2cf: {  	[tilespmem:$0x10E0] =	vst v1  }
0x2d0: {  	v1 =	vld [tilespmem:s0+$0xC60];
	_ =	sdelay $0x4  }
0x2d1: {  	[tilespmem:$0x11E0] =	vst v1  }
0x2d2: {  	v1 =	vld [tilespmem:s0+$0x470];
	_ =	sdelay $0x4  }
0x2d3: {  	[tilespmem:$0x10F0] =	vst v1  }
0x2d4: {  	v1 =	vld [tilespmem:s0+$0xC70];
	_ =	sdelay $0x4  }
0x2d5: {  	[tilespmem:$0x11F0] =	vst v1  }
0x2d6: {  	[tilespmem:s22], [sflag:$0x1] =	stream.indirect.gather [hbm4b:s4+s25], $0x80, s26, s25, $0xb8;
	[tilespmem:$0x1D200] =	vst v63  }
0x2d7: {  	_ =	swait.ge [sflag:s28], $0x8000  }
0x2d8: {  	[sflag:s28] =	ssyncset.done $0x0  }
0x2d9: {  	[sflag:s28] =	ssyncadd.s32 $0xFFFF8000  }
0x2da: {  	[spmem:s1] =	stream.indirect.scatter.add.f32 [tilespmem:s22], [sflag:$0x2], $0x80, s29, s25, $0xb8;
	[tilespmem:$0x1D200] =	vst v63  }
0x2db: {  	_ =	swait.ge [sflag:s23], $0x8000  }
0x2dc: {  	[sflag:s23] =	ssyncset.done $0x0  }
0x2dd: {  	s2 =	simm.s32 $0x0;
	[sflag:s23] =	ssyncadd.s32 $0xFFFF8000  }
0x2de: {  	[tilespmem:s2], [sflag:$0x2] =	stream.linear.gather [hbm4b:s16+s2], $0x800, $0x38;
	[tilespmem:$0x1D200] =	vst v63  }
0x2df: {  	_ =	swait.ge [sflag:s23], $0x800  }
0x2e0: {  	[sflag:s23] =	ssyncset.done $0x0  }
0x2e1: {  	[sflag:s23] =	ssyncadd.s32 $0xFFFFF800  }
0x2e2: {  	[tilespmem:s24], [sflag:$0x2] =	stream.linear.gather [hbm4b:s17+s2], $0x800, $0x38;
	[tilespmem:$0x1D200] =	vst v63  }
0x2e3: {  	_ =	swait.ge [sflag:s23], $0x800  }
0x2e4: {  	[sflag:s23] =	ssyncset.done $0x0  }
0x2e5: {  	s31 =	simm.s32 $0x0;
	[sflag:s23] =	ssyncadd.s32 $0xFFFFF800  }
0x2e6: {  	v1 =	vld [tilespmem:s31+$0x0];
	_ =	sdelay $0x4  }
0x2e7: {  	[tilespmem:$0x1000] =	vst v1  }
0x2e8: {  	v1 =	vld [tilespmem:s31+$0x800];
	_ =	sdelay $0x4  }
0x2e9: {  	[tilespmem:$0x1100] =	vst v1  }
0x2ea: {  	v1 =	vld [tilespmem:s31+$0x10];
	_ =	sdelay $0x4  }
0x2eb: {  	[tilespmem:$0x1010] =	vst v1  }
0x2ec: {  	v1 =	vld [tilespmem:s31+$0x810];
	_ =	sdelay $0x4  }
0x2ed: {  	[tilespmem:$0x1110] =	vst v1  }
0x2ee: {  	v1 =	vld [tilespmem:s31+$0x20];
	_ =	sdelay $0x4  }
0x2ef: {  	[tilespmem:$0x1020] =	vst v1  }
0x2f0: {  	v1 =	vld [tilespmem:s31+$0x820];
	_ =	sdelay $0x4  }
0x2f1: {  	[tilespmem:$0x1120] =	vst v1  }
0x2f2: {  	v1 =	vld [tilespmem:s31+$0x30];
	_ =	sdelay $0x4  }
0x2f3: {  	[tilespmem:$0x1030] =	vst v1  }
0x2f4: {  	v1 =	vld [tilespmem:s31+$0x830];
	_ =	sdelay $0x4  }
0x2f5: {  	[tilespmem:$0x1130] =	vst v1  }
0x2f6: {  	v1 =	vld [tilespmem:s31+$0x40];
	_ =	sdelay $0x4  }
0x2f7: {  	[tilespmem:$0x1040] =	vst v1  }
0x2f8: {  	v1 =	vld [tilespmem:s31+$0x840];
	_ =	sdelay $0x4  }
0x2f9: {  	[tilespmem:$0x1140] =	vst v1  }
0x2fa: {  	v1 =	vld [tilespmem:s31+$0x50];
	_ =	sdelay $0x4  }
0x2fb: {  	[tilespmem:$0x1050] =	vst v1  }
0x2fc: {  	v1 =	vld [tilespmem:s31+$0x850];
	_ =	sdelay $0x4  }
0x2fd: {  	[tilespmem:$0x1150] =	vst v1  }
0x2fe: {  	v1 =	vld [tilespmem:s31+$0x60];
	_ =	sdelay $0x4  }
0x2ff: {  	[tilespmem:$0x1060] =	vst v1  }
0x300: {  	v1 =	vld [tilespmem:s31+$0x860];
	_ =	sdelay $0x4  }
0x301: {  	[tilespmem:$0x1160] =	vst v1  }
0x302: {  	v1 =	vld [tilespmem:s31+$0x70];
	_ =	sdelay $0x4  }
0x303: {  	[tilespmem:$0x1070] =	vst v1  }
0x304: {  	v1 =	vld [tilespmem:s31+$0x870];
	_ =	sdelay $0x4  }
0x305: {  	[tilespmem:$0x1170] =	vst v1  }
0x306: {  	v1 =	vld [tilespmem:s31+$0x400];
	_ =	sdelay $0x4  }
0x307: {  	[tilespmem:$0x1080] =	vst v1  }
0x308: {  	v1 =	vld [tilespmem:s31+$0xC00];
	_ =	sdelay $0x4  }
0x309: {  	[tilespmem:$0x1180] =	vst v1  }
0x30a: {  	v1 =	vld [tilespmem:s31+$0x410];
	_ =	sdelay $0x4  }
0x30b: {  	[tilespmem:$0x1090] =	vst v1  }
0x30c: {  	v1 =	vld [tilespmem:s31+$0xC10];
	_ =	sdelay $0x4  }
0x30d: {  	[tilespmem:$0x1190] =	vst v1  }
0x30e: {  	v1 =	vld [tilespmem:s31+$0x420];
	_ =	sdelay $0x4  }
0x30f: {  	[tilespmem:$0x10A0] =	vst v1  }
0x310: {  	v1 =	vld [tilespmem:s31+$0xC20];
	_ =	sdelay $0x4  }
0x311: {  	[tilespmem:$0x11A0] =	vst v1  }
0x312: {  	v1 =	vld [tilespmem:s31+$0x430];
	_ =	sdelay $0x4  }
0x313: {  	[tilespmem:$0x10B0] =	vst v1  }
0x314: {  	v1 =	vld [tilespmem:s31+$0xC30];
	_ =	sdelay $0x4  }
0x315: {  	[tilespmem:$0x11B0] =	vst v1  }
0x316: {  	v1 =	vld [tilespmem:s31+$0x440];
	_ =	sdelay $0x4  }
0x317: {  	[tilespmem:$0x10C0] =	vst v1  }
0x318: {  	v1 =	vld [tilespmem:s31+$0xC40];
	_ =	sdelay $0x4  }
0x319: {  	[tilespmem:$0x11C0] =	vst v1  }
0x31a: {  	v1 =	vld [tilespmem:s31+$0x450];
	_ =	sdelay $0x4  }
0x31b: {  	[tilespmem:$0x10D0] =	vst v1  }
0x31c: {  	v1 =	vld [tilespmem:s31+$0xC50];
	_ =	sdelay $0x4  }
0x31d: {  	[tilespmem:$0x11D0] =	vst v1  }
0x31e: {  	v1 =	vld [tilespmem:s31+$0x460];
	_ =	sdelay $0x4  }
0x31f: {  	[tilespmem:$0x10E0] =	vst v1  }
0x320: {  	v1 =	vld [tilespmem:s31+$0xC60];
	_ =	sdelay $0x4  }
0x321: {  	[tilespmem:$0x11E0] =	vst v1  }
0x322: {  	v1 =	vld [tilespmem:s31+$0x470];
	_ =	sdelay $0x4  }
0x323: {  	[tilespmem:$0x10F0] =	vst v1  }
0x324: {  	v1 =	vld [tilespmem:s31+$0xC70];
	_ =	sdelay $0x4  }
0x325: {  	[tilespmem:$0x11F0] =	vst v1  }
0x326: {  	[tilespmem:s22], [sflag:$0x1] =	stream.indirect.gather [hbm4b:s4+s25], $0x80, s26, s25, $0xb8;
	[tilespmem:$0x1D200] =	vst v63  }
0x327: {  	_ =	swait.ge [sflag:s28], $0x8000  }
0x328: {  	[sflag:s28] =	ssyncset.done $0x0  }
0x329: {  	[sflag:s28] =	ssyncadd.s32 $0xFFFF8000  }
0x32a: {  	[spmem:s1] =	stream.indirect.scatter.add.f32 [tilespmem:s22], [sflag:$0x2], $0x80, s29, s25, $0xb8;
	[tilespmem:$0x1D200] =	vst v63  }
0x32b: {  	_ =	swait.ge [sflag:s23], $0x8000  }
0x32c: {  	s30 =	simm.s32 $0x200;
	s2 =	simm.s32 $0x400;
	[sflag:s23] =	ssyncset.done $0x0  }
.LBB2_10:
0x32d: {  	s0 =	sshra.s32 s30, $0x2  }
0x32e: {  	[sflag:s23] =	ssyncadd.s32 $0xFFFF8000;
	s30 =	smov.u32 s2;
	s31 =	sadd.s32 $0x200, s2  }
0x32f: {  	p0 =	sne.s32 s2, $0xE00;
	v1 =	vld [tilespmem:s0+$0x0];
	_ =	sdelay $0x4  }
0x330: {  	[tilespmem:$0x1000] =	vst v1  }
0x331: {  	v1 =	vld [tilespmem:s0+$0x800];
	_ =	sdelay $0x4  }
0x332: {  	[tilespmem:$0x1100] =	vst v1  }
0x333: {  	v1 =	vld [tilespmem:s0+$0x10];
	_ =	sdelay $0x4  }
0x334: {  	[tilespmem:$0x1010] =	vst v1  }
0x335: {  	v1 =	vld [tilespmem:s0+$0x810];
	_ =	sdelay $0x4  }
0x336: {  	[tilespmem:$0x1110] =	vst v1  }
0x337: {  	v1 =	vld [tilespmem:s0+$0x20];
	_ =	sdelay $0x4  }
0x338: {  	[tilespmem:$0x1020] =	vst v1  }
0x339: {  	v1 =	vld [tilespmem:s0+$0x820];
	_ =	sdelay $0x4  }
0x33a: {  	[tilespmem:$0x1120] =	vst v1  }
0x33b: {  	v1 =	vld [tilespmem:s0+$0x30];
	_ =	sdelay $0x4  }
0x33c: {  	[tilespmem:$0x1030] =	vst v1  }
0x33d: {  	v1 =	vld [tilespmem:s0+$0x830];
	_ =	sdelay $0x4  }
0x33e: {  	[tilespmem:$0x1130] =	vst v1  }
0x33f: {  	v1 =	vld [tilespmem:s0+$0x40];
	_ =	sdelay $0x4  }
0x340: {  	[tilespmem:$0x1040] =	vst v1  }
0x341: {  	v1 =	vld [tilespmem:s0+$0x840];
	_ =	sdelay $0x4  }
0x342: {  	[tilespmem:$0x1140] =	vst v1  }
0x343: {  	v1 =	vld [tilespmem:s0+$0x50];
	_ =	sdelay $0x4  }
0x344: {  	[tilespmem:$0x1050] =	vst v1  }
0x345: {  	v1 =	vld [tilespmem:s0+$0x850];
	_ =	sdelay $0x4  }
0x346: {  	[tilespmem:$0x1150] =	vst v1  }
0x347: {  	v1 =	vld [tilespmem:s0+$0x60];
	_ =	sdelay $0x4  }
0x348: {  	[tilespmem:$0x1060] =	vst v1  }
0x349: {  	v1 =	vld [tilespmem:s0+$0x860];
	_ =	sdelay $0x4  }
0x34a: {  	[tilespmem:$0x1160] =	vst v1  }
0x34b: {  	v1 =	vld [tilespmem:s0+$0x70];
	_ =	sdelay $0x4  }
0x34c: {  	[tilespmem:$0x1070] =	vst v1  }
0x34d: {  	v1 =	vld [tilespmem:s0+$0x870];
	_ =	sdelay $0x4  }
0x34e: {  	[tilespmem:$0x1170] =	vst v1  }
0x34f: {  	v1 =	vld [tilespmem:s0+$0x400];
	_ =	sdelay $0x4  }
0x350: {  	[tilespmem:$0x1080] =	vst v1  }
0x351: {  	v1 =	vld [tilespmem:s0+$0xC00];
	_ =	sdelay $0x4  }
0x352: {  	[tilespmem:$0x1180] =	vst v1  }
0x353: {  	v1 =	vld [tilespmem:s0+$0x410];
	_ =	sdelay $0x4  }
0x354: {  	[tilespmem:$0x1090] =	vst v1  }
0x355: {  	v1 =	vld [tilespmem:s0+$0xC10];
	_ =	sdelay $0x4  }
0x356: {  	[tilespmem:$0x1190] =	vst v1  }
0x357: {  	v1 =	vld [tilespmem:s0+$0x420];
	_ =	sdelay $0x4  }
0x358: {  	[tilespmem:$0x10A0] =	vst v1  }
0x359: {  	v1 =	vld [tilespmem:s0+$0xC20];
	_ =	sdelay $0x4  }
0x35a: {  	[tilespmem:$0x11A0] =	vst v1  }
0x35b: {  	v1 =	vld [tilespmem:s0+$0x430];
	_ =	sdelay $0x4  }
0x35c: {  	[tilespmem:$0x10B0] =	vst v1  }
0x35d: {  	v1 =	vld [tilespmem:s0+$0xC30];
	_ =	sdelay $0x4  }
0x35e: {  	[tilespmem:$0x11B0] =	vst v1  }
0x35f: {  	v1 =	vld [tilespmem:s0+$0x440];
	_ =	sdelay $0x4  }
0x360: {  	[tilespmem:$0x10C0] =	vst v1  }
0x361: {  	v1 =	vld [tilespmem:s0+$0xC40];
	_ =	sdelay $0x4  }
0x362: {  	[tilespmem:$0x11C0] =	vst v1  }
0x363: {  	v1 =	vld [tilespmem:s0+$0x450];
	_ =	sdelay $0x4  }
0x364: {  	[tilespmem:$0x10D0] =	vst v1  }
0x365: {  	v1 =	vld [tilespmem:s0+$0xC50];
	_ =	sdelay $0x4  }
0x366: {  	[tilespmem:$0x11D0] =	vst v1  }
0x367: {  	v1 =	vld [tilespmem:s0+$0x460];
	_ =	sdelay $0x4  }
0x368: {  	[tilespmem:$0x10E0] =	vst v1  }
0x369: {  	v1 =	vld [tilespmem:s0+$0xC60];
	_ =	sdelay $0x4  }
0x36a: {  	[tilespmem:$0x11E0] =	vst v1  }
0x36b: {  	v1 =	vld [tilespmem:s0+$0x470];
	_ =	sdelay $0x4  }
0x36c: {  	[tilespmem:$0x10F0] =	vst v1  }
0x36d: {  	v1 =	vld [tilespmem:s0+$0xC70];
	_ =	sdelay $0x4  }
0x36e: {  	[tilespmem:$0x11F0] =	vst v1  }
0x36f: {  	[tilespmem:s22], [sflag:$0x1] =	stream.indirect.gather [hbm4b:s4+s25], $0x80, s26, s25, $0xb8;
	[tilespmem:$0x1D200] =	vst v63  }
0x370: {  	_ =	swait.ge [sflag:s28], $0x8000  }
.Ltmp4:
0x371: {  	[sflag:s28] =	ssyncset.done $0x0;
	(pc) =	sbr.rel @p0 .LBB2_10-.Ltmp4, $4  }
0x372: {  	[sflag:s28] =	ssyncadd.s32 $0xFFFF8000  }
0x373: {  	[spmem:s1] =	stream.indirect.scatter.add.f32 [tilespmem:s22], [sflag:$0x2], $0x80, s29, s25, $0xb8;
	[tilespmem:$0x1D200] =	vst v63  }
0x374: {  	_ =	swait.ge [sflag:s23], $0x8000  }
0x375: {  	s2 =	smov.u32 s31;
	[sflag:s23] =	ssyncset.done $0x0  }
0x376: {  	s0 =	sshra.s32 s30, $0x2;
	[sflag:s23] =	ssyncadd.s32 $0xFFFF8000  }
0x377: {  	v1 =	vld [tilespmem:s0+$0x0];
	_ =	sdelay $0x4  }
0x378: {  	[tilespmem:$0x1000] =	vst v1  }
0x379: {  	v1 =	vld [tilespmem:s0+$0x800];
	_ =	sdelay $0x4  }
0x37a: {  	[tilespmem:$0x1100] =	vst v1  }
0x37b: {  	v1 =	vld [tilespmem:s0+$0x10];
	_ =	sdelay $0x4  }
0x37c: {  	[tilespmem:$0x1010] =	vst v1  }
0x37d: {  	v1 =	vld [tilespmem:s0+$0x810];
	_ =	sdelay $0x4  }
0x37e: {  	[tilespmem:$0x1110] =	vst v1  }
0x37f: {  	v1 =	vld [tilespmem:s0+$0x20];
	_ =	sdelay $0x4  }
0x380: {  	[tilespmem:$0x1020] =	vst v1  }
0x381: {  	v1 =	vld [tilespmem:s0+$0x820];
	_ =	sdelay $0x4  }
0x382: {  	[tilespmem:$0x1120] =	vst v1  }
0x383: {  	v1 =	vld [tilespmem:s0+$0x30];
	_ =	sdelay $0x4  }
0x384: {  	[tilespmem:$0x1030] =	vst v1  }
0x385: {  	v1 =	vld [tilespmem:s0+$0x830];
	_ =	sdelay $0x4  }
0x386: {  	[tilespmem:$0x1130] =	vst v1  }
0x387: {  	v1 =	vld [tilespmem:s0+$0x40];
	_ =	sdelay $0x4  }
0x388: {  	[tilespmem:$0x1040] =	vst v1  }
0x389: {  	v1 =	vld [tilespmem:s0+$0x840];
	_ =	sdelay $0x4  }
0x38a: {  	[tilespmem:$0x1140] =	vst v1  }
0x38b: {  	v1 =	vld [tilespmem:s0+$0x50];
	_ =	sdelay $0x4  }
0x38c: {  	[tilespmem:$0x1050] =	vst v1  }
0x38d: {  	v1 =	vld [tilespmem:s0+$0x850];
	_ =	sdelay $0x4  }
0x38e: {  	[tilespmem:$0x1150] =	vst v1  }
0x38f: {  	v1 =	vld [tilespmem:s0+$0x60];
	_ =	sdelay $0x4  }
0x390: {  	[tilespmem:$0x1060] =	vst v1  }
0x391: {  	v1 =	vld [tilespmem:s0+$0x860];
	_ =	sdelay $0x4  }
0x392: {  	[tilespmem:$0x1160] =	vst v1  }
0x393: {  	v1 =	vld [tilespmem:s0+$0x70];
	_ =	sdelay $0x4  }
0x394: {  	[tilespmem:$0x1070] =	vst v1  }
0x395: {  	v1 =	vld [tilespmem:s0+$0x870];
	_ =	sdelay $0x4  }
0x396: {  	[tilespmem:$0x1170] =	vst v1  }
0x397: {  	v1 =	vld [tilespmem:s0+$0x400];
	_ =	sdelay $0x4  }
0x398: {  	[tilespmem:$0x1080] =	vst v1  }
0x399: {  	v1 =	vld [tilespmem:s0+$0xC00];
	_ =	sdelay $0x4  }
0x39a: {  	[tilespmem:$0x1180] =	vst v1  }
0x39b: {  	v1 =	vld [tilespmem:s0+$0x410];
	_ =	sdelay $0x4  }
0x39c: {  	[tilespmem:$0x1090] =	vst v1  }
0x39d: {  	v1 =	vld [tilespmem:s0+$0xC10];
	_ =	sdelay $0x4  }
0x39e: {  	[tilespmem:$0x1190] =	vst v1  }
0x39f: {  	v1 =	vld [tilespmem:s0+$0x420];
	_ =	sdelay $0x4  }
0x3a0: {  	[tilespmem:$0x10A0] =	vst v1  }
0x3a1: {  	v1 =	vld [tilespmem:s0+$0xC20];
	_ =	sdelay $0x4  }
0x3a2: {  	[tilespmem:$0x11A0] =	vst v1  }
0x3a3: {  	v1 =	vld [tilespmem:s0+$0x430];
	_ =	sdelay $0x4  }
0x3a4: {  	[tilespmem:$0x10B0] =	vst v1  }
0x3a5: {  	v1 =	vld [tilespmem:s0+$0xC30];
	_ =	sdelay $0x4  }
0x3a6: {  	[tilespmem:$0x11B0] =	vst v1  }
0x3a7: {  	v1 =	vld [tilespmem:s0+$0x440];
	_ =	sdelay $0x4  }
0x3a8: {  	[tilespmem:$0x10C0] =	vst v1  }
0x3a9: {  	v1 =	vld [tilespmem:s0+$0xC40];
	_ =	sdelay $0x4  }
0x3aa: {  	[tilespmem:$0x11C0] =	vst v1  }
0x3ab: {  	v1 =	vld [tilespmem:s0+$0x450];
	_ =	sdelay $0x4  }
0x3ac: {  	[tilespmem:$0x10D0] =	vst v1  }
0x3ad: {  	v1 =	vld [tilespmem:s0+$0xC50];
	_ =	sdelay $0x4  }
0x3ae: {  	[tilespmem:$0x11D0] =	vst v1  }
0x3af: {  	v1 =	vld [tilespmem:s0+$0x460];
	_ =	sdelay $0x4  }
0x3b0: {  	[tilespmem:$0x10E0] =	vst v1  }
0x3b1: {  	v1 =	vld [tilespmem:s0+$0xC60];
	_ =	sdelay $0x4  }
0x3b2: {  	[tilespmem:$0x11E0] =	vst v1  }
0x3b3: {  	v1 =	vld [tilespmem:s0+$0x470];
	_ =	sdelay $0x4  }
0x3b4: {  	[tilespmem:$0x10F0] =	vst v1  }
0x3b5: {  	v1 =	vld [tilespmem:s0+$0xC70];
	_ =	sdelay $0x4  }
0x3b6: {  	[tilespmem:$0x11F0] =	vst v1  }
0x3b7: {  	[tilespmem:s22], [sflag:$0x1] =	stream.indirect.gather [hbm4b:s4+s25], $0x80, s26, s25, $0xb8;
	[tilespmem:$0x1D200] =	vst v63  }
0x3b8: {  	_ =	swait.ge [sflag:s28], $0x8000  }
0x3b9: {  	[sflag:s28] =	ssyncset.done $0x0  }
0x3ba: {  	[sflag:s28] =	ssyncadd.s32 $0xFFFF8000  }
0x3bb: {  	[spmem:s1] =	stream.indirect.scatter.add.f32 [tilespmem:s22], [sflag:$0x2], $0x80, s29, s25, $0xb8;
	[tilespmem:$0x1D200] =	vst v63  }
0x3bc: {  	_ =	swait.ge [sflag:s23], $0x8000  }
0x3bd: {  	[sflag:s23] =	ssyncset.done $0x0  }
0x3be: {  	s2 =	simm.s32 $0x0;
	[sflag:s23] =	ssyncadd.s32 $0xFFFF8000  }
0x3bf: {  	[tilespmem:s2], [sflag:$0x2] =	stream.linear.gather [hbm4b:s18+s2], $0x800, $0x38;
	[tilespmem:$0x1D200] =	vst v63  }
0x3c0: {  	_ =	swait.ge [sflag:s23], $0x800  }
0x3c1: {  	[sflag:s23] =	ssyncset.done $0x0  }
0x3c2: {  	[sflag:s23] =	ssyncadd.s32 $0xFFFFF800  }
0x3c3: {  	[tilespmem:s24], [sflag:$0x2] =	stream.linear.gather [hbm4b:s19+s2], $0x800, $0x38;
	[tilespmem:$0x1D200] =	vst v63  }
0x3c4: {  	_ =	swait.ge [sflag:s23], $0x800  }
0x3c5: {  	[sflag:s23] =	ssyncset.done $0x0  }
0x3c6: {  	s31 =	simm.s32 $0x0;
	[sflag:s23] =	ssyncadd.s32 $0xFFFFF800  }
0x3c7: {  	v1 =	vld [tilespmem:s31+$0x0];
	_ =	sdelay $0x4  }
0x3c8: {  	[tilespmem:$0x1000] =	vst v1  }
0x3c9: {  	v1 =	vld [tilespmem:s31+$0x800];
	_ =	sdelay $0x4  }
0x3ca: {  	[tilespmem:$0x1100] =	vst v1  }
0x3cb: {  	v1 =	vld [tilespmem:s31+$0x10];
	_ =	sdelay $0x4  }
0x3cc: {  	[tilespmem:$0x1010] =	vst v1  }
0x3cd: {  	v1 =	vld [tilespmem:s31+$0x810];
	_ =	sdelay $0x4  }
0x3ce: {  	[tilespmem:$0x1110] =	vst v1  }
0x3cf: {  	v1 =	vld [tilespmem:s31+$0x20];
	_ =	sdelay $0x4  }
0x3d0: {  	[tilespmem:$0x1020] =	vst v1  }
0x3d1: {  	v1 =	vld [tilespmem:s31+$0x820];
	_ =	sdelay $0x4  }
0x3d2: {  	[tilespmem:$0x1120] =	vst v1  }
0x3d3: {  	v1 =	vld [tilespmem:s31+$0x30];
	_ =	sdelay $0x4  }
0x3d4: {  	[tilespmem:$0x1030] =	vst v1  }
0x3d5: {  	v1 =	vld [tilespmem:s31+$0x830];
	_ =	sdelay $0x4  }
0x3d6: {  	[tilespmem:$0x1130] =	vst v1  }
0x3d7: {  	v1 =	vld [tilespmem:s31+$0x40];
	_ =	sdelay $0x4  }
0x3d8: {  	[tilespmem:$0x1040] =	vst v1  }
0x3d9: {  	v1 =	vld [tilespmem:s31+$0x840];
	_ =	sdelay $0x4  }
0x3da: {  	[tilespmem:$0x1140] =	vst v1  }
0x3db: {  	v1 =	vld [tilespmem:s31+$0x50];
	_ =	sdelay $0x4  }
0x3dc: {  	[tilespmem:$0x1050] =	vst v1  }
0x3dd: {  	v1 =	vld [tilespmem:s31+$0x850];
	_ =	sdelay $0x4  }
0x3de: {  	[tilespmem:$0x1150] =	vst v1  }
0x3df: {  	v1 =	vld [tilespmem:s31+$0x60];
	_ =	sdelay $0x4  }
0x3e0: {  	[tilespmem:$0x1060] =	vst v1  }
0x3e1: {  	v1 =	vld [tilespmem:s31+$0x860];
	_ =	sdelay $0x4  }
0x3e2: {  	[tilespmem:$0x1160] =	vst v1  }
0x3e3: {  	v1 =	vld [tilespmem:s31+$0x70];
	_ =	sdelay $0x4  }
0x3e4: {  	[tilespmem:$0x1070] =	vst v1  }
0x3e5: {  	v1 =	vld [tilespmem:s31+$0x870];
	_ =	sdelay $0x4  }
0x3e6: {  	[tilespmem:$0x1170] =	vst v1  }
0x3e7: {  	v1 =	vld [tilespmem:s31+$0x400];
	_ =	sdelay $0x4  }
0x3e8: {  	[tilespmem:$0x1080] =	vst v1  }
0x3e9: {  	v1 =	vld [tilespmem:s31+$0xC00];
	_ =	sdelay $0x4  }
0x3ea: {  	[tilespmem:$0x1180] =	vst v1  }
0x3eb: {  	v1 =	vld [tilespmem:s31+$0x410];
	_ =	sdelay $0x4  }
0x3ec: {  	[tilespmem:$0x1090] =	vst v1  }
0x3ed: {  	v1 =	vld [tilespmem:s31+$0xC10];
	_ =	sdelay $0x4  }
0x3ee: {  	[tilespmem:$0x1190] =	vst v1  }
0x3ef: {  	v1 =	vld [tilespmem:s31+$0x420];
	_ =	sdelay $0x4  }
0x3f0: {  	[tilespmem:$0x10A0] =	vst v1  }
0x3f1: {  	v1 =	vld [tilespmem:s31+$0xC20];
	_ =	sdelay $0x4  }
0x3f2: {  	[tilespmem:$0x11A0] =	vst v1  }
0x3f3: {  	v1 =	vld [tilespmem:s31+$0x430];
	_ =	sdelay $0x4  }
0x3f4: {  	[tilespmem:$0x10B0] =	vst v1  }
0x3f5: {  	v1 =	vld [tilespmem:s31+$0xC30];
	_ =	sdelay $0x4  }
0x3f6: {  	[tilespmem:$0x11B0] =	vst v1  }
0x3f7: {  	v1 =	vld [tilespmem:s31+$0x440];
	_ =	sdelay $0x4  }
0x3f8: {  	[tilespmem:$0x10C0] =	vst v1  }
0x3f9: {  	v1 =	vld [tilespmem:s31+$0xC40];
	_ =	sdelay $0x4  }
0x3fa: {  	[tilespmem:$0x11C0] =	vst v1  }
0x3fb: {  	v1 =	vld [tilespmem:s31+$0x450];
	_ =	sdelay $0x4  }
0x3fc: {  	[tilespmem:$0x10D0] =	vst v1  }
0x3fd: {  	v1 =	vld [tilespmem:s31+$0xC50];
	_ =	sdelay $0x4  }
0x3fe: {  	[tilespmem:$0x11D0] =	vst v1  }
0x3ff: {  	v1 =	vld [tilespmem:s31+$0x460];
	_ =	sdelay $0x4  }
0x400: {  	[tilespmem:$0x10E0] =	vst v1  }
0x401: {  	v1 =	vld [tilespmem:s31+$0xC60];
	_ =	sdelay $0x4  }
0x402: {  	[tilespmem:$0x11E0] =	vst v1  }
0x403: {  	v1 =	vld [tilespmem:s31+$0x470];
	_ =	sdelay $0x4  }
0x404: {  	[tilespmem:$0x10F0] =	vst v1  }
0x405: {  	v1 =	vld [tilespmem:s31+$0xC70];
	_ =	sdelay $0x4  }
0x406: {  	[tilespmem:$0x11F0] =	vst v1  }
0x407: {  	[tilespmem:s22], [sflag:$0x1] =	stream.indirect.gather [hbm4b:s4+s25], $0x80, s26, s25, $0xb8;
	[tilespmem:$0x1D200] =	vst v63  }
0x408: {  	_ =	swait.ge [sflag:s28], $0x8000  }
0x409: {  	[sflag:s28] =	ssyncset.done $0x0  }
0x40a: {  	[sflag:s28] =	ssyncadd.s32 $0xFFFF8000  }
0x40b: {  	[spmem:s1] =	stream.indirect.scatter.add.f32 [tilespmem:s22], [sflag:$0x2], $0x80, s29, s25, $0xb8;
	[tilespmem:$0x1D200] =	vst v63  }
0x40c: {  	_ =	swait.ge [sflag:s23], $0x8000  }
0x40d: {  	s30 =	simm.s32 $0x200;
	s2 =	simm.s32 $0x400;
	[sflag:s23] =	ssyncset.done $0x0  }
.LBB2_12:
0x40e: {  	s0 =	sshra.s32 s30, $0x2  }
0x40f: {  	[sflag:s23] =	ssyncadd.s32 $0xFFFF8000;
	s30 =	smov.u32 s2;
	s31 =	sadd.s32 $0x200, s2  }
0x410: {  	p0 =	sne.s32 s2, $0xE00;
	v1 =	vld [tilespmem:s0+$0x0];
	_ =	sdelay $0x4  }
0x411: {  	[tilespmem:$0x1000] =	vst v1  }
0x412: {  	v1 =	vld [tilespmem:s0+$0x800];
	_ =	sdelay $0x4  }
0x413: {  	[tilespmem:$0x1100] =	vst v1  }
0x414: {  	v1 =	vld [tilespmem:s0+$0x10];
	_ =	sdelay $0x4  }
0x415: {  	[tilespmem:$0x1010] =	vst v1  }
0x416: {  	v1 =	vld [tilespmem:s0+$0x810];
	_ =	sdelay $0x4  }
0x417: {  	[tilespmem:$0x1110] =	vst v1  }
0x418: {  	v1 =	vld [tilespmem:s0+$0x20];
	_ =	sdelay $0x4  }
0x419: {  	[tilespmem:$0x1020] =	vst v1  }
0x41a: {  	v1 =	vld [tilespmem:s0+$0x820];
	_ =	sdelay $0x4  }
0x41b: {  	[tilespmem:$0x1120] =	vst v1  }
0x41c: {  	v1 =	vld [tilespmem:s0+$0x30];
	_ =	sdelay $0x4  }
0x41d: {  	[tilespmem:$0x1030] =	vst v1  }
0x41e: {  	v1 =	vld [tilespmem:s0+$0x830];
	_ =	sdelay $0x4  }
0x41f: {  	[tilespmem:$0x1130] =	vst v1  }
0x420: {  	v1 =	vld [tilespmem:s0+$0x40];
	_ =	sdelay $0x4  }
0x421: {  	[tilespmem:$0x1040] =	vst v1  }
0x422: {  	v1 =	vld [tilespmem:s0+$0x840];
	_ =	sdelay $0x4  }
0x423: {  	[tilespmem:$0x1140] =	vst v1  }
0x424: {  	v1 =	vld [tilespmem:s0+$0x50];
	_ =	sdelay $0x4  }
0x425: {  	[tilespmem:$0x1050] =	vst v1  }
0x426: {  	v1 =	vld [tilespmem:s0+$0x850];
	_ =	sdelay $0x4  }
0x427: {  	[tilespmem:$0x1150] =	vst v1  }
0x428: {  	v1 =	vld [tilespmem:s0+$0x60];
	_ =	sdelay $0x4  }
0x429: {  	[tilespmem:$0x1060] =	vst v1  }
0x42a: {  	v1 =	vld [tilespmem:s0+$0x860];
	_ =	sdelay $0x4  }
0x42b: {  	[tilespmem:$0x1160] =	vst v1  }
0x42c: {  	v1 =	vld [tilespmem:s0+$0x70];
	_ =	sdelay $0x4  }
0x42d: {  	[tilespmem:$0x1070] =	vst v1  }
0x42e: {  	v1 =	vld [tilespmem:s0+$0x870];
	_ =	sdelay $0x4  }
0x42f: {  	[tilespmem:$0x1170] =	vst v1  }
0x430: {  	v1 =	vld [tilespmem:s0+$0x400];
	_ =	sdelay $0x4  }
0x431: {  	[tilespmem:$0x1080] =	vst v1  }
0x432: {  	v1 =	vld [tilespmem:s0+$0xC00];
	_ =	sdelay $0x4  }
0x433: {  	[tilespmem:$0x1180] =	vst v1  }
0x434: {  	v1 =	vld [tilespmem:s0+$0x410];
	_ =	sdelay $0x4  }
0x435: {  	[tilespmem:$0x1090] =	vst v1  }
0x436: {  	v1 =	vld [tilespmem:s0+$0xC10];
	_ =	sdelay $0x4  }
0x437: {  	[tilespmem:$0x1190] =	vst v1  }
0x438: {  	v1 =	vld [tilespmem:s0+$0x420];
	_ =	sdelay $0x4  }
0x439: {  	[tilespmem:$0x10A0] =	vst v1  }
0x43a: {  	v1 =	vld [tilespmem:s0+$0xC20];
	_ =	sdelay $0x4  }
0x43b: {  	[tilespmem:$0x11A0] =	vst v1  }
0x43c: {  	v1 =	vld [tilespmem:s0+$0x430];
	_ =	sdelay $0x4  }
0x43d: {  	[tilespmem:$0x10B0] =	vst v1  }
0x43e: {  	v1 =	vld [tilespmem:s0+$0xC30];
	_ =	sdelay $0x4  }
0x43f: {  	[tilespmem:$0x11B0] =	vst v1  }
0x440: {  	v1 =	vld [tilespmem:s0+$0x440];
	_ =	sdelay $0x4  }
0x441: {  	[tilespmem:$0x10C0] =	vst v1  }
0x442: {  	v1 =	vld [tilespmem:s0+$0xC40];
	_ =	sdelay $0x4  }
0x443: {  	[tilespmem:$0x11C0] =	vst v1  }
0x444: {  	v1 =	vld [tilespmem:s0+$0x450];
	_ =	sdelay $0x4  }
0x445: {  	[tilespmem:$0x10D0] =	vst v1  }
0x446: {  	v1 =	vld [tilespmem:s0+$0xC50];
	_ =	sdelay $0x4  }
0x447: {  	[tilespmem:$0x11D0] =	vst v1  }
0x448: {  	v1 =	vld [tilespmem:s0+$0x460];
	_ =	sdelay $0x4  }
0x449: {  	[tilespmem:$0x10E0] =	vst v1  }
0x44a: {  	v1 =	vld [tilespmem:s0+$0xC60];
	_ =	sdelay $0x4  }
0x44b: {  	[tilespmem:$0x11E0] =	vst v1  }
0x44c: {  	v1 =	vld [tilespmem:s0+$0x470];
	_ =	sdelay $0x4  }
0x44d: {  	[tilespmem:$0x10F0] =	vst v1  }
0x44e: {  	v1 =	vld [tilespmem:s0+$0xC70];
	_ =	sdelay $0x4  }
0x44f: {  	[tilespmem:$0x11F0] =	vst v1  }
0x450: {  	[tilespmem:s22], [sflag:$0x1] =	stream.indirect.gather [hbm4b:s4+s25], $0x80, s26, s25, $0xb8;
	[tilespmem:$0x1D200] =	vst v63  }
0x451: {  	_ =	swait.ge [sflag:s28], $0x8000  }
.Ltmp5:
0x452: {  	[sflag:s28] =	ssyncset.done $0x0;
	(pc) =	sbr.rel @p0 .LBB2_12-.Ltmp5, $4  }
0x453: {  	[sflag:s28] =	ssyncadd.s32 $0xFFFF8000  }
0x454: {  	[spmem:s1] =	stream.indirect.scatter.add.f32 [tilespmem:s22], [sflag:$0x2], $0x80, s29, s25, $0xb8;
	[tilespmem:$0x1D200] =	vst v63  }
0x455: {  	_ =	swait.ge [sflag:s23], $0x8000  }
0x456: {  	s2 =	smov.u32 s31;
	[sflag:s23] =	ssyncset.done $0x0  }
0x457: {  	s0 =	sshra.s32 s30, $0x2;
	[sflag:s23] =	ssyncadd.s32 $0xFFFF8000  }
0x458: {  	v1 =	vld [tilespmem:s0+$0x0];
	_ =	sdelay $0x4  }
0x459: {  	[tilespmem:$0x1000] =	vst v1  }
0x45a: {  	v1 =	vld [tilespmem:s0+$0x800];
	_ =	sdelay $0x4  }
0x45b: {  	[tilespmem:$0x1100] =	vst v1  }
0x45c: {  	v1 =	vld [tilespmem:s0+$0x10];
	_ =	sdelay $0x4  }
0x45d: {  	[tilespmem:$0x1010] =	vst v1  }
0x45e: {  	v1 =	vld [tilespmem:s0+$0x810];
	_ =	sdelay $0x4  }
0x45f: {  	[tilespmem:$0x1110] =	vst v1  }
0x460: {  	v1 =	vld [tilespmem:s0+$0x20];
	_ =	sdelay $0x4  }
0x461: {  	[tilespmem:$0x1020] =	vst v1  }
0x462: {  	v1 =	vld [tilespmem:s0+$0x820];
	_ =	sdelay $0x4  }
0x463: {  	[tilespmem:$0x1120] =	vst v1  }
0x464: {  	v1 =	vld [tilespmem:s0+$0x30];
	_ =	sdelay $0x4  }
0x465: {  	[tilespmem:$0x1030] =	vst v1  }
0x466: {  	v1 =	vld [tilespmem:s0+$0x830];
	_ =	sdelay $0x4  }
0x467: {  	[tilespmem:$0x1130] =	vst v1  }
0x468: {  	v1 =	vld [tilespmem:s0+$0x40];
	_ =	sdelay $0x4  }
0x469: {  	[tilespmem:$0x1040] =	vst v1  }
0x46a: {  	v1 =	vld [tilespmem:s0+$0x840];
	_ =	sdelay $0x4  }
0x46b: {  	[tilespmem:$0x1140] =	vst v1  }
0x46c: {  	v1 =	vld [tilespmem:s0+$0x50];
	_ =	sdelay $0x4  }
0x46d: {  	[tilespmem:$0x1050] =	vst v1  }
0x46e: {  	v1 =	vld [tilespmem:s0+$0x850];
	_ =	sdelay $0x4  }
0x46f: {  	[tilespmem:$0x1150] =	vst v1  }
0x470: {  	v1 =	vld [tilespmem:s0+$0x60];
	_ =	sdelay $0x4  }
0x471: {  	[tilespmem:$0x1060] =	vst v1  }
0x472: {  	v1 =	vld [tilespmem:s0+$0x860];
	_ =	sdelay $0x4  }
0x473: {  	[tilespmem:$0x1160] =	vst v1  }
0x474: {  	v1 =	vld [tilespmem:s0+$0x70];
	_ =	sdelay $0x4  }
0x475: {  	[tilespmem:$0x1070] =	vst v1  }
0x476: {  	v1 =	vld [tilespmem:s0+$0x870];
	_ =	sdelay $0x4  }
0x477: {  	[tilespmem:$0x1170] =	vst v1  }
0x478: {  	v1 =	vld [tilespmem:s0+$0x400];
	_ =	sdelay $0x4  }
0x479: {  	[tilespmem:$0x1080] =	vst v1  }
0x47a: {  	v1 =	vld [tilespmem:s0+$0xC00];
	_ =	sdelay $0x4  }
0x47b: {  	[tilespmem:$0x1180] =	vst v1  }
0x47c: {  	v1 =	vld [tilespmem:s0+$0x410];
	_ =	sdelay $0x4  }
0x47d: {  	[tilespmem:$0x1090] =	vst v1  }
0x47e: {  	v1 =	vld [tilespmem:s0+$0xC10];
	_ =	sdelay $0x4  }
0x47f: {  	[tilespmem:$0x1190] =	vst v1  }
0x480: {  	v1 =	vld [tilespmem:s0+$0x420];
	_ =	sdelay $0x4  }
0x481: {  	[tilespmem:$0x10A0] =	vst v1  }
0x482: {  	v1 =	vld [tilespmem:s0+$0xC20];
	_ =	sdelay $0x4  }
0x483: {  	[tilespmem:$0x11A0] =	vst v1  }
0x484: {  	v1 =	vld [tilespmem:s0+$0x430];
	_ =	sdelay $0x4  }
0x485: {  	[tilespmem:$0x10B0] =	vst v1  }
0x486: {  	v1 =	vld [tilespmem:s0+$0xC30];
	_ =	sdelay $0x4  }
0x487: {  	[tilespmem:$0x11B0] =	vst v1  }
0x488: {  	v1 =	vld [tilespmem:s0+$0x440];
	_ =	sdelay $0x4  }
0x489: {  	[tilespmem:$0x10C0] =	vst v1  }
0x48a: {  	v1 =	vld [tilespmem:s0+$0xC40];
	_ =	sdelay $0x4  }
0x48b: {  	[tilespmem:$0x11C0] =	vst v1  }
0x48c: {  	v1 =	vld [tilespmem:s0+$0x450];
	_ =	sdelay $0x4  }
0x48d: {  	[tilespmem:$0x10D0] =	vst v1  }
0x48e: {  	v1 =	vld [tilespmem:s0+$0xC50];
	_ =	sdelay $0x4  }
0x48f: {  	[tilespmem:$0x11D0] =	vst v1  }
0x490: {  	v1 =	vld [tilespmem:s0+$0x460];
	_ =	sdelay $0x4  }
0x491: {  	[tilespmem:$0x10E0] =	vst v1  }
0x492: {  	v1 =	vld [tilespmem:s0+$0xC60];
	_ =	sdelay $0x4  }
0x493: {  	[tilespmem:$0x11E0] =	vst v1  }
0x494: {  	v1 =	vld [tilespmem:s0+$0x470];
	_ =	sdelay $0x4  }
0x495: {  	[tilespmem:$0x10F0] =	vst v1  }
0x496: {  	v1 =	vld [tilespmem:s0+$0xC70];
	_ =	sdelay $0x4  }
0x497: {  	[tilespmem:$0x11F0] =	vst v1  }
0x498: {  	[tilespmem:s22], [sflag:$0x1] =	stream.indirect.gather [hbm4b:s4+s25], $0x80, s26, s25, $0xb8;
	[tilespmem:$0x1D200] =	vst v63  }
0x499: {  	_ =	swait.ge [sflag:s28], $0x8000  }
0x49a: {  	[sflag:s28] =	ssyncset.done $0x0  }
0x49b: {  	[sflag:s28] =	ssyncadd.s32 $0xFFFF8000  }
0x49c: {  	[spmem:s1] =	stream.indirect.scatter.add.f32 [tilespmem:s22], [sflag:$0x2], $0x80, s29, s25, $0xb8;
	[tilespmem:$0x1D200] =	vst v63  }
0x49d: {  	s31 =	stileid.u32;
	_ =	swait.ge [sflag:s23], $0x8000  }
0x49e: {  	s2 =	sshrl.u32 s5, $0x3;
	s3 =	sadd.s32 $0x1, s3;
	[sflag:s23] =	ssyncset.done $0x0  }
0x49f: {  	p0 =	sne.s32 s3, s21;
	s0 =	sshll.u32 s31, $0x6;
	[sflag:s23] =	ssyncadd.s32 $0xFFFF8000  }
.Ltmp6:
0x4a0: {  	s0 =	sor.u32 $0x1C02, s0;
	[bflag:$0x0] =	sbarrier.arrive $0xFFFF;
	(pc) =	sbr.rel @p0 .LBB2_1-.Ltmp6, $4  }
0x4a1: {  	[hbm:s20], [sflag:s0] =	dma.local [spmem:s2], $0x2800  }
0x4a2: {  	_ =	swait.ge [sflag:s23], $0x2800  }
0x4a3: {  	[sflag:s23] =	ssyncset.done $0x0  }
0x4a4: {  	[sflag:s23] =	ssyncadd.s32 $0xFFFFD800  }
0x4a5: {  	_ =	sfence.sel $0x180000  }
0x4a6: {  	[bflag:$0x0] =	sbarrier.arrive $0xFFFF  }
0x4a7: {  	_ =	strace $0x9000004D  }
0x4a8: {  	s0 =	stileid.u32;
	[bflag:$0x2] =	sbarrier.arrive $0xFFFF  }
0x4a9: {  	p0 =	sne.s32 s0, $0x0;
	s0 =	rddreg [dreg:$0x3]  }
0x4aa: {  	s0 =	sadd.s32 @!p0 $0x100000, s0  }
0x4ab: {  	[sflag:s0] =	ssyncadd.tile.s32 @!p0 $0x1;
	_ =	shalt  }
.Lfunc_end2:
_tile_overlayer_lowered:
.L_overlay_start_2:
0x4ac: {  	(tag) =	ssettag $0x2  }
0x4ad: {  	s0 =	rddreg [dreg:$0x0];
	s2 =	stileid.u32  }
0x4ae: {  	s1 =	rddreg [dreg:$0x1];
	p0 =	sne.s32 s2, $0x0  }
0x4af: {  	s3 =	rddreg [dreg:$0x2];
	[bflag:$0x3] =	sbarrier.arrive $0xFFFF;
	s2 =	simm.s32 @!p0 $0x1C02  }
0x4b0: {  	[timem:s3], [sflag:s2] =	dma.local @!p0 [hbm:s0], s1  }
0x4b1: {  	s0 =	simm.s32 @!p0 $0x2  }
0x4b2: {  	_ =	swait.ge @!p0 [sflag:s0], s1  }
0x4b3: {  	s1 =	ssub.s32 @!p0 $0x0, s1;
	[sflag:s0] =	ssyncset.done @!p0 $0x0  }
0x4b4: {  	[sflag:s0] =	ssyncadd.s32 @!p0 s1  }
0x4b5: {  	[bflag:$0x3] =	sbarrier.arrive $0xFFFF  }
0x4b6: {  	_ =	shalt  }

// kernel: kernel.8.cloned.1.call-start
scs
__scs_entry_jumppad:
0x0: {  	(pc) =	sbr.rel $0x88, $3  }
0x1: {  	(tag) =	ssettag $0x0;
	lr =	simm.s32 $0x1  }
0x2: {  	[smem:$0x3F9B] =	sst lr;
	_ =	strace $0xD0000000  }
0x3: {  	_ = 	snop  }
0x4: {  	_ = 	snop  }
0x5: {  	_ = 	snop  }
0x6: {  	_ = 	snop  }
0x7: {  	_ = 	snop  }
__scs_overlays_trampoline_lowered:
0x8: {  	[smem:$0x3FAA] =	sst s0  }
0x9: {  	[smem:$0x3FAB] =	sst s1  }
0xa: {  	[smem:$0x3FAC] =	sst s2  }
0xb: {  	[smem:$0x3FAD] =	sst s3  }
0xc: {  	[smem:$0x3FAE] =	sst s4  }
0xd: {  	[smem:$0x3FAF] =	sst s5  }
0xe: {  	[smem:$0x3FB0] =	sst s6  }
0xf: {  	[smem:$0x3FB1] =	sst s7  }
0x10: {  	[smem:$0x3FB2] =	sst s8  }
0x11: {  	[smem:$0x3FB3] =	sst s9;
	s0 =	simm.s32 @!p0 $0x0  }
0x12: {  	s1 =	sld [smem:$0x3F99];
	s0 =	simm.s32 @p0 $0x1  }
0x13: {  	[smem:$0x3FB4] =	sst s0;
	s0 =	simm.s32 @!p1 $0x0  }
0x14: {  	s2 =	sld [smem:$0x3F98];
	s0 =	simm.s32 @p1 $0x1  }
0x15: {  	[smem:$0x3FB5] =	sst s0;
	s0 =	simm.s32 @!p2 $0x0  }
0x16: {  	s3 =	sld [smem:$0x3FDB];
	s0 =	simm.s32 @p2 $0x1  }
0x17: {  	s4 =	simm.s32 $0x1BF5;
	[smem:$0x3FB7] =	sst s0  }
0x18: {  	s0 =	sld [smem:$0x3F9A];
	_ =	swait.ge [sflag:s4], $0x0  }
0x19: {  	s7 =	sld [smem:$0x3F9B]  }
0x1a: {  	s8 =	sadd.s32 $0xFFFFE003, lr  }
0x1b: {  	s9 =	sadd.s32 $0xFFFFFEF7, lr;
	s5 =	simm.s32 $0xFFFFFFFF;
	p2 =	slt.u32 s8, $0xFFFFF086  }
0x1c: {  	p1 =	slt.u32 s9, $0xF7A;
	s5 =	simm.s32 @!p2 $0x0  }
0x1d: {  	s5 =	simm.s32 @p1 $0x1;
	p0 =	seq.s32 s7, s2  }
0x1e: {  	s7 =	smul.u32 @!p0 $0xF7A, s2;
	p2 =	seq.s32 @!p0 s5, $0x0  }
0x1f: {  	s9 =	smul.u32 $0xF7A, s1;
	s8 =	simm.s32 @!p0 $0x1BF5;
	p2 =	por !p2, p0  }
0x20: {  	[sflag:s8] =	ssyncset.s32 @!p0 $0xFFFFF086;
	s6 =	sadd.s32 @!p0 s3, s7;
	s7 =	simm.s32 @!p0 $0x108  }
0x21: {  	s3 =	sadd.s32 s3, s9;
	s6 =	sadd.s32 @!p0 $0x88, s6;
	s7 =	simm.s32 @p2 $0x1082  }
0x22: {  	[simem:s7], [sflag:s8] =	dma.local @!p0 [hbm:s6], $0xF7A  }
0x23: {  	s9 =	sor.u32 $0xD0000000, s2;
	s6 =	simm.s32 $0x108;
	_ =	swait.ge @!p0 [sflag:s8], $0x0  }
0x24: {  	s3 =	sadd.s32 $0x88, s3;
	s6 =	simm.s32 @!p1 $0x1082;
	[sflag:s4] =	ssyncset.s32 $0xFFFFF086  }
0x25: {  	[simem:s6], [sflag:s4] =	dma.local [hbm:s3], $0xF7A  }
0x26: {  	[smem:$0x3F9B] =	sst s1;
	(tag) =	ssettag s2;
	_ =	strace s9  }
0x27: {  	s1 =	sld [smem:$0x3FAB]  }
0x28: {  	s2 =	sld [smem:$0x3FAC]  }
0x29: {  	s4 =	sld [smem:$0x3FAE]  }
0x2a: {  	p0 =	seq.s32 s5, $0x0;
	s5 =	sld [smem:$0x3FAF]  }
0x2b: {  	s6 =	sld [smem:$0x3FB0]  }
0x2c: {  	s7 =	sld [smem:$0x3FB1]  }
0x2d: {  	s3 =	simm.s32 $0x108;
	s8 =	sld [smem:$0x3FB2]  }
0x2e: {  	s3 =	simm.s32 @!p0 $0x1082;
	s9 =	sld [smem:$0x3FB3]  }
0x2f: {  	lr =	sadd.s32 s0, s3;
	s0 =	sld [smem:$0x3FAA]  }
0x30: {  	s3 =	sld [smem:$0x3FAD]  }
0x31: {  	[smem:$0x3FB6] =	sst s10  }
0x32: {  	s10 =	sld [smem:$0x3FB4];
	_ =	sdelay $0x3  }
0x33: {  	p0 =	seq.s32 s10, $0x1;
	s10 =	sld [smem:$0x3FB6];
	_ =	sdelay $0x3  }
0x34: {  	[smem:$0x3FB6] =	sst s10  }
0x35: {  	s10 =	sld [smem:$0x3FB5];
	_ =	sdelay $0x3  }
0x36: {  	p1 =	seq.s32 s10, $0x1;
	s10 =	sld [smem:$0x3FB6];
	_ =	sdelay $0x3  }
0x37: {  	[smem:$0x3FB6] =	sst s10  }
0x38: {  	s10 =	sld [smem:$0x3FB7]  }
0x39: {  	_ = 	snop;
	(pc) =	sbr.ind lr, $3  }
0x3a: {  	_ = 	snop  }
0x3b: {  	_ = 	snop  }
0x3c: {  	p2 =	seq.s32 s10, $0x1;
	s10 =	sld [smem:$0x3FB6]  }
0x3d: {  	_ =	shalt  }
0x3e: {  	_ =	shalt  }
0x3f: {  	_ =	shalt  }
0x40: {  	_ =	shalt  }
0x41: {  	_ =	shalt  }
0x42: {  	_ =	shalt  }
0x43: {  	_ =	shalt  }
0x44: {  	_ =	shalt  }
0x45: {  	_ =	shalt  }
0x46: {  	_ =	shalt  }
0x47: {  	_ =	shalt  }
0x48: {  	_ =	shalt  }
0x49: {  	_ =	shalt  }
0x4a: {  	_ =	shalt  }
0x4b: {  	_ =	shalt  }
0x4c: {  	_ =	shalt  }
0x4d: {  	_ =	shalt  }
0x4e: {  	_ =	shalt  }
0x4f: {  	_ =	shalt  }
0x50: {  	_ =	shalt  }
0x51: {  	_ =	shalt  }
0x52: {  	_ =	shalt  }
0x53: {  	_ =	shalt  }
0x54: {  	_ =	shalt  }
0x55: {  	_ =	shalt  }
0x56: {  	_ =	shalt  }
0x57: {  	_ =	shalt  }
0x58: {  	_ =	shalt  }
0x59: {  	_ =	shalt  }
0x5a: {  	_ =	shalt  }
0x5b: {  	_ =	shalt  }
0x5c: {  	_ =	shalt  }
0x5d: {  	_ =	shalt  }
0x5e: {  	_ =	shalt  }
0x5f: {  	_ =	shalt  }
0x60: {  	_ =	shalt  }
0x61: {  	_ =	shalt  }
0x62: {  	_ =	shalt  }
0x63: {  	_ =	shalt  }
0x64: {  	_ =	shalt  }
0x65: {  	_ =	shalt  }
0x66: {  	_ =	shalt  }
0x67: {  	_ =	shalt  }
0x68: {  	_ =	shalt  }
0x69: {  	_ =	shalt  }
0x6a: {  	_ =	shalt  }
0x6b: {  	_ =	shalt  }
0x6c: {  	_ =	shalt  }
0x6d: {  	_ =	shalt  }
0x6e: {  	_ =	shalt  }
0x6f: {  	_ =	shalt  }
0x70: {  	_ =	shalt  }
0x71: {  	_ =	shalt  }
0x72: {  	_ =	shalt  }
0x73: {  	_ =	shalt  }
0x74: {  	_ =	shalt  }
0x75: {  	_ =	shalt  }
0x76: {  	_ =	shalt  }
0x77: {  	_ =	shalt  }
0x78: {  	_ =	shalt  }
0x79: {  	_ =	shalt  }
0x7a: {  	_ =	shalt  }
0x7b: {  	_ =	shalt  }
0x7c: {  	_ =	shalt  }
0x7d: {  	_ =	shalt  }
0x7e: {  	_ =	shalt  }
0x7f: {  	_ =	shalt  }
0x80: {  	_ =	shalt  }
0x81: {  	_ =	shalt  }
0x82: {  	_ =	shalt  }
0x83: {  	_ =	shalt  }
0x84: {  	_ =	shalt  }
0x85: {  	_ =	shalt  }
0x86: {  	_ =	shalt  }
0x87: {  	_ =	shalt  }
.Lfunc_end0:
.L_simem_size_0:
called_computation_lowered:
.L_overlay_start_0:
0x88: {  	s2 =	sld [smem:$0x3FD9]  }
0x89: {  	s3 =	sld [smem:$0x3FFE];
	_ =	sdelay $0x1  }
0x8a: {  	s1 =	srdreg.scid  }
0x8b: {  	s0 =	sand.u32 $0x1, s1  }
0x8c: {  	s17 =	sshll.u32 s0, $0xA;
	s2 =	sadd.s32 s3, s2  }
0x8d: {  	s2 =	sadd.s32 s2, s17  }
0x8e: {  	[smem:$0x3FC2] =	sst s2  }
0x8f: {  	_ = 	snop  }
0x90: {  	s2 =	sld [smem:$0x3FD0];
	(tm) =	ssettm $0x1  }
0x91: {  	s18 =	sld [smem:$0x3FFB];
	_ =	sdelay $0x3  }
0x92: {  	_ =	strace s18  }
0x93: {  	s3 =	sld [smem:$0x3FFC];
	_ =	sdelay $0x3  }
0x94: {  	_ =	strace s3  }
0x95: {  	s3 =	sld [smem:$0x3FFD];
	_ =	sdelay $0x3  }
0x96: {  	_ =	strace s3  }
0x97: {  	_ =	strace $0x8FFFFFFF  }
0x98: {  	s19 =	sld [smem:$0x3FDB];
	_ =	sdelay $0x1  }
0x99: {  	s4 =	simm.s32 $_scs_section_size  }
0x9a: {  	s5 =	simm.s32 $_size__tile_overlayer_lowered;
	s6 =	simm.s32 $_tile_overlayer_lowered  }
0x9b: {  	s22 =	simm.s32 $0x1BFF;
	s21 =	sshll.u32 s6, $0x1;
	s3 =	sadd.s32 s4, s19  }
0x9c: {  	s7 =	simm.s32 $0x0;
	s20 =	sshll.u32 s5, $0x1;
	s5 =	sadd.s32 s21, s3  }
0x9d: {  	[timem:s7], [sflag:s22] =	dma.local [hbm:s5], s20  }
0x9e: {  	_ =	swait.ge [sflag:s22], s20  }
0x9f: {  	s4 =	ssub.s32 $0x0, s20;
	[sflag:s22] =	ssyncset.done $0x0  }
0xa0: {  	[sflag:s22] =	ssyncadd.s32 s4;
	_ =	sdelay $0x1  }
0xa1: {  	s23 =	simm.s32 $0x1B8B  }
0xa2: {  	_ =	swait.ge [sflag:s23], $0x1  }
0xa3: {  	[sflag:s23] =	ssyncset.done $0x0  }
0xa4: {  	s25 =	simm.s32 $0x1B8E;
	s24 =	sld [smem:$0x3FFE];
	[sflag:s23] =	ssyncadd.s32 $0xFFFFFFFF  }
0xa5: {  	s26 =	simm.s32 $execute0_lowered;
	[smem:$0x3FD2] =	sst s25  }
0xa6: {  	s5 =	sshll.u32 s26, $0x1;
	_ =	strace $0x80000046;
	[dreg:$0x1] =	wrdreg $0xFFFFFFFF  }
0xa7: {  	s28 =	simm.s32 $_size_execute0_lowered;
	s3 =	sadd.s32 s3, s5;
	[dreg:$0x0] =	wrdreg $0x0  }
0xa8: {  	s5 =	sshll.u32 s28, $0x1;
	[dreg:$0x2] =	wrdreg s3  }
0xa9: {  	[dreg:$0x3] =	wrdreg s5  }
0xaa: {  	[dreg:$0x4] =	wrdreg $0xC0  }
0xab: {  	_ =	task [dreg:s7], $0x5FFFF  }
0xac: {  	[dreg:$0x1] =	wrdreg $0xFFFFFFFF  }
0xad: {  	[dreg:$0x0] =	wrdreg $0x60  }
0xae: {  	[dreg:$0x2] =	wrdreg s2  }
0xaf: {  	[dreg:$0x3] =	wrdreg s24  }
0xb0: {  	[dreg:$0x4] =	wrdreg $0x9  }
0xb1: {  	_ =	task.clear_ibuf [dreg:s7], $0x5FFFF;
	_ =	strace $0x90000046  }
0xb2: {  	s29 =	simm.s32 $0x9;
	_ =	strace $0x80000048  }
0xb3: {  	_ =	swait.ge [sflag:s29], $0x1  }
0xb4: {  	[sflag:s29] =	ssyncadd.s32 $0xFFFFFFFF  }
0xb5: {  	_ =	strace $0x90000048  }
0xb6: {  	_ =	sfence  }
0xb7: {  	s30 =	sld [smem:$0x0];
	_ =	sdelay $0x2  }
0xb8: {  	s31 =	sshll.u32 s1, $0xD;
	s1 =	sshrl.u32 s1, $0x2  }
0xb9: {  	s3 =	sand.u32 $0x4000, s31;
	s1 =	sadd.s32 s1, s30  }
0xba: {  	s0 =	sor.u32 s3, s0;
	s1 =	sshll.u32 s1, $0x11  }
0xbb: {  	s0 =	sor.u32 s1, s0  }
0xbc: {  	s0 =	sadd.s32 $0x8F2B, s0  }
0xbd: {  	[sflag:s0] =	ssyncadd.remote.s32 $0x1  }
0xbe: {  	_ =	sfence.sel $0xFFFF  }
0xbf: {  	[dreg:$0x0] =	wrdreg $0xFFFFFFFF;
	(pc) =	sbr.abs _section_cstart, $3  }
0xc0: {  	[dreg:$0x1] =	wrdreg $0xFFFFFFFF  }
0xc1: {  	_ =	task.clear_ibuf [dreg:s7], $0x2FFFF;
	_ =	strace $0x9FFFFFFF  }
0xc2: {  	(tm) =	ssettm $0x7FFFFFFF  }
0xc3: {  	_ =	shalt  }
tec
execute0_lowered:
.L_overlay_start_1:
0x0: {  	(tag) =	ssettag $0x1  }
0x1: {  	s0 =	srdreg.scid  }
0x2: {  	s4 =	rddreg [dreg:$0x0];
	s3 =	sand.u32 $0x1, s0  }
0x3: {  	s5 =	rddreg [dreg:$0x1];
	s0 =	stileid.u32;
	s1 =	sshll.u32 s3, $0x4  }
0x4: {  	s10 =	simm.s32 $0x0;
	s8 =	smul.u32 $0x28000, s3;
	s1 =	sor.u32 s0, s1  }
0x5: {  	s7 =	sshll.u32 s0, $0x7;
	s9 =	smul.u32 $0x2800, s0;
	s2 =	sshrl.u32 s1, $0x3  }
0x6: {  	s3 =	ssub.s32 $0x2, s3;
	s7 =	sand.u32 $0x380, s7;
	s6 =	smul.u32 $0x14000, s2  }
0x7: {  	s31 =	sshrl.u32 s3, $0x1;
	s1 =	rddreg [dreg:$0x2];
	s30 =	sadd.s32 s9, s8  }
0x8: {  	s8 =	simm.s32 $0x80;
	s2 =	simm.s32 $0x0;
	s6 =	sor.u32 s7, s6  }
0x9: {  	s9 =	simm.s32 $0x400;
	[smem:$0x7FF] =	sst s2;
	s6 =	sshrl.u32 s6, $0x3  }
0xa: {  	_ =	strace $0x80000047;
	s7 =	sshrl.u32 s30, $0x3;
	s5 =	sadd.s32 s6, s5  }
0xb: {  	s6 =	ssub.s32 s3, s31;
	s3 =	sadd.s32 s4, s7;
	s7 =	simm.s32 $0x2800  }
0xc: {  	v0 =	vimm.f32 $0.0e+00;
	v1 =	vimm.f32 $1.000000000e+00;
	s4 =	sadd.s32 $0x3200, s5;
	s5 =	smax.u32 s6, $0x1;
	s6 =	simm.s32 $0x1  }
.LBB2_1:
0xd: {  	[tilespmem:s2], [sflag:$0x1] =	stream.linear.gather [hbm4b:s3+s2], $0x2800, $0x38;
	[tilespmem:$0x5000] =	vst v63  }
0xe: {  	_ =	swait.ge [sflag:s6], $0x2800  }
0xf: {  	[sflag:s6] =	ssyncset.done $0x0  }
0x10: {  	s11 =	simm.s32 $0x0;
	[sflag:s6] =	ssyncadd.s32 $0xFFFFD800  }
.LBB2_2:
0x11: {  	p0 =	sne.s32 s11, $0x9FC0  }
.Ltmp0:
0x12: {  	_ = 	snop;
	(pc) =	sbr.rel @p0 .LBB2_2-.Ltmp0, $3  }
0x13: {  	_ =	sdelay $0x1  }
0x14: {  	s12 =	sshra.s32 s11, $0x2  }
0x15: {  	s11 =	sadd.s32 $0x40, s11;
	[tilespmem:s12+$0x2800] =	vst v0  }
0x16: {  	s11 =	simm.s32 $0x0;
	s12 =	simm.s32 $0x0  }
.LBB2_4:
0x17: {  	s13 =	sand.u32 $0x3800, s12;
	s14 =	sand.u32 $0x380, s11  }
0x18: {  	s13 =	sor.u32 s14, s13  }
0x19: {  	v2 =	vld [tilespmem:s13+$0x0];
	_ =	sdelay $0x7  }
0x1a: {  	[tilespmem:v2+s7+$0x0] =	vst.idx.add.f32.msk $0xffff, v1  }
0x1b: {  	v2 =	vld [tilespmem:s13+$0x10];
	_ =	sdelay $0x7  }
0x1c: {  	[tilespmem:v2+s7+$0x0] =	vst.idx.add.f32.msk $0xffff, v1  }
0x1d: {  	v2 =	vld [tilespmem:s13+$0x20];
	_ =	sdelay $0x7  }
0x1e: {  	[tilespmem:v2+s7+$0x0] =	vst.idx.add.f32.msk $0xffff, v1  }
0x1f: {  	v2 =	vld [tilespmem:s13+$0x30];
	_ =	sdelay $0x7  }
0x20: {  	[tilespmem:v2+s7+$0x0] =	vst.idx.add.f32.msk $0xffff, v1  }
0x21: {  	v2 =	vld [tilespmem:s13+$0x40];
	_ =	sdelay $0x7  }
0x22: {  	[tilespmem:v2+s7+$0x0] =	vst.idx.add.f32.msk $0xffff, v1  }
0x23: {  	v2 =	vld [tilespmem:s13+$0x50];
	_ =	sdelay $0x7  }
0x24: {  	[tilespmem:v2+s7+$0x0] =	vst.idx.add.f32.msk $0xffff, v1  }
0x25: {  	v2 =	vld [tilespmem:s13+$0x60];
	_ =	sdelay $0x7  }
0x26: {  	[tilespmem:v2+s7+$0x0] =	vst.idx.add.f32.msk $0xffff, v1  }
0x27: {  	v2 =	vld [tilespmem:s13+$0x70];
	_ =	sdelay $0x7  }
0x28: {  	[tilespmem:v2+s7+$0x0] =	vst.idx.add.f32.msk $0xffff, v1  }
0x29: {  	v2 =	vld [tilespmem:s13+$0x400];
	_ =	sdelay $0x7  }
0x2a: {  	[tilespmem:v2+s7+$0x0] =	vst.idx.add.f32.msk $0xffff, v1  }
0x2b: {  	v2 =	vld [tilespmem:s13+$0x410];
	_ =	sdelay $0x7  }
0x2c: {  	[tilespmem:v2+s7+$0x0] =	vst.idx.add.f32.msk $0xffff, v1  }
0x2d: {  	v2 =	vld [tilespmem:s13+$0x420];
	_ =	sdelay $0x7  }
0x2e: {  	[tilespmem:v2+s7+$0x0] =	vst.idx.add.f32.msk $0xffff, v1  }
0x2f: {  	v2 =	vld [tilespmem:s13+$0x430];
	_ =	sdelay $0x7  }
0x30: {  	[tilespmem:v2+s7+$0x0] =	vst.idx.add.f32.msk $0xffff, v1  }
0x31: {  	v2 =	vld [tilespmem:s13+$0x440];
	_ =	sdelay $0x7  }
0x32: {  	[tilespmem:v2+s7+$0x0] =	vst.idx.add.f32.msk $0xffff, v1  }
0x33: {  	v2 =	vld [tilespmem:s13+$0x450];
	_ =	sdelay $0x7  }
0x34: {  	[tilespmem:v2+s7+$0x0] =	vst.idx.add.f32.msk $0xffff, v1  }
0x35: {  	v2 =	vld [tilespmem:s13+$0x460];
	_ =	sdelay $0x7  }
0x36: {  	[tilespmem:v2+s7+$0x0] =	vst.idx.add.f32.msk $0xffff, v1  }
0x37: {  	v2 =	vld [tilespmem:s13+$0x470];
	_ =	sdelay $0x2  }
0x38: {  	p0 =	sne.s32 s12, $0x2700  }
.Ltmp1:
0x39: {  	_ = 	snop;
	(pc) =	sbr.rel @p0 .LBB2_4-.Ltmp1, $2  }
0x3a: {  	_ =	sdelay $0x2  }
0x3b: {  	s11 =	sadd.s32 $0x80, s11;
	s12 =	sadd.s32 $0x100, s12;
	[tilespmem:v2+s7+$0x0] =	vst.idx.add.f32.msk $0xffff, v1  }
0x3c: {  	s10 =	sadd.s32 $0x1, s10  }
0x3d: {  	p0 =	sne.s32 s10, s5  }
.Ltmp2:
0x3e: {  	_ = 	snop;
	(pc) =	sbr.rel @p0 .LBB2_1-.Ltmp2, $4  }
0x3f: {  	[hbm4b:s4+s8] =	stream.strided.scatter [tilespmem:s7], [sflag:$0x1], $0x2800, s9, s8, $0x38;
	[tilespmem:$0x5000] =	vst v63  }
0x40: {  	_ =	swait.ge [sflag:s6], $0x2800  }
0x41: {  	[sflag:s6] =	ssyncset.done $0x0  }
0x42: {  	[sflag:s6] =	ssyncadd.s32 $0xFFFFD800  }
0x43: {  	_ =	sfence.sel $0x180000  }
0x44: {  	[bflag:$0x0] =	sbarrier.arrive $0xFFFF  }
0x45: {  	p0 =	sne.s32 s0, $0x0;
	_ =	strace $0x90000047  }
0x46: {  	s0 =	sadd.s32 @!p0 $0x100000, s1;
	[bflag:$0x2] =	sbarrier.arrive $0xFFFF  }
0x47: {  	[sflag:s0] =	ssyncadd.tile.s32 @!p0 $0x1;
	_ =	shalt  }
.Lfunc_end2:
_tile_overlayer_lowered:
.L_overlay_start_2:
0x48: {  	(tag) =	ssettag $0x2  }
0x49: {  	s0 =	rddreg [dreg:$0x0];
	s2 =	stileid.u32  }
0x4a: {  	s1 =	rddreg [dreg:$0x1];
	p0 =	sne.s32 s2, $0x0  }
0x4b: {  	s3 =	rddreg [dreg:$0x2];
	[bflag:$0x3] =	sbarrier.arrive $0xFFFF;
	s2 =	simm.s32 @!p0 $0x1C01  }
0x4c: {  	[timem:s3], [sflag:s2] =	dma.local @!p0 [hbm:s0], s1  }
0x4d: {  	s0 =	simm.s32 @!p0 $0x1  }
0x4e: {  	_ =	swait.ge @!p0 [sflag:s0], s1  }
0x4f: {  	s1 =	ssub.s32 @!p0 $0x0, s1;
	[sflag:s0] =	ssyncset.done @!p0 $0x0  }
0x50: {  	[sflag:s0] =	ssyncadd.s32 @!p0 s1  }
0x51: {  	[bflag:$0x3] =	sbarrier.arrive $0xFFFF  }
0x52: {  	_ =	shalt  }

</sc_bundles>
